<compile_context>
chip_gen: v7x
topology: tpu7x:2x2x1
jax: 0.10.2.dev20260603
libtpu: 0.0.44.dev20260713+nightly
codegen_flags: <defaults>
</compile_context>

<pallas_src>
import jax
import jax.numpy as jnp
from jax import lax
from jax.experimental import pallas as pl
from jax.experimental.pallas import tpu as pltpu
from jax.experimental.pallas import tpu_sc as plsc

B = 16384
EMB = 32
NW = 32
CHUNK = 64
NCHUNK = B // CHUNK
CPW = NCHUNK // NW
NSEG = 28
GROWS = NSEG * CHUNK


def _sc_gather_body(bat_t, pit_t, team_t,
                    bat_id, base1, base2, base3, away_sb, home_sb,
                    pit_id, away_pit, home_pit,
                    fld_team, away_team, home_team,
                    x_h, idxA, idxB, gbufA, gbufB,
                    semi, semgA, semgB, semwA, semwB):
    wid = lax.axis_index("s") * 2 + lax.axis_index("c")

    singles = [bat_id, base1, base2, base3]

    def stage_idx(c, idxbuf):
        rows = pl.ds((wid * CPW + c) * CHUNK, CHUNK)

        def idx_dst(s):
            return idxbuf.at[pl.ds(s * CHUNK, CHUNK)]

        for s in range(4):
            pltpu.make_async_copy(singles[s].at[rows], idx_dst(s), semi).start()
        for j in range(9):
            pltpu.make_async_copy(away_sb.at[j, rows], idx_dst(4 + j), semi).start()
            pltpu.make_async_copy(home_sb.at[j, rows], idx_dst(13 + j), semi).start()
        for s, arr in ((22, pit_id), (23, away_pit), (24, home_pit),
                       (25, fld_team), (26, away_team), (27, home_team)):
            pltpu.make_async_copy(arr.at[rows], idx_dst(s), semi).start()
        pltpu.make_async_copy(bat_id.at[pl.ds(0, GROWS)], idxbuf, semi).wait()

    def table(s):
        return bat_t if s < 22 else (pit_t if s < 25 else team_t)

    def fire_gathers(idxbuf, gbuf, semg):
        for s in range(NSEG):
            pltpu.make_async_copy(
                table(s).at[idxbuf.at[pl.ds(s * CHUNK, CHUNK)]],
                gbuf.at[pl.ds(s * CHUNK, CHUNK)], semg).start()

    def drain_by_gbuf(gbuf, sem):
        pltpu.make_async_copy(
            x_h.at[0, pl.ds(0, GROWS), pl.ds(0, EMB)], gbuf, sem).wait()

    def fire_writebacks(c, gbuf, semw):
        rows = pl.ds((wid * CPW + c) * CHUNK, CHUNK)
        for s in range(NSEG):
            pltpu.make_async_copy(
                gbuf.at[pl.ds(s * CHUNK, CHUNK)],
                x_h.at[s // 4, rows, pl.ds((s % 4) * EMB, EMB)], semw).start()

    def pair_body(i, carry):
        c0 = 2 * i
        c1 = 2 * i + 1
        stage_idx(c0, idxA)

        @pl.when(i > 0)
        def _():
            drain_by_gbuf(gbufA, semwA)

        fire_gathers(idxA, gbufA, semgA)
        drain_by_gbuf(gbufA, semgA)
        fire_writebacks(c0, gbufA, semwA)

        stage_idx(c1, idxB)

        @pl.when(i > 0)
        def _():
            drain_by_gbuf(gbufB, semwB)

        fire_gathers(idxB, gbufB, semgB)
        drain_by_gbuf(gbufB, semgB)
        fire_writebacks(c1, gbufB, semwB)
        return carry

    lax.fori_loop(0, CPW // 2, pair_body, 0)
    drain_by_gbuf(gbufA, semwA)
    drain_by_gbuf(gbufB, semwB)


_sc_gather = pl.kernel(
    _sc_gather_body,
    out_type=jax.ShapeDtypeStruct((7, B, 128), jnp.float32),
    mesh=plsc.VectorSubcoreMesh(
        core_axis_name="c", subcore_axis_name="s",
        num_cores=2, num_subcores=16),
    scratch_types=[
        pltpu.VMEM((GROWS,), jnp.int32),
        pltpu.VMEM((GROWS,), jnp.int32),
        pltpu.VMEM((GROWS, EMB), jnp.float32),
        pltpu.VMEM((GROWS, EMB), jnp.float32),
        pltpu.SemaphoreType.DMA,
        pltpu.SemaphoreType.DMA,
        pltpu.SemaphoreType.DMA,
        pltpu.SemaphoreType.DMA,
        pltpu.SemaphoreType.DMA,
    ],
    compiler_params=pltpu.CompilerParams(use_tc_tiling_on_sc=False),
)


def _mlp_body(x, sc, w1, w1s, b1, w2, b2, wh, bh, o0, o1, o2, o3):
    bf16 = jnp.bfloat16
    xb = jnp.concatenate([x[t] for t in range(7)], axis=1).astype(bf16)
    h1 = jnp.dot(xb, w1[...], preferred_element_type=jnp.float32)
    h1 = h1 + jnp.dot(sc[...].T.astype(bf16), w1s[...],
                      preferred_element_type=jnp.float32)
    h1 = jnp.maximum(h1 + b1[...], 0.0).astype(bf16)
    h2 = jnp.maximum(
        jnp.dot(h1, w2[...], preferred_element_type=jnp.float32) + b2[...],
        0.0).astype(bf16)
    lg = jnp.dot(h2, wh[...], preferred_element_type=jnp.float32) + bh[...]
    lgt = lg.T
    for i, o in enumerate((o0, o1, o2, o3)):
        sl = lgt[i * 5:(i + 1) * 5, :]
        m = jnp.max(sl, axis=0, keepdims=True)
        e = jnp.exp(sl - m)
        o[...] = e / jnp.sum(e, axis=0, keepdims=True)


def _mlp_call(BB, x, scal, W1p, W1s, b1r, W2, b2r, Wh, bhm):
    nblk = B // BB
    full = lambda shape: pl.BlockSpec(shape, lambda i: tuple(0 for _ in shape))
    return pl.pallas_call(
        _mlp_body,
        grid=(nblk,),
        in_specs=[
            pl.BlockSpec((7, BB, 128), lambda i: (0, i, 0)),
            pl.BlockSpec((8, BB), lambda i: (0, i)),
            full((896, 512)),
            full((8, 512)),
            full((1, 512)),
            full((512, 256)),
            full((1, 256)),
            full((256, 20)),
            full((1, 20)),
        ],
        out_specs=[pl.BlockSpec((5, BB), lambda i: (0, i))] * 4,
        out_shape=[jax.ShapeDtypeStruct((5, B), jnp.float32)] * 4,
    )(x, scal, W1p, W1s, b1r, W2, b2r, Wh, bhm)


def kernel(outs_ct, bat_id, pit_id, fld_team_id, base1_run_id, base2_run_id,
           base3_run_id, away_score_ct, home_score_ct, inn_ct, bat_home_id,
           away_bat_lineup, home_bat_lineup, away_start_bat_ids,
           home_start_bat_ids, away_pit_id, home_pit_id, away_team_id,
           home_team_id, bat_table, pit_table, team_table, W1, b1, W2, b2,
           Wbd, bbd, Wr1, br1, Wr2, br2, Wr3, br3):
    i32 = jnp.int32
    x = _sc_gather(bat_table, pit_table, team_table,
                   bat_id.astype(i32), base1_run_id.astype(i32),
                   base2_run_id.astype(i32), base3_run_id.astype(i32),
                   away_start_bat_ids.astype(i32).T, home_start_bat_ids.astype(i32).T,
                   pit_id.astype(i32), away_pit_id.astype(i32),
                   home_pit_id.astype(i32),
                   fld_team_id.astype(i32), away_team_id.astype(i32),
                   home_team_id.astype(i32))

    scal = jnp.concatenate(
        [outs_ct.T, away_score_ct.T, home_score_ct.T, inn_ct.T, bat_home_id.T,
         away_bat_lineup.T, home_bat_lineup.T,
         jnp.zeros((1, B), jnp.float32)], axis=0)

    bf16 = jnp.bfloat16
    W1p = jnp.concatenate(
        [W1[1:33], W1[97:193], W1[199:775],
         W1[33:65], W1[775:839],
         W1[65:97], W1[839:903]],
        axis=0).astype(bf16)
    W1s = jnp.concatenate([W1[0:1], W1[193:199],
                           jnp.zeros((1, 512), jnp.float32)],
                          axis=0).astype(bf16)
    Wh = jnp.concatenate([Wbd, Wr1, Wr2, Wr3], axis=1).astype(bf16)
    mask = jnp.array([0.0] * 11 + [-999.0, 0.0, 0.0, 0.0]
                     + [0.0, -999.0, -999.0, 0.0, 0.0], jnp.float32)
    bhm = (jnp.concatenate([bbd, br1, br2, br3]) + mask).reshape(1, 20)

    o0, o1, o2, o3 = _mlp_call(
        2048, x, scal, W1p, W1s,
        b1.reshape(1, 512), W2.astype(bf16), b2.reshape(1, 256), Wh, bhm)
    return (o0.T, o1.T, o2.T, o3.T)

# --- scband reference (transcript-rebuilt; emitter-appended) ---
"""Pipeline reference for scband-model-68092411511316 (READ-ONLY COPY).

The authoritative reference and input builder live on the scoring server;
editing this copy changes nothing except your own understanding.
"""

import jax, jax.numpy as jnp
import numpy as np

B = 16384
NUM_BATS = 100000
NUM_PITS = 100000
NUM_TEAMS = 1000
EMB = 32
IN_DIM = 7 + 28 * EMB


def setup_inputs(seed: int = 0) -> dict:
    key = jax.random.key(seed)
    ks = jax.random.split(key, 40)
    inp = {}
    inp["outs_ct"] = jax.random.normal(ks[0], (B, 1), dtype=jnp.float32)
    inp["bat_id"] = jax.random.randint(ks[1], (B,), 0, NUM_BATS)
    inp["pit_id"] = jax.random.randint(ks[2], (B,), 0, NUM_PITS)
    inp["fld_team_id"] = jax.random.randint(ks[3], (B,), 0, NUM_TEAMS)
    inp["base1_run_id"] = jax.random.randint(ks[4], (B,), 0, NUM_BATS)
    inp["base2_run_id"] = jax.random.randint(ks[5], (B,), 0, NUM_BATS)
    inp["base3_run_id"] = jax.random.randint(ks[6], (B,), 0, NUM_BATS)
    inp["away_score_ct"] = jax.random.normal(ks[7], (B, 1), dtype=jnp.float32)
    inp["home_score_ct"] = jax.random.normal(ks[8], (B, 1), dtype=jnp.float32)
    inp["inn_ct"] = jax.random.normal(ks[9], (B, 1), dtype=jnp.float32)
    inp["bat_home_id"] = jax.random.normal(ks[10], (B, 1), dtype=jnp.float32)
    inp["away_bat_lineup"] = jax.random.normal(ks[11], (B, 1), dtype=jnp.float32)
    inp["home_bat_lineup"] = jax.random.normal(ks[12], (B, 1), dtype=jnp.float32)
    inp["away_start_bat_ids"] = jax.random.randint(ks[13], (B, 9), 0, NUM_BATS)
    inp["home_start_bat_ids"] = jax.random.randint(ks[14], (B, 9), 0, NUM_BATS)
    inp["away_pit_id"] = jax.random.randint(ks[15], (B,), 0, NUM_PITS)
    inp["home_pit_id"] = jax.random.randint(ks[16], (B,), 0, NUM_PITS)
    inp["away_team_id"] = jax.random.randint(ks[17], (B,), 0, NUM_TEAMS)
    inp["home_team_id"] = jax.random.randint(ks[18], (B,), 0, NUM_TEAMS)
    inp["bat_table"] = jax.random.normal(ks[19], (NUM_BATS, EMB), dtype=jnp.float32) * 0.02
    inp["pit_table"] = jax.random.normal(ks[20], (NUM_PITS, EMB), dtype=jnp.float32) * 0.02
    inp["team_table"] = jax.random.normal(ks[21], (NUM_TEAMS, EMB), dtype=jnp.float32) * 0.02
    inp["W1"] = jax.random.normal(ks[22], (IN_DIM, 512), dtype=jnp.float32) * 0.02
    inp["b1"] = jnp.zeros((512,), dtype=jnp.float32)
    inp["W2"] = jax.random.normal(ks[23], (512, 256), dtype=jnp.float32) * 0.02
    inp["b2"] = jnp.zeros((256,), dtype=jnp.float32)
    inp["Wbd"] = jax.random.normal(ks[24], (256, 5), dtype=jnp.float32) * 0.02
    inp["bbd"] = jnp.zeros((5,), dtype=jnp.float32)
    inp["Wr1"] = jax.random.normal(ks[25], (256, 5), dtype=jnp.float32) * 0.02
    inp["br1"] = jnp.zeros((5,), dtype=jnp.float32)
    inp["Wr2"] = jax.random.normal(ks[26], (256, 5), dtype=jnp.float32) * 0.02
    inp["br2"] = jnp.zeros((5,), dtype=jnp.float32)
    inp["Wr3"] = jax.random.normal(ks[27], (256, 5), dtype=jnp.float32) * 0.02
    inp["br3"] = jnp.zeros((5,), dtype=jnp.float32)
    return inp


def reference(outs_ct, bat_id, pit_id, fld_team_id, base1_run_id, base2_run_id, base3_run_id,
              away_score_ct, home_score_ct, inn_ct, bat_home_id, away_bat_lineup, home_bat_lineup,
              away_start_bat_ids, home_start_bat_ids, away_pit_id, home_pit_id,
              away_team_id, home_team_id,
              bat_table, pit_table, team_table, W1, b1, W2, b2,
              Wbd, bbd, Wr1, br1, Wr2, br2, Wr3, br3):
    n = outs_ct.shape[0]
    bat = jnp.take(bat_table, bat_id, axis=0).reshape(n, -1)
    pit = jnp.take(pit_table, pit_id, axis=0).reshape(n, -1)
    fld_team = jnp.take(team_table, fld_team_id, axis=0).reshape(n, -1)
    base1_run = jnp.take(bat_table, base1_run_id, axis=0).reshape(n, -1)
    base2_run = jnp.take(bat_table, base2_run_id, axis=0).reshape(n, -1)
    base3_run = jnp.take(bat_table, base3_run_id, axis=0).reshape(n, -1)
    away_start_bats = jnp.take(bat_table, away_start_bat_ids, axis=0).reshape(n, -1)
    home_start_bats = jnp.take(bat_table, home_start_bat_ids, axis=0).reshape(n, -1)
    away_start_pit = jnp.take(pit_table, away_pit_id, axis=0).reshape(n, -1)
    home_start_pit = jnp.take(pit_table, home_pit_id, axis=0).reshape(n, -1)
    away_team = jnp.take(team_table, away_team_id, axis=0).reshape(n, -1)
    home_team = jnp.take(team_table, home_team_id, axis=0).reshape(n, -1)
    x = jnp.concatenate([outs_ct, bat, pit, fld_team, base1_run, base2_run, base3_run,
                         away_score_ct, home_score_ct, inn_ct, bat_home_id,
                         away_bat_lineup, home_bat_lineup, away_start_bats, home_start_bats,
                         away_start_pit, home_start_pit, away_team, home_team], axis=1)
    x = jax.nn.relu(x @ W1 + b1)
    x = jax.nn.relu(x @ W2 + b2)
    bat_dest = x @ Wbd + bbd
    run1_dest = x @ Wr1 + br1
    run2_dest = x @ Wr2 + br2
    run3_dest = x @ Wr3 + br3
    bat_mask = jnp.array([0.0, 0.0, 0.0, 0.0, 0.0], dtype=jnp.float32)
    run1_mask = jnp.array([0.0, 0.0, 0.0, 0.0, 0.0], dtype=jnp.float32)
    run2_mask = jnp.array([0.0, -999.0, 0.0, 0.0, 0.0], dtype=jnp.float32)
    run3_mask = jnp.array([0.0, -999.0, -999.0, 0.0, 0.0], dtype=jnp.float32)
    bat_dest = bat_mask + bat_dest
    run1_dest = run1_mask + run1_dest
    run2_dest = run2_mask + run2_dest
    run3_dest = run3_mask + run3_dest
    bat_dest = jax.nn.softmax(bat_dest, axis=1)
    run1_dest = jax.nn.softmax(run1_dest, axis=1)
    run2_dest = jax.nn.softmax(run2_dest, axis=1)
    run3_dest = jax.nn.softmax(run3_dest, axis=1)
    return (bat_dest, run1_dest, run2_dest, run3_dest)

if __name__ == "__main__":
    import jax
    _d = setup_inputs()
    print(jax.jit(kernel)(*tuple(_d.values())))

</pallas_src>

<mosaic_0001>
#map = affine_map<(d0, d1) -> (0, 0)>
#map1 = affine_map<(d0, d1) -> (0)>
#map2 = affine_map<(d0, d1) -> (0, 0, 0)>
module attributes {stable_mosaic.version = 14 : i64} {
  func.func @_sc_gather_body(%arg0: i32, %arg1: i32, %arg2: memref<100000x32xf32, #tpu.memory_space<hbm>>, %arg3: memref<100000x32xf32, #tpu.memory_space<hbm>>, %arg4: memref<1000x32xf32, #tpu.memory_space<hbm>>, %arg5: memref<16384xi32, #tpu.memory_space<hbm>>, %arg6: memref<16384xi32, #tpu.memory_space<hbm>>, %arg7: memref<16384xi32, #tpu.memory_space<hbm>>, %arg8: memref<16384xi32, #tpu.memory_space<hbm>>, %arg9: memref<9x16384xi32, #tpu.memory_space<hbm>>, %arg10: memref<9x16384xi32, #tpu.memory_space<hbm>>, %arg11: memref<16384xi32, #tpu.memory_space<hbm>>, %arg12: memref<16384xi32, #tpu.memory_space<hbm>>, %arg13: memref<16384xi32, #tpu.memory_space<hbm>>, %arg14: memref<16384xi32, #tpu.memory_space<hbm>>, %arg15: memref<16384xi32, #tpu.memory_space<hbm>>, %arg16: memref<16384xi32, #tpu.memory_space<hbm>>, %arg17: memref<7x16384x128xf32, #tpu.memory_space<hbm>>, %arg18: memref<1792xi32, #tpu.memory_space<vmem>>, %arg19: memref<1792xi32, #tpu.memory_space<vmem>>, %arg20: memref<1792x32xf32, #tpu.memory_space<vmem>>, %arg21: memref<1792x32xf32, #tpu.memory_space<vmem>>, %arg22: memref<!tpu.dma_semaphore, #tpu.memory_space<semaphore_mem>>, %arg23: memref<!tpu.dma_semaphore, #tpu.memory_space<semaphore_mem>>, %arg24: memref<!tpu.dma_semaphore, #tpu.memory_space<semaphore_mem>>, %arg25: memref<!tpu.dma_semaphore, #tpu.memory_space<semaphore_mem>>, %arg26: memref<!tpu.dma_semaphore, #tpu.memory_space<semaphore_mem>>) attributes {dimension_semantics = [#tpu.dimension_semantics<core_parallel>, #tpu.dimension_semantics<subcore_parallel>], iteration_bounds = array<i64: 2, 16>, scalar_prefetch = 0 : i64, scratch_operands = 9 : i64, tpu.core_type = #tpu.core_type<sc_vector_subcore>, window_params = [{transform_indices = #map}, {transform_indices = #map}, {transform_indices = #map}, {transform_indices = #map1}, {transform_indices = #map1}, {transform_indices = #map1}, {transform_indices = #map1}, {transform_indices = #map}, {transform_indices = #map}, {transform_indices = #map1}, {transform_indices = #map1}, {transform_indices = #map1}, {transform_indices = #map1}, {transform_indices = #map1}, {transform_indices = #map1}, {transform_indices = #map2}]} {
    %mul3A = arith.constant 2 : i32
    %mul3A_0 = arith.muli %arg1, %mul3A : i32
    %add3A = arith.addi %mul3A_0, %arg0 : i32
    %scan3A = arith.constant 0 : i32
    %scan3A_1 = arith.constant 0 : i32
    %scan3A_2 = arith.constant 4 : i32
    %scan3A_3 = arith.addi %scan3A_1, %scan3A_2 : i32
    %scan3A_4 = arith.constant 1 : i32
    scf.for %scan3A_23 = %scan3A_1 to %scan3A_3 step %scan3A_4  : i32 {
      %mul3A_24 = arith.constant 2 : i32
      %mul3A_25 = arith.muli %mul3A_24, %scan3A_23 : i32
      %mul3A_26 = arith.constant 2 : i32
      %mul3A_27 = arith.muli %mul3A_26, %scan3A_23 : i32
      %add3A_28 = arith.constant 1 : i32
      %add3A_29 = arith.addi %mul3A_27, %add3A_28 : i32
      %mul3A_30 = arith.constant 8 : i32
      %mul3A_31 = arith.muli %add3A, %mul3A_30 : i32
      %add3A_32 = arith.addi %mul3A_31, %mul3A_25 : i32
      %mul3A_33 = arith.constant 64 : i32
      %mul3A_34 = arith.muli %add3A_32, %mul3A_33 : i32
      %dma_start3A = arith.constant 0 : i32
      %dma_start3A_35 = tpu.memref_slice %arg18[%dma_start3A] : memref<1792xi32, #tpu.memory_space<vmem>> -> memref<64xi32, #tpu.memory_space<vmem>>
      %dma_start3A_36 = tpu.memref_slice %arg5[%mul3A_34] : memref<16384xi32, #tpu.memory_space<hbm>> -> memref<64xi32, #tpu.memory_space<hbm>>
      %dma_start3A_37 = arith.constant 0 : i32
      %dma_start3A_38 = tpu.memref_slice %arg18[%dma_start3A_37] : memref<1792xi32, #tpu.memory_space<vmem>> -> memref<64xi32, #tpu.memory_space<vmem>>
      %dma_start3A_39 = tpu.memref_slice %arg5[%mul3A_34] : memref<16384xi32, #tpu.memory_space<hbm>> -> memref<64xi32, #tpu.memory_space<hbm>>
      tpu.enqueue_dma source(%dma_start3A_39 : memref<64xi32, #tpu.memory_space<hbm>>) target(%dma_start3A_38 : memref<64xi32, #tpu.memory_space<vmem>>) target_semaphore(%arg22 : memref<!tpu.dma_semaphore, #tpu.memory_space<semaphore_mem>>)
      %dma_start3A_40 = arith.constant 64 : i32
      %dma_start3A_41 = tpu.memref_slice %arg18[%dma_start3A_40] : memref<1792xi32, #tpu.memory_space<vmem>> -> memref<64xi32, #tpu.memory_space<vmem>>
      %dma_start3A_42 = tpu.memref_slice %arg6[%mul3A_34] : memref<16384xi32, #tpu.memory_space<hbm>> -> memref<64xi32, #tpu.memory_space<hbm>>
      %dma_start3A_43 = arith.constant 64 : i32
      %dma_start3A_44 = tpu.memref_slice %arg18[%dma_start3A_43] : memref<1792xi32, #tpu.memory_space<vmem>> -> memref<64xi32, #tpu.memory_space<vmem>>
      %dma_start3A_45 = tpu.memref_slice %arg6[%mul3A_34] : memref<16384xi32, #tpu.memory_space<hbm>> -> memref<64xi32, #tpu.memory_space<hbm>>
      tpu.enqueue_dma source(%dma_start3A_45 : memref<64xi32, #tpu.memory_space<hbm>>) target(%dma_start3A_44 : memref<64xi32, #tpu.memory_space<vmem>>) target_semaphore(%arg22 : memref<!tpu.dma_semaphore, #tpu.memory_space<semaphore_mem>>)
      %dma_start3A_46 = arith.constant 128 : i32
      %dma_start3A_47 = tpu.memref_slice %arg18[%dma_start3A_46] : memref<1792xi32, #tpu.memory_space<vmem>> -> memref<64xi32, #tpu.memory_space<vmem>>
      %dma_start3A_48 = tpu.memref_slice %arg7[%mul3A_34] : memref<16384xi32, #tpu.memory_space<hbm>> -> memref<64xi32, #tpu.memory_space<hbm>>
      %dma_start3A_49 = arith.constant 128 : i32
      %dma_start3A_50 = tpu.memref_slice %arg18[%dma_start3A_49] : memref<1792xi32, #tpu.memory_space<vmem>> -> memref<64xi32, #tpu.memory_space<vmem>>
      %dma_start3A_51 = tpu.memref_slice %arg7[%mul3A_34] : memref<16384xi32, #tpu.memory_space<hbm>> -> memref<64xi32, #tpu.memory_space<hbm>>
      tpu.enqueue_dma source(%dma_start3A_51 : memref<64xi32, #tpu.memory_space<hbm>>) target(%dma_start3A_50 : memref<64xi32, #tpu.memory_space<vmem>>) target_semaphore(%arg22 : memref<!tpu.dma_semaphore, #tpu.memory_space<semaphore_mem>>)
      %dma_start3A_52 = arith.constant 192 : i32
      %dma_start3A_53 = tpu.memref_slice %arg18[%dma_start3A_52] : memref<1792xi32, #tpu.memory_space<vmem>> -> memref<64xi32, #tpu.memory_space<vmem>>
      %dma_start3A_54 = tpu.memref_slice %arg8[%mul3A_34] : memref<16384xi32, #tpu.memory_space<hbm>> -> memref<64xi32, #tpu.memory_space<hbm>>
      %dma_start3A_55 = arith.constant 192 : i32
      %dma_start3A_56 = tpu.memref_slice %arg18[%dma_start3A_55] : memref<1792xi32, #tpu.memory_space<vmem>> -> memref<64xi32, #tpu.memory_space<vmem>>
      %dma_start3A_57 = tpu.memref_slice %arg8[%mul3A_34] : memref<16384xi32, #tpu.memory_space<hbm>> -> memref<64xi32, #tpu.memory_space<hbm>>
      tpu.enqueue_dma source(%dma_start3A_57 : memref<64xi32, #tpu.memory_space<hbm>>) target(%dma_start3A_56 : memref<64xi32, #tpu.memory_space<vmem>>) target_semaphore(%arg22 : memref<!tpu.dma_semaphore, #tpu.memory_space<semaphore_mem>>)
      %dma_start3A_58 = arith.constant 0 : i32
      %dma_start3A_59 = arith.constant 256 : i32
      %dma_start3A_60 = tpu.memref_slice %arg18[%dma_start3A_59] : memref<1792xi32, #tpu.memory_space<vmem>> -> memref<64xi32, #tpu.memory_space<vmem>>
      %dma_start3A_61 = tpu.memref_slice %arg9[%dma_start3A_58, %mul3A_34] : memref<9x16384xi32, #tpu.memory_space<hbm>> -> memref<1x64xi32, #tpu.memory_space<hbm>>
      %dma_start3A_62 = tpu.memref_squeeze %dma_start3A_61 : memref<1x64xi32, #tpu.memory_space<hbm>> -> memref<64xi32, #tpu.memory_space<hbm>>
      %dma_start3A_63 = arith.constant 256 : i32
      %dma_start3A_64 = tpu.memref_slice %arg18[%dma_start3A_63] : memref<1792xi32, #tpu.memory_space<vmem>> -> memref<64xi32, #tpu.memory_space<vmem>>
      %dma_start3A_65 = tpu.memref_slice %arg9[%dma_start3A_58, %mul3A_34] : memref<9x16384xi32, #tpu.memory_space<hbm>> -> memref<1x64xi32, #tpu.memory_space<hbm>>
      %dma_start3A_66 = tpu.memref_squeeze %dma_start3A_65 : memref<1x64xi32, #tpu.memory_space<hbm>> -> memref<64xi32, #tpu.memory_space<hbm>>
      tpu.enqueue_dma source(%dma_start3A_66 : memref<64xi32, #tpu.memory_space<hbm>>) target(%dma_start3A_64 : memref<64xi32, #tpu.memory_space<vmem>>) target_semaphore(%arg22 : memref<!tpu.dma_semaphore, #tpu.memory_space<semaphore_mem>>)
      %dma_start3A_67 = arith.constant 0 : i32
      %dma_start3A_68 = arith.constant 832 : i32
      %dma_start3A_69 = tpu.memref_slice %arg18[%dma_start3A_68] : memref<1792xi32, #tpu.memory_space<vmem>> -> memref<64xi32, #tpu.memory_space<vmem>>
      %dma_start3A_70 = tpu.memref_slice %arg10[%dma_start3A_67, %mul3A_34] : memref<9x16384xi32, #tpu.memory_space<hbm>> -> memref<1x64xi32, #tpu.memory_space<hbm>>
      %dma_start3A_71 = tpu.memref_squeeze %dma_start3A_70 : memref<1x64xi32, #tpu.memory_space<hbm>> -> memref<64xi32, #tpu.memory_space<hbm>>
      %dma_start3A_72 = arith.constant 832 : i32
      %dma_start3A_73 = tpu.memref_slice %arg18[%dma_start3A_72] : memref<1792xi32, #tpu.memory_space<vmem>> -> memref<64xi32, #tpu.memory_space<vmem>>
      %dma_start3A_74 = tpu.memref_slice %arg10[%dma_start3A_67, %mul3A_34] : memref<9x16384xi32, #tpu.memory_space<hbm>> -> memref<1x64xi32, #tpu.memory_space<hbm>>
      %dma_start3A_75 = tpu.memref_squeeze %dma_start3A_74 : memref<1x64xi32, #tpu.memory_space<hbm>> -> memref<64xi32, #tpu.memory_space<hbm>>
      tpu.enqueue_dma source(%dma_start3A_75 : memref<64xi32, #tpu.memory_space<hbm>>) target(%dma_start3A_73 : memref<64xi32, #tpu.memory_space<vmem>>) target_semaphore(%arg22 : memref<!tpu.dma_semaphore, #tpu.memory_space<semaphore_mem>>)
      %dma_start3A_76 = arith.constant 1 : i32
      %dma_start3A_77 = arith.constant 320 : i32
      %dma_start3A_78 = tpu.memref_slice %arg18[%dma_start3A_77] : memref<1792xi32, #tpu.memory_space<vmem>> -> memref<64xi32, #tpu.memory_space<vmem>>
      %dma_start3A_79 = tpu.memref_slice %arg9[%dma_start3A_76, %mul3A_34] : memref<9x16384xi32, #tpu.memory_space<hbm>> -> memref<1x64xi32, #tpu.memory_space<hbm>>
      %dma_start3A_80 = tpu.memref_squeeze %dma_start3A_79 : memref<1x64xi32, #tpu.memory_space<hbm>> -> memref<64xi32, #tpu.memory_space<hbm>>
      %dma_start3A_81 = arith.constant 320 : i32
      %dma_start3A_82 = tpu.memref_slice %arg18[%dma_start3A_81] : memref<1792xi32, #tpu.memory_space<vmem>> -> memref<64xi32, #tpu.memory_space<vmem>>
      %dma_start3A_83 = tpu.memref_slice %arg9[%dma_start3A_76, %mul3A_34] : memref<9x16384xi32, #tpu.memory_space<hbm>> -> memref<1x64xi32, #tpu.memory_space<hbm>>
      %dma_start3A_84 = tpu.memref_squeeze %dma_start3A_83 : memref<1x64xi32, #tpu.memory_space<hbm>> -> memref<64xi32, #tpu.memory_space<hbm>>
      tpu.enqueue_dma source(%dma_start3A_84 : memref<64xi32, #tpu.memory_space<hbm>>) target(%dma_start3A_82 : memref<64xi32, #tpu.memory_space<vmem>>) target_semaphore(%arg22 : memref<!tpu.dma_semaphore, #tpu.memory_space<semaphore_mem>>)
      %dma_start3A_85 = arith.constant 1 : i32
      %dma_start3A_86 = arith.constant 896 : i32
      %dma_start3A_87 = tpu.memref_slice %arg18[%dma_start3A_86] : memref<1792xi32, #tpu.memory_space<vmem>> -> memref<64xi32, #tpu.memory_space<vmem>>
      %dma_start3A_88 = tpu.memref_slice %arg10[%dma_start3A_85, %mul3A_34] : memref<9x16384xi32, #tpu.memory_space<hbm>> -> memref<1x64xi32, #tpu.memory_space<hbm>>
      %dma_start3A_89 = tpu.memref_squeeze %dma_start3A_88 : memref<1x64xi32, #tpu.memory_space<hbm>> -> memref<64xi32, #tpu.memory_space<hbm>>
      %dma_start3A_90 = arith.constant 896 : i32
      %dma_start3A_91 = tpu.memref_slice %arg18[%dma_start3A_90] : memref<1792xi32, #tpu.memory_space<vmem>> -> memref<64xi32, #tpu.memory_space<vmem>>
      %dma_start3A_92 = tpu.memref_slice %arg10[%dma_start3A_85, %mul3A_34] : memref<9x16384xi32, #tpu.memory_space<hbm>> -> memref<1x64xi32, #tpu.memory_space<hbm>>
      %dma_start3A_93 = tpu.memref_squeeze %dma_start3A_92 : memref<1x64xi32, #tpu.memory_space<hbm>> -> memref<64xi32, #tpu.memory_space<hbm>>
      tpu.enqueue_dma source(%dma_start3A_93 : memref<64xi32, #tpu.memory_space<hbm>>) target(%dma_start3A_91 : memref<64xi32, #tpu.memory_space<vmem>>) target_semaphore(%arg22 : memref<!tpu.dma_semaphore, #tpu.memory_space<semaphore_mem>>)
      %dma_start3A_94 = arith.constant 2 : i32
      %dma_start3A_95 = arith.constant 384 : i32
      %dma_start3A_96 = tpu.memref_slice %arg18[%dma_start3A_95] : memref<1792xi32, #tpu.memory_space<vmem>> -> memref<64xi32, #tpu.memory_space<vmem>>
      %dma_start3A_97 = tpu.memref_slice %arg9[%dma_start3A_94, %mul3A_34] : memref<9x16384xi32, #tpu.memory_space<hbm>> -> memref<1x64xi32, #tpu.memory_space<hbm>>
      %dma_start3A_98 = tpu.memref_squeeze %dma_start3A_97 : memref<1x64xi32, #tpu.memory_space<hbm>> -> memref<64xi32, #tpu.memory_space<hbm>>
      %dma_start3A_99 = arith.constant 384 : i32
      %dma_start3A_100 = tpu.memref_slice %arg18[%dma_start3A_99] : memref<1792xi32, #tpu.memory_space<vmem>> -> memref<64xi32, #tpu.memory_space<vmem>>
      %dma_start3A_101 = tpu.memref_slice %arg9[%dma_start3A_94, %mul3A_34] : memref<9x16384xi32, #tpu.memory_space<hbm>> -> memref<1x64xi32, #tpu.memory_space<hbm>>
      %dma_start3A_102 = tpu.memref_squeeze %dma_start3A_101 : memref<1x64xi32, #tpu.memory_space<hbm>> -> memref<64xi32, #tpu.memory_space<hbm>>
      tpu.enqueue_dma source(%dma_start3A_102 : memref<64xi32, #tpu.memory_space<hbm>>) target(%dma_start3A_100 : memref<64xi32, #tpu.memory_space<vmem>>) target_semaphore(%arg22 : memref<!tpu.dma_semaphore, #tpu.memory_space<semaphore_mem>>)
      %dma_start3A_103 = arith.constant 2 : i32
      %dma_start3A_104 = arith.constant 960 : i32
      %dma_start3A_105 = tpu.memref_slice %arg18[%dma_start3A_104] : memref<1792xi32, #tpu.memory_space<vmem>> -> memref<64xi32, #tpu.memory_space<vmem>>
      %dma_start3A_106 = tpu.memref_slice %arg10[%dma_start3A_103, %mul3A_34] : memref<9x16384xi32, #tpu.memory_space<hbm>> -> memref<1x64xi32, #tpu.memory_space<hbm>>
      %dma_start3A_107 = tpu.memref_squeeze %dma_start3A_106 : memref<1x64xi32, #tpu.memory_space<hbm>> -> memref<64xi32, #tpu.memory_space<hbm>>
      %dma_start3A_108 = arith.constant 960 : i32
      %dma_start3A_109 = tpu.memref_slice %arg18[%dma_start3A_108] : memref<1792xi32, #tpu.memory_space<vmem>> -> memref<64xi32, #tpu.memory_space<vmem>>
      %dma_start3A_110 = tpu.memref_slice %arg10[%dma_start3A_103, %mul3A_34] : memref<9x16384xi32, #tpu.memory_space<hbm>> -> memref<1x64xi32, #tpu.memory_space<hbm>>
      %dma_start3A_111 = tpu.memref_squeeze %dma_start3A_110 : memref<1x64xi32, #tpu.memory_space<hbm>> -> memref<64xi32, #tpu.memory_space<hbm>>
      tpu.enqueue_dma source(%dma_start3A_111 : memref<64xi32, #tpu.memory_space<hbm>>) target(%dma_start3A_109 : memref<64xi32, #tpu.memory_space<vmem>>) target_semaphore(%arg22 : memref<!tpu.dma_semaphore, #tpu.memory_space<semaphore_mem>>)
      %dma_start3A_112 = arith.constant 3 : i32
      %dma_start3A_113 = arith.constant 448 : i32
      %dma_start3A_114 = tpu.memref_slice %arg18[%dma_start3A_113] : memref<1792xi32, #tpu.memory_space<vmem>> -> memref<64xi32, #tpu.memory_space<vmem>>
      %dma_start3A_115 = tpu.memref_slice %arg9[%dma_start3A_112, %mul3A_34] : memref<9x16384xi32, #tpu.memory_space<hbm>> -> memref<1x64xi32, #tpu.memory_space<hbm>>
      %dma_start3A_116 = tpu.memref_squeeze %dma_start3A_115 : memref<1x64xi32, #tpu.memory_space<hbm>> -> memref<64xi32, #tpu.memory_space<hbm>>
      %dma_start3A_117 = arith.constant 448 : i32
      %dma_start3A_118 = tpu.memref_slice %arg18[%dma_start3A_117] : memref<1792xi32, #tpu.memory_space<vmem>> -> memref<64xi32, #tpu.memory_space<vmem>>
      %dma_start3A_119 = tpu.memref_slice %arg9[%dma_start3A_112, %mul3A_34] : memref<9x16384xi32, #tpu.memory_space<hbm>> -> memref<1x64xi32, #tpu.memory_space<hbm>>
      %dma_start3A_120 = tpu.memref_squeeze %dma_start3A_119 : memref<1x64xi32, #tpu.memory_space<hbm>> -> memref<64xi32, #tpu.memory_space<hbm>>
      tpu.enqueue_dma source(%dma_start3A_120 : memref<64xi32, #tpu.memory_space<hbm>>) target(%dma_start3A_118 : memref<64xi32, #tpu.memory_space<vmem>>) target_semaphore(%arg22 : memref<!tpu.dma_semaphore, #tpu.memory_space<semaphore_mem>>)
      %dma_start3A_121 = arith.constant 3 : i32
      %dma_start3A_122 = arith.constant 1024 : i32
      %dma_start3A_123 = tpu.memref_slice %arg18[%dma_start3A_122] : memref<1792xi32, #tpu.memory_space<vmem>> -> memref<64xi32, #tpu.memory_space<vmem>>
      %dma_start3A_124 = tpu.memref_slice %arg10[%dma_start3A_121, %mul3A_34] : memref<9x16384xi32, #tpu.memory_space<hbm>> -> memref<1x64xi32, #tpu.memory_space<hbm>>
      %dma_start3A_125 = tpu.memref_squeeze %dma_start3A_124 : memref<1x64xi32, #tpu.memory_space<hbm>> -> memref<64xi32, #tpu.memory_space<hbm>>
      %dma_start3A_126 = arith.constant 1024 : i32
      %dma_start3A_127 = tpu.memref_slice %arg18[%dma_start3A_126] : memref<1792xi32, #tpu.memory_space<vmem>> -> memref<64xi32, #tpu.memory_space<vmem>>
      %dma_start3A_128 = tpu.memref_slice %arg10[%dma_start3A_121, %mul3A_34] : memref<9x16384xi32, #tpu.memory_space<hbm>> -> memref<1x64xi32, #tpu.memory_space<hbm>>
      %dma_start3A_129 = tpu.memref_squeeze %dma_start3A_128 : memref<1x64xi32, #tpu.memory_space<hbm>> -> memref<64xi32, #tpu.memory_space<hbm>>
      tpu.enqueue_dma source(%dma_start3A_129 : memref<64xi32, #tpu.memory_space<hbm>>) target(%dma_start3A_127 : memref<64xi32, #tpu.memory_space<vmem>>) target_semaphore(%arg22 : memref<!tpu.dma_semaphore, #tpu.memory_space<semaphore_mem>>)
      %dma_start3A_130 = arith.constant 4 : i32
      %dma_start3A_131 = arith.constant 512 : i32
      %dma_start3A_132 = tpu.memref_slice %arg18[%dma_start3A_131] : memref<1792xi32, #tpu.memory_space<vmem>> -> memref<64xi32, #tpu.memory_space<vmem>>
      %dma_start3A_133 = tpu.memref_slice %arg9[%dma_start3A_130, %mul3A_34] : memref<9x16384xi32, #tpu.memory_space<hbm>> -> memref<1x64xi32, #tpu.memory_space<hbm>>
      %dma_start3A_134 = tpu.memref_squeeze %dma_start3A_133 : memref<1x64xi32, #tpu.memory_space<hbm>> -> memref<64xi32, #tpu.memory_space<hbm>>
      %dma_start3A_135 = arith.constant 512 : i32
      %dma_start3A_136 = tpu.memref_slice %arg18[%dma_start3A_135] : memref<1792xi32, #tpu.memory_space<vmem>> -> memref<64xi32, #tpu.memory_space<vmem>>
      %dma_start3A_137 = tpu.memref_slice %arg9[%dma_start3A_130, %mul3A_34] : memref<9x16384xi32, #tpu.memory_space<hbm>> -> memref<1x64xi32, #tpu.memory_space<hbm>>
      %dma_start3A_138 = tpu.memref_squeeze %dma_start3A_137 : memref<1x64xi32, #tpu.memory_space<hbm>> -> memref<64xi32, #tpu.memory_space<hbm>>
      tpu.enqueue_dma source(%dma_start3A_138 : memref<64xi32, #tpu.memory_space<hbm>>) target(%dma_start3A_136 : memref<64xi32, #tpu.memory_space<vmem>>) target_semaphore(%arg22 : memref<!tpu.dma_semaphore, #tpu.memory_space<semaphore_mem>>)
      %dma_start3A_139 = arith.constant 4 : i32
      %dma_start3A_140 = arith.constant 1088 : i32
      %dma_start3A_141 = tpu.memref_slice %arg18[%dma_start3A_140] : memref<1792xi32, #tpu.memory_space<vmem>> -> memref<64xi32, #tpu.memory_space<vmem>>
      %dma_start3A_142 = tpu.memref_slice %arg10[%dma_start3A_139, %mul3A_34] : memref<9x16384xi32, #tpu.memory_space<hbm>> -> memref<1x64xi32, #tpu.memory_space<hbm>>
      %dma_start3A_143 = tpu.memref_squeeze %dma_start3A_142 : memref<1x64xi32, #tpu.memory_space<hbm>> -> memref<64xi32, #tpu.memory_space<hbm>>
      %dma_start3A_144 = arith.constant 1088 : i32
      %dma_start3A_145 = tpu.memref_slice %arg18[%dma_start3A_144] : memref<1792xi32, #tpu.memory_space<vmem>> -> memref<64xi32, #tpu.memory_space<vmem>>
      %dma_start3A_146 = tpu.memref_slice %arg10[%dma_start3A_139, %mul3A_34] : memref<9x16384xi32, #tpu.memory_space<hbm>> -> memref<1x64xi32, #tpu.memory_space<hbm>>
      %dma_start3A_147 = tpu.memref_squeeze %dma_start3A_146 : memref<1x64xi32, #tpu.memory_space<hbm>> -> memref<64xi32, #tpu.memory_space<hbm>>
      tpu.enqueue_dma source(%dma_start3A_147 : memref<64xi32, #tpu.memory_space<hbm>>) target(%dma_start3A_145 : memref<64xi32, #tpu.memory_space<vmem>>) target_semaphore(%arg22 : memref<!tpu.dma_semaphore, #tpu.memory_space<semaphore_mem>>)
      %dma_start3A_148 = arith.constant 5 : i32
      %dma_start3A_149 = arith.constant 576 : i32
      %dma_start3A_150 = tpu.memref_slice %arg18[%dma_start3A_149] : memref<1792xi32, #tpu.memory_space<vmem>> -> memref<64xi32, #tpu.memory_space<vmem>>
      %dma_start3A_151 = tpu.memref_slice %arg9[%dma_start3A_148, %mul3A_34] : memref<9x16384xi32, #tpu.memory_space<hbm>> -> memref<1x64xi32, #tpu.memory_space<hbm>>
      %dma_start3A_152 = tpu.memref_squeeze %dma_start3A_151 : memref<1x64xi32, #tpu.memory_space<hbm>> -> memref<64xi32, #tpu.memory_space<hbm>>
      %dma_start3A_153 = arith.constant 576 : i32
      %dma_start3A_154 = tpu.memref_slice %arg18[%dma_start3A_153] : memref<1792xi32, #tpu.memory_space<vmem>> -> memref<64xi32, #tpu.memory_space<vmem>>
      %dma_start3A_155 = tpu.memref_slice %arg9[%dma_start3A_148, %mul3A_34] : memref<9x16384xi32, #tpu.memory_space<hbm>> -> memref<1x64xi32, #tpu.memory_space<hbm>>
      %dma_start3A_156 = tpu.memref_squeeze %dma_start3A_155 : memref<1x64xi32, #tpu.memory_space<hbm>> -> memref<64xi32, #tpu.memory_space<hbm>>
      tpu.enqueue_dma source(%dma_start3A_156 : memref<64xi32, #tpu.memory_space<hbm>>) target(%dma_start3A_154 : memref<64xi32, #tpu.memory_space<vmem>>) target_semaphore(%arg22 : memref<!tpu.dma_semaphore, #tpu.memory_space<semaphore_mem>>)
      %dma_start3A_157 = arith.constant 5 : i32
      %dma_start3A_158 = arith.constant 1152 : i32
      %dma_start3A_159 = tpu.memref_slice %arg18[%dma_start3A_158] : memref<1792xi32, #tpu.memory_space<vmem>> -> memref<64xi32, #tpu.memory_space<vmem>>
      %dma_start3A_160 = tpu.memref_slice %arg10[%dma_start3A_157, %mul3A_34] : memref<9x16384xi32, #tpu.memory_space<hbm>> -> memref<1x64xi32, #tpu.memory_space<hbm>>
      %dma_start3A_161 = tpu.memref_squeeze %dma_start3A_160 : memref<1x64xi32, #tpu.memory_space<hbm>> -> memref<64xi32, #tpu.memory_space<hbm>>
      %dma_start3A_162 = arith.constant 1152 : i32
      %dma_start3A_163 = tpu.memref_slice %arg18[%dma_start3A_162] : memref<1792xi32, #tpu.memory_space<vmem>> -> memref<64xi32, #tpu.memory_space<vmem>>
      %dma_start3A_164 = tpu.memref_slice %arg10[%dma_start3A_157, %mul3A_34] : memref<9x16384xi32, #tpu.memory_space<hbm>> -> memref<1x64xi32, #tpu.memory_space<hbm>>
      %dma_start3A_165 = tpu.memref_squeeze %dma_start3A_164 : memref<1x64xi32, #tpu.memory_space<hbm>> -> memref<64xi32, #tpu.memory_space<hbm>>
      tpu.enqueue_dma source(%dma_start3A_165 : memref<64xi32, #tpu.memory_space<hbm>>) target(%dma_start3A_163 : memref<64xi32, #tpu.memory_space<vmem>>) target_semaphore(%arg22 : memref<!tpu.dma_semaphore, #tpu.memory_space<semaphore_mem>>)
      %dma_start3A_166 = arith.constant 6 : i32
      %dma_start3A_167 = arith.constant 640 : i32
      %dma_start3A_168 = tpu.memref_slice %arg18[%dma_start3A_167] : memref<1792xi32, #tpu.memory_space<vmem>> -> memref<64xi32, #tpu.memory_space<vmem>>
      %dma_start3A_169 = tpu.memref_slice %arg9[%dma_start3A_166, %mul3A_34] : memref<9x16384xi32, #tpu.memory_space<hbm>> -> memref<1x64xi32, #tpu.memory_space<hbm>>
      %dma_start3A_170 = tpu.memref_squeeze %dma_start3A_169 : memref<1x64xi32, #tpu.memory_space<hbm>> -> memref<64xi32, #tpu.memory_space<hbm>>
      %dma_start3A_171 = arith.constant 640 : i32
      %dma_start3A_172 = tpu.memref_slice %arg18[%dma_start3A_171] : memref<1792xi32, #tpu.memory_space<vmem>> -> memref<64xi32, #tpu.memory_space<vmem>>
      %dma_start3A_173 = tpu.memref_slice %arg9[%dma_start3A_166, %mul3A_34] : memref<9x16384xi32, #tpu.memory_space<hbm>> -> memref<1x64xi32, #tpu.memory_space<hbm>>
      %dma_start3A_174 = tpu.memref_squeeze %dma_start3A_173 : memref<1x64xi32, #tpu.memory_space<hbm>> -> memref<64xi32, #tpu.memory_space<hbm>>
      tpu.enqueue_dma source(%dma_start3A_174 : memref<64xi32, #tpu.memory_space<hbm>>) target(%dma_start3A_172 : memref<64xi32, #tpu.memory_space<vmem>>) target_semaphore(%arg22 : memref<!tpu.dma_semaphore, #tpu.memory_space<semaphore_mem>>)
      %dma_start3A_175 = arith.constant 6 : i32
      %dma_start3A_176 = arith.constant 1216 : i32
      %dma_start3A_177 = tpu.memref_slice %arg18[%dma_start3A_176] : memref<1792xi32, #tpu.memory_space<vmem>> -> memref<64xi32, #tpu.memory_space<vmem>>
      %dma_start3A_178 = tpu.memref_slice %arg10[%dma_start3A_175, %mul3A_34] : memref<9x16384xi32, #tpu.memory_space<hbm>> -> memref<1x64xi32, #tpu.memory_space<hbm>>
      %dma_start3A_179 = tpu.memref_squeeze %dma_start3A_178 : memref<1x64xi32, #tpu.memory_space<hbm>> -> memref<64xi32, #tpu.memory_space<hbm>>
      %dma_start3A_180 = arith.constant 1216 : i32
      %dma_start3A_181 = tpu.memref_slice %arg18[%dma_start3A_180] : memref<1792xi32, #tpu.memory_space<vmem>> -> memref<64xi32, #tpu.memory_space<vmem>>
      %dma_start3A_182 = tpu.memref_slice %arg10[%dma_start3A_175, %mul3A_34] : memref<9x16384xi32, #tpu.memory_space<hbm>> -> memref<1x64xi32, #tpu.memory_space<hbm>>
      %dma_start3A_183 = tpu.memref_squeeze %dma_start3A_182 : memref<1x64xi32, #tpu.memory_space<hbm>> -> memref<64xi32, #tpu.memory_space<hbm>>
      tpu.enqueue_dma source(%dma_start3A_183 : memref<64xi32, #tpu.memory_space<hbm>>) target(%dma_start3A_181 : memref<64xi32, #tpu.memory_space<vmem>>) target_semaphore(%arg22 : memref<!tpu.dma_semaphore, #tpu.memory_space<semaphore_mem>>)
      %dma_start3A_184 = arith.constant 7 : i32
      %dma_start3A_185 = arith.constant 704 : i32
      %dma_start3A_186 = tpu.memref_slice %arg18[%dma_start3A_185] : memref<1792xi32, #tpu.memory_space<vmem>> -> memref<64xi32, #tpu.memory_space<vmem>>
      %dma_start3A_187 = tpu.memref_slice %arg9[%dma_start3A_184, %mul3A_34] : memref<9x16384xi32, #tpu.memory_space<hbm>> -> memref<1x64xi32, #tpu.memory_space<hbm>>
      %dma_start3A_188 = tpu.memref_squeeze %dma_start3A_187 : memref<1x64xi32, #tpu.memory_space<hbm>> -> memref<64xi32, #tpu.memory_space<hbm>>
      %dma_start3A_189 = arith.constant 704 : i32
      %dma_start3A_190 = tpu.memref_slice %arg18[%dma_start3A_189] : memref<1792xi32, #tpu.memory_space<vmem>> -> memref<64xi32, #tpu.memory_space<vmem>>
      %dma_start3A_191 = tpu.memref_slice %arg9[%dma_start3A_184, %mul3A_34] : memref<9x16384xi32, #tpu.memory_space<hbm>> -> memref<1x64xi32, #tpu.memory_space<hbm>>
      %dma_start3A_192 = tpu.memref_squeeze %dma_start3A_191 : memref<1x64xi32, #tpu.memory_space<hbm>> -> memref<64xi32, #tpu.memory_space<hbm>>
      tpu.enqueue_dma source(%dma_start3A_192 : memref<64xi32, #tpu.memory_space<hbm>>) target(%dma_start3A_190 : memref<64xi32, #tpu.memory_space<vmem>>) target_semaphore(%arg22 : memref<!tpu.dma_semaphore, #tpu.memory_space<semaphore_mem>>)
      %dma_start3A_193 = arith.constant 7 : i32
      %dma_start3A_194 = arith.constant 1280 : i32
      %dma_start3A_195 = tpu.memref_slice %arg18[%dma_start3A_194] : memref<1792xi32, #tpu.memory_space<vmem>> -> memref<64xi32, #tpu.memory_space<vmem>>
      %dma_start3A_196 = tpu.memref_slice %arg10[%dma_start3A_193, %mul3A_34] : memref<9x16384xi32, #tpu.memory_space<hbm>> -> memref<1x64xi32, #tpu.memory_space<hbm>>
      %dma_start3A_197 = tpu.memref_squeeze %dma_start3A_196 : memref<1x64xi32, #tpu.memory_space<hbm>> -> memref<64xi32, #tpu.memory_space<hbm>>
      %dma_start3A_198 = arith.constant 1280 : i32
      %dma_start3A_199 = tpu.memref_slice %arg18[%dma_start3A_198] : memref<1792xi32, #tpu.memory_space<vmem>> -> memref<64xi32, #tpu.memory_space<vmem>>
      %dma_start3A_200 = tpu.memref_slice %arg10[%dma_start3A_193, %mul3A_34] : memref<9x16384xi32, #tpu.memory_space<hbm>> -> memref<1x64xi32, #tpu.memory_space<hbm>>
      %dma_start3A_201 = tpu.memref_squeeze %dma_start3A_200 : memref<1x64xi32, #tpu.memory_space<hbm>> -> memref<64xi32, #tpu.memory_space<hbm>>
      tpu.enqueue_dma source(%dma_start3A_201 : memref<64xi32, #tpu.memory_space<hbm>>) target(%dma_start3A_199 : memref<64xi32, #tpu.memory_space<vmem>>) target_semaphore(%arg22 : memref<!tpu.dma_semaphore, #tpu.memory_space<semaphore_mem>>)
      %dma_start3A_202 = arith.constant 8 : i32
      %dma_start3A_203 = arith.constant 768 : i32
      %dma_start3A_204 = tpu.memref_slice %arg18[%dma_start3A_203] : memref<1792xi32, #tpu.memory_space<vmem>> -> memref<64xi32, #tpu.memory_space<vmem>>
      %dma_start3A_205 = tpu.memref_slice %arg9[%dma_start3A_202, %mul3A_34] : memref<9x16384xi32, #tpu.memory_space<hbm>> -> memref<1x64xi32, #tpu.memory_space<hbm>>
      %dma_start3A_206 = tpu.memref_squeeze %dma_start3A_205 : memref<1x64xi32, #tpu.memory_space<hbm>> -> memref<64xi32, #tpu.memory_space<hbm>>
      %dma_start3A_207 = arith.constant 768 : i32
      %dma_start3A_208 = tpu.memref_slice %arg18[%dma_start3A_207] : memref<1792xi32, #tpu.memory_space<vmem>> -> memref<64xi32, #tpu.memory_space<vmem>>
      %dma_start3A_209 = tpu.memref_slice %arg9[%dma_start3A_202, %mul3A_34] : memref<9x16384xi32, #tpu.memory_space<hbm>> -> memref<1x64xi32, #tpu.memory_space<hbm>>
      %dma_start3A_210 = tpu.memref_squeeze %dma_start3A_209 : memref<1x64xi32, #tpu.memory_space<hbm>> -> memref<64xi32, #tpu.memory_space<hbm>>
      tpu.enqueue_dma source(%dma_start3A_210 : memref<64xi32, #tpu.memory_space<hbm>>) target(%dma_start3A_208 : memref<64xi32, #tpu.memory_space<vmem>>) target_semaphore(%arg22 : memref<!tpu.dma_semaphore, #tpu.memory_space<semaphore_mem>>)
      %dma_start3A_211 = arith.constant 8 : i32
      %dma_start3A_212 = arith.constant 1344 : i32
      %dma_start3A_213 = tpu.memref_slice %arg18[%dma_start3A_212] : memref<1792xi32, #tpu.memory_space<vmem>> -> memref<64xi32, #tpu.memory_space<vmem>>
      %dma_start3A_214 = tpu.memref_slice %arg10[%dma_start3A_211, %mul3A_34] : memref<9x16384xi32, #tpu.memory_space<hbm>> -> memref<1x64xi32, #tpu.memory_space<hbm>>
      %dma_start3A_215 = tpu.memref_squeeze %dma_start3A_214 : memref<1x64xi32, #tpu.memory_space<hbm>> -> memref<64xi32, #tpu.memory_space<hbm>>
      %dma_start3A_216 = arith.constant 1344 : i32
      %dma_start3A_217 = tpu.memref_slice %arg18[%dma_start3A_216] : memref<1792xi32, #tpu.memory_space<vmem>> -> memref<64xi32, #tpu.memory_space<vmem>>
      %dma_start3A_218 = tpu.memref_slice %arg10[%dma_start3A_211, %mul3A_34] : memref<9x16384xi32, #tpu.memory_space<hbm>> -> memref<1x64xi32, #tpu.memory_space<hbm>>
      %dma_start3A_219 = tpu.memref_squeeze %dma_start3A_218 : memref<1x64xi32, #tpu.memory_space<hbm>> -> memref<64xi32, #tpu.memory_space<hbm>>
      tpu.enqueue_dma source(%dma_start3A_219 : memref<64xi32, #tpu.memory_space<hbm>>) target(%dma_start3A_217 : memref<64xi32, #tpu.memory_space<vmem>>) target_semaphore(%arg22 : memref<!tpu.dma_semaphore, #tpu.memory_space<semaphore_mem>>)
      %dma_start3A_220 = arith.constant 1408 : i32
      %dma_start3A_221 = tpu.memref_slice %arg18[%dma_start3A_220] : memref<1792xi32, #tpu.memory_space<vmem>> -> memref<64xi32, #tpu.memory_space<vmem>>
      %dma_start3A_222 = tpu.memref_slice %arg11[%mul3A_34] : memref<16384xi32, #tpu.memory_space<hbm>> -> memref<64xi32, #tpu.memory_space<hbm>>
      %dma_start3A_223 = arith.constant 1408 : i32
      %dma_start3A_224 = tpu.memref_slice %arg18[%dma_start3A_223] : memref<1792xi32, #tpu.memory_space<vmem>> -> memref<64xi32, #tpu.memory_space<vmem>>
      %dma_start3A_225 = tpu.memref_slice %arg11[%mul3A_34] : memref<16384xi32, #tpu.memory_space<hbm>> -> memref<64xi32, #tpu.memory_space<hbm>>
      tpu.enqueue_dma source(%dma_start3A_225 : memref<64xi32, #tpu.memory_space<hbm>>) target(%dma_start3A_224 : memref<64xi32, #tpu.memory_space<vmem>>) target_semaphore(%arg22 : memref<!tpu.dma_semaphore, #tpu.memory_space<semaphore_mem>>)
      %dma_start3A_226 = arith.constant 1472 : i32
      %dma_start3A_227 = tpu.memref_slice %arg18[%dma_start3A_226] : memref<1792xi32, #tpu.memory_space<vmem>> -> memref<64xi32, #tpu.memory_space<vmem>>
      %dma_start3A_228 = tpu.memref_slice %arg12[%mul3A_34] : memref<16384xi32, #tpu.memory_space<hbm>> -> memref<64xi32, #tpu.memory_space<hbm>>
      %dma_start3A_229 = arith.constant 1472 : i32
      %dma_start3A_230 = tpu.memref_slice %arg18[%dma_start3A_229] : memref<1792xi32, #tpu.memory_space<vmem>> -> memref<64xi32, #tpu.memory_space<vmem>>
      %dma_start3A_231 = tpu.memref_slice %arg12[%mul3A_34] : memref<16384xi32, #tpu.memory_space<hbm>> -> memref<64xi32, #tpu.memory_space<hbm>>
      tpu.enqueue_dma source(%dma_start3A_231 : memref<64xi32, #tpu.memory_space<hbm>>) target(%dma_start3A_230 : memref<64xi32, #tpu.memory_space<vmem>>) target_semaphore(%arg22 : memref<!tpu.dma_semaphore, #tpu.memory_space<semaphore_mem>>)
      %dma_start3A_232 = arith.constant 1536 : i32
      %dma_start3A_233 = tpu.memref_slice %arg18[%dma_start3A_232] : memref<1792xi32, #tpu.memory_space<vmem>> -> memref<64xi32, #tpu.memory_space<vmem>>
      %dma_start3A_234 = tpu.memref_slice %arg13[%mul3A_34] : memref<16384xi32, #tpu.memory_space<hbm>> -> memref<64xi32, #tpu.memory_space<hbm>>
      %dma_start3A_235 = arith.constant 1536 : i32
      %dma_start3A_236 = tpu.memref_slice %arg18[%dma_start3A_235] : memref<1792xi32, #tpu.memory_space<vmem>> -> memref<64xi32, #tpu.memory_space<vmem>>
      %dma_start3A_237 = tpu.memref_slice %arg13[%mul3A_34] : memref<16384xi32, #tpu.memory_space<hbm>> -> memref<64xi32, #tpu.memory_space<hbm>>
      tpu.enqueue_dma source(%dma_start3A_237 : memref<64xi32, #tpu.memory_space<hbm>>) target(%dma_start3A_236 : memref<64xi32, #tpu.memory_space<vmem>>) target_semaphore(%arg22 : memref<!tpu.dma_semaphore, #tpu.memory_space<semaphore_mem>>)
      %dma_start3A_238 = arith.constant 1600 : i32
      %dma_start3A_239 = tpu.memref_slice %arg18[%dma_start3A_238] : memref<1792xi32, #tpu.memory_space<vmem>> -> memref<64xi32, #tpu.memory_space<vmem>>
      %dma_start3A_240 = tpu.memref_slice %arg14[%mul3A_34] : memref<16384xi32, #tpu.memory_space<hbm>> -> memref<64xi32, #tpu.memory_space<hbm>>
      %dma_start3A_241 = arith.constant 1600 : i32
      %dma_start3A_242 = tpu.memref_slice %arg18[%dma_start3A_241] : memref<1792xi32, #tpu.memory_space<vmem>> -> memref<64xi32, #tpu.memory_space<vmem>>
      %dma_start3A_243 = tpu.memref_slice %arg14[%mul3A_34] : memref<16384xi32, #tpu.memory_space<hbm>> -> memref<64xi32, #tpu.memory_space<hbm>>
      tpu.enqueue_dma source(%dma_start3A_243 : memref<64xi32, #tpu.memory_space<hbm>>) target(%dma_start3A_242 : memref<64xi32, #tpu.memory_space<vmem>>) target_semaphore(%arg22 : memref<!tpu.dma_semaphore, #tpu.memory_space<semaphore_mem>>)
      %dma_start3A_244 = arith.constant 1664 : i32
      %dma_start3A_245 = tpu.memref_slice %arg18[%dma_start3A_244] : memref<1792xi32, #tpu.memory_space<vmem>> -> memref<64xi32, #tpu.memory_space<vmem>>
      %dma_start3A_246 = tpu.memref_slice %arg15[%mul3A_34] : memref<16384xi32, #tpu.memory_space<hbm>> -> memref<64xi32, #tpu.memory_space<hbm>>
      %dma_start3A_247 = arith.constant 1664 : i32
      %dma_start3A_248 = tpu.memref_slice %arg18[%dma_start3A_247] : memref<1792xi32, #tpu.memory_space<vmem>> -> memref<64xi32, #tpu.memory_space<vmem>>
      %dma_start3A_249 = tpu.memref_slice %arg15[%mul3A_34] : memref<16384xi32, #tpu.memory_space<hbm>> -> memref<64xi32, #tpu.memory_space<hbm>>
      tpu.enqueue_dma source(%dma_start3A_249 : memref<64xi32, #tpu.memory_space<hbm>>) target(%dma_start3A_248 : memref<64xi32, #tpu.memory_space<vmem>>) target_semaphore(%arg22 : memref<!tpu.dma_semaphore, #tpu.memory_space<semaphore_mem>>)
      %dma_start3A_250 = arith.constant 1728 : i32
      %dma_start3A_251 = tpu.memref_slice %arg18[%dma_start3A_250] : memref<1792xi32, #tpu.memory_space<vmem>> -> memref<64xi32, #tpu.memory_space<vmem>>
      %dma_start3A_252 = tpu.memref_slice %arg16[%mul3A_34] : memref<16384xi32, #tpu.memory_space<hbm>> -> memref<64xi32, #tpu.memory_space<hbm>>
      %dma_start3A_253 = arith.constant 1728 : i32
      %dma_start3A_254 = tpu.memref_slice %arg18[%dma_start3A_253] : memref<1792xi32, #tpu.memory_space<vmem>> -> memref<64xi32, #tpu.memory_space<vmem>>
      %dma_start3A_255 = tpu.memref_slice %arg16[%mul3A_34] : memref<16384xi32, #tpu.memory_space<hbm>> -> memref<64xi32, #tpu.memory_space<hbm>>
      tpu.enqueue_dma source(%dma_start3A_255 : memref<64xi32, #tpu.memory_space<hbm>>) target(%dma_start3A_254 : memref<64xi32, #tpu.memory_space<vmem>>) target_semaphore(%arg22 : memref<!tpu.dma_semaphore, #tpu.memory_space<semaphore_mem>>)
      %dma_wait3A_256 = arith.constant 0 : i32
      %dma_wait3A_257 = tpu.memref_slice %arg5[%dma_wait3A_256] : memref<16384xi32, #tpu.memory_space<hbm>> -> memref<1792xi32, #tpu.memory_space<hbm>>
      %dma_wait3A_258 = arith.constant 0 : i32
      %dma_wait3A_259 = tpu.memref_slice %arg5[%dma_wait3A_258] : memref<16384xi32, #tpu.memory_space<hbm>> -> memref<1792xi32, #tpu.memory_space<hbm>>
      tpu.wait_dma2 semaphore(%arg22 : memref<!tpu.dma_semaphore, #tpu.memory_space<semaphore_mem>>) src(%dma_wait3A_259 : memref<1792xi32, #tpu.memory_space<hbm>>) dst(%arg18 : memref<1792xi32, #tpu.memory_space<vmem>>)
      %gt3A = arith.constant 0 : i32
      %gt3A_260 = arith.cmpi sgt, %scan3A_23, %gt3A : i32
      %convert_element_type3A = arith.extui %gt3A_260 : i1 to i32
      %cond3A = arith.constant 0 : i32
      %cond3A_261 = arith.cmpi ne, %convert_element_type3A, %cond3A : i32
      scf.if %cond3A_261 {
        %dma_wait3A_1702 = arith.constant 0 : i32
        %dma_wait3A_1703 = arith.constant 0 : i32
        %dma_wait3A_1704 = arith.constant 0 : i32
        %dma_wait3A_1705 = tpu.memref_slice %arg17[%dma_wait3A_1702, %dma_wait3A_1703, %dma_wait3A_1704] : memref<7x16384x128xf32, #tpu.memory_space<hbm>> -> memref<1x1792x32xf32, #tpu.memory_space<hbm>>
        %dma_wait3A_1706 = tpu.memref_squeeze %dma_wait3A_1705 : memref<1x1792x32xf32, #tpu.memory_space<hbm>> -> memref<1792x32xf32, #tpu.memory_space<hbm>>
        %dma_wait3A_1707 = arith.constant 0 : i32
        %dma_wait3A_1708 = arith.constant 0 : i32
        %dma_wait3A_1709 = tpu.memref_slice %arg17[%dma_wait3A_1702, %dma_wait3A_1707, %dma_wait3A_1708] : memref<7x16384x128xf32, #tpu.memory_space<hbm>> -> memref<1x1792x32xf32, #tpu.memory_space<hbm>>
        %dma_wait3A_1710 = tpu.memref_squeeze %dma_wait3A_1709 : memref<1x1792x32xf32, #tpu.memory_space<hbm>> -> memref<1792x32xf32, #tpu.memory_space<hbm>>
        tpu.wait_dma2 semaphore(%arg25 : memref<!tpu.dma_semaphore, #tpu.memory_space<semaphore_mem>>) src(%dma_wait3A_1710 : memref<1792x32xf32, #tpu.memory_space<hbm>>) dst(%arg20 : memref<1792x32xf32, #tpu.memory_space<vmem>>)
      } else {
      }
      %dma_start3A_262 = arith.constant 0 : i32
      %dma_start3A_263 = arith.constant 0 : i32
      %dma_start3A_264 = tpu.memref_slice %arg20[%dma_start3A_262, %dma_start3A_263] : memref<1792x32xf32, #tpu.memory_space<vmem>> -> memref<64x32xf32, #tpu.memory_space<vmem>>
      %dma_start3A_265 = arith.constant 0 : i32
      %dma_start3A_266 = tpu.memref_slice %arg18[%dma_start3A_265] : memref<1792xi32, #tpu.memory_space<vmem>> -> memref<64xi32, #tpu.memory_space<vmem>>
      %dma_start3A_267 = arith.constant 0 : i32
      %dma_start3A_268 = arith.constant 0 : i32
      %dma_start3A_269 = tpu.memref_slice %arg2[%dma_start3A_267, %dma_start3A_268] : memref<100000x32xf32, #tpu.memory_space<hbm>> -> memref<100000x32xf32, #tpu.memory_space<hbm>>
      tpu.enqueue_indirect_dma source(%dma_start3A_269 : memref<100000x32xf32, #tpu.memory_space<hbm>>) target(%dma_start3A_264 : memref<64x32xf32, #tpu.memory_space<vmem>>) offsets(%dma_start3A_266 : memref<64xi32, #tpu.memory_space<vmem>>) semaphore(%arg23 : memref<!tpu.dma_semaphore, #tpu.memory_space<semaphore_mem>>)
      %dma_start3A_270 = arith.constant 64 : i32
      %dma_start3A_271 = arith.constant 0 : i32
      %dma_start3A_272 = tpu.memref_slice %arg20[%dma_start3A_270, %dma_start3A_271] : memref<1792x32xf32, #tpu.memory_space<vmem>> -> memref<64x32xf32, #tpu.memory_space<vmem>>
      %dma_start3A_273 = arith.constant 64 : i32
      %dma_start3A_274 = tpu.memref_slice %arg18[%dma_start3A_273] : memref<1792xi32, #tpu.memory_space<vmem>> -> memref<64xi32, #tpu.memory_space<vmem>>
      %dma_start3A_275 = arith.constant 0 : i32
      %dma_start3A_276 = arith.constant 0 : i32
      %dma_start3A_277 = tpu.memref_slice %arg2[%dma_start3A_275, %dma_start3A_276] : memref<100000x32xf32, #tpu.memory_space<hbm>> -> memref<100000x32xf32, #tpu.memory_space<hbm>>
      tpu.enqueue_indirect_dma source(%dma_start3A_277 : memref<100000x32xf32, #tpu.memory_space<hbm>>) target(%dma_start3A_272 : memref<64x32xf32, #tpu.memory_space<vmem>>) offsets(%dma_start3A_274 : memref<64xi32, #tpu.memory_space<vmem>>) semaphore(%arg23 : memref<!tpu.dma_semaphore, #tpu.memory_space<semaphore_mem>>)
      %dma_start3A_278 = arith.constant 128 : i32
      %dma_start3A_279 = arith.constant 0 : i32
      %dma_start3A_280 = tpu.memref_slice %arg20[%dma_start3A_278, %dma_start3A_279] : memref<1792x32xf32, #tpu.memory_space<vmem>> -> memref<64x32xf32, #tpu.memory_space<vmem>>
      %dma_start3A_281 = arith.constant 128 : i32
      %dma_start3A_282 = tpu.memref_slice %arg18[%dma_start3A_281] : memref<1792xi32, #tpu.memory_space<vmem>> -> memref<64xi32, #tpu.memory_space<vmem>>
      %dma_start3A_283 = arith.constant 0 : i32
      %dma_start3A_284 = arith.constant 0 : i32
      %dma_start3A_285 = tpu.memref_slice %arg2[%dma_start3A_283, %dma_start3A_284] : memref<100000x32xf32, #tpu.memory_space<hbm>> -> memref<100000x32xf32, #tpu.memory_space<hbm>>
      tpu.enqueue_indirect_dma source(%dma_start3A_285 : memref<100000x32xf32, #tpu.memory_space<hbm>>) target(%dma_start3A_280 : memref<64x32xf32, #tpu.memory_space<vmem>>) offsets(%dma_start3A_282 : memref<64xi32, #tpu.memory_space<vmem>>) semaphore(%arg23 : memref<!tpu.dma_semaphore, #tpu.memory_space<semaphore_mem>>)
      %dma_start3A_286 = arith.constant 192 : i32
      %dma_start3A_287 = arith.constant 0 : i32
      %dma_start3A_288 = tpu.memref_slice %arg20[%dma_start3A_286, %dma_start3A_287] : memref<1792x32xf32, #tpu.memory_space<vmem>> -> memref<64x32xf32, #tpu.memory_space<vmem>>
      %dma_start3A_289 = arith.constant 192 : i32
      %dma_start3A_290 = tpu.memref_slice %arg18[%dma_start3A_289] : memref<1792xi32, #tpu.memory_space<vmem>> -> memref<64xi32, #tpu.memory_space<vmem>>
      %dma_start3A_291 = arith.constant 0 : i32
      %dma_start3A_292 = arith.constant 0 : i32
      %dma_start3A_293 = tpu.memref_slice %arg2[%dma_start3A_291, %dma_start3A_292] : memref<100000x32xf32, #tpu.memory_space<hbm>> -> memref<100000x32xf32, #tpu.memory_space<hbm>>
      tpu.enqueue_indirect_dma source(%dma_start3A_293 : memref<100000x32xf32, #tpu.memory_space<hbm>>) target(%dma_start3A_288 : memref<64x32xf32, #tpu.memory_space<vmem>>) offsets(%dma_start3A_290 : memref<64xi32, #tpu.memory_space<vmem>>) semaphore(%arg23 : memref<!tpu.dma_semaphore, #tpu.memory_space<semaphore_mem>>)
      %dma_start3A_294 = arith.constant 256 : i32
      %dma_start3A_295 = arith.constant 0 : i32
      %dma_start3A_296 = tpu.memref_slice %arg20[%dma_start3A_294, %dma_start3A_295] : memref<1792x32xf32, #tpu.memory_space<vmem>> -> memref<64x32xf32, #tpu.memory_space<vmem>>
      %dma_start3A_297 = arith.constant 256 : i32
      %dma_start3A_298 = tpu.memref_slice %arg18[%dma_start3A_297] : memref<1792xi32, #tpu.memory_space<vmem>> -> memref<64xi32, #tpu.memory_space<vmem>>
      %dma_start3A_299 = arith.constant 0 : i32
      %dma_start3A_300 = arith.constant 0 : i32
      %dma_start3A_301 = tpu.memref_slice %arg2[%dma_start3A_299, %dma_start3A_300] : memref<100000x32xf32, #tpu.memory_space<hbm>> -> memref<100000x32xf32, #tpu.memory_space<hbm>>
      tpu.enqueue_indirect_dma source(%dma_start3A_301 : memref<100000x32xf32, #tpu.memory_space<hbm>>) target(%dma_start3A_296 : memref<64x32xf32, #tpu.memory_space<vmem>>) offsets(%dma_start3A_298 : memref<64xi32, #tpu.memory_space<vmem>>) semaphore(%arg23 : memref<!tpu.dma_semaphore, #tpu.memory_space<semaphore_mem>>)
      %dma_start3A_302 = arith.constant 320 : i32
      %dma_start3A_303 = arith.constant 0 : i32
      %dma_start3A_304 = tpu.memref_slice %arg20[%dma_start3A_302, %dma_start3A_303] : memref<1792x32xf32, #tpu.memory_space<vmem>> -> memref<64x32xf32, #tpu.memory_space<vmem>>
      %dma_start3A_305 = arith.constant 320 : i32
      %dma_start3A_306 = tpu.memref_slice %arg18[%dma_start3A_305] : memref<1792xi32, #tpu.memory_space<vmem>> -> memref<64xi32, #tpu.memory_space<vmem>>
      %dma_start3A_307 = arith.constant 0 : i32
      %dma_start3A_308 = arith.constant 0 : i32
      %dma_start3A_309 = tpu.memref_slice %arg2[%dma_start3A_307, %dma_start3A_308] : memref<100000x32xf32, #tpu.memory_space<hbm>> -> memref<100000x32xf32, #tpu.memory_space<hbm>>
      tpu.enqueue_indirect_dma source(%dma_start3A_309 : memref<100000x32xf32, #tpu.memory_space<hbm>>) target(%dma_start3A_304 : memref<64x32xf32, #tpu.memory_space<vmem>>) offsets(%dma_start3A_306 : memref<64xi32, #tpu.memory_space<vmem>>) semaphore(%arg23 : memref<!tpu.dma_semaphore, #tpu.memory_space<semaphore_mem>>)
      %dma_start3A_310 = arith.constant 384 : i32
      %dma_start3A_311 = arith.constant 0 : i32
      %dma_start3A_312 = tpu.memref_slice %arg20[%dma_start3A_310, %dma_start3A_311] : memref<1792x32xf32, #tpu.memory_space<vmem>> -> memref<64x32xf32, #tpu.memory_space<vmem>>
      %dma_start3A_313 = arith.constant 384 : i32
      %dma_start3A_314 = tpu.memref_slice %arg18[%dma_start3A_313] : memref<1792xi32, #tpu.memory_space<vmem>> -> memref<64xi32, #tpu.memory_space<vmem>>
      %dma_start3A_315 = arith.constant 0 : i32
      %dma_start3A_316 = arith.constant 0 : i32
      %dma_start3A_317 = tpu.memref_slice %arg2[%dma_start3A_315, %dma_start3A_316] : memref<100000x32xf32, #tpu.memory_space<hbm>> -> memref<100000x32xf32, #tpu.memory_space<hbm>>
      tpu.enqueue_indirect_dma source(%dma_start3A_317 : memref<100000x32xf32, #tpu.memory_space<hbm>>) target(%dma_start3A_312 : memref<64x32xf32, #tpu.memory_space<vmem>>) offsets(%dma_start3A_314 : memref<64xi32, #tpu.memory_space<vmem>>) semaphore(%arg23 : memref<!tpu.dma_semaphore, #tpu.memory_space<semaphore_mem>>)
      %dma_start3A_318 = arith.constant 448 : i32
      %dma_start3A_319 = arith.constant 0 : i32
      %dma_start3A_320 = tpu.memref_slice %arg20[%dma_start3A_318, %dma_start3A_319] : memref<1792x32xf32, #tpu.memory_space<vmem>> -> memref<64x32xf32, #tpu.memory_space<vmem>>
      %dma_start3A_321 = arith.constant 448 : i32
      %dma_start3A_322 = tpu.memref_slice %arg18[%dma_start3A_321] : memref<1792xi32, #tpu.memory_space<vmem>> -> memref<64xi32, #tpu.memory_space<vmem>>
      %dma_start3A_323 = arith.constant 0 : i32
      %dma_start3A_324 = arith.constant 0 : i32
      %dma_start3A_325 = tpu.memref_slice %arg2[%dma_start3A_323, %dma_start3A_324] : memref<100000x32xf32, #tpu.memory_space<hbm>> -> memref<100000x32xf32, #tpu.memory_space<hbm>>
      tpu.enqueue_indirect_dma source(%dma_start3A_325 : memref<100000x32xf32, #tpu.memory_space<hbm>>) target(%dma_start3A_320 : memref<64x32xf32, #tpu.memory_space<vmem>>) offsets(%dma_start3A_322 : memref<64xi32, #tpu.memory_space<vmem>>) semaphore(%arg23 : memref<!tpu.dma_semaphore, #tpu.memory_space<semaphore_mem>>)
      %dma_start3A_326 = arith.constant 512 : i32
      %dma_start3A_327 = arith.constant 0 : i32
      %dma_start3A_328 = tpu.memref_slice %arg20[%dma_start3A_326, %dma_start3A_327] : memref<1792x32xf32, #tpu.memory_space<vmem>> -> memref<64x32xf32, #tpu.memory_space<vmem>>
      %dma_start3A_329 = arith.constant 512 : i32
      %dma_start3A_330 = tpu.memref_slice %arg18[%dma_start3A_329] : memref<1792xi32, #tpu.memory_space<vmem>> -> memref<64xi32, #tpu.memory_space<vmem>>
      %dma_start3A_331 = arith.constant 0 : i32
      %dma_start3A_332 = arith.constant 0 : i32
      %dma_start3A_333 = tpu.memref_slice %arg2[%dma_start3A_331, %dma_start3A_332] : memref<100000x32xf32, #tpu.memory_space<hbm>> -> memref<100000x32xf32, #tpu.memory_space<hbm>>
      tpu.enqueue_indirect_dma source(%dma_start3A_333 : memref<100000x32xf32, #tpu.memory_space<hbm>>) target(%dma_start3A_328 : memref<64x32xf32, #tpu.memory_space<vmem>>) offsets(%dma_start3A_330 : memref<64xi32, #tpu.memory_space<vmem>>) semaphore(%arg23 : memref<!tpu.dma_semaphore, #tpu.memory_space<semaphore_mem>>)
      %dma_start3A_334 = arith.constant 576 : i32
      %dma_start3A_335 = arith.constant 0 : i32
      %dma_start3A_336 = tpu.memref_slice %arg20[%dma_start3A_334, %dma_start3A_335] : memref<1792x32xf32, #tpu.memory_space<vmem>> -> memref<64x32xf32, #tpu.memory_space<vmem>>
      %dma_start3A_337 = arith.constant 576 : i32
      %dma_start3A_338 = tpu.memref_slice %arg18[%dma_start3A_337] : memref<1792xi32, #tpu.memory_space<vmem>> -> memref<64xi32, #tpu.memory_space<vmem>>
      %dma_start3A_339 = arith.constant 0 : i32
      %dma_start3A_340 = arith.constant 0 : i32
      %dma_start3A_341 = tpu.memref_slice %arg2[%dma_start3A_339, %dma_start3A_340] : memref<100000x32xf32, #tpu.memory_space<hbm>> -> memref<100000x32xf32, #tpu.memory_space<hbm>>
      tpu.enqueue_indirect_dma source(%dma_start3A_341 : memref<100000x32xf32, #tpu.memory_space<hbm>>) target(%dma_start3A_336 : memref<64x32xf32, #tpu.memory_space<vmem>>) offsets(%dma_start3A_338 : memref<64xi32, #tpu.memory_space<vmem>>) semaphore(%arg23 : memref<!tpu.dma_semaphore, #tpu.memory_space<semaphore_mem>>)
      %dma_start3A_342 = arith.constant 640 : i32
      %dma_start3A_343 = arith.constant 0 : i32
      %dma_start3A_344 = tpu.memref_slice %arg20[%dma_start3A_342, %dma_start3A_343] : memref<1792x32xf32, #tpu.memory_space<vmem>> -> memref<64x32xf32, #tpu.memory_space<vmem>>
      %dma_start3A_345 = arith.constant 640 : i32
      %dma_start3A_346 = tpu.memref_slice %arg18[%dma_start3A_345] : memref<1792xi32, #tpu.memory_space<vmem>> -> memref<64xi32, #tpu.memory_space<vmem>>
      %dma_start3A_347 = arith.constant 0 : i32
      %dma_start3A_348 = arith.constant 0 : i32
      %dma_start3A_349 = tpu.memref_slice %arg2[%dma_start3A_347, %dma_start3A_348] : memref<100000x32xf32, #tpu.memory_space<hbm>> -> memref<100000x32xf32, #tpu.memory_space<hbm>>
      tpu.enqueue_indirect_dma source(%dma_start3A_349 : memref<100000x32xf32, #tpu.memory_space<hbm>>) target(%dma_start3A_344 : memref<64x32xf32, #tpu.memory_space<vmem>>) offsets(%dma_start3A_346 : memref<64xi32, #tpu.memory_space<vmem>>) semaphore(%arg23 : memref<!tpu.dma_semaphore, #tpu.memory_space<semaphore_mem>>)
      %dma_start3A_350 = arith.constant 704 : i32
      %dma_start3A_351 = arith.constant 0 : i32
      %dma_start3A_352 = tpu.memref_slice %arg20[%dma_start3A_350, %dma_start3A_351] : memref<1792x32xf32, #tpu.memory_space<vmem>> -> memref<64x32xf32, #tpu.memory_space<vmem>>
      %dma_start3A_353 = arith.constant 704 : i32
      %dma_start3A_354 = tpu.memref_slice %arg18[%dma_start3A_353] : memref<1792xi32, #tpu.memory_space<vmem>> -> memref<64xi32, #tpu.memory_space<vmem>>
      %dma_start3A_355 = arith.constant 0 : i32
      %dma_start3A_356 = arith.constant 0 : i32
      %dma_start3A_357 = tpu.memref_slice %arg2[%dma_start3A_355, %dma_start3A_356] : memref<100000x32xf32, #tpu.memory_space<hbm>> -> memref<100000x32xf32, #tpu.memory_space<hbm>>
      tpu.enqueue_indirect_dma source(%dma_start3A_357 : memref<100000x32xf32, #tpu.memory_space<hbm>>) target(%dma_start3A_352 : memref<64x32xf32, #tpu.memory_space<vmem>>) offsets(%dma_start3A_354 : memref<64xi32, #tpu.memory_space<vmem>>) semaphore(%arg23 : memref<!tpu.dma_semaphore, #tpu.memory_space<semaphore_mem>>)
      %dma_start3A_358 = arith.constant 768 : i32
      %dma_start3A_359 = arith.constant 0 : i32
      %dma_start3A_360 = tpu.memref_slice %arg20[%dma_start3A_358, %dma_start3A_359] : memref<1792x32xf32, #tpu.memory_space<vmem>> -> memref<64x32xf32, #tpu.memory_space<vmem>>
      %dma_start3A_361 = arith.constant 768 : i32
      %dma_start3A_362 = tpu.memref_slice %arg18[%dma_start3A_361] : memref<1792xi32, #tpu.memory_space<vmem>> -> memref<64xi32, #tpu.memory_space<vmem>>
      %dma_start3A_363 = arith.constant 0 : i32
      %dma_start3A_364 = arith.constant 0 : i32
      %dma_start3A_365 = tpu.memref_slice %arg2[%dma_start3A_363, %dma_start3A_364] : memref<100000x32xf32, #tpu.memory_space<hbm>> -> memref<100000x32xf32, #tpu.memory_space<hbm>>
      tpu.enqueue_indirect_dma source(%dma_start3A_365 : memref<100000x32xf32, #tpu.memory_space<hbm>>) target(%dma_start3A_360 : memref<64x32xf32, #tpu.memory_space<vmem>>) offsets(%dma_start3A_362 : memref<64xi32, #tpu.memory_space<vmem>>) semaphore(%arg23 : memref<!tpu.dma_semaphore, #tpu.memory_space<semaphore_mem>>)
      %dma_start3A_366 = arith.constant 832 : i32
      %dma_start3A_367 = arith.constant 0 : i32
      %dma_start3A_368 = tpu.memref_slice %arg20[%dma_start3A_366, %dma_start3A_367] : memref<1792x32xf32, #tpu.memory_space<vmem>> -> memref<64x32xf32, #tpu.memory_space<vmem>>
      %dma_start3A_369 = arith.constant 832 : i32
      %dma_start3A_370 = tpu.memref_slice %arg18[%dma_start3A_369] : memref<1792xi32, #tpu.memory_space<vmem>> -> memref<64xi32, #tpu.memory_space<vmem>>
      %dma_start3A_371 = arith.constant 0 : i32
      %dma_start3A_372 = arith.constant 0 : i32
      %dma_start3A_373 = tpu.memref_slice %arg2[%dma_start3A_371, %dma_start3A_372] : memref<100000x32xf32, #tpu.memory_space<hbm>> -> memref<100000x32xf32, #tpu.memory_space<hbm>>
      tpu.enqueue_indirect_dma source(%dma_start3A_373 : memref<100000x32xf32, #tpu.memory_space<hbm>>) target(%dma_start3A_368 : memref<64x32xf32, #tpu.memory_space<vmem>>) offsets(%dma_start3A_370 : memref<64xi32, #tpu.memory_space<vmem>>) semaphore(%arg23 : memref<!tpu.dma_semaphore, #tpu.memory_space<semaphore_mem>>)
      %dma_start3A_374 = arith.constant 896 : i32
      %dma_start3A_375 = arith.constant 0 : i32
      %dma_start3A_376 = tpu.memref_slice %arg20[%dma_start3A_374, %dma_start3A_375] : memref<1792x32xf32, #tpu.memory_space<vmem>> -> memref<64x32xf32, #tpu.memory_space<vmem>>
      %dma_start3A_377 = arith.constant 896 : i32
      %dma_start3A_378 = tpu.memref_slice %arg18[%dma_start3A_377] : memref<1792xi32, #tpu.memory_space<vmem>> -> memref<64xi32, #tpu.memory_space<vmem>>
      %dma_start3A_379 = arith.constant 0 : i32
      %dma_start3A_380 = arith.constant 0 : i32
      %dma_start3A_381 = tpu.memref_slice %arg2[%dma_start3A_379, %dma_start3A_380] : memref<100000x32xf32, #tpu.memory_space<hbm>> -> memref<100000x32xf32, #tpu.memory_space<hbm>>
      tpu.enqueue_indirect_dma source(%dma_start3A_381 : memref<100000x32xf32, #tpu.memory_space<hbm>>) target(%dma_start3A_376 : memref<64x32xf32, #tpu.memory_space<vmem>>) offsets(%dma_start3A_378 : memref<64xi32, #tpu.memory_space<vmem>>) semaphore(%arg23 : memref<!tpu.dma_semaphore, #tpu.memory_space<semaphore_mem>>)
      %dma_start3A_382 = arith.constant 960 : i32
      %dma_start3A_383 = arith.constant 0 : i32
      %dma_start3A_384 = tpu.memref_slice %arg20[%dma_start3A_382, %dma_start3A_383] : memref<1792x32xf32, #tpu.memory_space<vmem>> -> memref<64x32xf32, #tpu.memory_space<vmem>>
      %dma_start3A_385 = arith.constant 960 : i32
      %dma_start3A_386 = tpu.memref_slice %arg18[%dma_start3A_385] : memref<1792xi32, #tpu.memory_space<vmem>> -> memref<64xi32, #tpu.memory_space<vmem>>
      %dma_start3A_387 = arith.constant 0 : i32
      %dma_start3A_388 = arith.constant 0 : i32
      %dma_start3A_389 = tpu.memref_slice %arg2[%dma_start3A_387, %dma_start3A_388] : memref<100000x32xf32, #tpu.memory_space<hbm>> -> memref<100000x32xf32, #tpu.memory_space<hbm>>
      tpu.enqueue_indirect_dma source(%dma_start3A_389 : memref<100000x32xf32, #tpu.memory_space<hbm>>) target(%dma_start3A_384 : memref<64x32xf32, #tpu.memory_space<vmem>>) offsets(%dma_start3A_386 : memref<64xi32, #tpu.memory_space<vmem>>) semaphore(%arg23 : memref<!tpu.dma_semaphore, #tpu.memory_space<semaphore_mem>>)
      %dma_start3A_390 = arith.constant 1024 : i32
      %dma_start3A_391 = arith.constant 0 : i32
      %dma_start3A_392 = tpu.memref_slice %arg20[%dma_start3A_390, %dma_start3A_391] : memref<1792x32xf32, #tpu.memory_space<vmem>> -> memref<64x32xf32, #tpu.memory_space<vmem>>
      %dma_start3A_393 = arith.constant 1024 : i32
      %dma_start3A_394 = tpu.memref_slice %arg18[%dma_start3A_393] : memref<1792xi32, #tpu.memory_space<vmem>> -> memref<64xi32, #tpu.memory_space<vmem>>
      %dma_start3A_395 = arith.constant 0 : i32
      %dma_start3A_396 = arith.constant 0 : i32
      %dma_start3A_397 = tpu.memref_slice %arg2[%dma_start3A_395, %dma_start3A_396] : memref<100000x32xf32, #tpu.memory_space<hbm>> -> memref<100000x32xf32, #tpu.memory_space<hbm>>
      tpu.enqueue_indirect_dma source(%dma_start3A_397 : memref<100000x32xf32, #tpu.memory_space<hbm>>) target(%dma_start3A_392 : memref<64x32xf32, #tpu.memory_space<vmem>>) offsets(%dma_start3A_394 : memref<64xi32, #tpu.memory_space<vmem>>) semaphore(%arg23 : memref<!tpu.dma_semaphore, #tpu.memory_space<semaphore_mem>>)
      %dma_start3A_398 = arith.constant 1088 : i32
      %dma_start3A_399 = arith.constant 0 : i32
      %dma_start3A_400 = tpu.memref_slice %arg20[%dma_start3A_398, %dma_start3A_399] : memref<1792x32xf32, #tpu.memory_space<vmem>> -> memref<64x32xf32, #tpu.memory_space<vmem>>
      %dma_start3A_401 = arith.constant 1088 : i32
      %dma_start3A_402 = tpu.memref_slice %arg18[%dma_start3A_401] : memref<1792xi32, #tpu.memory_space<vmem>> -> memref<64xi32, #tpu.memory_space<vmem>>
      %dma_start3A_403 = arith.constant 0 : i32
      %dma_start3A_404 = arith.constant 0 : i32
      %dma_start3A_405 = tpu.memref_slice %arg2[%dma_start3A_403, %dma_start3A_404] : memref<100000x32xf32, #tpu.memory_space<hbm>> -> memref<100000x32xf32, #tpu.memory_space<hbm>>
      tpu.enqueue_indirect_dma source(%dma_start3A_405 : memref<100000x32xf32, #tpu.memory_space<hbm>>) target(%dma_start3A_400 : memref<64x32xf32, #tpu.memory_space<vmem>>) offsets(%dma_start3A_402 : memref<64xi32, #tpu.memory_space<vmem>>) semaphore(%arg23 : memref<!tpu.dma_semaphore, #tpu.memory_space<semaphore_mem>>)
      %dma_start3A_406 = arith.constant 1152 : i32
      %dma_start3A_407 = arith.constant 0 : i32
      %dma_start3A_408 = tpu.memref_slice %arg20[%dma_start3A_406, %dma_start3A_407] : memref<1792x32xf32, #tpu.memory_space<vmem>> -> memref<64x32xf32, #tpu.memory_space<vmem>>
      %dma_start3A_409 = arith.constant 1152 : i32
      %dma_start3A_410 = tpu.memref_slice %arg18[%dma_start3A_409] : memref<1792xi32, #tpu.memory_space<vmem>> -> memref<64xi32, #tpu.memory_space<vmem>>
      %dma_start3A_411 = arith.constant 0 : i32
      %dma_start3A_412 = arith.constant 0 : i32
      %dma_start3A_413 = tpu.memref_slice %arg2[%dma_start3A_411, %dma_start3A_412] : memref<100000x32xf32, #tpu.memory_space<hbm>> -> memref<100000x32xf32, #tpu.memory_space<hbm>>
      tpu.enqueue_indirect_dma source(%dma_start3A_413 : memref<100000x32xf32, #tpu.memory_space<hbm>>) target(%dma_start3A_408 : memref<64x32xf32, #tpu.memory_space<vmem>>) offsets(%dma_start3A_410 : memref<64xi32, #tpu.memory_space<vmem>>) semaphore(%arg23 : memref<!tpu.dma_semaphore, #tpu.memory_space<semaphore_mem>>)
      %dma_start3A_414 = arith.constant 1216 : i32
      %dma_start3A_415 = arith.constant 0 : i32
      %dma_start3A_416 = tpu.memref_slice %arg20[%dma_start3A_414, %dma_start3A_415] : memref<1792x32xf32, #tpu.memory_space<vmem>> -> memref<64x32xf32, #tpu.memory_space<vmem>>
      %dma_start3A_417 = arith.constant 1216 : i32
      %dma_start3A_418 = tpu.memref_slice %arg18[%dma_start3A_417] : memref<1792xi32, #tpu.memory_space<vmem>> -> memref<64xi32, #tpu.memory_space<vmem>>
      %dma_start3A_419 = arith.constant 0 : i32
      %dma_start3A_420 = arith.constant 0 : i32
      %dma_start3A_421 = tpu.memref_slice %arg2[%dma_start3A_419, %dma_start3A_420] : memref<100000x32xf32, #tpu.memory_space<hbm>> -> memref<100000x32xf32, #tpu.memory_space<hbm>>
      tpu.enqueue_indirect_dma source(%dma_start3A_421 : memref<100000x32xf32, #tpu.memory_space<hbm>>) target(%dma_start3A_416 : memref<64x32xf32, #tpu.memory_space<vmem>>) offsets(%dma_start3A_418 : memref<64xi32, #tpu.memory_space<vmem>>) semaphore(%arg23 : memref<!tpu.dma_semaphore, #tpu.memory_space<semaphore_mem>>)
      %dma_start3A_422 = arith.constant 1280 : i32
      %dma_start3A_423 = arith.constant 0 : i32
      %dma_start3A_424 = tpu.memref_slice %arg20[%dma_start3A_422, %dma_start3A_423] : memref<1792x32xf32, #tpu.memory_space<vmem>> -> memref<64x32xf32, #tpu.memory_space<vmem>>
      %dma_start3A_425 = arith.constant 1280 : i32
      %dma_start3A_426 = tpu.memref_slice %arg18[%dma_start3A_425] : memref<1792xi32, #tpu.memory_space<vmem>> -> memref<64xi32, #tpu.memory_space<vmem>>
      %dma_start3A_427 = arith.constant 0 : i32
      %dma_start3A_428 = arith.constant 0 : i32
      %dma_start3A_429 = tpu.memref_slice %arg2[%dma_start3A_427, %dma_start3A_428] : memref<100000x32xf32, #tpu.memory_space<hbm>> -> memref<100000x32xf32, #tpu.memory_space<hbm>>
      tpu.enqueue_indirect_dma source(%dma_start3A_429 : memref<100000x32xf32, #tpu.memory_space<hbm>>) target(%dma_start3A_424 : memref<64x32xf32, #tpu.memory_space<vmem>>) offsets(%dma_start3A_426 : memref<64xi32, #tpu.memory_space<vmem>>) semaphore(%arg23 : memref<!tpu.dma_semaphore, #tpu.memory_space<semaphore_mem>>)
      %dma_start3A_430 = arith.constant 1344 : i32
      %dma_start3A_431 = arith.constant 0 : i32
      %dma_start3A_432 = tpu.memref_slice %arg20[%dma_start3A_430, %dma_start3A_431] : memref<1792x32xf32, #tpu.memory_space<vmem>> -> memref<64x32xf32, #tpu.memory_space<vmem>>
      %dma_start3A_433 = arith.constant 1344 : i32
      %dma_start3A_434 = tpu.memref_slice %arg18[%dma_start3A_433] : memref<1792xi32, #tpu.memory_space<vmem>> -> memref<64xi32, #tpu.memory_space<vmem>>
      %dma_start3A_435 = arith.constant 0 : i32
      %dma_start3A_436 = arith.constant 0 : i32
      %dma_start3A_437 = tpu.memref_slice %arg2[%dma_start3A_435, %dma_start3A_436] : memref<100000x32xf32, #tpu.memory_space<hbm>> -> memref<100000x32xf32, #tpu.memory_space<hbm>>
      tpu.enqueue_indirect_dma source(%dma_start3A_437 : memref<100000x32xf32, #tpu.memory_space<hbm>>) target(%dma_start3A_432 : memref<64x32xf32, #tpu.memory_space<vmem>>) offsets(%dma_start3A_434 : memref<64xi32, #tpu.memory_space<vmem>>) semaphore(%arg23 : memref<!tpu.dma_semaphore, #tpu.memory_space<semaphore_mem>>)
      %dma_start3A_438 = arith.constant 1408 : i32
      %dma_start3A_439 = arith.constant 0 : i32
      %dma_start3A_440 = tpu.memref_slice %arg20[%dma_start3A_438, %dma_start3A_439] : memref<1792x32xf32, #tpu.memory_space<vmem>> -> memref<64x32xf32, #tpu.memory_space<vmem>>
      %dma_start3A_441 = arith.constant 1408 : i32
      %dma_start3A_442 = tpu.memref_slice %arg18[%dma_start3A_441] : memref<1792xi32, #tpu.memory_space<vmem>> -> memref<64xi32, #tpu.memory_space<vmem>>
      %dma_start3A_443 = arith.constant 0 : i32
      %dma_start3A_444 = arith.constant 0 : i32
      %dma_start3A_445 = tpu.memref_slice %arg3[%dma_start3A_443, %dma_start3A_444] : memref<100000x32xf32, #tpu.memory_space<hbm>> -> memref<100000x32xf32, #tpu.memory_space<hbm>>
      tpu.enqueue_indirect_dma source(%dma_start3A_445 : memref<100000x32xf32, #tpu.memory_space<hbm>>) target(%dma_start3A_440 : memref<64x32xf32, #tpu.memory_space<vmem>>) offsets(%dma_start3A_442 : memref<64xi32, #tpu.memory_space<vmem>>) semaphore(%arg23 : memref<!tpu.dma_semaphore, #tpu.memory_space<semaphore_mem>>)
      %dma_start3A_446 = arith.constant 1472 : i32
      %dma_start3A_447 = arith.constant 0 : i32
      %dma_start3A_448 = tpu.memref_slice %arg20[%dma_start3A_446, %dma_start3A_447] : memref<1792x32xf32, #tpu.memory_space<vmem>> -> memref<64x32xf32, #tpu.memory_space<vmem>>
      %dma_start3A_449 = arith.constant 1472 : i32
      %dma_start3A_450 = tpu.memref_slice %arg18[%dma_start3A_449] : memref<1792xi32, #tpu.memory_space<vmem>> -> memref<64xi32, #tpu.memory_space<vmem>>
      %dma_start3A_451 = arith.constant 0 : i32
      %dma_start3A_452 = arith.constant 0 : i32
      %dma_start3A_453 = tpu.memref_slice %arg3[%dma_start3A_451, %dma_start3A_452] : memref<100000x32xf32, #tpu.memory_space<hbm>> -> memref<100000x32xf32, #tpu.memory_space<hbm>>
      tpu.enqueue_indirect_dma source(%dma_start3A_453 : memref<100000x32xf32, #tpu.memory_space<hbm>>) target(%dma_start3A_448 : memref<64x32xf32, #tpu.memory_space<vmem>>) offsets(%dma_start3A_450 : memref<64xi32, #tpu.memory_space<vmem>>) semaphore(%arg23 : memref<!tpu.dma_semaphore, #tpu.memory_space<semaphore_mem>>)
      %dma_start3A_454 = arith.constant 1536 : i32
      %dma_start3A_455 = arith.constant 0 : i32
      %dma_start3A_456 = tpu.memref_slice %arg20[%dma_start3A_454, %dma_start3A_455] : memref<1792x32xf32, #tpu.memory_space<vmem>> -> memref<64x32xf32, #tpu.memory_space<vmem>>
      %dma_start3A_457 = arith.constant 1536 : i32
      %dma_start3A_458 = tpu.memref_slice %arg18[%dma_start3A_457] : memref<1792xi32, #tpu.memory_space<vmem>> -> memref<64xi32, #tpu.memory_space<vmem>>
      %dma_start3A_459 = arith.constant 0 : i32
      %dma_start3A_460 = arith.constant 0 : i32
      %dma_start3A_461 = tpu.memref_slice %arg3[%dma_start3A_459, %dma_start3A_460] : memref<100000x32xf32, #tpu.memory_space<hbm>> -> memref<100000x32xf32, #tpu.memory_space<hbm>>
      tpu.enqueue_indirect_dma source(%dma_start3A_461 : memref<100000x32xf32, #tpu.memory_space<hbm>>) target(%dma_start3A_456 : memref<64x32xf32, #tpu.memory_space<vmem>>) offsets(%dma_start3A_458 : memref<64xi32, #tpu.memory_space<vmem>>) semaphore(%arg23 : memref<!tpu.dma_semaphore, #tpu.memory_space<semaphore_mem>>)
      %dma_start3A_462 = arith.constant 1600 : i32
      %dma_start3A_463 = arith.constant 0 : i32
      %dma_start3A_464 = tpu.memref_slice %arg20[%dma_start3A_462, %dma_start3A_463] : memref<1792x32xf32, #tpu.memory_space<vmem>> -> memref<64x32xf32, #tpu.memory_space<vmem>>
      %dma_start3A_465 = arith.constant 1600 : i32
      %dma_start3A_466 = tpu.memref_slice %arg18[%dma_start3A_465] : memref<1792xi32, #tpu.memory_space<vmem>> -> memref<64xi32, #tpu.memory_space<vmem>>
      %dma_start3A_467 = arith.constant 0 : i32
      %dma_start3A_468 = arith.constant 0 : i32
      %dma_start3A_469 = tpu.memref_slice %arg4[%dma_start3A_467, %dma_start3A_468] : memref<1000x32xf32, #tpu.memory_space<hbm>> -> memref<1000x32xf32, #tpu.memory_space<hbm>>
      tpu.enqueue_indirect_dma source(%dma_start3A_469 : memref<1000x32xf32, #tpu.memory_space<hbm>>) target(%dma_start3A_464 : memref<64x32xf32, #tpu.memory_space<vmem>>) offsets(%dma_start3A_466 : memref<64xi32, #tpu.memory_space<vmem>>) semaphore(%arg23 : memref<!tpu.dma_semaphore, #tpu.memory_space<semaphore_mem>>)
      %dma_start3A_470 = arith.constant 1664 : i32
      %dma_start3A_471 = arith.constant 0 : i32
      %dma_start3A_472 = tpu.memref_slice %arg20[%dma_start3A_470, %dma_start3A_471] : memref<1792x32xf32, #tpu.memory_space<vmem>> -> memref<64x32xf32, #tpu.memory_space<vmem>>
      %dma_start3A_473 = arith.constant 1664 : i32
      %dma_start3A_474 = tpu.memref_slice %arg18[%dma_start3A_473] : memref<1792xi32, #tpu.memory_space<vmem>> -> memref<64xi32, #tpu.memory_space<vmem>>
      %dma_start3A_475 = arith.constant 0 : i32
      %dma_start3A_476 = arith.constant 0 : i32
      %dma_start3A_477 = tpu.memref_slice %arg4[%dma_start3A_475, %dma_start3A_476] : memref<1000x32xf32, #tpu.memory_space<hbm>> -> memref<1000x32xf32, #tpu.memory_space<hbm>>
      tpu.enqueue_indirect_dma source(%dma_start3A_477 : memref<1000x32xf32, #tpu.memory_space<hbm>>) target(%dma_start3A_472 : memref<64x32xf32, #tpu.memory_space<vmem>>) offsets(%dma_start3A_474 : memref<64xi32, #tpu.memory_space<vmem>>) semaphore(%arg23 : memref<!tpu.dma_semaphore, #tpu.memory_space<semaphore_mem>>)
      %dma_start3A_478 = arith.constant 1728 : i32
      %dma_start3A_479 = arith.constant 0 : i32
      %dma_start3A_480 = tpu.memref_slice %arg20[%dma_start3A_478, %dma_start3A_479] : memref<1792x32xf32, #tpu.memory_space<vmem>> -> memref<64x32xf32, #tpu.memory_space<vmem>>
      %dma_start3A_481 = arith.constant 1728 : i32
      %dma_start3A_482 = tpu.memref_slice %arg18[%dma_start3A_481] : memref<1792xi32, #tpu.memory_space<vmem>> -> memref<64xi32, #tpu.memory_space<vmem>>
      %dma_start3A_483 = arith.constant 0 : i32
      %dma_start3A_484 = arith.constant 0 : i32
      %dma_start3A_485 = tpu.memref_slice %arg4[%dma_start3A_483, %dma_start3A_484] : memref<1000x32xf32, #tpu.memory_space<hbm>> -> memref<1000x32xf32, #tpu.memory_space<hbm>>
      tpu.enqueue_indirect_dma source(%dma_start3A_485 : memref<1000x32xf32, #tpu.memory_space<hbm>>) target(%dma_start3A_480 : memref<64x32xf32, #tpu.memory_space<vmem>>) offsets(%dma_start3A_482 : memref<64xi32, #tpu.memory_space<vmem>>) semaphore(%arg23 : memref<!tpu.dma_semaphore, #tpu.memory_space<semaphore_mem>>)
      %dma_wait3A_486 = arith.constant 0 : i32
      %dma_wait3A_487 = arith.constant 0 : i32
      %dma_wait3A_488 = arith.constant 0 : i32
      %dma_wait3A_489 = tpu.memref_slice %arg17[%dma_wait3A_486, %dma_wait3A_487, %dma_wait3A_488] : memref<7x16384x128xf32, #tpu.memory_space<hbm>> -> memref<1x1792x32xf32, #tpu.memory_space<hbm>>
      %dma_wait3A_490 = tpu.memref_squeeze %dma_wait3A_489 : memref<1x1792x32xf32, #tpu.memory_space<hbm>> -> memref<1792x32xf32, #tpu.memory_space<hbm>>
      %dma_wait3A_491 = arith.constant 0 : i32
      %dma_wait3A_492 = arith.constant 0 : i32
      %dma_wait3A_493 = tpu.memref_slice %arg17[%dma_wait3A_486, %dma_wait3A_491, %dma_wait3A_492] : memref<7x16384x128xf32, #tpu.memory_space<hbm>> -> memref<1x1792x32xf32, #tpu.memory_space<hbm>>
      %dma_wait3A_494 = tpu.memref_squeeze %dma_wait3A_493 : memref<1x1792x32xf32, #tpu.memory_space<hbm>> -> memref<1792x32xf32, #tpu.memory_space<hbm>>
      tpu.wait_dma2 semaphore(%arg23 : memref<!tpu.dma_semaphore, #tpu.memory_space<semaphore_mem>>) src(%dma_wait3A_494 : memref<1792x32xf32, #tpu.memory_space<hbm>>) dst(%arg20 : memref<1792x32xf32, #tpu.memory_space<vmem>>)
      %mul3A_495 = arith.constant 8 : i32
      %mul3A_496 = arith.muli %add3A, %mul3A_495 : i32
      %add3A_497 = arith.addi %mul3A_496, %mul3A_25 : i32
      %mul3A_498 = arith.constant 64 : i32
      %mul3A_499 = arith.muli %add3A_497, %mul3A_498 : i32
      %dma_start3A_500 = arith.constant 0 : i32
      %dma_start3A_501 = arith.constant 0 : i32
      %dma_start3A_502 = arith.constant 0 : i32
      %dma_start3A_503 = tpu.memref_slice %arg20[%dma_start3A_501, %dma_start3A_502] : memref<1792x32xf32, #tpu.memory_space<vmem>> -> memref<64x32xf32, #tpu.memory_space<vmem>>
      %dma_start3A_504 = arith.constant 0 : i32
      %dma_start3A_505 = tpu.memref_slice %arg17[%dma_start3A_500, %mul3A_499, %dma_start3A_504] : memref<7x16384x128xf32, #tpu.memory_space<hbm>> -> memref<1x64x32xf32, #tpu.memory_space<hbm>>
      %dma_start3A_506 = tpu.memref_squeeze %dma_start3A_505 : memref<1x64x32xf32, #tpu.memory_space<hbm>> -> memref<64x32xf32, #tpu.memory_space<hbm>>
      %dma_start3A_507 = arith.constant 0 : i32
      %dma_start3A_508 = tpu.memref_slice %arg17[%dma_start3A_500, %mul3A_499, %dma_start3A_507] : memref<7x16384x128xf32, #tpu.memory_space<hbm>> -> memref<1x64x32xf32, #tpu.memory_space<hbm>>
      %dma_start3A_509 = tpu.memref_squeeze %dma_start3A_508 : memref<1x64x32xf32, #tpu.memory_space<hbm>> -> memref<64x32xf32, #tpu.memory_space<hbm>>
      %dma_start3A_510 = arith.constant 0 : i32
      %dma_start3A_511 = arith.constant 0 : i32
      %dma_start3A_512 = tpu.memref_slice %arg20[%dma_start3A_510, %dma_start3A_511] : memref<1792x32xf32, #tpu.memory_space<vmem>> -> memref<64x32xf32, #tpu.memory_space<vmem>>
      tpu.enqueue_dma source(%dma_start3A_512 : memref<64x32xf32, #tpu.memory_space<vmem>>) target(%dma_start3A_509 : memref<64x32xf32, #tpu.memory_space<hbm>>) target_semaphore(%arg25 : memref<!tpu.dma_semaphore, #tpu.memory_space<semaphore_mem>>)
      %dma_start3A_513 = arith.constant 0 : i32
      %dma_start3A_514 = arith.constant 64 : i32
      %dma_start3A_515 = arith.constant 0 : i32
      %dma_start3A_516 = tpu.memref_slice %arg20[%dma_start3A_514, %dma_start3A_515] : memref<1792x32xf32, #tpu.memory_space<vmem>> -> memref<64x32xf32, #tpu.memory_space<vmem>>
      %dma_start3A_517 = arith.constant 32 : i32
      %dma_start3A_518 = tpu.memref_slice %arg17[%dma_start3A_513, %mul3A_499, %dma_start3A_517] : memref<7x16384x128xf32, #tpu.memory_space<hbm>> -> memref<1x64x32xf32, #tpu.memory_space<hbm>>
      %dma_start3A_519 = tpu.memref_squeeze %dma_start3A_518 : memref<1x64x32xf32, #tpu.memory_space<hbm>> -> memref<64x32xf32, #tpu.memory_space<hbm>>
      %dma_start3A_520 = arith.constant 32 : i32
      %dma_start3A_521 = tpu.memref_slice %arg17[%dma_start3A_513, %mul3A_499, %dma_start3A_520] : memref<7x16384x128xf32, #tpu.memory_space<hbm>> -> memref<1x64x32xf32, #tpu.memory_space<hbm>>
      %dma_start3A_522 = tpu.memref_squeeze %dma_start3A_521 : memref<1x64x32xf32, #tpu.memory_space<hbm>> -> memref<64x32xf32, #tpu.memory_space<hbm>>
      %dma_start3A_523 = arith.constant 64 : i32
      %dma_start3A_524 = arith.constant 0 : i32
      %dma_start3A_525 = tpu.memref_slice %arg20[%dma_start3A_523, %dma_start3A_524] : memref<1792x32xf32, #tpu.memory_space<vmem>> -> memref<64x32xf32, #tpu.memory_space<vmem>>
      tpu.enqueue_dma source(%dma_start3A_525 : memref<64x32xf32, #tpu.memory_space<vmem>>) target(%dma_start3A_522 : memref<64x32xf32, #tpu.memory_space<hbm>>) target_semaphore(%arg25 : memref<!tpu.dma_semaphore, #tpu.memory_space<semaphore_mem>>)
      %dma_start3A_526 = arith.constant 0 : i32
      %dma_start3A_527 = arith.constant 128 : i32
      %dma_start3A_528 = arith.constant 0 : i32
      %dma_start3A_529 = tpu.memref_slice %arg20[%dma_start3A_527, %dma_start3A_528] : memref<1792x32xf32, #tpu.memory_space<vmem>> -> memref<64x32xf32, #tpu.memory_space<vmem>>
      %dma_start3A_530 = arith.constant 64 : i32
      %dma_start3A_531 = tpu.memref_slice %arg17[%dma_start3A_526, %mul3A_499, %dma_start3A_530] : memref<7x16384x128xf32, #tpu.memory_space<hbm>> -> memref<1x64x32xf32, #tpu.memory_space<hbm>>
      %dma_start3A_532 = tpu.memref_squeeze %dma_start3A_531 : memref<1x64x32xf32, #tpu.memory_space<hbm>> -> memref<64x32xf32, #tpu.memory_space<hbm>>
      %dma_start3A_533 = arith.constant 64 : i32
      %dma_start3A_534 = tpu.memref_slice %arg17[%dma_start3A_526, %mul3A_499, %dma_start3A_533] : memref<7x16384x128xf32, #tpu.memory_space<hbm>> -> memref<1x64x32xf32, #tpu.memory_space<hbm>>
      %dma_start3A_535 = tpu.memref_squeeze %dma_start3A_534 : memref<1x64x32xf32, #tpu.memory_space<hbm>> -> memref<64x32xf32, #tpu.memory_space<hbm>>
      %dma_start3A_536 = arith.constant 128 : i32
      %dma_start3A_537 = arith.constant 0 : i32
      %dma_start3A_538 = tpu.memref_slice %arg20[%dma_start3A_536, %dma_start3A_537] : memref<1792x32xf32, #tpu.memory_space<vmem>> -> memref<64x32xf32, #tpu.memory_space<vmem>>
      tpu.enqueue_dma source(%dma_start3A_538 : memref<64x32xf32, #tpu.memory_space<vmem>>) target(%dma_start3A_535 : memref<64x32xf32, #tpu.memory_space<hbm>>) target_semaphore(%arg25 : memref<!tpu.dma_semaphore, #tpu.memory_space<semaphore_mem>>)
      %dma_start3A_539 = arith.constant 0 : i32
      %dma_start3A_540 = arith.constant 192 : i32
      %dma_start3A_541 = arith.constant 0 : i32
      %dma_start3A_542 = tpu.memref_slice %arg20[%dma_start3A_540, %dma_start3A_541] : memref<1792x32xf32, #tpu.memory_space<vmem>> -> memref<64x32xf32, #tpu.memory_space<vmem>>
      %dma_start3A_543 = arith.constant 96 : i32
      %dma_start3A_544 = tpu.memref_slice %arg17[%dma_start3A_539, %mul3A_499, %dma_start3A_543] : memref<7x16384x128xf32, #tpu.memory_space<hbm>> -> memref<1x64x32xf32, #tpu.memory_space<hbm>>
      %dma_start3A_545 = tpu.memref_squeeze %dma_start3A_544 : memref<1x64x32xf32, #tpu.memory_space<hbm>> -> memref<64x32xf32, #tpu.memory_space<hbm>>
      %dma_start3A_546 = arith.constant 96 : i32
      %dma_start3A_547 = tpu.memref_slice %arg17[%dma_start3A_539, %mul3A_499, %dma_start3A_546] : memref<7x16384x128xf32, #tpu.memory_space<hbm>> -> memref<1x64x32xf32, #tpu.memory_space<hbm>>
      %dma_start3A_548 = tpu.memref_squeeze %dma_start3A_547 : memref<1x64x32xf32, #tpu.memory_space<hbm>> -> memref<64x32xf32, #tpu.memory_space<hbm>>
      %dma_start3A_549 = arith.constant 192 : i32
      %dma_start3A_550 = arith.constant 0 : i32
      %dma_start3A_551 = tpu.memref_slice %arg20[%dma_start3A_549, %dma_start3A_550] : memref<1792x32xf32, #tpu.memory_space<vmem>> -> memref<64x32xf32, #tpu.memory_space<vmem>>
      tpu.enqueue_dma source(%dma_start3A_551 : memref<64x32xf32, #tpu.memory_space<vmem>>) target(%dma_start3A_548 : memref<64x32xf32, #tpu.memory_space<hbm>>) target_semaphore(%arg25 : memref<!tpu.dma_semaphore, #tpu.memory_space<semaphore_mem>>)
      %dma_start3A_552 = arith.constant 1 : i32
      %dma_start3A_553 = arith.constant 256 : i32
      %dma_start3A_554 = arith.constant 0 : i32
      %dma_start3A_555 = tpu.memref_slice %arg20[%dma_start3A_553, %dma_start3A_554] : memref<1792x32xf32, #tpu.memory_space<vmem>> -> memref<64x32xf32, #tpu.memory_space<vmem>>
      %dma_start3A_556 = arith.constant 0 : i32
      %dma_start3A_557 = tpu.memref_slice %arg17[%dma_start3A_552, %mul3A_499, %dma_start3A_556] : memref<7x16384x128xf32, #tpu.memory_space<hbm>> -> memref<1x64x32xf32, #tpu.memory_space<hbm>>
      %dma_start3A_558 = tpu.memref_squeeze %dma_start3A_557 : memref<1x64x32xf32, #tpu.memory_space<hbm>> -> memref<64x32xf32, #tpu.memory_space<hbm>>
      %dma_start3A_559 = arith.constant 0 : i32
      %dma_start3A_560 = tpu.memref_slice %arg17[%dma_start3A_552, %mul3A_499, %dma_start3A_559] : memref<7x16384x128xf32, #tpu.memory_space<hbm>> -> memref<1x64x32xf32, #tpu.memory_space<hbm>>
      %dma_start3A_561 = tpu.memref_squeeze %dma_start3A_560 : memref<1x64x32xf32, #tpu.memory_space<hbm>> -> memref<64x32xf32, #tpu.memory_space<hbm>>
      %dma_start3A_562 = arith.constant 256 : i32
      %dma_start3A_563 = arith.constant 0 : i32
      %dma_start3A_564 = tpu.memref_slice %arg20[%dma_start3A_562, %dma_start3A_563] : memref<1792x32xf32, #tpu.memory_space<vmem>> -> memref<64x32xf32, #tpu.memory_space<vmem>>
      tpu.enqueue_dma source(%dma_start3A_564 : memref<64x32xf32, #tpu.memory_space<vmem>>) target(%dma_start3A_561 : memref<64x32xf32, #tpu.memory_space<hbm>>) target_semaphore(%arg25 : memref<!tpu.dma_semaphore, #tpu.memory_space<semaphore_mem>>)
      %dma_start3A_565 = arith.constant 1 : i32
      %dma_start3A_566 = arith.constant 320 : i32
      %dma_start3A_567 = arith.constant 0 : i32
      %dma_start3A_568 = tpu.memref_slice %arg20[%dma_start3A_566, %dma_start3A_567] : memref<1792x32xf32, #tpu.memory_space<vmem>> -> memref<64x32xf32, #tpu.memory_space<vmem>>
      %dma_start3A_569 = arith.constant 32 : i32
      %dma_start3A_570 = tpu.memref_slice %arg17[%dma_start3A_565, %mul3A_499, %dma_start3A_569] : memref<7x16384x128xf32, #tpu.memory_space<hbm>> -> memref<1x64x32xf32, #tpu.memory_space<hbm>>
      %dma_start3A_571 = tpu.memref_squeeze %dma_start3A_570 : memref<1x64x32xf32, #tpu.memory_space<hbm>> -> memref<64x32xf32, #tpu.memory_space<hbm>>
      %dma_start3A_572 = arith.constant 32 : i32
      %dma_start3A_573 = tpu.memref_slice %arg17[%dma_start3A_565, %mul3A_499, %dma_start3A_572] : memref<7x16384x128xf32, #tpu.memory_space<hbm>> -> memref<1x64x32xf32, #tpu.memory_space<hbm>>
      %dma_start3A_574 = tpu.memref_squeeze %dma_start3A_573 : memref<1x64x32xf32, #tpu.memory_space<hbm>> -> memref<64x32xf32, #tpu.memory_space<hbm>>
      %dma_start3A_575 = arith.constant 320 : i32
      %dma_start3A_576 = arith.constant 0 : i32
      %dma_start3A_577 = tpu.memref_slice %arg20[%dma_start3A_575, %dma_start3A_576] : memref<1792x32xf32, #tpu.memory_space<vmem>> -> memref<64x32xf32, #tpu.memory_space<vmem>>
      tpu.enqueue_dma source(%dma_start3A_577 : memref<64x32xf32, #tpu.memory_space<vmem>>) target(%dma_start3A_574 : memref<64x32xf32, #tpu.memory_space<hbm>>) target_semaphore(%arg25 : memref<!tpu.dma_semaphore, #tpu.memory_space<semaphore_mem>>)
      %dma_start3A_578 = arith.constant 1 : i32
      %dma_start3A_579 = arith.constant 384 : i32
      %dma_start3A_580 = arith.constant 0 : i32
      %dma_start3A_581 = tpu.memref_slice %arg20[%dma_start3A_579, %dma_start3A_580] : memref<1792x32xf32, #tpu.memory_space<vmem>> -> memref<64x32xf32, #tpu.memory_space<vmem>>
      %dma_start3A_582 = arith.constant 64 : i32
      %dma_start3A_583 = tpu.memref_slice %arg17[%dma_start3A_578, %mul3A_499, %dma_start3A_582] : memref<7x16384x128xf32, #tpu.memory_space<hbm>> -> memref<1x64x32xf32, #tpu.memory_space<hbm>>
      %dma_start3A_584 = tpu.memref_squeeze %dma_start3A_583 : memref<1x64x32xf32, #tpu.memory_space<hbm>> -> memref<64x32xf32, #tpu.memory_space<hbm>>
      %dma_start3A_585 = arith.constant 64 : i32
      %dma_start3A_586 = tpu.memref_slice %arg17[%dma_start3A_578, %mul3A_499, %dma_start3A_585] : memref<7x16384x128xf32, #tpu.memory_space<hbm>> -> memref<1x64x32xf32, #tpu.memory_space<hbm>>
      %dma_start3A_587 = tpu.memref_squeeze %dma_start3A_586 : memref<1x64x32xf32, #tpu.memory_space<hbm>> -> memref<64x32xf32, #tpu.memory_space<hbm>>
      %dma_start3A_588 = arith.constant 384 : i32
      %dma_start3A_589 = arith.constant 0 : i32
      %dma_start3A_590 = tpu.memref_slice %arg20[%dma_start3A_588, %dma_start3A_589] : memref<1792x32xf32, #tpu.memory_space<vmem>> -> memref<64x32xf32, #tpu.memory_space<vmem>>
      tpu.enqueue_dma source(%dma_start3A_590 : memref<64x32xf32, #tpu.memory_space<vmem>>) target(%dma_start3A_587 : memref<64x32xf32, #tpu.memory_space<hbm>>) target_semaphore(%arg25 : memref<!tpu.dma_semaphore, #tpu.memory_space<semaphore_mem>>)
      %dma_start3A_591 = arith.constant 1 : i32
      %dma_start3A_592 = arith.constant 448 : i32
      %dma_start3A_593 = arith.constant 0 : i32
      %dma_start3A_594 = tpu.memref_slice %arg20[%dma_start3A_592, %dma_start3A_593] : memref<1792x32xf32, #tpu.memory_space<vmem>> -> memref<64x32xf32, #tpu.memory_space<vmem>>
      %dma_start3A_595 = arith.constant 96 : i32
      %dma_start3A_596 = tpu.memref_slice %arg17[%dma_start3A_591, %mul3A_499, %dma_start3A_595] : memref<7x16384x128xf32, #tpu.memory_space<hbm>> -> memref<1x64x32xf32, #tpu.memory_space<hbm>>
      %dma_start3A_597 = tpu.memref_squeeze %dma_start3A_596 : memref<1x64x32xf32, #tpu.memory_space<hbm>> -> memref<64x32xf32, #tpu.memory_space<hbm>>
      %dma_start3A_598 = arith.constant 96 : i32
      %dma_start3A_599 = tpu.memref_slice %arg17[%dma_start3A_591, %mul3A_499, %dma_start3A_598] : memref<7x16384x128xf32, #tpu.memory_space<hbm>> -> memref<1x64x32xf32, #tpu.memory_space<hbm>>
      %dma_start3A_600 = tpu.memref_squeeze %dma_start3A_599 : memref<1x64x32xf32, #tpu.memory_space<hbm>> -> memref<64x32xf32, #tpu.memory_space<hbm>>
      %dma_start3A_601 = arith.constant 448 : i32
      %dma_start3A_602 = arith.constant 0 : i32
      %dma_start3A_603 = tpu.memref_slice %arg20[%dma_start3A_601, %dma_start3A_602] : memref<1792x32xf32, #tpu.memory_space<vmem>> -> memref<64x32xf32, #tpu.memory_space<vmem>>
      tpu.enqueue_dma source(%dma_start3A_603 : memref<64x32xf32, #tpu.memory_space<vmem>>) target(%dma_start3A_600 : memref<64x32xf32, #tpu.memory_space<hbm>>) target_semaphore(%arg25 : memref<!tpu.dma_semaphore, #tpu.memory_space<semaphore_mem>>)
      %dma_start3A_604 = arith.constant 2 : i32
      %dma_start3A_605 = arith.constant 512 : i32
      %dma_start3A_606 = arith.constant 0 : i32
      %dma_start3A_607 = tpu.memref_slice %arg20[%dma_start3A_605, %dma_start3A_606] : memref<1792x32xf32, #tpu.memory_space<vmem>> -> memref<64x32xf32, #tpu.memory_space<vmem>>
      %dma_start3A_608 = arith.constant 0 : i32
      %dma_start3A_609 = tpu.memref_slice %arg17[%dma_start3A_604, %mul3A_499, %dma_start3A_608] : memref<7x16384x128xf32, #tpu.memory_space<hbm>> -> memref<1x64x32xf32, #tpu.memory_space<hbm>>
      %dma_start3A_610 = tpu.memref_squeeze %dma_start3A_609 : memref<1x64x32xf32, #tpu.memory_space<hbm>> -> memref<64x32xf32, #tpu.memory_space<hbm>>
      %dma_start3A_611 = arith.constant 0 : i32
      %dma_start3A_612 = tpu.memref_slice %arg17[%dma_start3A_604, %mul3A_499, %dma_start3A_611] : memref<7x16384x128xf32, #tpu.memory_space<hbm>> -> memref<1x64x32xf32, #tpu.memory_space<hbm>>
      %dma_start3A_613 = tpu.memref_squeeze %dma_start3A_612 : memref<1x64x32xf32, #tpu.memory_space<hbm>> -> memref<64x32xf32, #tpu.memory_space<hbm>>
      %dma_start3A_614 = arith.constant 512 : i32
      %dma_start3A_615 = arith.constant 0 : i32
      %dma_start3A_616 = tpu.memref_slice %arg20[%dma_start3A_614, %dma_start3A_615] : memref<1792x32xf32, #tpu.memory_space<vmem>> -> memref<64x32xf32, #tpu.memory_space<vmem>>
      tpu.enqueue_dma source(%dma_start3A_616 : memref<64x32xf32, #tpu.memory_space<vmem>>) target(%dma_start3A_613 : memref<64x32xf32, #tpu.memory_space<hbm>>) target_semaphore(%arg25 : memref<!tpu.dma_semaphore, #tpu.memory_space<semaphore_mem>>)
      %dma_start3A_617 = arith.constant 2 : i32
      %dma_start3A_618 = arith.constant 576 : i32
      %dma_start3A_619 = arith.constant 0 : i32
      %dma_start3A_620 = tpu.memref_slice %arg20[%dma_start3A_618, %dma_start3A_619] : memref<1792x32xf32, #tpu.memory_space<vmem>> -> memref<64x32xf32, #tpu.memory_space<vmem>>
      %dma_start3A_621 = arith.constant 32 : i32
      %dma_start3A_622 = tpu.memref_slice %arg17[%dma_start3A_617, %mul3A_499, %dma_start3A_621] : memref<7x16384x128xf32, #tpu.memory_space<hbm>> -> memref<1x64x32xf32, #tpu.memory_space<hbm>>
      %dma_start3A_623 = tpu.memref_squeeze %dma_start3A_622 : memref<1x64x32xf32, #tpu.memory_space<hbm>> -> memref<64x32xf32, #tpu.memory_space<hbm>>
      %dma_start3A_624 = arith.constant 32 : i32
      %dma_start3A_625 = tpu.memref_slice %arg17[%dma_start3A_617, %mul3A_499, %dma_start3A_624] : memref<7x16384x128xf32, #tpu.memory_space<hbm>> -> memref<1x64x32xf32, #tpu.memory_space<hbm>>
      %dma_start3A_626 = tpu.memref_squeeze %dma_start3A_625 : memref<1x64x32xf32, #tpu.memory_space<hbm>> -> memref<64x32xf32, #tpu.memory_space<hbm>>
      %dma_start3A_627 = arith.constant 576 : i32
      %dma_start3A_628 = arith.constant 0 : i32
      %dma_start3A_629 = tpu.memref_slice %arg20[%dma_start3A_627, %dma_start3A_628] : memref<1792x32xf32, #tpu.memory_space<vmem>> -> memref<64x32xf32, #tpu.memory_space<vmem>>
      tpu.enqueue_dma source(%dma_start3A_629 : memref<64x32xf32, #tpu.memory_space<vmem>>) target(%dma_start3A_626 : memref<64x32xf32, #tpu.memory_space<hbm>>) target_semaphore(%arg25 : memref<!tpu.dma_semaphore, #tpu.memory_space<semaphore_mem>>)
      %dma_start3A_630 = arith.constant 2 : i32
      %dma_start3A_631 = arith.constant 640 : i32
      %dma_start3A_632 = arith.constant 0 : i32
      %dma_start3A_633 = tpu.memref_slice %arg20[%dma_start3A_631, %dma_start3A_632] : memref<1792x32xf32, #tpu.memory_space<vmem>> -> memref<64x32xf32, #tpu.memory_space<vmem>>
      %dma_start3A_634 = arith.constant 64 : i32
      %dma_start3A_635 = tpu.memref_slice %arg17[%dma_start3A_630, %mul3A_499, %dma_start3A_634] : memref<7x16384x128xf32, #tpu.memory_space<hbm>> -> memref<1x64x32xf32, #tpu.memory_space<hbm>>
      %dma_start3A_636 = tpu.memref_squeeze %dma_start3A_635 : memref<1x64x32xf32, #tpu.memory_space<hbm>> -> memref<64x32xf32, #tpu.memory_space<hbm>>
      %dma_start3A_637 = arith.constant 64 : i32
      %dma_start3A_638 = tpu.memref_slice %arg17[%dma_start3A_630, %mul3A_499, %dma_start3A_637] : memref<7x16384x128xf32, #tpu.memory_space<hbm>> -> memref<1x64x32xf32, #tpu.memory_space<hbm>>
      %dma_start3A_639 = tpu.memref_squeeze %dma_start3A_638 : memref<1x64x32xf32, #tpu.memory_space<hbm>> -> memref<64x32xf32, #tpu.memory_space<hbm>>
      %dma_start3A_640 = arith.constant 640 : i32
      %dma_start3A_641 = arith.constant 0 : i32
      %dma_start3A_642 = tpu.memref_slice %arg20[%dma_start3A_640, %dma_start3A_641] : memref<1792x32xf32, #tpu.memory_space<vmem>> -> memref<64x32xf32, #tpu.memory_space<vmem>>
      tpu.enqueue_dma source(%dma_start3A_642 : memref<64x32xf32, #tpu.memory_space<vmem>>) target(%dma_start3A_639 : memref<64x32xf32, #tpu.memory_space<hbm>>) target_semaphore(%arg25 : memref<!tpu.dma_semaphore, #tpu.memory_space<semaphore_mem>>)
      %dma_start3A_643 = arith.constant 2 : i32
      %dma_start3A_644 = arith.constant 704 : i32
      %dma_start3A_645 = arith.constant 0 : i32
      %dma_start3A_646 = tpu.memref_slice %arg20[%dma_start3A_644, %dma_start3A_645] : memref<1792x32xf32, #tpu.memory_space<vmem>> -> memref<64x32xf32, #tpu.memory_space<vmem>>
      %dma_start3A_647 = arith.constant 96 : i32
      %dma_start3A_648 = tpu.memref_slice %arg17[%dma_start3A_643, %mul3A_499, %dma_start3A_647] : memref<7x16384x128xf32, #tpu.memory_space<hbm>> -> memref<1x64x32xf32, #tpu.memory_space<hbm>>
      %dma_start3A_649 = tpu.memref_squeeze %dma_start3A_648 : memref<1x64x32xf32, #tpu.memory_space<hbm>> -> memref<64x32xf32, #tpu.memory_space<hbm>>
      %dma_start3A_650 = arith.constant 96 : i32
      %dma_start3A_651 = tpu.memref_slice %arg17[%dma_start3A_643, %mul3A_499, %dma_start3A_650] : memref<7x16384x128xf32, #tpu.memory_space<hbm>> -> memref<1x64x32xf32, #tpu.memory_space<hbm>>
      %dma_start3A_652 = tpu.memref_squeeze %dma_start3A_651 : memref<1x64x32xf32, #tpu.memory_space<hbm>> -> memref<64x32xf32, #tpu.memory_space<hbm>>
      %dma_start3A_653 = arith.constant 704 : i32
      %dma_start3A_654 = arith.constant 0 : i32
      %dma_start3A_655 = tpu.memref_slice %arg20[%dma_start3A_653, %dma_start3A_654] : memref<1792x32xf32, #tpu.memory_space<vmem>> -> memref<64x32xf32, #tpu.memory_space<vmem>>
      tpu.enqueue_dma source(%dma_start3A_655 : memref<64x32xf32, #tpu.memory_space<vmem>>) target(%dma_start3A_652 : memref<64x32xf32, #tpu.memory_space<hbm>>) target_semaphore(%arg25 : memref<!tpu.dma_semaphore, #tpu.memory_space<semaphore_mem>>)
      %dma_start3A_656 = arith.constant 3 : i32
      %dma_start3A_657 = arith.constant 768 : i32
      %dma_start3A_658 = arith.constant 0 : i32
      %dma_start3A_659 = tpu.memref_slice %arg20[%dma_start3A_657, %dma_start3A_658] : memref<1792x32xf32, #tpu.memory_space<vmem>> -> memref<64x32xf32, #tpu.memory_space<vmem>>
      %dma_start3A_660 = arith.constant 0 : i32
      %dma_start3A_661 = tpu.memref_slice %arg17[%dma_start3A_656, %mul3A_499, %dma_start3A_660] : memref<7x16384x128xf32, #tpu.memory_space<hbm>> -> memref<1x64x32xf32, #tpu.memory_space<hbm>>
      %dma_start3A_662 = tpu.memref_squeeze %dma_start3A_661 : memref<1x64x32xf32, #tpu.memory_space<hbm>> -> memref<64x32xf32, #tpu.memory_space<hbm>>
      %dma_start3A_663 = arith.constant 0 : i32
      %dma_start3A_664 = tpu.memref_slice %arg17[%dma_start3A_656, %mul3A_499, %dma_start3A_663] : memref<7x16384x128xf32, #tpu.memory_space<hbm>> -> memref<1x64x32xf32, #tpu.memory_space<hbm>>
      %dma_start3A_665 = tpu.memref_squeeze %dma_start3A_664 : memref<1x64x32xf32, #tpu.memory_space<hbm>> -> memref<64x32xf32, #tpu.memory_space<hbm>>
      %dma_start3A_666 = arith.constant 768 : i32
      %dma_start3A_667 = arith.constant 0 : i32
      %dma_start3A_668 = tpu.memref_slice %arg20[%dma_start3A_666, %dma_start3A_667] : memref<1792x32xf32, #tpu.memory_space<vmem>> -> memref<64x32xf32, #tpu.memory_space<vmem>>
      tpu.enqueue_dma source(%dma_start3A_668 : memref<64x32xf32, #tpu.memory_space<vmem>>) target(%dma_start3A_665 : memref<64x32xf32, #tpu.memory_space<hbm>>) target_semaphore(%arg25 : memref<!tpu.dma_semaphore, #tpu.memory_space<semaphore_mem>>)
      %dma_start3A_669 = arith.constant 3 : i32
      %dma_start3A_670 = arith.constant 832 : i32
      %dma_start3A_671 = arith.constant 0 : i32
      %dma_start3A_672 = tpu.memref_slice %arg20[%dma_start3A_670, %dma_start3A_671] : memref<1792x32xf32, #tpu.memory_space<vmem>> -> memref<64x32xf32, #tpu.memory_space<vmem>>
      %dma_start3A_673 = arith.constant 32 : i32
      %dma_start3A_674 = tpu.memref_slice %arg17[%dma_start3A_669, %mul3A_499, %dma_start3A_673] : memref<7x16384x128xf32, #tpu.memory_space<hbm>> -> memref<1x64x32xf32, #tpu.memory_space<hbm>>
      %dma_start3A_675 = tpu.memref_squeeze %dma_start3A_674 : memref<1x64x32xf32, #tpu.memory_space<hbm>> -> memref<64x32xf32, #tpu.memory_space<hbm>>
      %dma_start3A_676 = arith.constant 32 : i32
      %dma_start3A_677 = tpu.memref_slice %arg17[%dma_start3A_669, %mul3A_499, %dma_start3A_676] : memref<7x16384x128xf32, #tpu.memory_space<hbm>> -> memref<1x64x32xf32, #tpu.memory_space<hbm>>
      %dma_start3A_678 = tpu.memref_squeeze %dma_start3A_677 : memref<1x64x32xf32, #tpu.memory_space<hbm>> -> memref<64x32xf32, #tpu.memory_space<hbm>>
      %dma_start3A_679 = arith.constant 832 : i32
      %dma_start3A_680 = arith.constant 0 : i32
      %dma_start3A_681 = tpu.memref_slice %arg20[%dma_start3A_679, %dma_start3A_680] : memref<1792x32xf32, #tpu.memory_space<vmem>> -> memref<64x32xf32, #tpu.memory_space<vmem>>
      tpu.enqueue_dma source(%dma_start3A_681 : memref<64x32xf32, #tpu.memory_space<vmem>>) target(%dma_start3A_678 : memref<64x32xf32, #tpu.memory_space<hbm>>) target_semaphore(%arg25 : memref<!tpu.dma_semaphore, #tpu.memory_space<semaphore_mem>>)
      %dma_start3A_682 = arith.constant 3 : i32
      %dma_start3A_683 = arith.constant 896 : i32
      %dma_start3A_684 = arith.constant 0 : i32
      %dma_start3A_685 = tpu.memref_slice %arg20[%dma_start3A_683, %dma_start3A_684] : memref<1792x32xf32, #tpu.memory_space<vmem>> -> memref<64x32xf32, #tpu.memory_space<vmem>>
      %dma_start3A_686 = arith.constant 64 : i32
      %dma_start3A_687 = tpu.memref_slice %arg17[%dma_start3A_682, %mul3A_499, %dma_start3A_686] : memref<7x16384x128xf32, #tpu.memory_space<hbm>> -> memref<1x64x32xf32, #tpu.memory_space<hbm>>
      %dma_start3A_688 = tpu.memref_squeeze %dma_start3A_687 : memref<1x64x32xf32, #tpu.memory_space<hbm>> -> memref<64x32xf32, #tpu.memory_space<hbm>>
      %dma_start3A_689 = arith.constant 64 : i32
      %dma_start3A_690 = tpu.memref_slice %arg17[%dma_start3A_682, %mul3A_499, %dma_start3A_689] : memref<7x16384x128xf32, #tpu.memory_space<hbm>> -> memref<1x64x32xf32, #tpu.memory_space<hbm>>
      %dma_start3A_691 = tpu.memref_squeeze %dma_start3A_690 : memref<1x64x32xf32, #tpu.memory_space<hbm>> -> memref<64x32xf32, #tpu.memory_space<hbm>>
      %dma_start3A_692 = arith.constant 896 : i32
      %dma_start3A_693 = arith.constant 0 : i32
      %dma_start3A_694 = tpu.memref_slice %arg20[%dma_start3A_692, %dma_start3A_693] : memref<1792x32xf32, #tpu.memory_space<vmem>> -> memref<64x32xf32, #tpu.memory_space<vmem>>
      tpu.enqueue_dma source(%dma_start3A_694 : memref<64x32xf32, #tpu.memory_space<vmem>>) target(%dma_start3A_691 : memref<64x32xf32, #tpu.memory_space<hbm>>) target_semaphore(%arg25 : memref<!tpu.dma_semaphore, #tpu.memory_space<semaphore_mem>>)
      %dma_start3A_695 = arith.constant 3 : i32
      %dma_start3A_696 = arith.constant 960 : i32
      %dma_start3A_697 = arith.constant 0 : i32
      %dma_start3A_698 = tpu.memref_slice %arg20[%dma_start3A_696, %dma_start3A_697] : memref<1792x32xf32, #tpu.memory_space<vmem>> -> memref<64x32xf32, #tpu.memory_space<vmem>>
      %dma_start3A_699 = arith.constant 96 : i32
      %dma_start3A_700 = tpu.memref_slice %arg17[%dma_start3A_695, %mul3A_499, %dma_start3A_699] : memref<7x16384x128xf32, #tpu.memory_space<hbm>> -> memref<1x64x32xf32, #tpu.memory_space<hbm>>
      %dma_start3A_701 = tpu.memref_squeeze %dma_start3A_700 : memref<1x64x32xf32, #tpu.memory_space<hbm>> -> memref<64x32xf32, #tpu.memory_space<hbm>>
      %dma_start3A_702 = arith.constant 96 : i32
      %dma_start3A_703 = tpu.memref_slice %arg17[%dma_start3A_695, %mul3A_499, %dma_start3A_702] : memref<7x16384x128xf32, #tpu.memory_space<hbm>> -> memref<1x64x32xf32, #tpu.memory_space<hbm>>
      %dma_start3A_704 = tpu.memref_squeeze %dma_start3A_703 : memref<1x64x32xf32, #tpu.memory_space<hbm>> -> memref<64x32xf32, #tpu.memory_space<hbm>>
      %dma_start3A_705 = arith.constant 960 : i32
      %dma_start3A_706 = arith.constant 0 : i32
      %dma_start3A_707 = tpu.memref_slice %arg20[%dma_start3A_705, %dma_start3A_706] : memref<1792x32xf32, #tpu.memory_space<vmem>> -> memref<64x32xf32, #tpu.memory_space<vmem>>
      tpu.enqueue_dma source(%dma_start3A_707 : memref<64x32xf32, #tpu.memory_space<vmem>>) target(%dma_start3A_704 : memref<64x32xf32, #tpu.memory_space<hbm>>) target_semaphore(%arg25 : memref<!tpu.dma_semaphore, #tpu.memory_space<semaphore_mem>>)
      %dma_start3A_708 = arith.constant 4 : i32
      %dma_start3A_709 = arith.constant 1024 : i32
      %dma_start3A_710 = arith.constant 0 : i32
      %dma_start3A_711 = tpu.memref_slice %arg20[%dma_start3A_709, %dma_start3A_710] : memref<1792x32xf32, #tpu.memory_space<vmem>> -> memref<64x32xf32, #tpu.memory_space<vmem>>
      %dma_start3A_712 = arith.constant 0 : i32
      %dma_start3A_713 = tpu.memref_slice %arg17[%dma_start3A_708, %mul3A_499, %dma_start3A_712] : memref<7x16384x128xf32, #tpu.memory_space<hbm>> -> memref<1x64x32xf32, #tpu.memory_space<hbm>>
      %dma_start3A_714 = tpu.memref_squeeze %dma_start3A_713 : memref<1x64x32xf32, #tpu.memory_space<hbm>> -> memref<64x32xf32, #tpu.memory_space<hbm>>
      %dma_start3A_715 = arith.constant 0 : i32
      %dma_start3A_716 = tpu.memref_slice %arg17[%dma_start3A_708, %mul3A_499, %dma_start3A_715] : memref<7x16384x128xf32, #tpu.memory_space<hbm>> -> memref<1x64x32xf32, #tpu.memory_space<hbm>>
      %dma_start3A_717 = tpu.memref_squeeze %dma_start3A_716 : memref<1x64x32xf32, #tpu.memory_space<hbm>> -> memref<64x32xf32, #tpu.memory_space<hbm>>
      %dma_start3A_718 = arith.constant 1024 : i32
      %dma_start3A_719 = arith.constant 0 : i32
      %dma_start3A_720 = tpu.memref_slice %arg20[%dma_start3A_718, %dma_start3A_719] : memref<1792x32xf32, #tpu.memory_space<vmem>> -> memref<64x32xf32, #tpu.memory_space<vmem>>
      tpu.enqueue_dma source(%dma_start3A_720 : memref<64x32xf32, #tpu.memory_space<vmem>>) target(%dma_start3A_717 : memref<64x32xf32, #tpu.memory_space<hbm>>) target_semaphore(%arg25 : memref<!tpu.dma_semaphore, #tpu.memory_space<semaphore_mem>>)
      %dma_start3A_721 = arith.constant 4 : i32
      %dma_start3A_722 = arith.constant 1088 : i32
      %dma_start3A_723 = arith.constant 0 : i32
      %dma_start3A_724 = tpu.memref_slice %arg20[%dma_start3A_722, %dma_start3A_723] : memref<1792x32xf32, #tpu.memory_space<vmem>> -> memref<64x32xf32, #tpu.memory_space<vmem>>
      %dma_start3A_725 = arith.constant 32 : i32
      %dma_start3A_726 = tpu.memref_slice %arg17[%dma_start3A_721, %mul3A_499, %dma_start3A_725] : memref<7x16384x128xf32, #tpu.memory_space<hbm>> -> memref<1x64x32xf32, #tpu.memory_space<hbm>>
      %dma_start3A_727 = tpu.memref_squeeze %dma_start3A_726 : memref<1x64x32xf32, #tpu.memory_space<hbm>> -> memref<64x32xf32, #tpu.memory_space<hbm>>
      %dma_start3A_728 = arith.constant 32 : i32
      %dma_start3A_729 = tpu.memref_slice %arg17[%dma_start3A_721, %mul3A_499, %dma_start3A_728] : memref<7x16384x128xf32, #tpu.memory_space<hbm>> -> memref<1x64x32xf32, #tpu.memory_space<hbm>>
      %dma_start3A_730 = tpu.memref_squeeze %dma_start3A_729 : memref<1x64x32xf32, #tpu.memory_space<hbm>> -> memref<64x32xf32, #tpu.memory_space<hbm>>
      %dma_start3A_731 = arith.constant 1088 : i32
      %dma_start3A_732 = arith.constant 0 : i32
      %dma_start3A_733 = tpu.memref_slice %arg20[%dma_start3A_731, %dma_start3A_732] : memref<1792x32xf32, #tpu.memory_space<vmem>> -> memref<64x32xf32, #tpu.memory_space<vmem>>
      tpu.enqueue_dma source(%dma_start3A_733 : memref<64x32xf32, #tpu.memory_space<vmem>>) target(%dma_start3A_730 : memref<64x32xf32, #tpu.memory_space<hbm>>) target_semaphore(%arg25 : memref<!tpu.dma_semaphore, #tpu.memory_space<semaphore_mem>>)
      %dma_start3A_734 = arith.constant 4 : i32
      %dma_start3A_735 = arith.constant 1152 : i32
      %dma_start3A_736 = arith.constant 0 : i32
      %dma_start3A_737 = tpu.memref_slice %arg20[%dma_start3A_735, %dma_start3A_736] : memref<1792x32xf32, #tpu.memory_space<vmem>> -> memref<64x32xf32, #tpu.memory_space<vmem>>
      %dma_start3A_738 = arith.constant 64 : i32
      %dma_start3A_739 = tpu.memref_slice %arg17[%dma_start3A_734, %mul3A_499, %dma_start3A_738] : memref<7x16384x128xf32, #tpu.memory_space<hbm>> -> memref<1x64x32xf32, #tpu.memory_space<hbm>>
      %dma_start3A_740 = tpu.memref_squeeze %dma_start3A_739 : memref<1x64x32xf32, #tpu.memory_space<hbm>> -> memref<64x32xf32, #tpu.memory_space<hbm>>
      %dma_start3A_741 = arith.constant 64 : i32
      %dma_start3A_742 = tpu.memref_slice %arg17[%dma_start3A_734, %mul3A_499, %dma_start3A_741] : memref<7x16384x128xf32, #tpu.memory_space<hbm>> -> memref<1x64x32xf32, #tpu.memory_space<hbm>>
      %dma_start3A_743 = tpu.memref_squeeze %dma_start3A_742 : memref<1x64x32xf32, #tpu.memory_space<hbm>> -> memref<64x32xf32, #tpu.memory_space<hbm>>
      %dma_start3A_744 = arith.constant 1152 : i32
      %dma_start3A_745 = arith.constant 0 : i32
      %dma_start3A_746 = tpu.memref_slice %arg20[%dma_start3A_744, %dma_start3A_745] : memref<1792x32xf32, #tpu.memory_space<vmem>> -> memref<64x32xf32, #tpu.memory_space<vmem>>
      tpu.enqueue_dma source(%dma_start3A_746 : memref<64x32xf32, #tpu.memory_space<vmem>>) target(%dma_start3A_743 : memref<64x32xf32, #tpu.memory_space<hbm>>) target_semaphore(%arg25 : memref<!tpu.dma_semaphore, #tpu.memory_space<semaphore_mem>>)
      %dma_start3A_747 = arith.constant 4 : i32
      %dma_start3A_748 = arith.constant 1216 : i32
      %dma_start3A_749 = arith.constant 0 : i32
      %dma_start3A_750 = tpu.memref_slice %arg20[%dma_start3A_748, %dma_start3A_749] : memref<1792x32xf32, #tpu.memory_space<vmem>> -> memref<64x32xf32, #tpu.memory_space<vmem>>
      %dma_start3A_751 = arith.constant 96 : i32
      %dma_start3A_752 = tpu.memref_slice %arg17[%dma_start3A_747, %mul3A_499, %dma_start3A_751] : memref<7x16384x128xf32, #tpu.memory_space<hbm>> -> memref<1x64x32xf32, #tpu.memory_space<hbm>>
      %dma_start3A_753 = tpu.memref_squeeze %dma_start3A_752 : memref<1x64x32xf32, #tpu.memory_space<hbm>> -> memref<64x32xf32, #tpu.memory_space<hbm>>
      %dma_start3A_754 = arith.constant 96 : i32
      %dma_start3A_755 = tpu.memref_slice %arg17[%dma_start3A_747, %mul3A_499, %dma_start3A_754] : memref<7x16384x128xf32, #tpu.memory_space<hbm>> -> memref<1x64x32xf32, #tpu.memory_space<hbm>>
      %dma_start3A_756 = tpu.memref_squeeze %dma_start3A_755 : memref<1x64x32xf32, #tpu.memory_space<hbm>> -> memref<64x32xf32, #tpu.memory_space<hbm>>
      %dma_start3A_757 = arith.constant 1216 : i32
      %dma_start3A_758 = arith.constant 0 : i32
      %dma_start3A_759 = tpu.memref_slice %arg20[%dma_start3A_757, %dma_start3A_758] : memref<1792x32xf32, #tpu.memory_space<vmem>> -> memref<64x32xf32, #tpu.memory_space<vmem>>
      tpu.enqueue_dma source(%dma_start3A_759 : memref<64x32xf32, #tpu.memory_space<vmem>>) target(%dma_start3A_756 : memref<64x32xf32, #tpu.memory_space<hbm>>) target_semaphore(%arg25 : memref<!tpu.dma_semaphore, #tpu.memory_space<semaphore_mem>>)
      %dma_start3A_760 = arith.constant 5 : i32
      %dma_start3A_761 = arith.constant 1280 : i32
      %dma_start3A_762 = arith.constant 0 : i32
      %dma_start3A_763 = tpu.memref_slice %arg20[%dma_start3A_761, %dma_start3A_762] : memref<1792x32xf32, #tpu.memory_space<vmem>> -> memref<64x32xf32, #tpu.memory_space<vmem>>
      %dma_start3A_764 = arith.constant 0 : i32
      %dma_start3A_765 = tpu.memref_slice %arg17[%dma_start3A_760, %mul3A_499, %dma_start3A_764] : memref<7x16384x128xf32, #tpu.memory_space<hbm>> -> memref<1x64x32xf32, #tpu.memory_space<hbm>>
      %dma_start3A_766 = tpu.memref_squeeze %dma_start3A_765 : memref<1x64x32xf32, #tpu.memory_space<hbm>> -> memref<64x32xf32, #tpu.memory_space<hbm>>
      %dma_start3A_767 = arith.constant 0 : i32
      %dma_start3A_768 = tpu.memref_slice %arg17[%dma_start3A_760, %mul3A_499, %dma_start3A_767] : memref<7x16384x128xf32, #tpu.memory_space<hbm>> -> memref<1x64x32xf32, #tpu.memory_space<hbm>>
      %dma_start3A_769 = tpu.memref_squeeze %dma_start3A_768 : memref<1x64x32xf32, #tpu.memory_space<hbm>> -> memref<64x32xf32, #tpu.memory_space<hbm>>
      %dma_start3A_770 = arith.constant 1280 : i32
      %dma_start3A_771 = arith.constant 0 : i32
      %dma_start3A_772 = tpu.memref_slice %arg20[%dma_start3A_770, %dma_start3A_771] : memref<1792x32xf32, #tpu.memory_space<vmem>> -> memref<64x32xf32, #tpu.memory_space<vmem>>
      tpu.enqueue_dma source(%dma_start3A_772 : memref<64x32xf32, #tpu.memory_space<vmem>>) target(%dma_start3A_769 : memref<64x32xf32, #tpu.memory_space<hbm>>) target_semaphore(%arg25 : memref<!tpu.dma_semaphore, #tpu.memory_space<semaphore_mem>>)
      %dma_start3A_773 = arith.constant 5 : i32
      %dma_start3A_774 = arith.constant 1344 : i32
      %dma_start3A_775 = arith.constant 0 : i32
      %dma_start3A_776 = tpu.memref_slice %arg20[%dma_start3A_774, %dma_start3A_775] : memref<1792x32xf32, #tpu.memory_space<vmem>> -> memref<64x32xf32, #tpu.memory_space<vmem>>
      %dma_start3A_777 = arith.constant 32 : i32
      %dma_start3A_778 = tpu.memref_slice %arg17[%dma_start3A_773, %mul3A_499, %dma_start3A_777] : memref<7x16384x128xf32, #tpu.memory_space<hbm>> -> memref<1x64x32xf32, #tpu.memory_space<hbm>>
      %dma_start3A_779 = tpu.memref_squeeze %dma_start3A_778 : memref<1x64x32xf32, #tpu.memory_space<hbm>> -> memref<64x32xf32, #tpu.memory_space<hbm>>
      %dma_start3A_780 = arith.constant 32 : i32
      %dma_start3A_781 = tpu.memref_slice %arg17[%dma_start3A_773, %mul3A_499, %dma_start3A_780] : memref<7x16384x128xf32, #tpu.memory_space<hbm>> -> memref<1x64x32xf32, #tpu.memory_space<hbm>>
      %dma_start3A_782 = tpu.memref_squeeze %dma_start3A_781 : memref<1x64x32xf32, #tpu.memory_space<hbm>> -> memref<64x32xf32, #tpu.memory_space<hbm>>
      %dma_start3A_783 = arith.constant 1344 : i32
      %dma_start3A_784 = arith.constant 0 : i32
      %dma_start3A_785 = tpu.memref_slice %arg20[%dma_start3A_783, %dma_start3A_784] : memref<1792x32xf32, #tpu.memory_space<vmem>> -> memref<64x32xf32, #tpu.memory_space<vmem>>
      tpu.enqueue_dma source(%dma_start3A_785 : memref<64x32xf32, #tpu.memory_space<vmem>>) target(%dma_start3A_782 : memref<64x32xf32, #tpu.memory_space<hbm>>) target_semaphore(%arg25 : memref<!tpu.dma_semaphore, #tpu.memory_space<semaphore_mem>>)
      %dma_start3A_786 = arith.constant 5 : i32
      %dma_start3A_787 = arith.constant 1408 : i32
      %dma_start3A_788 = arith.constant 0 : i32
      %dma_start3A_789 = tpu.memref_slice %arg20[%dma_start3A_787, %dma_start3A_788] : memref<1792x32xf32, #tpu.memory_space<vmem>> -> memref<64x32xf32, #tpu.memory_space<vmem>>
      %dma_start3A_790 = arith.constant 64 : i32
      %dma_start3A_791 = tpu.memref_slice %arg17[%dma_start3A_786, %mul3A_499, %dma_start3A_790] : memref<7x16384x128xf32, #tpu.memory_space<hbm>> -> memref<1x64x32xf32, #tpu.memory_space<hbm>>
      %dma_start3A_792 = tpu.memref_squeeze %dma_start3A_791 : memref<1x64x32xf32, #tpu.memory_space<hbm>> -> memref<64x32xf32, #tpu.memory_space<hbm>>
      %dma_start3A_793 = arith.constant 64 : i32
      %dma_start3A_794 = tpu.memref_slice %arg17[%dma_start3A_786, %mul3A_499, %dma_start3A_793] : memref<7x16384x128xf32, #tpu.memory_space<hbm>> -> memref<1x64x32xf32, #tpu.memory_space<hbm>>
      %dma_start3A_795 = tpu.memref_squeeze %dma_start3A_794 : memref<1x64x32xf32, #tpu.memory_space<hbm>> -> memref<64x32xf32, #tpu.memory_space<hbm>>
      %dma_start3A_796 = arith.constant 1408 : i32
      %dma_start3A_797 = arith.constant 0 : i32
      %dma_start3A_798 = tpu.memref_slice %arg20[%dma_start3A_796, %dma_start3A_797] : memref<1792x32xf32, #tpu.memory_space<vmem>> -> memref<64x32xf32, #tpu.memory_space<vmem>>
      tpu.enqueue_dma source(%dma_start3A_798 : memref<64x32xf32, #tpu.memory_space<vmem>>) target(%dma_start3A_795 : memref<64x32xf32, #tpu.memory_space<hbm>>) target_semaphore(%arg25 : memref<!tpu.dma_semaphore, #tpu.memory_space<semaphore_mem>>)
      %dma_start3A_799 = arith.constant 5 : i32
      %dma_start3A_800 = arith.constant 1472 : i32
      %dma_start3A_801 = arith.constant 0 : i32
      %dma_start3A_802 = tpu.memref_slice %arg20[%dma_start3A_800, %dma_start3A_801] : memref<1792x32xf32, #tpu.memory_space<vmem>> -> memref<64x32xf32, #tpu.memory_space<vmem>>
      %dma_start3A_803 = arith.constant 96 : i32
      %dma_start3A_804 = tpu.memref_slice %arg17[%dma_start3A_799, %mul3A_499, %dma_start3A_803] : memref<7x16384x128xf32, #tpu.memory_space<hbm>> -> memref<1x64x32xf32, #tpu.memory_space<hbm>>
      %dma_start3A_805 = tpu.memref_squeeze %dma_start3A_804 : memref<1x64x32xf32, #tpu.memory_space<hbm>> -> memref<64x32xf32, #tpu.memory_space<hbm>>
      %dma_start3A_806 = arith.constant 96 : i32
      %dma_start3A_807 = tpu.memref_slice %arg17[%dma_start3A_799, %mul3A_499, %dma_start3A_806] : memref<7x16384x128xf32, #tpu.memory_space<hbm>> -> memref<1x64x32xf32, #tpu.memory_space<hbm>>
      %dma_start3A_808 = tpu.memref_squeeze %dma_start3A_807 : memref<1x64x32xf32, #tpu.memory_space<hbm>> -> memref<64x32xf32, #tpu.memory_space<hbm>>
      %dma_start3A_809 = arith.constant 1472 : i32
      %dma_start3A_810 = arith.constant 0 : i32
      %dma_start3A_811 = tpu.memref_slice %arg20[%dma_start3A_809, %dma_start3A_810] : memref<1792x32xf32, #tpu.memory_space<vmem>> -> memref<64x32xf32, #tpu.memory_space<vmem>>
      tpu.enqueue_dma source(%dma_start3A_811 : memref<64x32xf32, #tpu.memory_space<vmem>>) target(%dma_start3A_808 : memref<64x32xf32, #tpu.memory_space<hbm>>) target_semaphore(%arg25 : memref<!tpu.dma_semaphore, #tpu.memory_space<semaphore_mem>>)
      %dma_start3A_812 = arith.constant 6 : i32
      %dma_start3A_813 = arith.constant 1536 : i32
      %dma_start3A_814 = arith.constant 0 : i32
      %dma_start3A_815 = tpu.memref_slice %arg20[%dma_start3A_813, %dma_start3A_814] : memref<1792x32xf32, #tpu.memory_space<vmem>> -> memref<64x32xf32, #tpu.memory_space<vmem>>
      %dma_start3A_816 = arith.constant 0 : i32
      %dma_start3A_817 = tpu.memref_slice %arg17[%dma_start3A_812, %mul3A_499, %dma_start3A_816] : memref<7x16384x128xf32, #tpu.memory_space<hbm>> -> memref<1x64x32xf32, #tpu.memory_space<hbm>>
      %dma_start3A_818 = tpu.memref_squeeze %dma_start3A_817 : memref<1x64x32xf32, #tpu.memory_space<hbm>> -> memref<64x32xf32, #tpu.memory_space<hbm>>
      %dma_start3A_819 = arith.constant 0 : i32
      %dma_start3A_820 = tpu.memref_slice %arg17[%dma_start3A_812, %mul3A_499, %dma_start3A_819] : memref<7x16384x128xf32, #tpu.memory_space<hbm>> -> memref<1x64x32xf32, #tpu.memory_space<hbm>>
      %dma_start3A_821 = tpu.memref_squeeze %dma_start3A_820 : memref<1x64x32xf32, #tpu.memory_space<hbm>> -> memref<64x32xf32, #tpu.memory_space<hbm>>
      %dma_start3A_822 = arith.constant 1536 : i32
      %dma_start3A_823 = arith.constant 0 : i32
      %dma_start3A_824 = tpu.memref_slice %arg20[%dma_start3A_822, %dma_start3A_823] : memref<1792x32xf32, #tpu.memory_space<vmem>> -> memref<64x32xf32, #tpu.memory_space<vmem>>
      tpu.enqueue_dma source(%dma_start3A_824 : memref<64x32xf32, #tpu.memory_space<vmem>>) target(%dma_start3A_821 : memref<64x32xf32, #tpu.memory_space<hbm>>) target_semaphore(%arg25 : memref<!tpu.dma_semaphore, #tpu.memory_space<semaphore_mem>>)
      %dma_start3A_825 = arith.constant 6 : i32
      %dma_start3A_826 = arith.constant 1600 : i32
      %dma_start3A_827 = arith.constant 0 : i32
      %dma_start3A_828 = tpu.memref_slice %arg20[%dma_start3A_826, %dma_start3A_827] : memref<1792x32xf32, #tpu.memory_space<vmem>> -> memref<64x32xf32, #tpu.memory_space<vmem>>
      %dma_start3A_829 = arith.constant 32 : i32
      %dma_start3A_830 = tpu.memref_slice %arg17[%dma_start3A_825, %mul3A_499, %dma_start3A_829] : memref<7x16384x128xf32, #tpu.memory_space<hbm>> -> memref<1x64x32xf32, #tpu.memory_space<hbm>>
      %dma_start3A_831 = tpu.memref_squeeze %dma_start3A_830 : memref<1x64x32xf32, #tpu.memory_space<hbm>> -> memref<64x32xf32, #tpu.memory_space<hbm>>
      %dma_start3A_832 = arith.constant 32 : i32
      %dma_start3A_833 = tpu.memref_slice %arg17[%dma_start3A_825, %mul3A_499, %dma_start3A_832] : memref<7x16384x128xf32, #tpu.memory_space<hbm>> -> memref<1x64x32xf32, #tpu.memory_space<hbm>>
      %dma_start3A_834 = tpu.memref_squeeze %dma_start3A_833 : memref<1x64x32xf32, #tpu.memory_space<hbm>> -> memref<64x32xf32, #tpu.memory_space<hbm>>
      %dma_start3A_835 = arith.constant 1600 : i32
      %dma_start3A_836 = arith.constant 0 : i32
      %dma_start3A_837 = tpu.memref_slice %arg20[%dma_start3A_835, %dma_start3A_836] : memref<1792x32xf32, #tpu.memory_space<vmem>> -> memref<64x32xf32, #tpu.memory_space<vmem>>
      tpu.enqueue_dma source(%dma_start3A_837 : memref<64x32xf32, #tpu.memory_space<vmem>>) target(%dma_start3A_834 : memref<64x32xf32, #tpu.memory_space<hbm>>) target_semaphore(%arg25 : memref<!tpu.dma_semaphore, #tpu.memory_space<semaphore_mem>>)
      %dma_start3A_838 = arith.constant 6 : i32
      %dma_start3A_839 = arith.constant 1664 : i32
      %dma_start3A_840 = arith.constant 0 : i32
      %dma_start3A_841 = tpu.memref_slice %arg20[%dma_start3A_839, %dma_start3A_840] : memref<1792x32xf32, #tpu.memory_space<vmem>> -> memref<64x32xf32, #tpu.memory_space<vmem>>
      %dma_start3A_842 = arith.constant 64 : i32
      %dma_start3A_843 = tpu.memref_slice %arg17[%dma_start3A_838, %mul3A_499, %dma_start3A_842] : memref<7x16384x128xf32, #tpu.memory_space<hbm>> -> memref<1x64x32xf32, #tpu.memory_space<hbm>>
      %dma_start3A_844 = tpu.memref_squeeze %dma_start3A_843 : memref<1x64x32xf32, #tpu.memory_space<hbm>> -> memref<64x32xf32, #tpu.memory_space<hbm>>
      %dma_start3A_845 = arith.constant 64 : i32
      %dma_start3A_846 = tpu.memref_slice %arg17[%dma_start3A_838, %mul3A_499, %dma_start3A_845] : memref<7x16384x128xf32, #tpu.memory_space<hbm>> -> memref<1x64x32xf32, #tpu.memory_space<hbm>>
      %dma_start3A_847 = tpu.memref_squeeze %dma_start3A_846 : memref<1x64x32xf32, #tpu.memory_space<hbm>> -> memref<64x32xf32, #tpu.memory_space<hbm>>
      %dma_start3A_848 = arith.constant 1664 : i32
      %dma_start3A_849 = arith.constant 0 : i32
      %dma_start3A_850 = tpu.memref_slice %arg20[%dma_start3A_848, %dma_start3A_849] : memref<1792x32xf32, #tpu.memory_space<vmem>> -> memref<64x32xf32, #tpu.memory_space<vmem>>
      tpu.enqueue_dma source(%dma_start3A_850 : memref<64x32xf32, #tpu.memory_space<vmem>>) target(%dma_start3A_847 : memref<64x32xf32, #tpu.memory_space<hbm>>) target_semaphore(%arg25 : memref<!tpu.dma_semaphore, #tpu.memory_space<semaphore_mem>>)
      %dma_start3A_851 = arith.constant 6 : i32
      %dma_start3A_852 = arith.constant 1728 : i32
      %dma_start3A_853 = arith.constant 0 : i32
      %dma_start3A_854 = tpu.memref_slice %arg20[%dma_start3A_852, %dma_start3A_853] : memref<1792x32xf32, #tpu.memory_space<vmem>> -> memref<64x32xf32, #tpu.memory_space<vmem>>
      %dma_start3A_855 = arith.constant 96 : i32
      %dma_start3A_856 = tpu.memref_slice %arg17[%dma_start3A_851, %mul3A_499, %dma_start3A_855] : memref<7x16384x128xf32, #tpu.memory_space<hbm>> -> memref<1x64x32xf32, #tpu.memory_space<hbm>>
      %dma_start3A_857 = tpu.memref_squeeze %dma_start3A_856 : memref<1x64x32xf32, #tpu.memory_space<hbm>> -> memref<64x32xf32, #tpu.memory_space<hbm>>
      %dma_start3A_858 = arith.constant 96 : i32
      %dma_start3A_859 = tpu.memref_slice %arg17[%dma_start3A_851, %mul3A_499, %dma_start3A_858] : memref<7x16384x128xf32, #tpu.memory_space<hbm>> -> memref<1x64x32xf32, #tpu.memory_space<hbm>>
      %dma_start3A_860 = tpu.memref_squeeze %dma_start3A_859 : memref<1x64x32xf32, #tpu.memory_space<hbm>> -> memref<64x32xf32, #tpu.memory_space<hbm>>
      %dma_start3A_861 = arith.constant 1728 : i32
      %dma_start3A_862 = arith.constant 0 : i32
      %dma_start3A_863 = tpu.memref_slice %arg20[%dma_start3A_861, %dma_start3A_862] : memref<1792x32xf32, #tpu.memory_space<vmem>> -> memref<64x32xf32, #tpu.memory_space<vmem>>
      tpu.enqueue_dma source(%dma_start3A_863 : memref<64x32xf32, #tpu.memory_space<vmem>>) target(%dma_start3A_860 : memref<64x32xf32, #tpu.memory_space<hbm>>) target_semaphore(%arg25 : memref<!tpu.dma_semaphore, #tpu.memory_space<semaphore_mem>>)
      %mul3A_864 = arith.constant 8 : i32
      %mul3A_865 = arith.muli %add3A, %mul3A_864 : i32
      %add3A_866 = arith.addi %mul3A_865, %add3A_29 : i32
      %mul3A_867 = arith.constant 64 : i32
      %mul3A_868 = arith.muli %add3A_866, %mul3A_867 : i32
      %dma_start3A_869 = arith.constant 0 : i32
      %dma_start3A_870 = tpu.memref_slice %arg19[%dma_start3A_869] : memref<1792xi32, #tpu.memory_space<vmem>> -> memref<64xi32, #tpu.memory_space<vmem>>
      %dma_start3A_871 = tpu.memref_slice %arg5[%mul3A_868] : memref<16384xi32, #tpu.memory_space<hbm>> -> memref<64xi32, #tpu.memory_space<hbm>>
      %dma_start3A_872 = arith.constant 0 : i32
      %dma_start3A_873 = tpu.memref_slice %arg19[%dma_start3A_872] : memref<1792xi32, #tpu.memory_space<vmem>> -> memref<64xi32, #tpu.memory_space<vmem>>
      %dma_start3A_874 = tpu.memref_slice %arg5[%mul3A_868] : memref<16384xi32, #tpu.memory_space<hbm>> -> memref<64xi32, #tpu.memory_space<hbm>>
      tpu.enqueue_dma source(%dma_start3A_874 : memref<64xi32, #tpu.memory_space<hbm>>) target(%dma_start3A_873 : memref<64xi32, #tpu.memory_space<vmem>>) target_semaphore(%arg22 : memref<!tpu.dma_semaphore, #tpu.memory_space<semaphore_mem>>)
      %dma_start3A_875 = arith.constant 64 : i32
      %dma_start3A_876 = tpu.memref_slice %arg19[%dma_start3A_875] : memref<1792xi32, #tpu.memory_space<vmem>> -> memref<64xi32, #tpu.memory_space<vmem>>
      %dma_start3A_877 = tpu.memref_slice %arg6[%mul3A_868] : memref<16384xi32, #tpu.memory_space<hbm>> -> memref<64xi32, #tpu.memory_space<hbm>>
      %dma_start3A_878 = arith.constant 64 : i32
      %dma_start3A_879 = tpu.memref_slice %arg19[%dma_start3A_878] : memref<1792xi32, #tpu.memory_space<vmem>> -> memref<64xi32, #tpu.memory_space<vmem>>
      %dma_start3A_880 = tpu.memref_slice %arg6[%mul3A_868] : memref<16384xi32, #tpu.memory_space<hbm>> -> memref<64xi32, #tpu.memory_space<hbm>>
      tpu.enqueue_dma source(%dma_start3A_880 : memref<64xi32, #tpu.memory_space<hbm>>) target(%dma_start3A_879 : memref<64xi32, #tpu.memory_space<vmem>>) target_semaphore(%arg22 : memref<!tpu.dma_semaphore, #tpu.memory_space<semaphore_mem>>)
      %dma_start3A_881 = arith.constant 128 : i32
      %dma_start3A_882 = tpu.memref_slice %arg19[%dma_start3A_881] : memref<1792xi32, #tpu.memory_space<vmem>> -> memref<64xi32, #tpu.memory_space<vmem>>
      %dma_start3A_883 = tpu.memref_slice %arg7[%mul3A_868] : memref<16384xi32, #tpu.memory_space<hbm>> -> memref<64xi32, #tpu.memory_space<hbm>>
      %dma_start3A_884 = arith.constant 128 : i32
      %dma_start3A_885 = tpu.memref_slice %arg19[%dma_start3A_884] : memref<1792xi32, #tpu.memory_space<vmem>> -> memref<64xi32, #tpu.memory_space<vmem>>
      %dma_start3A_886 = tpu.memref_slice %arg7[%mul3A_868] : memref<16384xi32, #tpu.memory_space<hbm>> -> memref<64xi32, #tpu.memory_space<hbm>>
      tpu.enqueue_dma source(%dma_start3A_886 : memref<64xi32, #tpu.memory_space<hbm>>) target(%dma_start3A_885 : memref<64xi32, #tpu.memory_space<vmem>>) target_semaphore(%arg22 : memref<!tpu.dma_semaphore, #tpu.memory_space<semaphore_mem>>)
      %dma_start3A_887 = arith.constant 192 : i32
      %dma_start3A_888 = tpu.memref_slice %arg19[%dma_start3A_887] : memref<1792xi32, #tpu.memory_space<vmem>> -> memref<64xi32, #tpu.memory_space<vmem>>
      %dma_start3A_889 = tpu.memref_slice %arg8[%mul3A_868] : memref<16384xi32, #tpu.memory_space<hbm>> -> memref<64xi32, #tpu.memory_space<hbm>>
      %dma_start3A_890 = arith.constant 192 : i32
      %dma_start3A_891 = tpu.memref_slice %arg19[%dma_start3A_890] : memref<1792xi32, #tpu.memory_space<vmem>> -> memref<64xi32, #tpu.memory_space<vmem>>
      %dma_start3A_892 = tpu.memref_slice %arg8[%mul3A_868] : memref<16384xi32, #tpu.memory_space<hbm>> -> memref<64xi32, #tpu.memory_space<hbm>>
      tpu.enqueue_dma source(%dma_start3A_892 : memref<64xi32, #tpu.memory_space<hbm>>) target(%dma_start3A_891 : memref<64xi32, #tpu.memory_space<vmem>>) target_semaphore(%arg22 : memref<!tpu.dma_semaphore, #tpu.memory_space<semaphore_mem>>)
      %dma_start3A_893 = arith.constant 0 : i32
      %dma_start3A_894 = arith.constant 256 : i32
      %dma_start3A_895 = tpu.memref_slice %arg19[%dma_start3A_894] : memref<1792xi32, #tpu.memory_space<vmem>> -> memref<64xi32, #tpu.memory_space<vmem>>
      %dma_start3A_896 = tpu.memref_slice %arg9[%dma_start3A_893, %mul3A_868] : memref<9x16384xi32, #tpu.memory_space<hbm>> -> memref<1x64xi32, #tpu.memory_space<hbm>>
      %dma_start3A_897 = tpu.memref_squeeze %dma_start3A_896 : memref<1x64xi32, #tpu.memory_space<hbm>> -> memref<64xi32, #tpu.memory_space<hbm>>
      %dma_start3A_898 = arith.constant 256 : i32
      %dma_start3A_899 = tpu.memref_slice %arg19[%dma_start3A_898] : memref<1792xi32, #tpu.memory_space<vmem>> -> memref<64xi32, #tpu.memory_space<vmem>>
      %dma_start3A_900 = tpu.memref_slice %arg9[%dma_start3A_893, %mul3A_868] : memref<9x16384xi32, #tpu.memory_space<hbm>> -> memref<1x64xi32, #tpu.memory_space<hbm>>
      %dma_start3A_901 = tpu.memref_squeeze %dma_start3A_900 : memref<1x64xi32, #tpu.memory_space<hbm>> -> memref<64xi32, #tpu.memory_space<hbm>>
      tpu.enqueue_dma source(%dma_start3A_901 : memref<64xi32, #tpu.memory_space<hbm>>) target(%dma_start3A_899 : memref<64xi32, #tpu.memory_space<vmem>>) target_semaphore(%arg22 : memref<!tpu.dma_semaphore, #tpu.memory_space<semaphore_mem>>)
      %dma_start3A_902 = arith.constant 0 : i32
      %dma_start3A_903 = arith.constant 832 : i32
      %dma_start3A_904 = tpu.memref_slice %arg19[%dma_start3A_903] : memref<1792xi32, #tpu.memory_space<vmem>> -> memref<64xi32, #tpu.memory_space<vmem>>
      %dma_start3A_905 = tpu.memref_slice %arg10[%dma_start3A_902, %mul3A_868] : memref<9x16384xi32, #tpu.memory_space<hbm>> -> memref<1x64xi32, #tpu.memory_space<hbm>>
      %dma_start3A_906 = tpu.memref_squeeze %dma_start3A_905 : memref<1x64xi32, #tpu.memory_space<hbm>> -> memref<64xi32, #tpu.memory_space<hbm>>
      %dma_start3A_907 = arith.constant 832 : i32
      %dma_start3A_908 = tpu.memref_slice %arg19[%dma_start3A_907] : memref<1792xi32, #tpu.memory_space<vmem>> -> memref<64xi32, #tpu.memory_space<vmem>>
      %dma_start3A_909 = tpu.memref_slice %arg10[%dma_start3A_902, %mul3A_868] : memref<9x16384xi32, #tpu.memory_space<hbm>> -> memref<1x64xi32, #tpu.memory_space<hbm>>
      %dma_start3A_910 = tpu.memref_squeeze %dma_start3A_909 : memref<1x64xi32, #tpu.memory_space<hbm>> -> memref<64xi32, #tpu.memory_space<hbm>>
      tpu.enqueue_dma source(%dma_start3A_910 : memref<64xi32, #tpu.memory_space<hbm>>) target(%dma_start3A_908 : memref<64xi32, #tpu.memory_space<vmem>>) target_semaphore(%arg22 : memref<!tpu.dma_semaphore, #tpu.memory_space<semaphore_mem>>)
      %dma_start3A_911 = arith.constant 1 : i32
      %dma_start3A_912 = arith.constant 320 : i32
      %dma_start3A_913 = tpu.memref_slice %arg19[%dma_start3A_912] : memref<1792xi32, #tpu.memory_space<vmem>> -> memref<64xi32, #tpu.memory_space<vmem>>
      %dma_start3A_914 = tpu.memref_slice %arg9[%dma_start3A_911, %mul3A_868] : memref<9x16384xi32, #tpu.memory_space<hbm>> -> memref<1x64xi32, #tpu.memory_space<hbm>>
      %dma_start3A_915 = tpu.memref_squeeze %dma_start3A_914 : memref<1x64xi32, #tpu.memory_space<hbm>> -> memref<64xi32, #tpu.memory_space<hbm>>
      %dma_start3A_916 = arith.constant 320 : i32
      %dma_start3A_917 = tpu.memref_slice %arg19[%dma_start3A_916] : memref<1792xi32, #tpu.memory_space<vmem>> -> memref<64xi32, #tpu.memory_space<vmem>>
      %dma_start3A_918 = tpu.memref_slice %arg9[%dma_start3A_911, %mul3A_868] : memref<9x16384xi32, #tpu.memory_space<hbm>> -> memref<1x64xi32, #tpu.memory_space<hbm>>
      %dma_start3A_919 = tpu.memref_squeeze %dma_start3A_918 : memref<1x64xi32, #tpu.memory_space<hbm>> -> memref<64xi32, #tpu.memory_space<hbm>>
      tpu.enqueue_dma source(%dma_start3A_919 : memref<64xi32, #tpu.memory_space<hbm>>) target(%dma_start3A_917 : memref<64xi32, #tpu.memory_space<vmem>>) target_semaphore(%arg22 : memref<!tpu.dma_semaphore, #tpu.memory_space<semaphore_mem>>)
      %dma_start3A_920 = arith.constant 1 : i32
      %dma_start3A_921 = arith.constant 896 : i32
      %dma_start3A_922 = tpu.memref_slice %arg19[%dma_start3A_921] : memref<1792xi32, #tpu.memory_space<vmem>> -> memref<64xi32, #tpu.memory_space<vmem>>
      %dma_start3A_923 = tpu.memref_slice %arg10[%dma_start3A_920, %mul3A_868] : memref<9x16384xi32, #tpu.memory_space<hbm>> -> memref<1x64xi32, #tpu.memory_space<hbm>>
      %dma_start3A_924 = tpu.memref_squeeze %dma_start3A_923 : memref<1x64xi32, #tpu.memory_space<hbm>> -> memref<64xi32, #tpu.memory_space<hbm>>
      %dma_start3A_925 = arith.constant 896 : i32
      %dma_start3A_926 = tpu.memref_slice %arg19[%dma_start3A_925] : memref<1792xi32, #tpu.memory_space<vmem>> -> memref<64xi32, #tpu.memory_space<vmem>>
      %dma_start3A_927 = tpu.memref_slice %arg10[%dma_start3A_920, %mul3A_868] : memref<9x16384xi32, #tpu.memory_space<hbm>> -> memref<1x64xi32, #tpu.memory_space<hbm>>
      %dma_start3A_928 = tpu.memref_squeeze %dma_start3A_927 : memref<1x64xi32, #tpu.memory_space<hbm>> -> memref<64xi32, #tpu.memory_space<hbm>>
      tpu.enqueue_dma source(%dma_start3A_928 : memref<64xi32, #tpu.memory_space<hbm>>) target(%dma_start3A_926 : memref<64xi32, #tpu.memory_space<vmem>>) target_semaphore(%arg22 : memref<!tpu.dma_semaphore, #tpu.memory_space<semaphore_mem>>)
      %dma_start3A_929 = arith.constant 2 : i32
      %dma_start3A_930 = arith.constant 384 : i32
      %dma_start3A_931 = tpu.memref_slice %arg19[%dma_start3A_930] : memref<1792xi32, #tpu.memory_space<vmem>> -> memref<64xi32, #tpu.memory_space<vmem>>
      %dma_start3A_932 = tpu.memref_slice %arg9[%dma_start3A_929, %mul3A_868] : memref<9x16384xi32, #tpu.memory_space<hbm>> -> memref<1x64xi32, #tpu.memory_space<hbm>>
      %dma_start3A_933 = tpu.memref_squeeze %dma_start3A_932 : memref<1x64xi32, #tpu.memory_space<hbm>> -> memref<64xi32, #tpu.memory_space<hbm>>
      %dma_start3A_934 = arith.constant 384 : i32
      %dma_start3A_935 = tpu.memref_slice %arg19[%dma_start3A_934] : memref<1792xi32, #tpu.memory_space<vmem>> -> memref<64xi32, #tpu.memory_space<vmem>>
      %dma_start3A_936 = tpu.memref_slice %arg9[%dma_start3A_929, %mul3A_868] : memref<9x16384xi32, #tpu.memory_space<hbm>> -> memref<1x64xi32, #tpu.memory_space<hbm>>
      %dma_start3A_937 = tpu.memref_squeeze %dma_start3A_936 : memref<1x64xi32, #tpu.memory_space<hbm>> -> memref<64xi32, #tpu.memory_space<hbm>>
      tpu.enqueue_dma source(%dma_start3A_937 : memref<64xi32, #tpu.memory_space<hbm>>) target(%dma_start3A_935 : memref<64xi32, #tpu.memory_space<vmem>>) target_semaphore(%arg22 : memref<!tpu.dma_semaphore, #tpu.memory_space<semaphore_mem>>)
      %dma_start3A_938 = arith.constant 2 : i32
      %dma_start3A_939 = arith.constant 960 : i32
      %dma_start3A_940 = tpu.memref_slice %arg19[%dma_start3A_939] : memref<1792xi32, #tpu.memory_space<vmem>> -> memref<64xi32, #tpu.memory_space<vmem>>
      %dma_start3A_941 = tpu.memref_slice %arg10[%dma_start3A_938, %mul3A_868] : memref<9x16384xi32, #tpu.memory_space<hbm>> -> memref<1x64xi32, #tpu.memory_space<hbm>>
      %dma_start3A_942 = tpu.memref_squeeze %dma_start3A_941 : memref<1x64xi32, #tpu.memory_space<hbm>> -> memref<64xi32, #tpu.memory_space<hbm>>
      %dma_start3A_943 = arith.constant 960 : i32
      %dma_start3A_944 = tpu.memref_slice %arg19[%dma_start3A_943] : memref<1792xi32, #tpu.memory_space<vmem>> -> memref<64xi32, #tpu.memory_space<vmem>>
      %dma_start3A_945 = tpu.memref_slice %arg10[%dma_start3A_938, %mul3A_868] : memref<9x16384xi32, #tpu.memory_space<hbm>> -> memref<1x64xi32, #tpu.memory_space<hbm>>
      %dma_start3A_946 = tpu.memref_squeeze %dma_start3A_945 : memref<1x64xi32, #tpu.memory_space<hbm>> -> memref<64xi32, #tpu.memory_space<hbm>>
      tpu.enqueue_dma source(%dma_start3A_946 : memref<64xi32, #tpu.memory_space<hbm>>) target(%dma_start3A_944 : memref<64xi32, #tpu.memory_space<vmem>>) target_semaphore(%arg22 : memref<!tpu.dma_semaphore, #tpu.memory_space<semaphore_mem>>)
      %dma_start3A_947 = arith.constant 3 : i32
      %dma_start3A_948 = arith.constant 448 : i32
      %dma_start3A_949 = tpu.memref_slice %arg19[%dma_start3A_948] : memref<1792xi32, #tpu.memory_space<vmem>> -> memref<64xi32, #tpu.memory_space<vmem>>
      %dma_start3A_950 = tpu.memref_slice %arg9[%dma_start3A_947, %mul3A_868] : memref<9x16384xi32, #tpu.memory_space<hbm>> -> memref<1x64xi32, #tpu.memory_space<hbm>>
      %dma_start3A_951 = tpu.memref_squeeze %dma_start3A_950 : memref<1x64xi32, #tpu.memory_space<hbm>> -> memref<64xi32, #tpu.memory_space<hbm>>
      %dma_start3A_952 = arith.constant 448 : i32
      %dma_start3A_953 = tpu.memref_slice %arg19[%dma_start3A_952] : memref<1792xi32, #tpu.memory_space<vmem>> -> memref<64xi32, #tpu.memory_space<vmem>>
      %dma_start3A_954 = tpu.memref_slice %arg9[%dma_start3A_947, %mul3A_868] : memref<9x16384xi32, #tpu.memory_space<hbm>> -> memref<1x64xi32, #tpu.memory_space<hbm>>
      %dma_start3A_955 = tpu.memref_squeeze %dma_start3A_954 : memref<1x64xi32, #tpu.memory_space<hbm>> -> memref<64xi32, #tpu.memory_space<hbm>>
      tpu.enqueue_dma source(%dma_start3A_955 : memref<64xi32, #tpu.memory_space<hbm>>) target(%dma_start3A_953 : memref<64xi32, #tpu.memory_space<vmem>>) target_semaphore(%arg22 : memref<!tpu.dma_semaphore, #tpu.memory_space<semaphore_mem>>)
      %dma_start3A_956 = arith.constant 3 : i32
      %dma_start3A_957 = arith.constant 1024 : i32
      %dma_start3A_958 = tpu.memref_slice %arg19[%dma_start3A_957] : memref<1792xi32, #tpu.memory_space<vmem>> -> memref<64xi32, #tpu.memory_space<vmem>>
      %dma_start3A_959 = tpu.memref_slice %arg10[%dma_start3A_956, %mul3A_868] : memref<9x16384xi32, #tpu.memory_space<hbm>> -> memref<1x64xi32, #tpu.memory_space<hbm>>
      %dma_start3A_960 = tpu.memref_squeeze %dma_start3A_959 : memref<1x64xi32, #tpu.memory_space<hbm>> -> memref<64xi32, #tpu.memory_space<hbm>>
      %dma_start3A_961 = arith.constant 1024 : i32
      %dma_start3A_962 = tpu.memref_slice %arg19[%dma_start3A_961] : memref<1792xi32, #tpu.memory_space<vmem>> -> memref<64xi32, #tpu.memory_space<vmem>>
      %dma_start3A_963 = tpu.memref_slice %arg10[%dma_start3A_956, %mul3A_868] : memref<9x16384xi32, #tpu.memory_space<hbm>> -> memref<1x64xi32, #tpu.memory_space<hbm>>
      %dma_start3A_964 = tpu.memref_squeeze %dma_start3A_963 : memref<1x64xi32, #tpu.memory_space<hbm>> -> memref<64xi32, #tpu.memory_space<hbm>>
      tpu.enqueue_dma source(%dma_start3A_964 : memref<64xi32, #tpu.memory_space<hbm>>) target(%dma_start3A_962 : memref<64xi32, #tpu.memory_space<vmem>>) target_semaphore(%arg22 : memref<!tpu.dma_semaphore, #tpu.memory_space<semaphore_mem>>)
      %dma_start3A_965 = arith.constant 4 : i32
      %dma_start3A_966 = arith.constant 512 : i32
      %dma_start3A_967 = tpu.memref_slice %arg19[%dma_start3A_966] : memref<1792xi32, #tpu.memory_space<vmem>> -> memref<64xi32, #tpu.memory_space<vmem>>
      %dma_start3A_968 = tpu.memref_slice %arg9[%dma_start3A_965, %mul3A_868] : memref<9x16384xi32, #tpu.memory_space<hbm>> -> memref<1x64xi32, #tpu.memory_space<hbm>>
      %dma_start3A_969 = tpu.memref_squeeze %dma_start3A_968 : memref<1x64xi32, #tpu.memory_space<hbm>> -> memref<64xi32, #tpu.memory_space<hbm>>
      %dma_start3A_970 = arith.constant 512 : i32
      %dma_start3A_971 = tpu.memref_slice %arg19[%dma_start3A_970] : memref<1792xi32, #tpu.memory_space<vmem>> -> memref<64xi32, #tpu.memory_space<vmem>>
      %dma_start3A_972 = tpu.memref_slice %arg9[%dma_start3A_965, %mul3A_868] : memref<9x16384xi32, #tpu.memory_space<hbm>> -> memref<1x64xi32, #tpu.memory_space<hbm>>
      %dma_start3A_973 = tpu.memref_squeeze %dma_start3A_972 : memref<1x64xi32, #tpu.memory_space<hbm>> -> memref<64xi32, #tpu.memory_space<hbm>>
      tpu.enqueue_dma source(%dma_start3A_973 : memref<64xi32, #tpu.memory_space<hbm>>) target(%dma_start3A_971 : memref<64xi32, #tpu.memory_space<vmem>>) target_semaphore(%arg22 : memref<!tpu.dma_semaphore, #tpu.memory_space<semaphore_mem>>)
      %dma_start3A_974 = arith.constant 4 : i32
      %dma_start3A_975 = arith.constant 1088 : i32
      %dma_start3A_976 = tpu.memref_slice %arg19[%dma_start3A_975] : memref<1792xi32, #tpu.memory_space<vmem>> -> memref<64xi32, #tpu.memory_space<vmem>>
      %dma_start3A_977 = tpu.memref_slice %arg10[%dma_start3A_974, %mul3A_868] : memref<9x16384xi32, #tpu.memory_space<hbm>> -> memref<1x64xi32, #tpu.memory_space<hbm>>
      %dma_start3A_978 = tpu.memref_squeeze %dma_start3A_977 : memref<1x64xi32, #tpu.memory_space<hbm>> -> memref<64xi32, #tpu.memory_space<hbm>>
      %dma_start3A_979 = arith.constant 1088 : i32
      %dma_start3A_980 = tpu.memref_slice %arg19[%dma_start3A_979] : memref<1792xi32, #tpu.memory_space<vmem>> -> memref<64xi32, #tpu.memory_space<vmem>>
      %dma_start3A_981 = tpu.memref_slice %arg10[%dma_start3A_974, %mul3A_868] : memref<9x16384xi32, #tpu.memory_space<hbm>> -> memref<1x64xi32, #tpu.memory_space<hbm>>
      %dma_start3A_982 = tpu.memref_squeeze %dma_start3A_981 : memref<1x64xi32, #tpu.memory_space<hbm>> -> memref<64xi32, #tpu.memory_space<hbm>>
      tpu.enqueue_dma source(%dma_start3A_982 : memref<64xi32, #tpu.memory_space<hbm>>) target(%dma_start3A_980 : memref<64xi32, #tpu.memory_space<vmem>>) target_semaphore(%arg22 : memref<!tpu.dma_semaphore, #tpu.memory_space<semaphore_mem>>)
      %dma_start3A_983 = arith.constant 5 : i32
      %dma_start3A_984 = arith.constant 576 : i32
      %dma_start3A_985 = tpu.memref_slice %arg19[%dma_start3A_984] : memref<1792xi32, #tpu.memory_space<vmem>> -> memref<64xi32, #tpu.memory_space<vmem>>
      %dma_start3A_986 = tpu.memref_slice %arg9[%dma_start3A_983, %mul3A_868] : memref<9x16384xi32, #tpu.memory_space<hbm>> -> memref<1x64xi32, #tpu.memory_space<hbm>>
      %dma_start3A_987 = tpu.memref_squeeze %dma_start3A_986 : memref<1x64xi32, #tpu.memory_space<hbm>> -> memref<64xi32, #tpu.memory_space<hbm>>
      %dma_start3A_988 = arith.constant 576 : i32
      %dma_start3A_989 = tpu.memref_slice %arg19[%dma_start3A_988] : memref<1792xi32, #tpu.memory_space<vmem>> -> memref<64xi32, #tpu.memory_space<vmem>>
      %dma_start3A_990 = tpu.memref_slice %arg9[%dma_start3A_983, %mul3A_868] : memref<9x16384xi32, #tpu.memory_space<hbm>> -> memref<1x64xi32, #tpu.memory_space<hbm>>
      %dma_start3A_991 = tpu.memref_squeeze %dma_start3A_990 : memref<1x64xi32, #tpu.memory_space<hbm>> -> memref<64xi32, #tpu.memory_space<hbm>>
      tpu.enqueue_dma source(%dma_start3A_991 : memref<64xi32, #tpu.memory_space<hbm>>) target(%dma_start3A_989 : memref<64xi32, #tpu.memory_space<vmem>>) target_semaphore(%arg22 : memref<!tpu.dma_semaphore, #tpu.memory_space<semaphore_mem>>)
      %dma_start3A_992 = arith.constant 5 : i32
      %dma_start3A_993 = arith.constant 1152 : i32
      %dma_start3A_994 = tpu.memref_slice %arg19[%dma_start3A_993] : memref<1792xi32, #tpu.memory_space<vmem>> -> memref<64xi32, #tpu.memory_space<vmem>>
      %dma_start3A_995 = tpu.memref_slice %arg10[%dma_start3A_992, %mul3A_868] : memref<9x16384xi32, #tpu.memory_space<hbm>> -> memref<1x64xi32, #tpu.memory_space<hbm>>
      %dma_start3A_996 = tpu.memref_squeeze %dma_start3A_995 : memref<1x64xi32, #tpu.memory_space<hbm>> -> memref<64xi32, #tpu.memory_space<hbm>>
      %dma_start3A_997 = arith.constant 1152 : i32
      %dma_start3A_998 = tpu.memref_slice %arg19[%dma_start3A_997] : memref<1792xi32, #tpu.memory_space<vmem>> -> memref<64xi32, #tpu.memory_space<vmem>>
      %dma_start3A_999 = tpu.memref_slice %arg10[%dma_start3A_992, %mul3A_868] : memref<9x16384xi32, #tpu.memory_space<hbm>> -> memref<1x64xi32, #tpu.memory_space<hbm>>
      %dma_start3A_1000 = tpu.memref_squeeze %dma_start3A_999 : memref<1x64xi32, #tpu.memory_space<hbm>> -> memref<64xi32, #tpu.memory_space<hbm>>
      tpu.enqueue_dma source(%dma_start3A_1000 : memref<64xi32, #tpu.memory_space<hbm>>) target(%dma_start3A_998 : memref<64xi32, #tpu.memory_space<vmem>>) target_semaphore(%arg22 : memref<!tpu.dma_semaphore, #tpu.memory_space<semaphore_mem>>)
      %dma_start3A_1001 = arith.constant 6 : i32
      %dma_start3A_1002 = arith.constant 640 : i32
      %dma_start3A_1003 = tpu.memref_slice %arg19[%dma_start3A_1002] : memref<1792xi32, #tpu.memory_space<vmem>> -> memref<64xi32, #tpu.memory_space<vmem>>
      %dma_start3A_1004 = tpu.memref_slice %arg9[%dma_start3A_1001, %mul3A_868] : memref<9x16384xi32, #tpu.memory_space<hbm>> -> memref<1x64xi32, #tpu.memory_space<hbm>>
      %dma_start3A_1005 = tpu.memref_squeeze %dma_start3A_1004 : memref<1x64xi32, #tpu.memory_space<hbm>> -> memref<64xi32, #tpu.memory_space<hbm>>
      %dma_start3A_1006 = arith.constant 640 : i32
      %dma_start3A_1007 = tpu.memref_slice %arg19[%dma_start3A_1006] : memref<1792xi32, #tpu.memory_space<vmem>> -> memref<64xi32, #tpu.memory_space<vmem>>
      %dma_start3A_1008 = tpu.memref_slice %arg9[%dma_start3A_1001, %mul3A_868] : memref<9x16384xi32, #tpu.memory_space<hbm>> -> memref<1x64xi32, #tpu.memory_space<hbm>>
      %dma_start3A_1009 = tpu.memref_squeeze %dma_start3A_1008 : memref<1x64xi32, #tpu.memory_space<hbm>> -> memref<64xi32, #tpu.memory_space<hbm>>
      tpu.enqueue_dma source(%dma_start3A_1009 : memref<64xi32, #tpu.memory_space<hbm>>) target(%dma_start3A_1007 : memref<64xi32, #tpu.memory_space<vmem>>) target_semaphore(%arg22 : memref<!tpu.dma_semaphore, #tpu.memory_space<semaphore_mem>>)
      %dma_start3A_1010 = arith.constant 6 : i32
      %dma_start3A_1011 = arith.constant 1216 : i32
      %dma_start3A_1012 = tpu.memref_slice %arg19[%dma_start3A_1011] : memref<1792xi32, #tpu.memory_space<vmem>> -> memref<64xi32, #tpu.memory_space<vmem>>
      %dma_start3A_1013 = tpu.memref_slice %arg10[%dma_start3A_1010, %mul3A_868] : memref<9x16384xi32, #tpu.memory_space<hbm>> -> memref<1x64xi32, #tpu.memory_space<hbm>>
      %dma_start3A_1014 = tpu.memref_squeeze %dma_start3A_1013 : memref<1x64xi32, #tpu.memory_space<hbm>> -> memref<64xi32, #tpu.memory_space<hbm>>
      %dma_start3A_1015 = arith.constant 1216 : i32
      %dma_start3A_1016 = tpu.memref_slice %arg19[%dma_start3A_1015] : memref<1792xi32, #tpu.memory_space<vmem>> -> memref<64xi32, #tpu.memory_space<vmem>>
      %dma_start3A_1017 = tpu.memref_slice %arg10[%dma_start3A_1010, %mul3A_868] : memref<9x16384xi32, #tpu.memory_space<hbm>> -> memref<1x64xi32, #tpu.memory_space<hbm>>
      %dma_start3A_1018 = tpu.memref_squeeze %dma_start3A_1017 : memref<1x64xi32, #tpu.memory_space<hbm>> -> memref<64xi32, #tpu.memory_space<hbm>>
      tpu.enqueue_dma source(%dma_start3A_1018 : memref<64xi32, #tpu.memory_space<hbm>>) target(%dma_start3A_1016 : memref<64xi32, #tpu.memory_space<vmem>>) target_semaphore(%arg22 : memref<!tpu.dma_semaphore, #tpu.memory_space<semaphore_mem>>)
      %dma_start3A_1019 = arith.constant 7 : i32
      %dma_start3A_1020 = arith.constant 704 : i32
      %dma_start3A_1021 = tpu.memref_slice %arg19[%dma_start3A_1020] : memref<1792xi32, #tpu.memory_space<vmem>> -> memref<64xi32, #tpu.memory_space<vmem>>
      %dma_start3A_1022 = tpu.memref_slice %arg9[%dma_start3A_1019, %mul3A_868] : memref<9x16384xi32, #tpu.memory_space<hbm>> -> memref<1x64xi32, #tpu.memory_space<hbm>>
      %dma_start3A_1023 = tpu.memref_squeeze %dma_start3A_1022 : memref<1x64xi32, #tpu.memory_space<hbm>> -> memref<64xi32, #tpu.memory_space<hbm>>
      %dma_start3A_1024 = arith.constant 704 : i32
      %dma_start3A_1025 = tpu.memref_slice %arg19[%dma_start3A_1024] : memref<1792xi32, #tpu.memory_space<vmem>> -> memref<64xi32, #tpu.memory_space<vmem>>
      %dma_start3A_1026 = tpu.memref_slice %arg9[%dma_start3A_1019, %mul3A_868] : memref<9x16384xi32, #tpu.memory_space<hbm>> -> memref<1x64xi32, #tpu.memory_space<hbm>>
      %dma_start3A_1027 = tpu.memref_squeeze %dma_start3A_1026 : memref<1x64xi32, #tpu.memory_space<hbm>> -> memref<64xi32, #tpu.memory_space<hbm>>
      tpu.enqueue_dma source(%dma_start3A_1027 : memref<64xi32, #tpu.memory_space<hbm>>) target(%dma_start3A_1025 : memref<64xi32, #tpu.memory_space<vmem>>) target_semaphore(%arg22 : memref<!tpu.dma_semaphore, #tpu.memory_space<semaphore_mem>>)
      %dma_start3A_1028 = arith.constant 7 : i32
      %dma_start3A_1029 = arith.constant 1280 : i32
      %dma_start3A_1030 = tpu.memref_slice %arg19[%dma_start3A_1029] : memref<1792xi32, #tpu.memory_space<vmem>> -> memref<64xi32, #tpu.memory_space<vmem>>
      %dma_start3A_1031 = tpu.memref_slice %arg10[%dma_start3A_1028, %mul3A_868] : memref<9x16384xi32, #tpu.memory_space<hbm>> -> memref<1x64xi32, #tpu.memory_space<hbm>>
      %dma_start3A_1032 = tpu.memref_squeeze %dma_start3A_1031 : memref<1x64xi32, #tpu.memory_space<hbm>> -> memref<64xi32, #tpu.memory_space<hbm>>
      %dma_start3A_1033 = arith.constant 1280 : i32
      %dma_start3A_1034 = tpu.memref_slice %arg19[%dma_start3A_1033] : memref<1792xi32, #tpu.memory_space<vmem>> -> memref<64xi32, #tpu.memory_space<vmem>>
      %dma_start3A_1035 = tpu.memref_slice %arg10[%dma_start3A_1028, %mul3A_868] : memref<9x16384xi32, #tpu.memory_space<hbm>> -> memref<1x64xi32, #tpu.memory_space<hbm>>
      %dma_start3A_1036 = tpu.memref_squeeze %dma_start3A_1035 : memref<1x64xi32, #tpu.memory_space<hbm>> -> memref<64xi32, #tpu.memory_space<hbm>>
      tpu.enqueue_dma source(%dma_start3A_1036 : memref<64xi32, #tpu.memory_space<hbm>>) target(%dma_start3A_1034 : memref<64xi32, #tpu.memory_space<vmem>>) target_semaphore(%arg22 : memref<!tpu.dma_semaphore, #tpu.memory_space<semaphore_mem>>)
      %dma_start3A_1037 = arith.constant 8 : i32
      %dma_start3A_1038 = arith.constant 768 : i32
      %dma_start3A_1039 = tpu.memref_slice %arg19[%dma_start3A_1038] : memref<1792xi32, #tpu.memory_space<vmem>> -> memref<64xi32, #tpu.memory_space<vmem>>
      %dma_start3A_1040 = tpu.memref_slice %arg9[%dma_start3A_1037, %mul3A_868] : memref<9x16384xi32, #tpu.memory_space<hbm>> -> memref<1x64xi32, #tpu.memory_space<hbm>>
      %dma_start3A_1041 = tpu.memref_squeeze %dma_start3A_1040 : memref<1x64xi32, #tpu.memory_space<hbm>> -> memref<64xi32, #tpu.memory_space<hbm>>
      %dma_start3A_1042 = arith.constant 768 : i32
      %dma_start3A_1043 = tpu.memref_slice %arg19[%dma_start3A_1042] : memref<1792xi32, #tpu.memory_space<vmem>> -> memref<64xi32, #tpu.memory_space<vmem>>
      %dma_start3A_1044 = tpu.memref_slice %arg9[%dma_start3A_1037, %mul3A_868] : memref<9x16384xi32, #tpu.memory_space<hbm>> -> memref<1x64xi32, #tpu.memory_space<hbm>>
      %dma_start3A_1045 = tpu.memref_squeeze %dma_start3A_1044 : memref<1x64xi32, #tpu.memory_space<hbm>> -> memref<64xi32, #tpu.memory_space<hbm>>
      tpu.enqueue_dma source(%dma_start3A_1045 : memref<64xi32, #tpu.memory_space<hbm>>) target(%dma_start3A_1043 : memref<64xi32, #tpu.memory_space<vmem>>) target_semaphore(%arg22 : memref<!tpu.dma_semaphore, #tpu.memory_space<semaphore_mem>>)
      %dma_start3A_1046 = arith.constant 8 : i32
      %dma_start3A_1047 = arith.constant 1344 : i32
      %dma_start3A_1048 = tpu.memref_slice %arg19[%dma_start3A_1047] : memref<1792xi32, #tpu.memory_space<vmem>> -> memref<64xi32, #tpu.memory_space<vmem>>
      %dma_start3A_1049 = tpu.memref_slice %arg10[%dma_start3A_1046, %mul3A_868] : memref<9x16384xi32, #tpu.memory_space<hbm>> -> memref<1x64xi32, #tpu.memory_space<hbm>>
      %dma_start3A_1050 = tpu.memref_squeeze %dma_start3A_1049 : memref<1x64xi32, #tpu.memory_space<hbm>> -> memref<64xi32, #tpu.memory_space<hbm>>
      %dma_start3A_1051 = arith.constant 1344 : i32
      %dma_start3A_1052 = tpu.memref_slice %arg19[%dma_start3A_1051] : memref<1792xi32, #tpu.memory_space<vmem>> -> memref<64xi32, #tpu.memory_space<vmem>>
      %dma_start3A_1053 = tpu.memref_slice %arg10[%dma_start3A_1046, %mul3A_868] : memref<9x16384xi32, #tpu.memory_space<hbm>> -> memref<1x64xi32, #tpu.memory_space<hbm>>
      %dma_start3A_1054 = tpu.memref_squeeze %dma_start3A_1053 : memref<1x64xi32, #tpu.memory_space<hbm>> -> memref<64xi32, #tpu.memory_space<hbm>>
      tpu.enqueue_dma source(%dma_start3A_1054 : memref<64xi32, #tpu.memory_space<hbm>>) target(%dma_start3A_1052 : memref<64xi32, #tpu.memory_space<vmem>>) target_semaphore(%arg22 : memref<!tpu.dma_semaphore, #tpu.memory_space<semaphore_mem>>)
      %dma_start3A_1055 = arith.constant 1408 : i32
      %dma_start3A_1056 = tpu.memref_slice %arg19[%dma_start3A_1055] : memref<1792xi32, #tpu.memory_space<vmem>> -> memref<64xi32, #tpu.memory_space<vmem>>
      %dma_start3A_1057 = tpu.memref_slice %arg11[%mul3A_868] : memref<16384xi32, #tpu.memory_space<hbm>> -> memref<64xi32, #tpu.memory_space<hbm>>
      %dma_start3A_1058 = arith.constant 1408 : i32
      %dma_start3A_1059 = tpu.memref_slice %arg19[%dma_start3A_1058] : memref<1792xi32, #tpu.memory_space<vmem>> -> memref<64xi32, #tpu.memory_space<vmem>>
      %dma_start3A_1060 = tpu.memref_slice %arg11[%mul3A_868] : memref<16384xi32, #tpu.memory_space<hbm>> -> memref<64xi32, #tpu.memory_space<hbm>>
      tpu.enqueue_dma source(%dma_start3A_1060 : memref<64xi32, #tpu.memory_space<hbm>>) target(%dma_start3A_1059 : memref<64xi32, #tpu.memory_space<vmem>>) target_semaphore(%arg22 : memref<!tpu.dma_semaphore, #tpu.memory_space<semaphore_mem>>)
      %dma_start3A_1061 = arith.constant 1472 : i32
      %dma_start3A_1062 = tpu.memref_slice %arg19[%dma_start3A_1061] : memref<1792xi32, #tpu.memory_space<vmem>> -> memref<64xi32, #tpu.memory_space<vmem>>
      %dma_start3A_1063 = tpu.memref_slice %arg12[%mul3A_868] : memref<16384xi32, #tpu.memory_space<hbm>> -> memref<64xi32, #tpu.memory_space<hbm>>
      %dma_start3A_1064 = arith.constant 1472 : i32
      %dma_start3A_1065 = tpu.memref_slice %arg19[%dma_start3A_1064] : memref<1792xi32, #tpu.memory_space<vmem>> -> memref<64xi32, #tpu.memory_space<vmem>>
      %dma_start3A_1066 = tpu.memref_slice %arg12[%mul3A_868] : memref<16384xi32, #tpu.memory_space<hbm>> -> memref<64xi32, #tpu.memory_space<hbm>>
      tpu.enqueue_dma source(%dma_start3A_1066 : memref<64xi32, #tpu.memory_space<hbm>>) target(%dma_start3A_1065 : memref<64xi32, #tpu.memory_space<vmem>>) target_semaphore(%arg22 : memref<!tpu.dma_semaphore, #tpu.memory_space<semaphore_mem>>)
      %dma_start3A_1067 = arith.constant 1536 : i32
      %dma_start3A_1068 = tpu.memref_slice %arg19[%dma_start3A_1067] : memref<1792xi32, #tpu.memory_space<vmem>> -> memref<64xi32, #tpu.memory_space<vmem>>
      %dma_start3A_1069 = tpu.memref_slice %arg13[%mul3A_868] : memref<16384xi32, #tpu.memory_space<hbm>> -> memref<64xi32, #tpu.memory_space<hbm>>
      %dma_start3A_1070 = arith.constant 1536 : i32
      %dma_start3A_1071 = tpu.memref_slice %arg19[%dma_start3A_1070] : memref<1792xi32, #tpu.memory_space<vmem>> -> memref<64xi32, #tpu.memory_space<vmem>>
      %dma_start3A_1072 = tpu.memref_slice %arg13[%mul3A_868] : memref<16384xi32, #tpu.memory_space<hbm>> -> memref<64xi32, #tpu.memory_space<hbm>>
      tpu.enqueue_dma source(%dma_start3A_1072 : memref<64xi32, #tpu.memory_space<hbm>>) target(%dma_start3A_1071 : memref<64xi32, #tpu.memory_space<vmem>>) target_semaphore(%arg22 : memref<!tpu.dma_semaphore, #tpu.memory_space<semaphore_mem>>)
      %dma_start3A_1073 = arith.constant 1600 : i32
      %dma_start3A_1074 = tpu.memref_slice %arg19[%dma_start3A_1073] : memref<1792xi32, #tpu.memory_space<vmem>> -> memref<64xi32, #tpu.memory_space<vmem>>
      %dma_start3A_1075 = tpu.memref_slice %arg14[%mul3A_868] : memref<16384xi32, #tpu.memory_space<hbm>> -> memref<64xi32, #tpu.memory_space<hbm>>
      %dma_start3A_1076 = arith.constant 1600 : i32
      %dma_start3A_1077 = tpu.memref_slice %arg19[%dma_start3A_1076] : memref<1792xi32, #tpu.memory_space<vmem>> -> memref<64xi32, #tpu.memory_space<vmem>>
      %dma_start3A_1078 = tpu.memref_slice %arg14[%mul3A_868] : memref<16384xi32, #tpu.memory_space<hbm>> -> memref<64xi32, #tpu.memory_space<hbm>>
      tpu.enqueue_dma source(%dma_start3A_1078 : memref<64xi32, #tpu.memory_space<hbm>>) target(%dma_start3A_1077 : memref<64xi32, #tpu.memory_space<vmem>>) target_semaphore(%arg22 : memref<!tpu.dma_semaphore, #tpu.memory_space<semaphore_mem>>)
      %dma_start3A_1079 = arith.constant 1664 : i32
      %dma_start3A_1080 = tpu.memref_slice %arg19[%dma_start3A_1079] : memref<1792xi32, #tpu.memory_space<vmem>> -> memref<64xi32, #tpu.memory_space<vmem>>
      %dma_start3A_1081 = tpu.memref_slice %arg15[%mul3A_868] : memref<16384xi32, #tpu.memory_space<hbm>> -> memref<64xi32, #tpu.memory_space<hbm>>
      %dma_start3A_1082 = arith.constant 1664 : i32
      %dma_start3A_1083 = tpu.memref_slice %arg19[%dma_start3A_1082] : memref<1792xi32, #tpu.memory_space<vmem>> -> memref<64xi32, #tpu.memory_space<vmem>>
      %dma_start3A_1084 = tpu.memref_slice %arg15[%mul3A_868] : memref<16384xi32, #tpu.memory_space<hbm>> -> memref<64xi32, #tpu.memory_space<hbm>>
      tpu.enqueue_dma source(%dma_start3A_1084 : memref<64xi32, #tpu.memory_space<hbm>>) target(%dma_start3A_1083 : memref<64xi32, #tpu.memory_space<vmem>>) target_semaphore(%arg22 : memref<!tpu.dma_semaphore, #tpu.memory_space<semaphore_mem>>)
      %dma_start3A_1085 = arith.constant 1728 : i32
      %dma_start3A_1086 = tpu.memref_slice %arg19[%dma_start3A_1085] : memref<1792xi32, #tpu.memory_space<vmem>> -> memref<64xi32, #tpu.memory_space<vmem>>
      %dma_start3A_1087 = tpu.memref_slice %arg16[%mul3A_868] : memref<16384xi32, #tpu.memory_space<hbm>> -> memref<64xi32, #tpu.memory_space<hbm>>
      %dma_start3A_1088 = arith.constant 1728 : i32
      %dma_start3A_1089 = tpu.memref_slice %arg19[%dma_start3A_1088] : memref<1792xi32, #tpu.memory_space<vmem>> -> memref<64xi32, #tpu.memory_space<vmem>>
      %dma_start3A_1090 = tpu.memref_slice %arg16[%mul3A_868] : memref<16384xi32, #tpu.memory_space<hbm>> -> memref<64xi32, #tpu.memory_space<hbm>>
      tpu.enqueue_dma source(%dma_start3A_1090 : memref<64xi32, #tpu.memory_space<hbm>>) target(%dma_start3A_1089 : memref<64xi32, #tpu.memory_space<vmem>>) target_semaphore(%arg22 : memref<!tpu.dma_semaphore, #tpu.memory_space<semaphore_mem>>)
      %dma_wait3A_1091 = arith.constant 0 : i32
      %dma_wait3A_1092 = tpu.memref_slice %arg5[%dma_wait3A_1091] : memref<16384xi32, #tpu.memory_space<hbm>> -> memref<1792xi32, #tpu.memory_space<hbm>>
      %dma_wait3A_1093 = arith.constant 0 : i32
      %dma_wait3A_1094 = tpu.memref_slice %arg5[%dma_wait3A_1093] : memref<16384xi32, #tpu.memory_space<hbm>> -> memref<1792xi32, #tpu.memory_space<hbm>>
      tpu.wait_dma2 semaphore(%arg22 : memref<!tpu.dma_semaphore, #tpu.memory_space<semaphore_mem>>) src(%dma_wait3A_1094 : memref<1792xi32, #tpu.memory_space<hbm>>) dst(%arg19 : memref<1792xi32, #tpu.memory_space<vmem>>)
      %gt3A_1095 = arith.constant 0 : i32
      %gt3A_1096 = arith.cmpi sgt, %scan3A_23, %gt3A_1095 : i32
      %convert_element_type3A_1097 = arith.extui %gt3A_1096 : i1 to i32
      %cond3A_1098 = arith.constant 0 : i32
      %cond3A_1099 = arith.cmpi ne, %convert_element_type3A_1097, %cond3A_1098 : i32
      scf.if %cond3A_1099 {
        %dma_wait3A_1702 = arith.constant 0 : i32
        %dma_wait3A_1703 = arith.constant 0 : i32
        %dma_wait3A_1704 = arith.constant 0 : i32
        %dma_wait3A_1705 = tpu.memref_slice %arg17[%dma_wait3A_1702, %dma_wait3A_1703, %dma_wait3A_1704] : memref<7x16384x128xf32, #tpu.memory_space<hbm>> -> memref<1x1792x32xf32, #tpu.memory_space<hbm>>
        %dma_wait3A_1706 = tpu.memref_squeeze %dma_wait3A_1705 : memref<1x1792x32xf32, #tpu.memory_space<hbm>> -> memref<1792x32xf32, #tpu.memory_space<hbm>>
        %dma_wait3A_1707 = arith.constant 0 : i32
        %dma_wait3A_1708 = arith.constant 0 : i32
        %dma_wait3A_1709 = tpu.memref_slice %arg17[%dma_wait3A_1702, %dma_wait3A_1707, %dma_wait3A_1708] : memref<7x16384x128xf32, #tpu.memory_space<hbm>> -> memref<1x1792x32xf32, #tpu.memory_space<hbm>>
        %dma_wait3A_1710 = tpu.memref_squeeze %dma_wait3A_1709 : memref<1x1792x32xf32, #tpu.memory_space<hbm>> -> memref<1792x32xf32, #tpu.memory_space<hbm>>
        tpu.wait_dma2 semaphore(%arg26 : memref<!tpu.dma_semaphore, #tpu.memory_space<semaphore_mem>>) src(%dma_wait3A_1710 : memref<1792x32xf32, #tpu.memory_space<hbm>>) dst(%arg21 : memref<1792x32xf32, #tpu.memory_space<vmem>>)
      } else {
      }
      %dma_start3A_1100 = arith.constant 0 : i32
      %dma_start3A_1101 = arith.constant 0 : i32
      %dma_start3A_1102 = tpu.memref_slice %arg21[%dma_start3A_1100, %dma_start3A_1101] : memref<1792x32xf32, #tpu.memory_space<vmem>> -> memref<64x32xf32, #tpu.memory_space<vmem>>
      %dma_start3A_1103 = arith.constant 0 : i32
      %dma_start3A_1104 = tpu.memref_slice %arg19[%dma_start3A_1103] : memref<1792xi32, #tpu.memory_space<vmem>> -> memref<64xi32, #tpu.memory_space<vmem>>
      %dma_start3A_1105 = arith.constant 0 : i32
      %dma_start3A_1106 = arith.constant 0 : i32
      %dma_start3A_1107 = tpu.memref_slice %arg2[%dma_start3A_1105, %dma_start3A_1106] : memref<100000x32xf32, #tpu.memory_space<hbm>> -> memref<100000x32xf32, #tpu.memory_space<hbm>>
      tpu.enqueue_indirect_dma source(%dma_start3A_1107 : memref<100000x32xf32, #tpu.memory_space<hbm>>) target(%dma_start3A_1102 : memref<64x32xf32, #tpu.memory_space<vmem>>) offsets(%dma_start3A_1104 : memref<64xi32, #tpu.memory_space<vmem>>) semaphore(%arg24 : memref<!tpu.dma_semaphore, #tpu.memory_space<semaphore_mem>>)
      %dma_start3A_1108 = arith.constant 64 : i32
      %dma_start3A_1109 = arith.constant 0 : i32
      %dma_start3A_1110 = tpu.memref_slice %arg21[%dma_start3A_1108, %dma_start3A_1109] : memref<1792x32xf32, #tpu.memory_space<vmem>> -> memref<64x32xf32, #tpu.memory_space<vmem>>
      %dma_start3A_1111 = arith.constant 64 : i32
      %dma_start3A_1112 = tpu.memref_slice %arg19[%dma_start3A_1111] : memref<1792xi32, #tpu.memory_space<vmem>> -> memref<64xi32, #tpu.memory_space<vmem>>
      %dma_start3A_1113 = arith.constant 0 : i32
      %dma_start3A_1114 = arith.constant 0 : i32
      %dma_start3A_1115 = tpu.memref_slice %arg2[%dma_start3A_1113, %dma_start3A_1114] : memref<100000x32xf32, #tpu.memory_space<hbm>> -> memref<100000x32xf32, #tpu.memory_space<hbm>>
      tpu.enqueue_indirect_dma source(%dma_start3A_1115 : memref<100000x32xf32, #tpu.memory_space<hbm>>) target(%dma_start3A_1110 : memref<64x32xf32, #tpu.memory_space<vmem>>) offsets(%dma_start3A_1112 : memref<64xi32, #tpu.memory_space<vmem>>) semaphore(%arg24 : memref<!tpu.dma_semaphore, #tpu.memory_space<semaphore_mem>>)
      %dma_start3A_1116 = arith.constant 128 : i32
      %dma_start3A_1117 = arith.constant 0 : i32
      %dma_start3A_1118 = tpu.memref_slice %arg21[%dma_start3A_1116, %dma_start3A_1117] : memref<1792x32xf32, #tpu.memory_space<vmem>> -> memref<64x32xf32, #tpu.memory_space<vmem>>
      %dma_start3A_1119 = arith.constant 128 : i32
      %dma_start3A_1120 = tpu.memref_slice %arg19[%dma_start3A_1119] : memref<1792xi32, #tpu.memory_space<vmem>> -> memref<64xi32, #tpu.memory_space<vmem>>
      %dma_start3A_1121 = arith.constant 0 : i32
      %dma_start3A_1122 = arith.constant 0 : i32
      %dma_start3A_1123 = tpu.memref_slice %arg2[%dma_start3A_1121, %dma_start3A_1122] : memref<100000x32xf32, #tpu.memory_space<hbm>> -> memref<100000x32xf32, #tpu.memory_space<hbm>>
      tpu.enqueue_indirect_dma source(%dma_start3A_1123 : memref<100000x32xf32, #tpu.memory_space<hbm>>) target(%dma_start3A_1118 : memref<64x32xf32, #tpu.memory_space<vmem>>) offsets(%dma_start3A_1120 : memref<64xi32, #tpu.memory_space<vmem>>) semaphore(%arg24 : memref<!tpu.dma_semaphore, #tpu.memory_space<semaphore_mem>>)
      %dma_start3A_1124 = arith.constant 192 : i32
      %dma_start3A_1125 = arith.constant 0 : i32
      %dma_start3A_1126 = tpu.memref_slice %arg21[%dma_start3A_1124, %dma_start3A_1125] : memref<1792x32xf32, #tpu.memory_space<vmem>> -> memref<64x32xf32, #tpu.memory_space<vmem>>
      %dma_start3A_1127 = arith.constant 192 : i32
      %dma_start3A_1128 = tpu.memref_slice %arg19[%dma_start3A_1127] : memref<1792xi32, #tpu.memory_space<vmem>> -> memref<64xi32, #tpu.memory_space<vmem>>
      %dma_start3A_1129 = arith.constant 0 : i32
      %dma_start3A_1130 = arith.constant 0 : i32
      %dma_start3A_1131 = tpu.memref_slice %arg2[%dma_start3A_1129, %dma_start3A_1130] : memref<100000x32xf32, #tpu.memory_space<hbm>> -> memref<100000x32xf32, #tpu.memory_space<hbm>>
      tpu.enqueue_indirect_dma source(%dma_start3A_1131 : memref<100000x32xf32, #tpu.memory_space<hbm>>) target(%dma_start3A_1126 : memref<64x32xf32, #tpu.memory_space<vmem>>) offsets(%dma_start3A_1128 : memref<64xi32, #tpu.memory_space<vmem>>) semaphore(%arg24 : memref<!tpu.dma_semaphore, #tpu.memory_space<semaphore_mem>>)
      %dma_start3A_1132 = arith.constant 256 : i32
      %dma_start3A_1133 = arith.constant 0 : i32
      %dma_start3A_1134 = tpu.memref_slice %arg21[%dma_start3A_1132, %dma_start3A_1133] : memref<1792x32xf32, #tpu.memory_space<vmem>> -> memref<64x32xf32, #tpu.memory_space<vmem>>
      %dma_start3A_1135 = arith.constant 256 : i32
      %dma_start3A_1136 = tpu.memref_slice %arg19[%dma_start3A_1135] : memref<1792xi32, #tpu.memory_space<vmem>> -> memref<64xi32, #tpu.memory_space<vmem>>
      %dma_start3A_1137 = arith.constant 0 : i32
      %dma_start3A_1138 = arith.constant 0 : i32
      %dma_start3A_1139 = tpu.memref_slice %arg2[%dma_start3A_1137, %dma_start3A_1138] : memref<100000x32xf32, #tpu.memory_space<hbm>> -> memref<100000x32xf32, #tpu.memory_space<hbm>>
      tpu.enqueue_indirect_dma source(%dma_start3A_1139 : memref<100000x32xf32, #tpu.memory_space<hbm>>) target(%dma_start3A_1134 : memref<64x32xf32, #tpu.memory_space<vmem>>) offsets(%dma_start3A_1136 : memref<64xi32, #tpu.memory_space<vmem>>) semaphore(%arg24 : memref<!tpu.dma_semaphore, #tpu.memory_space<semaphore_mem>>)
      %dma_start3A_1140 = arith.constant 320 : i32
      %dma_start3A_1141 = arith.constant 0 : i32
      %dma_start3A_1142 = tpu.memref_slice %arg21[%dma_start3A_1140, %dma_start3A_1141] : memref<1792x32xf32, #tpu.memory_space<vmem>> -> memref<64x32xf32, #tpu.memory_space<vmem>>
      %dma_start3A_1143 = arith.constant 320 : i32
      %dma_start3A_1144 = tpu.memref_slice %arg19[%dma_start3A_1143] : memref<1792xi32, #tpu.memory_space<vmem>> -> memref<64xi32, #tpu.memory_space<vmem>>
      %dma_start3A_1145 = arith.constant 0 : i32
      %dma_start3A_1146 = arith.constant 0 : i32
      %dma_start3A_1147 = tpu.memref_slice %arg2[%dma_start3A_1145, %dma_start3A_1146] : memref<100000x32xf32, #tpu.memory_space<hbm>> -> memref<100000x32xf32, #tpu.memory_space<hbm>>
      tpu.enqueue_indirect_dma source(%dma_start3A_1147 : memref<100000x32xf32, #tpu.memory_space<hbm>>) target(%dma_start3A_1142 : memref<64x32xf32, #tpu.memory_space<vmem>>) offsets(%dma_start3A_1144 : memref<64xi32, #tpu.memory_space<vmem>>) semaphore(%arg24 : memref<!tpu.dma_semaphore, #tpu.memory_space<semaphore_mem>>)
      %dma_start3A_1148 = arith.constant 384 : i32
      %dma_start3A_1149 = arith.constant 0 : i32
      %dma_start3A_1150 = tpu.memref_slice %arg21[%dma_start3A_1148, %dma_start3A_1149] : memref<1792x32xf32, #tpu.memory_space<vmem>> -> memref<64x32xf32, #tpu.memory_space<vmem>>
      %dma_start3A_1151 = arith.constant 384 : i32
      %dma_start3A_1152 = tpu.memref_slice %arg19[%dma_start3A_1151] : memref<1792xi32, #tpu.memory_space<vmem>> -> memref<64xi32, #tpu.memory_space<vmem>>
      %dma_start3A_1153 = arith.constant 0 : i32
      %dma_start3A_1154 = arith.constant 0 : i32
      %dma_start3A_1155 = tpu.memref_slice %arg2[%dma_start3A_1153, %dma_start3A_1154] : memref<100000x32xf32, #tpu.memory_space<hbm>> -> memref<100000x32xf32, #tpu.memory_space<hbm>>
      tpu.enqueue_indirect_dma source(%dma_start3A_1155 : memref<100000x32xf32, #tpu.memory_space<hbm>>) target(%dma_start3A_1150 : memref<64x32xf32, #tpu.memory_space<vmem>>) offsets(%dma_start3A_1152 : memref<64xi32, #tpu.memory_space<vmem>>) semaphore(%arg24 : memref<!tpu.dma_semaphore, #tpu.memory_space<semaphore_mem>>)
      %dma_start3A_1156 = arith.constant 448 : i32
      %dma_start3A_1157 = arith.constant 0 : i32
      %dma_start3A_1158 = tpu.memref_slice %arg21[%dma_start3A_1156, %dma_start3A_1157] : memref<1792x32xf32, #tpu.memory_space<vmem>> -> memref<64x32xf32, #tpu.memory_space<vmem>>
      %dma_start3A_1159 = arith.constant 448 : i32
      %dma_start3A_1160 = tpu.memref_slice %arg19[%dma_start3A_1159] : memref<1792xi32, #tpu.memory_space<vmem>> -> memref<64xi32, #tpu.memory_space<vmem>>
      %dma_start3A_1161 = arith.constant 0 : i32
      %dma_start3A_1162 = arith.constant 0 : i32
      %dma_start3A_1163 = tpu.memref_slice %arg2[%dma_start3A_1161, %dma_start3A_1162] : memref<100000x32xf32, #tpu.memory_space<hbm>> -> memref<100000x32xf32, #tpu.memory_space<hbm>>
      tpu.enqueue_indirect_dma source(%dma_start3A_1163 : memref<100000x32xf32, #tpu.memory_space<hbm>>) target(%dma_start3A_1158 : memref<64x32xf32, #tpu.memory_space<vmem>>) offsets(%dma_start3A_1160 : memref<64xi32, #tpu.memory_space<vmem>>) semaphore(%arg24 : memref<!tpu.dma_semaphore, #tpu.memory_space<semaphore_mem>>)
      %dma_start3A_1164 = arith.constant 512 : i32
      %dma_start3A_1165 = arith.constant 0 : i32
      %dma_start3A_1166 = tpu.memref_slice %arg21[%dma_start3A_1164, %dma_start3A_1165] : memref<1792x32xf32, #tpu.memory_space<vmem>> -> memref<64x32xf32, #tpu.memory_space<vmem>>
      %dma_start3A_1167 = arith.constant 512 : i32
      %dma_start3A_1168 = tpu.memref_slice %arg19[%dma_start3A_1167] : memref<1792xi32, #tpu.memory_space<vmem>> -> memref<64xi32, #tpu.memory_space<vmem>>
      %dma_start3A_1169 = arith.constant 0 : i32
      %dma_start3A_1170 = arith.constant 0 : i32
      %dma_start3A_1171 = tpu.memref_slice %arg2[%dma_start3A_1169, %dma_start3A_1170] : memref<100000x32xf32, #tpu.memory_space<hbm>> -> memref<100000x32xf32, #tpu.memory_space<hbm>>
      tpu.enqueue_indirect_dma source(%dma_start3A_1171 : memref<100000x32xf32, #tpu.memory_space<hbm>>) target(%dma_start3A_1166 : memref<64x32xf32, #tpu.memory_space<vmem>>) offsets(%dma_start3A_1168 : memref<64xi32, #tpu.memory_space<vmem>>) semaphore(%arg24 : memref<!tpu.dma_semaphore, #tpu.memory_space<semaphore_mem>>)
      %dma_start3A_1172 = arith.constant 576 : i32
      %dma_start3A_1173 = arith.constant 0 : i32
      %dma_start3A_1174 = tpu.memref_slice %arg21[%dma_start3A_1172, %dma_start3A_1173] : memref<1792x32xf32, #tpu.memory_space<vmem>> -> memref<64x32xf32, #tpu.memory_space<vmem>>
      %dma_start3A_1175 = arith.constant 576 : i32
      %dma_start3A_1176 = tpu.memref_slice %arg19[%dma_start3A_1175] : memref<1792xi32, #tpu.memory_space<vmem>> -> memref<64xi32, #tpu.memory_space<vmem>>
      %dma_start3A_1177 = arith.constant 0 : i32
      %dma_start3A_1178 = arith.constant 0 : i32
      %dma_start3A_1179 = tpu.memref_slice %arg2[%dma_start3A_1177, %dma_start3A_1178] : memref<100000x32xf32, #tpu.memory_space<hbm>> -> memref<100000x32xf32, #tpu.memory_space<hbm>>
      tpu.enqueue_indirect_dma source(%dma_start3A_1179 : memref<100000x32xf32, #tpu.memory_space<hbm>>) target(%dma_start3A_1174 : memref<64x32xf32, #tpu.memory_space<vmem>>) offsets(%dma_start3A_1176 : memref<64xi32, #tpu.memory_space<vmem>>) semaphore(%arg24 : memref<!tpu.dma_semaphore, #tpu.memory_space<semaphore_mem>>)
      %dma_start3A_1180 = arith.constant 640 : i32
      %dma_start3A_1181 = arith.constant 0 : i32
      %dma_start3A_1182 = tpu.memref_slice %arg21[%dma_start3A_1180, %dma_start3A_1181] : memref<1792x32xf32, #tpu.memory_space<vmem>> -> memref<64x32xf32, #tpu.memory_space<vmem>>
      %dma_start3A_1183 = arith.constant 640 : i32
      %dma_start3A_1184 = tpu.memref_slice %arg19[%dma_start3A_1183] : memref<1792xi32, #tpu.memory_space<vmem>> -> memref<64xi32, #tpu.memory_space<vmem>>
      %dma_start3A_1185 = arith.constant 0 : i32
      %dma_start3A_1186 = arith.constant 0 : i32
      %dma_start3A_1187 = tpu.memref_slice %arg2[%dma_start3A_1185, %dma_start3A_1186] : memref<100000x32xf32, #tpu.memory_space<hbm>> -> memref<100000x32xf32, #tpu.memory_space<hbm>>
      tpu.enqueue_indirect_dma source(%dma_start3A_1187 : memref<100000x32xf32, #tpu.memory_space<hbm>>) target(%dma_start3A_1182 : memref<64x32xf32, #tpu.memory_space<vmem>>) offsets(%dma_start3A_1184 : memref<64xi32, #tpu.memory_space<vmem>>) semaphore(%arg24 : memref<!tpu.dma_semaphore, #tpu.memory_space<semaphore_mem>>)
      %dma_start3A_1188 = arith.constant 704 : i32
      %dma_start3A_1189 = arith.constant 0 : i32
      %dma_start3A_1190 = tpu.memref_slice %arg21[%dma_start3A_1188, %dma_start3A_1189] : memref<1792x32xf32, #tpu.memory_space<vmem>> -> memref<64x32xf32, #tpu.memory_space<vmem>>
      %dma_start3A_1191 = arith.constant 704 : i32
      %dma_start3A_1192 = tpu.memref_slice %arg19[%dma_start3A_1191] : memref<1792xi32, #tpu.memory_space<vmem>> -> memref<64xi32, #tpu.memory_space<vmem>>
      %dma_start3A_1193 = arith.constant 0 : i32
      %dma_start3A_1194 = arith.constant 0 : i32
      %dma_start3A_1195 = tpu.memref_slice %arg2[%dma_start3A_1193, %dma_start3A_1194] : memref<100000x32xf32, #tpu.memory_space<hbm>> -> memref<100000x32xf32, #tpu.memory_space<hbm>>
      tpu.enqueue_indirect_dma source(%dma_start3A_1195 : memref<100000x32xf32, #tpu.memory_space<hbm>>) target(%dma_start3A_1190 : memref<64x32xf32, #tpu.memory_space<vmem>>) offsets(%dma_start3A_1192 : memref<64xi32, #tpu.memory_space<vmem>>) semaphore(%arg24 : memref<!tpu.dma_semaphore, #tpu.memory_space<semaphore_mem>>)
      %dma_start3A_1196 = arith.constant 768 : i32
      %dma_start3A_1197 = arith.constant 0 : i32
      %dma_start3A_1198 = tpu.memref_slice %arg21[%dma_start3A_1196, %dma_start3A_1197] : memref<1792x32xf32, #tpu.memory_space<vmem>> -> memref<64x32xf32, #tpu.memory_space<vmem>>
      %dma_start3A_1199 = arith.constant 768 : i32
      %dma_start3A_1200 = tpu.memref_slice %arg19[%dma_start3A_1199] : memref<1792xi32, #tpu.memory_space<vmem>> -> memref<64xi32, #tpu.memory_space<vmem>>
      %dma_start3A_1201 = arith.constant 0 : i32
      %dma_start3A_1202 = arith.constant 0 : i32
      %dma_start3A_1203 = tpu.memref_slice %arg2[%dma_start3A_1201, %dma_start3A_1202] : memref<100000x32xf32, #tpu.memory_space<hbm>> -> memref<100000x32xf32, #tpu.memory_space<hbm>>
      tpu.enqueue_indirect_dma source(%dma_start3A_1203 : memref<100000x32xf32, #tpu.memory_space<hbm>>) target(%dma_start3A_1198 : memref<64x32xf32, #tpu.memory_space<vmem>>) offsets(%dma_start3A_1200 : memref<64xi32, #tpu.memory_space<vmem>>) semaphore(%arg24 : memref<!tpu.dma_semaphore, #tpu.memory_space<semaphore_mem>>)
      %dma_start3A_1204 = arith.constant 832 : i32
      %dma_start3A_1205 = arith.constant 0 : i32
      %dma_start3A_1206 = tpu.memref_slice %arg21[%dma_start3A_1204, %dma_start3A_1205] : memref<1792x32xf32, #tpu.memory_space<vmem>> -> memref<64x32xf32, #tpu.memory_space<vmem>>
      %dma_start3A_1207 = arith.constant 832 : i32
      %dma_start3A_1208 = tpu.memref_slice %arg19[%dma_start3A_1207] : memref<1792xi32, #tpu.memory_space<vmem>> -> memref<64xi32, #tpu.memory_space<vmem>>
      %dma_start3A_1209 = arith.constant 0 : i32
      %dma_start3A_1210 = arith.constant 0 : i32
      %dma_start3A_1211 = tpu.memref_slice %arg2[%dma_start3A_1209, %dma_start3A_1210] : memref<100000x32xf32, #tpu.memory_space<hbm>> -> memref<100000x32xf32, #tpu.memory_space<hbm>>
      tpu.enqueue_indirect_dma source(%dma_start3A_1211 : memref<100000x32xf32, #tpu.memory_space<hbm>>) target(%dma_start3A_1206 : memref<64x32xf32, #tpu.memory_space<vmem>>) offsets(%dma_start3A_1208 : memref<64xi32, #tpu.memory_space<vmem>>) semaphore(%arg24 : memref<!tpu.dma_semaphore, #tpu.memory_space<semaphore_mem>>)
      %dma_start3A_1212 = arith.constant 896 : i32
      %dma_start3A_1213 = arith.constant 0 : i32
      %dma_start3A_1214 = tpu.memref_slice %arg21[%dma_start3A_1212, %dma_start3A_1213] : memref<1792x32xf32, #tpu.memory_space<vmem>> -> memref<64x32xf32, #tpu.memory_space<vmem>>
      %dma_start3A_1215 = arith.constant 896 : i32
      %dma_start3A_1216 = tpu.memref_slice %arg19[%dma_start3A_1215] : memref<1792xi32, #tpu.memory_space<vmem>> -> memref<64xi32, #tpu.memory_space<vmem>>
      %dma_start3A_1217 = arith.constant 0 : i32
      %dma_start3A_1218 = arith.constant 0 : i32
      %dma_start3A_1219 = tpu.memref_slice %arg2[%dma_start3A_1217, %dma_start3A_1218] : memref<100000x32xf32, #tpu.memory_space<hbm>> -> memref<100000x32xf32, #tpu.memory_space<hbm>>
      tpu.enqueue_indirect_dma source(%dma_start3A_1219 : memref<100000x32xf32, #tpu.memory_space<hbm>>) target(%dma_start3A_1214 : memref<64x32xf32, #tpu.memory_space<vmem>>) offsets(%dma_start3A_1216 : memref<64xi32, #tpu.memory_space<vmem>>) semaphore(%arg24 : memref<!tpu.dma_semaphore, #tpu.memory_space<semaphore_mem>>)
      %dma_start3A_1220 = arith.constant 960 : i32
      %dma_start3A_1221 = arith.constant 0 : i32
      %dma_start3A_1222 = tpu.memref_slice %arg21[%dma_start3A_1220, %dma_start3A_1221] : memref<1792x32xf32, #tpu.memory_space<vmem>> -> memref<64x32xf32, #tpu.memory_space<vmem>>
      %dma_start3A_1223 = arith.constant 960 : i32
      %dma_start3A_1224 = tpu.memref_slice %arg19[%dma_start3A_1223] : memref<1792xi32, #tpu.memory_space<vmem>> -> memref<64xi32, #tpu.memory_space<vmem>>
      %dma_start3A_1225 = arith.constant 0 : i32
      %dma_start3A_1226 = arith.constant 0 : i32
      %dma_start3A_1227 = tpu.memref_slice %arg2[%dma_start3A_1225, %dma_start3A_1226] : memref<100000x32xf32, #tpu.memory_space<hbm>> -> memref<100000x32xf32, #tpu.memory_space<hbm>>
      tpu.enqueue_indirect_dma source(%dma_start3A_1227 : memref<100000x32xf32, #tpu.memory_space<hbm>>) target(%dma_start3A_1222 : memref<64x32xf32, #tpu.memory_space<vmem>>) offsets(%dma_start3A_1224 : memref<64xi32, #tpu.memory_space<vmem>>) semaphore(%arg24 : memref<!tpu.dma_semaphore, #tpu.memory_space<semaphore_mem>>)
      %dma_start3A_1228 = arith.constant 1024 : i32
      %dma_start3A_1229 = arith.constant 0 : i32
      %dma_start3A_1230 = tpu.memref_slice %arg21[%dma_start3A_1228, %dma_start3A_1229] : memref<1792x32xf32, #tpu.memory_space<vmem>> -> memref<64x32xf32, #tpu.memory_space<vmem>>
      %dma_start3A_1231 = arith.constant 1024 : i32
      %dma_start3A_1232 = tpu.memref_slice %arg19[%dma_start3A_1231] : memref<1792xi32, #tpu.memory_space<vmem>> -> memref<64xi32, #tpu.memory_space<vmem>>
      %dma_start3A_1233 = arith.constant 0 : i32
      %dma_start3A_1234 = arith.constant 0 : i32
      %dma_start3A_1235 = tpu.memref_slice %arg2[%dma_start3A_1233, %dma_start3A_1234] : memref<100000x32xf32, #tpu.memory_space<hbm>> -> memref<100000x32xf32, #tpu.memory_space<hbm>>
      tpu.enqueue_indirect_dma source(%dma_start3A_1235 : memref<100000x32xf32, #tpu.memory_space<hbm>>) target(%dma_start3A_1230 : memref<64x32xf32, #tpu.memory_space<vmem>>) offsets(%dma_start3A_1232 : memref<64xi32, #tpu.memory_space<vmem>>) semaphore(%arg24 : memref<!tpu.dma_semaphore, #tpu.memory_space<semaphore_mem>>)
      %dma_start3A_1236 = arith.constant 1088 : i32
      %dma_start3A_1237 = arith.constant 0 : i32
      %dma_start3A_1238 = tpu.memref_slice %arg21[%dma_start3A_1236, %dma_start3A_1237] : memref<1792x32xf32, #tpu.memory_space<vmem>> -> memref<64x32xf32, #tpu.memory_space<vmem>>
      %dma_start3A_1239 = arith.constant 1088 : i32
      %dma_start3A_1240 = tpu.memref_slice %arg19[%dma_start3A_1239] : memref<1792xi32, #tpu.memory_space<vmem>> -> memref<64xi32, #tpu.memory_space<vmem>>
      %dma_start3A_1241 = arith.constant 0 : i32
      %dma_start3A_1242 = arith.constant 0 : i32
      %dma_start3A_1243 = tpu.memref_slice %arg2[%dma_start3A_1241, %dma_start3A_1242] : memref<100000x32xf32, #tpu.memory_space<hbm>> -> memref<100000x32xf32, #tpu.memory_space<hbm>>
      tpu.enqueue_indirect_dma source(%dma_start3A_1243 : memref<100000x32xf32, #tpu.memory_space<hbm>>) target(%dma_start3A_1238 : memref<64x32xf32, #tpu.memory_space<vmem>>) offsets(%dma_start3A_1240 : memref<64xi32, #tpu.memory_space<vmem>>) semaphore(%arg24 : memref<!tpu.dma_semaphore, #tpu.memory_space<semaphore_mem>>)
      %dma_start3A_1244 = arith.constant 1152 : i32
      %dma_start3A_1245 = arith.constant 0 : i32
      %dma_start3A_1246 = tpu.memref_slice %arg21[%dma_start3A_1244, %dma_start3A_1245] : memref<1792x32xf32, #tpu.memory_space<vmem>> -> memref<64x32xf32, #tpu.memory_space<vmem>>
      %dma_start3A_1247 = arith.constant 1152 : i32
      %dma_start3A_1248 = tpu.memref_slice %arg19[%dma_start3A_1247] : memref<1792xi32, #tpu.memory_space<vmem>> -> memref<64xi32, #tpu.memory_space<vmem>>
      %dma_start3A_1249 = arith.constant 0 : i32
      %dma_start3A_1250 = arith.constant 0 : i32
      %dma_start3A_1251 = tpu.memref_slice %arg2[%dma_start3A_1249, %dma_start3A_1250] : memref<100000x32xf32, #tpu.memory_space<hbm>> -> memref<100000x32xf32, #tpu.memory_space<hbm>>
      tpu.enqueue_indirect_dma source(%dma_start3A_1251 : memref<100000x32xf32, #tpu.memory_space<hbm>>) target(%dma_start3A_1246 : memref<64x32xf32, #tpu.memory_space<vmem>>) offsets(%dma_start3A_1248 : memref<64xi32, #tpu.memory_space<vmem>>) semaphore(%arg24 : memref<!tpu.dma_semaphore, #tpu.memory_space<semaphore_mem>>)
      %dma_start3A_1252 = arith.constant 1216 : i32
      %dma_start3A_1253 = arith.constant 0 : i32
      %dma_start3A_1254 = tpu.memref_slice %arg21[%dma_start3A_1252, %dma_start3A_1253] : memref<1792x32xf32, #tpu.memory_space<vmem>> -> memref<64x32xf32, #tpu.memory_space<vmem>>
      %dma_start3A_1255 = arith.constant 1216 : i32
      %dma_start3A_1256 = tpu.memref_slice %arg19[%dma_start3A_1255] : memref<1792xi32, #tpu.memory_space<vmem>> -> memref<64xi32, #tpu.memory_space<vmem>>
      %dma_start3A_1257 = arith.constant 0 : i32
      %dma_start3A_1258 = arith.constant 0 : i32
      %dma_start3A_1259 = tpu.memref_slice %arg2[%dma_start3A_1257, %dma_start3A_1258] : memref<100000x32xf32, #tpu.memory_space<hbm>> -> memref<100000x32xf32, #tpu.memory_space<hbm>>
      tpu.enqueue_indirect_dma source(%dma_start3A_1259 : memref<100000x32xf32, #tpu.memory_space<hbm>>) target(%dma_start3A_1254 : memref<64x32xf32, #tpu.memory_space<vmem>>) offsets(%dma_start3A_1256 : memref<64xi32, #tpu.memory_space<vmem>>) semaphore(%arg24 : memref<!tpu.dma_semaphore, #tpu.memory_space<semaphore_mem>>)
      %dma_start3A_1260 = arith.constant 1280 : i32
      %dma_start3A_1261 = arith.constant 0 : i32
      %dma_start3A_1262 = tpu.memref_slice %arg21[%dma_start3A_1260, %dma_start3A_1261] : memref<1792x32xf32, #tpu.memory_space<vmem>> -> memref<64x32xf32, #tpu.memory_space<vmem>>
      %dma_start3A_1263 = arith.constant 1280 : i32
      %dma_start3A_1264 = tpu.memref_slice %arg19[%dma_start3A_1263] : memref<1792xi32, #tpu.memory_space<vmem>> -> memref<64xi32, #tpu.memory_space<vmem>>
      %dma_start3A_1265 = arith.constant 0 : i32
      %dma_start3A_1266 = arith.constant 0 : i32
      %dma_start3A_1267 = tpu.memref_slice %arg2[%dma_start3A_1265, %dma_start3A_1266] : memref<100000x32xf32, #tpu.memory_space<hbm>> -> memref<100000x32xf32, #tpu.memory_space<hbm>>
      tpu.enqueue_indirect_dma source(%dma_start3A_1267 : memref<100000x32xf32, #tpu.memory_space<hbm>>) target(%dma_start3A_1262 : memref<64x32xf32, #tpu.memory_space<vmem>>) offsets(%dma_start3A_1264 : memref<64xi32, #tpu.memory_space<vmem>>) semaphore(%arg24 : memref<!tpu.dma_semaphore, #tpu.memory_space<semaphore_mem>>)
      %dma_start3A_1268 = arith.constant 1344 : i32
      %dma_start3A_1269 = arith.constant 0 : i32
      %dma_start3A_1270 = tpu.memref_slice %arg21[%dma_start3A_1268, %dma_start3A_1269] : memref<1792x32xf32, #tpu.memory_space<vmem>> -> memref<64x32xf32, #tpu.memory_space<vmem>>
      %dma_start3A_1271 = arith.constant 1344 : i32
      %dma_start3A_1272 = tpu.memref_slice %arg19[%dma_start3A_1271] : memref<1792xi32, #tpu.memory_space<vmem>> -> memref<64xi32, #tpu.memory_space<vmem>>
      %dma_start3A_1273 = arith.constant 0 : i32
      %dma_start3A_1274 = arith.constant 0 : i32
      %dma_start3A_1275 = tpu.memref_slice %arg2[%dma_start3A_1273, %dma_start3A_1274] : memref<100000x32xf32, #tpu.memory_space<hbm>> -> memref<100000x32xf32, #tpu.memory_space<hbm>>
      tpu.enqueue_indirect_dma source(%dma_start3A_1275 : memref<100000x32xf32, #tpu.memory_space<hbm>>) target(%dma_start3A_1270 : memref<64x32xf32, #tpu.memory_space<vmem>>) offsets(%dma_start3A_1272 : memref<64xi32, #tpu.memory_space<vmem>>) semaphore(%arg24 : memref<!tpu.dma_semaphore, #tpu.memory_space<semaphore_mem>>)
      %dma_start3A_1276 = arith.constant 1408 : i32
      %dma_start3A_1277 = arith.constant 0 : i32
      %dma_start3A_1278 = tpu.memref_slice %arg21[%dma_start3A_1276, %dma_start3A_1277] : memref<1792x32xf32, #tpu.memory_space<vmem>> -> memref<64x32xf32, #tpu.memory_space<vmem>>
      %dma_start3A_1279 = arith.constant 1408 : i32
      %dma_start3A_1280 = tpu.memref_slice %arg19[%dma_start3A_1279] : memref<1792xi32, #tpu.memory_space<vmem>> -> memref<64xi32, #tpu.memory_space<vmem>>
      %dma_start3A_1281 = arith.constant 0 : i32
      %dma_start3A_1282 = arith.constant 0 : i32
      %dma_start3A_1283 = tpu.memref_slice %arg3[%dma_start3A_1281, %dma_start3A_1282] : memref<100000x32xf32, #tpu.memory_space<hbm>> -> memref<100000x32xf32, #tpu.memory_space<hbm>>
      tpu.enqueue_indirect_dma source(%dma_start3A_1283 : memref<100000x32xf32, #tpu.memory_space<hbm>>) target(%dma_start3A_1278 : memref<64x32xf32, #tpu.memory_space<vmem>>) offsets(%dma_start3A_1280 : memref<64xi32, #tpu.memory_space<vmem>>) semaphore(%arg24 : memref<!tpu.dma_semaphore, #tpu.memory_space<semaphore_mem>>)
      %dma_start3A_1284 = arith.constant 1472 : i32
      %dma_start3A_1285 = arith.constant 0 : i32
      %dma_start3A_1286 = tpu.memref_slice %arg21[%dma_start3A_1284, %dma_start3A_1285] : memref<1792x32xf32, #tpu.memory_space<vmem>> -> memref<64x32xf32, #tpu.memory_space<vmem>>
      %dma_start3A_1287 = arith.constant 1472 : i32
      %dma_start3A_1288 = tpu.memref_slice %arg19[%dma_start3A_1287] : memref<1792xi32, #tpu.memory_space<vmem>> -> memref<64xi32, #tpu.memory_space<vmem>>
      %dma_start3A_1289 = arith.constant 0 : i32
      %dma_start3A_1290 = arith.constant 0 : i32
      %dma_start3A_1291 = tpu.memref_slice %arg3[%dma_start3A_1289, %dma_start3A_1290] : memref<100000x32xf32, #tpu.memory_space<hbm>> -> memref<100000x32xf32, #tpu.memory_space<hbm>>
      tpu.enqueue_indirect_dma source(%dma_start3A_1291 : memref<100000x32xf32, #tpu.memory_space<hbm>>) target(%dma_start3A_1286 : memref<64x32xf32, #tpu.memory_space<vmem>>) offsets(%dma_start3A_1288 : memref<64xi32, #tpu.memory_space<vmem>>) semaphore(%arg24 : memref<!tpu.dma_semaphore, #tpu.memory_space<semaphore_mem>>)
      %dma_start3A_1292 = arith.constant 1536 : i32
      %dma_start3A_1293 = arith.constant 0 : i32
      %dma_start3A_1294 = tpu.memref_slice %arg21[%dma_start3A_1292, %dma_start3A_1293] : memref<1792x32xf32, #tpu.memory_space<vmem>> -> memref<64x32xf32, #tpu.memory_space<vmem>>
      %dma_start3A_1295 = arith.constant 1536 : i32
      %dma_start3A_1296 = tpu.memref_slice %arg19[%dma_start3A_1295] : memref<1792xi32, #tpu.memory_space<vmem>> -> memref<64xi32, #tpu.memory_space<vmem>>
      %dma_start3A_1297 = arith.constant 0 : i32
      %dma_start3A_1298 = arith.constant 0 : i32
      %dma_start3A_1299 = tpu.memref_slice %arg3[%dma_start3A_1297, %dma_start3A_1298] : memref<100000x32xf32, #tpu.memory_space<hbm>> -> memref<100000x32xf32, #tpu.memory_space<hbm>>
      tpu.enqueue_indirect_dma source(%dma_start3A_1299 : memref<100000x32xf32, #tpu.memory_space<hbm>>) target(%dma_start3A_1294 : memref<64x32xf32, #tpu.memory_space<vmem>>) offsets(%dma_start3A_1296 : memref<64xi32, #tpu.memory_space<vmem>>) semaphore(%arg24 : memref<!tpu.dma_semaphore, #tpu.memory_space<semaphore_mem>>)
      %dma_start3A_1300 = arith.constant 1600 : i32
      %dma_start3A_1301 = arith.constant 0 : i32
      %dma_start3A_1302 = tpu.memref_slice %arg21[%dma_start3A_1300, %dma_start3A_1301] : memref<1792x32xf32, #tpu.memory_space<vmem>> -> memref<64x32xf32, #tpu.memory_space<vmem>>
      %dma_start3A_1303 = arith.constant 1600 : i32
      %dma_start3A_1304 = tpu.memref_slice %arg19[%dma_start3A_1303] : memref<1792xi32, #tpu.memory_space<vmem>> -> memref<64xi32, #tpu.memory_space<vmem>>
      %dma_start3A_1305 = arith.constant 0 : i32
      %dma_start3A_1306 = arith.constant 0 : i32
      %dma_start3A_1307 = tpu.memref_slice %arg4[%dma_start3A_1305, %dma_start3A_1306] : memref<1000x32xf32, #tpu.memory_space<hbm>> -> memref<1000x32xf32, #tpu.memory_space<hbm>>
      tpu.enqueue_indirect_dma source(%dma_start3A_1307 : memref<1000x32xf32, #tpu.memory_space<hbm>>) target(%dma_start3A_1302 : memref<64x32xf32, #tpu.memory_space<vmem>>) offsets(%dma_start3A_1304 : memref<64xi32, #tpu.memory_space<vmem>>) semaphore(%arg24 : memref<!tpu.dma_semaphore, #tpu.memory_space<semaphore_mem>>)
      %dma_start3A_1308 = arith.constant 1664 : i32
      %dma_start3A_1309 = arith.constant 0 : i32
      %dma_start3A_1310 = tpu.memref_slice %arg21[%dma_start3A_1308, %dma_start3A_1309] : memref<1792x32xf32, #tpu.memory_space<vmem>> -> memref<64x32xf32, #tpu.memory_space<vmem>>
      %dma_start3A_1311 = arith.constant 1664 : i32
      %dma_start3A_1312 = tpu.memref_slice %arg19[%dma_start3A_1311] : memref<1792xi32, #tpu.memory_space<vmem>> -> memref<64xi32, #tpu.memory_space<vmem>>
      %dma_start3A_1313 = arith.constant 0 : i32
      %dma_start3A_1314 = arith.constant 0 : i32
      %dma_start3A_1315 = tpu.memref_slice %arg4[%dma_start3A_1313, %dma_start3A_1314] : memref<1000x32xf32, #tpu.memory_space<hbm>> -> memref<1000x32xf32, #tpu.memory_space<hbm>>
      tpu.enqueue_indirect_dma source(%dma_start3A_1315 : memref<1000x32xf32, #tpu.memory_space<hbm>>) target(%dma_start3A_1310 : memref<64x32xf32, #tpu.memory_space<vmem>>) offsets(%dma_start3A_1312 : memref<64xi32, #tpu.memory_space<vmem>>) semaphore(%arg24 : memref<!tpu.dma_semaphore, #tpu.memory_space<semaphore_mem>>)
      %dma_start3A_1316 = arith.constant 1728 : i32
      %dma_start3A_1317 = arith.constant 0 : i32
      %dma_start3A_1318 = tpu.memref_slice %arg21[%dma_start3A_1316, %dma_start3A_1317] : memref<1792x32xf32, #tpu.memory_space<vmem>> -> memref<64x32xf32, #tpu.memory_space<vmem>>
      %dma_start3A_1319 = arith.constant 1728 : i32
      %dma_start3A_1320 = tpu.memref_slice %arg19[%dma_start3A_1319] : memref<1792xi32, #tpu.memory_space<vmem>> -> memref<64xi32, #tpu.memory_space<vmem>>
      %dma_start3A_1321 = arith.constant 0 : i32
      %dma_start3A_1322 = arith.constant 0 : i32
      %dma_start3A_1323 = tpu.memref_slice %arg4[%dma_start3A_1321, %dma_start3A_1322] : memref<1000x32xf32, #tpu.memory_space<hbm>> -> memref<1000x32xf32, #tpu.memory_space<hbm>>
      tpu.enqueue_indirect_dma source(%dma_start3A_1323 : memref<1000x32xf32, #tpu.memory_space<hbm>>) target(%dma_start3A_1318 : memref<64x32xf32, #tpu.memory_space<vmem>>) offsets(%dma_start3A_1320 : memref<64xi32, #tpu.memory_space<vmem>>) semaphore(%arg24 : memref<!tpu.dma_semaphore, #tpu.memory_space<semaphore_mem>>)
      %dma_wait3A_1324 = arith.constant 0 : i32
      %dma_wait3A_1325 = arith.constant 0 : i32
      %dma_wait3A_1326 = arith.constant 0 : i32
      %dma_wait3A_1327 = tpu.memref_slice %arg17[%dma_wait3A_1324, %dma_wait3A_1325, %dma_wait3A_1326] : memref<7x16384x128xf32, #tpu.memory_space<hbm>> -> memref<1x1792x32xf32, #tpu.memory_space<hbm>>
      %dma_wait3A_1328 = tpu.memref_squeeze %dma_wait3A_1327 : memref<1x1792x32xf32, #tpu.memory_space<hbm>> -> memref<1792x32xf32, #tpu.memory_space<hbm>>
      %dma_wait3A_1329 = arith.constant 0 : i32
      %dma_wait3A_1330 = arith.constant 0 : i32
      %dma_wait3A_1331 = tpu.memref_slice %arg17[%dma_wait3A_1324, %dma_wait3A_1329, %dma_wait3A_1330] : memref<7x16384x128xf32, #tpu.memory_space<hbm>> -> memref<1x1792x32xf32, #tpu.memory_space<hbm>>
      %dma_wait3A_1332 = tpu.memref_squeeze %dma_wait3A_1331 : memref<1x1792x32xf32, #tpu.memory_space<hbm>> -> memref<1792x32xf32, #tpu.memory_space<hbm>>
      tpu.wait_dma2 semaphore(%arg24 : memref<!tpu.dma_semaphore, #tpu.memory_space<semaphore_mem>>) src(%dma_wait3A_1332 : memref<1792x32xf32, #tpu.memory_space<hbm>>) dst(%arg21 : memref<1792x32xf32, #tpu.memory_space<vmem>>)
      %mul3A_1333 = arith.constant 8 : i32
      %mul3A_1334 = arith.muli %add3A, %mul3A_1333 : i32
      %add3A_1335 = arith.addi %mul3A_1334, %add3A_29 : i32
      %mul3A_1336 = arith.constant 64 : i32
      %mul3A_1337 = arith.muli %add3A_1335, %mul3A_1336 : i32
      %dma_start3A_1338 = arith.constant 0 : i32
      %dma_start3A_1339 = arith.constant 0 : i32
      %dma_start3A_1340 = arith.constant 0 : i32
      %dma_start3A_1341 = tpu.memref_slice %arg21[%dma_start3A_1339, %dma_start3A_1340] : memref<1792x32xf32, #tpu.memory_space<vmem>> -> memref<64x32xf32, #tpu.memory_space<vmem>>
      %dma_start3A_1342 = arith.constant 0 : i32
      %dma_start3A_1343 = tpu.memref_slice %arg17[%dma_start3A_1338, %mul3A_1337, %dma_start3A_1342] : memref<7x16384x128xf32, #tpu.memory_space<hbm>> -> memref<1x64x32xf32, #tpu.memory_space<hbm>>
      %dma_start3A_1344 = tpu.memref_squeeze %dma_start3A_1343 : memref<1x64x32xf32, #tpu.memory_space<hbm>> -> memref<64x32xf32, #tpu.memory_space<hbm>>
      %dma_start3A_1345 = arith.constant 0 : i32
      %dma_start3A_1346 = tpu.memref_slice %arg17[%dma_start3A_1338, %mul3A_1337, %dma_start3A_1345] : memref<7x16384x128xf32, #tpu.memory_space<hbm>> -> memref<1x64x32xf32, #tpu.memory_space<hbm>>
      %dma_start3A_1347 = tpu.memref_squeeze %dma_start3A_1346 : memref<1x64x32xf32, #tpu.memory_space<hbm>> -> memref<64x32xf32, #tpu.memory_space<hbm>>
      %dma_start3A_1348 = arith.constant 0 : i32
      %dma_start3A_1349 = arith.constant 0 : i32
      %dma_start3A_1350 = tpu.memref_slice %arg21[%dma_start3A_1348, %dma_start3A_1349] : memref<1792x32xf32, #tpu.memory_space<vmem>> -> memref<64x32xf32, #tpu.memory_space<vmem>>
      tpu.enqueue_dma source(%dma_start3A_1350 : memref<64x32xf32, #tpu.memory_space<vmem>>) target(%dma_start3A_1347 : memref<64x32xf32, #tpu.memory_space<hbm>>) target_semaphore(%arg26 : memref<!tpu.dma_semaphore, #tpu.memory_space<semaphore_mem>>)
      %dma_start3A_1351 = arith.constant 0 : i32
      %dma_start3A_1352 = arith.constant 64 : i32
      %dma_start3A_1353 = arith.constant 0 : i32
      %dma_start3A_1354 = tpu.memref_slice %arg21[%dma_start3A_1352, %dma_start3A_1353] : memref<1792x32xf32, #tpu.memory_space<vmem>> -> memref<64x32xf32, #tpu.memory_space<vmem>>
      %dma_start3A_1355 = arith.constant 32 : i32
      %dma_start3A_1356 = tpu.memref_slice %arg17[%dma_start3A_1351, %mul3A_1337, %dma_start3A_1355] : memref<7x16384x128xf32, #tpu.memory_space<hbm>> -> memref<1x64x32xf32, #tpu.memory_space<hbm>>
      %dma_start3A_1357 = tpu.memref_squeeze %dma_start3A_1356 : memref<1x64x32xf32, #tpu.memory_space<hbm>> -> memref<64x32xf32, #tpu.memory_space<hbm>>
      %dma_start3A_1358 = arith.constant 32 : i32
      %dma_start3A_1359 = tpu.memref_slice %arg17[%dma_start3A_1351, %mul3A_1337, %dma_start3A_1358] : memref<7x16384x128xf32, #tpu.memory_space<hbm>> -> memref<1x64x32xf32, #tpu.memory_space<hbm>>
      %dma_start3A_1360 = tpu.memref_squeeze %dma_start3A_1359 : memref<1x64x32xf32, #tpu.memory_space<hbm>> -> memref<64x32xf32, #tpu.memory_space<hbm>>
      %dma_start3A_1361 = arith.constant 64 : i32
      %dma_start3A_1362 = arith.constant 0 : i32
      %dma_start3A_1363 = tpu.memref_slice %arg21[%dma_start3A_1361, %dma_start3A_1362] : memref<1792x32xf32, #tpu.memory_space<vmem>> -> memref<64x32xf32, #tpu.memory_space<vmem>>
      tpu.enqueue_dma source(%dma_start3A_1363 : memref<64x32xf32, #tpu.memory_space<vmem>>) target(%dma_start3A_1360 : memref<64x32xf32, #tpu.memory_space<hbm>>) target_semaphore(%arg26 : memref<!tpu.dma_semaphore, #tpu.memory_space<semaphore_mem>>)
      %dma_start3A_1364 = arith.constant 0 : i32
      %dma_start3A_1365 = arith.constant 128 : i32
      %dma_start3A_1366 = arith.constant 0 : i32
      %dma_start3A_1367 = tpu.memref_slice %arg21[%dma_start3A_1365, %dma_start3A_1366] : memref<1792x32xf32, #tpu.memory_space<vmem>> -> memref<64x32xf32, #tpu.memory_space<vmem>>
      %dma_start3A_1368 = arith.constant 64 : i32
      %dma_start3A_1369 = tpu.memref_slice %arg17[%dma_start3A_1364, %mul3A_1337, %dma_start3A_1368] : memref<7x16384x128xf32, #tpu.memory_space<hbm>> -> memref<1x64x32xf32, #tpu.memory_space<hbm>>
      %dma_start3A_1370 = tpu.memref_squeeze %dma_start3A_1369 : memref<1x64x32xf32, #tpu.memory_space<hbm>> -> memref<64x32xf32, #tpu.memory_space<hbm>>
      %dma_start3A_1371 = arith.constant 64 : i32
      %dma_start3A_1372 = tpu.memref_slice %arg17[%dma_start3A_1364, %mul3A_1337, %dma_start3A_1371] : memref<7x16384x128xf32, #tpu.memory_space<hbm>> -> memref<1x64x32xf32, #tpu.memory_space<hbm>>
      %dma_start3A_1373 = tpu.memref_squeeze %dma_start3A_1372 : memref<1x64x32xf32, #tpu.memory_space<hbm>> -> memref<64x32xf32, #tpu.memory_space<hbm>>
      %dma_start3A_1374 = arith.constant 128 : i32
      %dma_start3A_1375 = arith.constant 0 : i32
      %dma_start3A_1376 = tpu.memref_slice %arg21[%dma_start3A_1374, %dma_start3A_1375] : memref<1792x32xf32, #tpu.memory_space<vmem>> -> memref<64x32xf32, #tpu.memory_space<vmem>>
      tpu.enqueue_dma source(%dma_start3A_1376 : memref<64x32xf32, #tpu.memory_space<vmem>>) target(%dma_start3A_1373 : memref<64x32xf32, #tpu.memory_space<hbm>>) target_semaphore(%arg26 : memref<!tpu.dma_semaphore, #tpu.memory_space<semaphore_mem>>)
      %dma_start3A_1377 = arith.constant 0 : i32
      %dma_start3A_1378 = arith.constant 192 : i32
      %dma_start3A_1379 = arith.constant 0 : i32
      %dma_start3A_1380 = tpu.memref_slice %arg21[%dma_start3A_1378, %dma_start3A_1379] : memref<1792x32xf32, #tpu.memory_space<vmem>> -> memref<64x32xf32, #tpu.memory_space<vmem>>
      %dma_start3A_1381 = arith.constant 96 : i32
      %dma_start3A_1382 = tpu.memref_slice %arg17[%dma_start3A_1377, %mul3A_1337, %dma_start3A_1381] : memref<7x16384x128xf32, #tpu.memory_space<hbm>> -> memref<1x64x32xf32, #tpu.memory_space<hbm>>
      %dma_start3A_1383 = tpu.memref_squeeze %dma_start3A_1382 : memref<1x64x32xf32, #tpu.memory_space<hbm>> -> memref<64x32xf32, #tpu.memory_space<hbm>>
      %dma_start3A_1384 = arith.constant 96 : i32
      %dma_start3A_1385 = tpu.memref_slice %arg17[%dma_start3A_1377, %mul3A_1337, %dma_start3A_1384] : memref<7x16384x128xf32, #tpu.memory_space<hbm>> -> memref<1x64x32xf32, #tpu.memory_space<hbm>>
      %dma_start3A_1386 = tpu.memref_squeeze %dma_start3A_1385 : memref<1x64x32xf32, #tpu.memory_space<hbm>> -> memref<64x32xf32, #tpu.memory_space<hbm>>
      %dma_start3A_1387 = arith.constant 192 : i32
      %dma_start3A_1388 = arith.constant 0 : i32
      %dma_start3A_1389 = tpu.memref_slice %arg21[%dma_start3A_1387, %dma_start3A_1388] : memref<1792x32xf32, #tpu.memory_space<vmem>> -> memref<64x32xf32, #tpu.memory_space<vmem>>
      tpu.enqueue_dma source(%dma_start3A_1389 : memref<64x32xf32, #tpu.memory_space<vmem>>) target(%dma_start3A_1386 : memref<64x32xf32, #tpu.memory_space<hbm>>) target_semaphore(%arg26 : memref<!tpu.dma_semaphore, #tpu.memory_space<semaphore_mem>>)
      %dma_start3A_1390 = arith.constant 1 : i32
      %dma_start3A_1391 = arith.constant 256 : i32
      %dma_start3A_1392 = arith.constant 0 : i32
      %dma_start3A_1393 = tpu.memref_slice %arg21[%dma_start3A_1391, %dma_start3A_1392] : memref<1792x32xf32, #tpu.memory_space<vmem>> -> memref<64x32xf32, #tpu.memory_space<vmem>>
      %dma_start3A_1394 = arith.constant 0 : i32
      %dma_start3A_1395 = tpu.memref_slice %arg17[%dma_start3A_1390, %mul3A_1337, %dma_start3A_1394] : memref<7x16384x128xf32, #tpu.memory_space<hbm>> -> memref<1x64x32xf32, #tpu.memory_space<hbm>>
      %dma_start3A_1396 = tpu.memref_squeeze %dma_start3A_1395 : memref<1x64x32xf32, #tpu.memory_space<hbm>> -> memref<64x32xf32, #tpu.memory_space<hbm>>
      %dma_start3A_1397 = arith.constant 0 : i32
      %dma_start3A_1398 = tpu.memref_slice %arg17[%dma_start3A_1390, %mul3A_1337, %dma_start3A_1397] : memref<7x16384x128xf32, #tpu.memory_space<hbm>> -> memref<1x64x32xf32, #tpu.memory_space<hbm>>
      %dma_start3A_1399 = tpu.memref_squeeze %dma_start3A_1398 : memref<1x64x32xf32, #tpu.memory_space<hbm>> -> memref<64x32xf32, #tpu.memory_space<hbm>>
      %dma_start3A_1400 = arith.constant 256 : i32
      %dma_start3A_1401 = arith.constant 0 : i32
      %dma_start3A_1402 = tpu.memref_slice %arg21[%dma_start3A_1400, %dma_start3A_1401] : memref<1792x32xf32, #tpu.memory_space<vmem>> -> memref<64x32xf32, #tpu.memory_space<vmem>>
      tpu.enqueue_dma source(%dma_start3A_1402 : memref<64x32xf32, #tpu.memory_space<vmem>>) target(%dma_start3A_1399 : memref<64x32xf32, #tpu.memory_space<hbm>>) target_semaphore(%arg26 : memref<!tpu.dma_semaphore, #tpu.memory_space<semaphore_mem>>)
      %dma_start3A_1403 = arith.constant 1 : i32
      %dma_start3A_1404 = arith.constant 320 : i32
      %dma_start3A_1405 = arith.constant 0 : i32
      %dma_start3A_1406 = tpu.memref_slice %arg21[%dma_start3A_1404, %dma_start3A_1405] : memref<1792x32xf32, #tpu.memory_space<vmem>> -> memref<64x32xf32, #tpu.memory_space<vmem>>
      %dma_start3A_1407 = arith.constant 32 : i32
      %dma_start3A_1408 = tpu.memref_slice %arg17[%dma_start3A_1403, %mul3A_1337, %dma_start3A_1407] : memref<7x16384x128xf32, #tpu.memory_space<hbm>> -> memref<1x64x32xf32, #tpu.memory_space<hbm>>
      %dma_start3A_1409 = tpu.memref_squeeze %dma_start3A_1408 : memref<1x64x32xf32, #tpu.memory_space<hbm>> -> memref<64x32xf32, #tpu.memory_space<hbm>>
      %dma_start3A_1410 = arith.constant 32 : i32
      %dma_start3A_1411 = tpu.memref_slice %arg17[%dma_start3A_1403, %mul3A_1337, %dma_start3A_1410] : memref<7x16384x128xf32, #tpu.memory_space<hbm>> -> memref<1x64x32xf32, #tpu.memory_space<hbm>>
      %dma_start3A_1412 = tpu.memref_squeeze %dma_start3A_1411 : memref<1x64x32xf32, #tpu.memory_space<hbm>> -> memref<64x32xf32, #tpu.memory_space<hbm>>
      %dma_start3A_1413 = arith.constant 320 : i32
      %dma_start3A_1414 = arith.constant 0 : i32
      %dma_start3A_1415 = tpu.memref_slice %arg21[%dma_start3A_1413, %dma_start3A_1414] : memref<1792x32xf32, #tpu.memory_space<vmem>> -> memref<64x32xf32, #tpu.memory_space<vmem>>
      tpu.enqueue_dma source(%dma_start3A_1415 : memref<64x32xf32, #tpu.memory_space<vmem>>) target(%dma_start3A_1412 : memref<64x32xf32, #tpu.memory_space<hbm>>) target_semaphore(%arg26 : memref<!tpu.dma_semaphore, #tpu.memory_space<semaphore_mem>>)
      %dma_start3A_1416 = arith.constant 1 : i32
      %dma_start3A_1417 = arith.constant 384 : i32
      %dma_start3A_1418 = arith.constant 0 : i32
      %dma_start3A_1419 = tpu.memref_slice %arg21[%dma_start3A_1417, %dma_start3A_1418] : memref<1792x32xf32, #tpu.memory_space<vmem>> -> memref<64x32xf32, #tpu.memory_space<vmem>>
      %dma_start3A_1420 = arith.constant 64 : i32
      %dma_start3A_1421 = tpu.memref_slice %arg17[%dma_start3A_1416, %mul3A_1337, %dma_start3A_1420] : memref<7x16384x128xf32, #tpu.memory_space<hbm>> -> memref<1x64x32xf32, #tpu.memory_space<hbm>>
      %dma_start3A_1422 = tpu.memref_squeeze %dma_start3A_1421 : memref<1x64x32xf32, #tpu.memory_space<hbm>> -> memref<64x32xf32, #tpu.memory_space<hbm>>
      %dma_start3A_1423 = arith.constant 64 : i32
      %dma_start3A_1424 = tpu.memref_slice %arg17[%dma_start3A_1416, %mul3A_1337, %dma_start3A_1423] : memref<7x16384x128xf32, #tpu.memory_space<hbm>> -> memref<1x64x32xf32, #tpu.memory_space<hbm>>
      %dma_start3A_1425 = tpu.memref_squeeze %dma_start3A_1424 : memref<1x64x32xf32, #tpu.memory_space<hbm>> -> memref<64x32xf32, #tpu.memory_space<hbm>>
      %dma_start3A_1426 = arith.constant 384 : i32
      %dma_start3A_1427 = arith.constant 0 : i32
      %dma_start3A_1428 = tpu.memref_slice %arg21[%dma_start3A_1426, %dma_start3A_1427] : memref<1792x32xf32, #tpu.memory_space<vmem>> -> memref<64x32xf32, #tpu.memory_space<vmem>>
      tpu.enqueue_dma source(%dma_start3A_1428 : memref<64x32xf32, #tpu.memory_space<vmem>>) target(%dma_start3A_1425 : memref<64x32xf32, #tpu.memory_space<hbm>>) target_semaphore(%arg26 : memref<!tpu.dma_semaphore, #tpu.memory_space<semaphore_mem>>)
      %dma_start3A_1429 = arith.constant 1 : i32
      %dma_start3A_1430 = arith.constant 448 : i32
      %dma_start3A_1431 = arith.constant 0 : i32
      %dma_start3A_1432 = tpu.memref_slice %arg21[%dma_start3A_1430, %dma_start3A_1431] : memref<1792x32xf32, #tpu.memory_space<vmem>> -> memref<64x32xf32, #tpu.memory_space<vmem>>
      %dma_start3A_1433 = arith.constant 96 : i32
      %dma_start3A_1434 = tpu.memref_slice %arg17[%dma_start3A_1429, %mul3A_1337, %dma_start3A_1433] : memref<7x16384x128xf32, #tpu.memory_space<hbm>> -> memref<1x64x32xf32, #tpu.memory_space<hbm>>
      %dma_start3A_1435 = tpu.memref_squeeze %dma_start3A_1434 : memref<1x64x32xf32, #tpu.memory_space<hbm>> -> memref<64x32xf32, #tpu.memory_space<hbm>>
      %dma_start3A_1436 = arith.constant 96 : i32
      %dma_start3A_1437 = tpu.memref_slice %arg17[%dma_start3A_1429, %mul3A_1337, %dma_start3A_1436] : memref<7x16384x128xf32, #tpu.memory_space<hbm>> -> memref<1x64x32xf32, #tpu.memory_space<hbm>>
      %dma_start3A_1438 = tpu.memref_squeeze %dma_start3A_1437 : memref<1x64x32xf32, #tpu.memory_space<hbm>> -> memref<64x32xf32, #tpu.memory_space<hbm>>
      %dma_start3A_1439 = arith.constant 448 : i32
      %dma_start3A_1440 = arith.constant 0 : i32
      %dma_start3A_1441 = tpu.memref_slice %arg21[%dma_start3A_1439, %dma_start3A_1440] : memref<1792x32xf32, #tpu.memory_space<vmem>> -> memref<64x32xf32, #tpu.memory_space<vmem>>
      tpu.enqueue_dma source(%dma_start3A_1441 : memref<64x32xf32, #tpu.memory_space<vmem>>) target(%dma_start3A_1438 : memref<64x32xf32, #tpu.memory_space<hbm>>) target_semaphore(%arg26 : memref<!tpu.dma_semaphore, #tpu.memory_space<semaphore_mem>>)
      %dma_start3A_1442 = arith.constant 2 : i32
      %dma_start3A_1443 = arith.constant 512 : i32
      %dma_start3A_1444 = arith.constant 0 : i32
      %dma_start3A_1445 = tpu.memref_slice %arg21[%dma_start3A_1443, %dma_start3A_1444] : memref<1792x32xf32, #tpu.memory_space<vmem>> -> memref<64x32xf32, #tpu.memory_space<vmem>>
      %dma_start3A_1446 = arith.constant 0 : i32
      %dma_start3A_1447 = tpu.memref_slice %arg17[%dma_start3A_1442, %mul3A_1337, %dma_start3A_1446] : memref<7x16384x128xf32, #tpu.memory_space<hbm>> -> memref<1x64x32xf32, #tpu.memory_space<hbm>>
      %dma_start3A_1448 = tpu.memref_squeeze %dma_start3A_1447 : memref<1x64x32xf32, #tpu.memory_space<hbm>> -> memref<64x32xf32, #tpu.memory_space<hbm>>
      %dma_start3A_1449 = arith.constant 0 : i32
      %dma_start3A_1450 = tpu.memref_slice %arg17[%dma_start3A_1442, %mul3A_1337, %dma_start3A_1449] : memref<7x16384x128xf32, #tpu.memory_space<hbm>> -> memref<1x64x32xf32, #tpu.memory_space<hbm>>
      %dma_start3A_1451 = tpu.memref_squeeze %dma_start3A_1450 : memref<1x64x32xf32, #tpu.memory_space<hbm>> -> memref<64x32xf32, #tpu.memory_space<hbm>>
      %dma_start3A_1452 = arith.constant 512 : i32
      %dma_start3A_1453 = arith.constant 0 : i32
      %dma_start3A_1454 = tpu.memref_slice %arg21[%dma_start3A_1452, %dma_start3A_1453] : memref<1792x32xf32, #tpu.memory_space<vmem>> -> memref<64x32xf32, #tpu.memory_space<vmem>>
      tpu.enqueue_dma source(%dma_start3A_1454 : memref<64x32xf32, #tpu.memory_space<vmem>>) target(%dma_start3A_1451 : memref<64x32xf32, #tpu.memory_space<hbm>>) target_semaphore(%arg26 : memref<!tpu.dma_semaphore, #tpu.memory_space<semaphore_mem>>)
      %dma_start3A_1455 = arith.constant 2 : i32
      %dma_start3A_1456 = arith.constant 576 : i32
      %dma_start3A_1457 = arith.constant 0 : i32
      %dma_start3A_1458 = tpu.memref_slice %arg21[%dma_start3A_1456, %dma_start3A_1457] : memref<1792x32xf32, #tpu.memory_space<vmem>> -> memref<64x32xf32, #tpu.memory_space<vmem>>
      %dma_start3A_1459 = arith.constant 32 : i32
      %dma_start3A_1460 = tpu.memref_slice %arg17[%dma_start3A_1455, %mul3A_1337, %dma_start3A_1459] : memref<7x16384x128xf32, #tpu.memory_space<hbm>> -> memref<1x64x32xf32, #tpu.memory_space<hbm>>
      %dma_start3A_1461 = tpu.memref_squeeze %dma_start3A_1460 : memref<1x64x32xf32, #tpu.memory_space<hbm>> -> memref<64x32xf32, #tpu.memory_space<hbm>>
      %dma_start3A_1462 = arith.constant 32 : i32
      %dma_start3A_1463 = tpu.memref_slice %arg17[%dma_start3A_1455, %mul3A_1337, %dma_start3A_1462] : memref<7x16384x128xf32, #tpu.memory_space<hbm>> -> memref<1x64x32xf32, #tpu.memory_space<hbm>>
      %dma_start3A_1464 = tpu.memref_squeeze %dma_start3A_1463 : memref<1x64x32xf32, #tpu.memory_space<hbm>> -> memref<64x32xf32, #tpu.memory_space<hbm>>
      %dma_start3A_1465 = arith.constant 576 : i32
      %dma_start3A_1466 = arith.constant 0 : i32
      %dma_start3A_1467 = tpu.memref_slice %arg21[%dma_start3A_1465, %dma_start3A_1466] : memref<1792x32xf32, #tpu.memory_space<vmem>> -> memref<64x32xf32, #tpu.memory_space<vmem>>
      tpu.enqueue_dma source(%dma_start3A_1467 : memref<64x32xf32, #tpu.memory_space<vmem>>) target(%dma_start3A_1464 : memref<64x32xf32, #tpu.memory_space<hbm>>) target_semaphore(%arg26 : memref<!tpu.dma_semaphore, #tpu.memory_space<semaphore_mem>>)
      %dma_start3A_1468 = arith.constant 2 : i32
      %dma_start3A_1469 = arith.constant 640 : i32
      %dma_start3A_1470 = arith.constant 0 : i32
      %dma_start3A_1471 = tpu.memref_slice %arg21[%dma_start3A_1469, %dma_start3A_1470] : memref<1792x32xf32, #tpu.memory_space<vmem>> -> memref<64x32xf32, #tpu.memory_space<vmem>>
      %dma_start3A_1472 = arith.constant 64 : i32
      %dma_start3A_1473 = tpu.memref_slice %arg17[%dma_start3A_1468, %mul3A_1337, %dma_start3A_1472] : memref<7x16384x128xf32, #tpu.memory_space<hbm>> -> memref<1x64x32xf32, #tpu.memory_space<hbm>>
      %dma_start3A_1474 = tpu.memref_squeeze %dma_start3A_1473 : memref<1x64x32xf32, #tpu.memory_space<hbm>> -> memref<64x32xf32, #tpu.memory_space<hbm>>
      %dma_start3A_1475 = arith.constant 64 : i32
      %dma_start3A_1476 = tpu.memref_slice %arg17[%dma_start3A_1468, %mul3A_1337, %dma_start3A_1475] : memref<7x16384x128xf32, #tpu.memory_space<hbm>> -> memref<1x64x32xf32, #tpu.memory_space<hbm>>
      %dma_start3A_1477 = tpu.memref_squeeze %dma_start3A_1476 : memref<1x64x32xf32, #tpu.memory_space<hbm>> -> memref<64x32xf32, #tpu.memory_space<hbm>>
      %dma_start3A_1478 = arith.constant 640 : i32
      %dma_start3A_1479 = arith.constant 0 : i32
      %dma_start3A_1480 = tpu.memref_slice %arg21[%dma_start3A_1478, %dma_start3A_1479] : memref<1792x32xf32, #tpu.memory_space<vmem>> -> memref<64x32xf32, #tpu.memory_space<vmem>>
      tpu.enqueue_dma source(%dma_start3A_1480 : memref<64x32xf32, #tpu.memory_space<vmem>>) target(%dma_start3A_1477 : memref<64x32xf32, #tpu.memory_space<hbm>>) target_semaphore(%arg26 : memref<!tpu.dma_semaphore, #tpu.memory_space<semaphore_mem>>)
      %dma_start3A_1481 = arith.constant 2 : i32
      %dma_start3A_1482 = arith.constant 704 : i32
      %dma_start3A_1483 = arith.constant 0 : i32
      %dma_start3A_1484 = tpu.memref_slice %arg21[%dma_start3A_1482, %dma_start3A_1483] : memref<1792x32xf32, #tpu.memory_space<vmem>> -> memref<64x32xf32, #tpu.memory_space<vmem>>
      %dma_start3A_1485 = arith.constant 96 : i32
      %dma_start3A_1486 = tpu.memref_slice %arg17[%dma_start3A_1481, %mul3A_1337, %dma_start3A_1485] : memref<7x16384x128xf32, #tpu.memory_space<hbm>> -> memref<1x64x32xf32, #tpu.memory_space<hbm>>
      %dma_start3A_1487 = tpu.memref_squeeze %dma_start3A_1486 : memref<1x64x32xf32, #tpu.memory_space<hbm>> -> memref<64x32xf32, #tpu.memory_space<hbm>>
      %dma_start3A_1488 = arith.constant 96 : i32
      %dma_start3A_1489 = tpu.memref_slice %arg17[%dma_start3A_1481, %mul3A_1337, %dma_start3A_1488] : memref<7x16384x128xf32, #tpu.memory_space<hbm>> -> memref<1x64x32xf32, #tpu.memory_space<hbm>>
      %dma_start3A_1490 = tpu.memref_squeeze %dma_start3A_1489 : memref<1x64x32xf32, #tpu.memory_space<hbm>> -> memref<64x32xf32, #tpu.memory_space<hbm>>
      %dma_start3A_1491 = arith.constant 704 : i32
      %dma_start3A_1492 = arith.constant 0 : i32
      %dma_start3A_1493 = tpu.memref_slice %arg21[%dma_start3A_1491, %dma_start3A_1492] : memref<1792x32xf32, #tpu.memory_space<vmem>> -> memref<64x32xf32, #tpu.memory_space<vmem>>
      tpu.enqueue_dma source(%dma_start3A_1493 : memref<64x32xf32, #tpu.memory_space<vmem>>) target(%dma_start3A_1490 : memref<64x32xf32, #tpu.memory_space<hbm>>) target_semaphore(%arg26 : memref<!tpu.dma_semaphore, #tpu.memory_space<semaphore_mem>>)
      %dma_start3A_1494 = arith.constant 3 : i32
      %dma_start3A_1495 = arith.constant 768 : i32
      %dma_start3A_1496 = arith.constant 0 : i32
      %dma_start3A_1497 = tpu.memref_slice %arg21[%dma_start3A_1495, %dma_start3A_1496] : memref<1792x32xf32, #tpu.memory_space<vmem>> -> memref<64x32xf32, #tpu.memory_space<vmem>>
      %dma_start3A_1498 = arith.constant 0 : i32
      %dma_start3A_1499 = tpu.memref_slice %arg17[%dma_start3A_1494, %mul3A_1337, %dma_start3A_1498] : memref<7x16384x128xf32, #tpu.memory_space<hbm>> -> memref<1x64x32xf32, #tpu.memory_space<hbm>>
      %dma_start3A_1500 = tpu.memref_squeeze %dma_start3A_1499 : memref<1x64x32xf32, #tpu.memory_space<hbm>> -> memref<64x32xf32, #tpu.memory_space<hbm>>
      %dma_start3A_1501 = arith.constant 0 : i32
      %dma_start3A_1502 = tpu.memref_slice %arg17[%dma_start3A_1494, %mul3A_1337, %dma_start3A_1501] : memref<7x16384x128xf32, #tpu.memory_space<hbm>> -> memref<1x64x32xf32, #tpu.memory_space<hbm>>
      %dma_start3A_1503 = tpu.memref_squeeze %dma_start3A_1502 : memref<1x64x32xf32, #tpu.memory_space<hbm>> -> memref<64x32xf32, #tpu.memory_space<hbm>>
      %dma_start3A_1504 = arith.constant 768 : i32
      %dma_start3A_1505 = arith.constant 0 : i32
      %dma_start3A_1506 = tpu.memref_slice %arg21[%dma_start3A_1504, %dma_start3A_1505] : memref<1792x32xf32, #tpu.memory_space<vmem>> -> memref<64x32xf32, #tpu.memory_space<vmem>>
      tpu.enqueue_dma source(%dma_start3A_1506 : memref<64x32xf32, #tpu.memory_space<vmem>>) target(%dma_start3A_1503 : memref<64x32xf32, #tpu.memory_space<hbm>>) target_semaphore(%arg26 : memref<!tpu.dma_semaphore, #tpu.memory_space<semaphore_mem>>)
      %dma_start3A_1507 = arith.constant 3 : i32
      %dma_start3A_1508 = arith.constant 832 : i32
      %dma_start3A_1509 = arith.constant 0 : i32
      %dma_start3A_1510 = tpu.memref_slice %arg21[%dma_start3A_1508, %dma_start3A_1509] : memref<1792x32xf32, #tpu.memory_space<vmem>> -> memref<64x32xf32, #tpu.memory_space<vmem>>
      %dma_start3A_1511 = arith.constant 32 : i32
      %dma_start3A_1512 = tpu.memref_slice %arg17[%dma_start3A_1507, %mul3A_1337, %dma_start3A_1511] : memref<7x16384x128xf32, #tpu.memory_space<hbm>> -> memref<1x64x32xf32, #tpu.memory_space<hbm>>
      %dma_start3A_1513 = tpu.memref_squeeze %dma_start3A_1512 : memref<1x64x32xf32, #tpu.memory_space<hbm>> -> memref<64x32xf32, #tpu.memory_space<hbm>>
      %dma_start3A_1514 = arith.constant 32 : i32
      %dma_start3A_1515 = tpu.memref_slice %arg17[%dma_start3A_1507, %mul3A_1337, %dma_start3A_1514] : memref<7x16384x128xf32, #tpu.memory_space<hbm>> -> memref<1x64x32xf32, #tpu.memory_space<hbm>>
      %dma_start3A_1516 = tpu.memref_squeeze %dma_start3A_1515 : memref<1x64x32xf32, #tpu.memory_space<hbm>> -> memref<64x32xf32, #tpu.memory_space<hbm>>
      %dma_start3A_1517 = arith.constant 832 : i32
      %dma_start3A_1518 = arith.constant 0 : i32
      %dma_start3A_1519 = tpu.memref_slice %arg21[%dma_start3A_1517, %dma_start3A_1518] : memref<1792x32xf32, #tpu.memory_space<vmem>> -> memref<64x32xf32, #tpu.memory_space<vmem>>
      tpu.enqueue_dma source(%dma_start3A_1519 : memref<64x32xf32, #tpu.memory_space<vmem>>) target(%dma_start3A_1516 : memref<64x32xf32, #tpu.memory_space<hbm>>) target_semaphore(%arg26 : memref<!tpu.dma_semaphore, #tpu.memory_space<semaphore_mem>>)
      %dma_start3A_1520 = arith.constant 3 : i32
      %dma_start3A_1521 = arith.constant 896 : i32
      %dma_start3A_1522 = arith.constant 0 : i32
      %dma_start3A_1523 = tpu.memref_slice %arg21[%dma_start3A_1521, %dma_start3A_1522] : memref<1792x32xf32, #tpu.memory_space<vmem>> -> memref<64x32xf32, #tpu.memory_space<vmem>>
      %dma_start3A_1524 = arith.constant 64 : i32
      %dma_start3A_1525 = tpu.memref_slice %arg17[%dma_start3A_1520, %mul3A_1337, %dma_start3A_1524] : memref<7x16384x128xf32, #tpu.memory_space<hbm>> -> memref<1x64x32xf32, #tpu.memory_space<hbm>>
      %dma_start3A_1526 = tpu.memref_squeeze %dma_start3A_1525 : memref<1x64x32xf32, #tpu.memory_space<hbm>> -> memref<64x32xf32, #tpu.memory_space<hbm>>
      %dma_start3A_1527 = arith.constant 64 : i32
      %dma_start3A_1528 = tpu.memref_slice %arg17[%dma_start3A_1520, %mul3A_1337, %dma_start3A_1527] : memref<7x16384x128xf32, #tpu.memory_space<hbm>> -> memref<1x64x32xf32, #tpu.memory_space<hbm>>
      %dma_start3A_1529 = tpu.memref_squeeze %dma_start3A_1528 : memref<1x64x32xf32, #tpu.memory_space<hbm>> -> memref<64x32xf32, #tpu.memory_space<hbm>>
      %dma_start3A_1530 = arith.constant 896 : i32
      %dma_start3A_1531 = arith.constant 0 : i32
      %dma_start3A_1532 = tpu.memref_slice %arg21[%dma_start3A_1530, %dma_start3A_1531] : memref<1792x32xf32, #tpu.memory_space<vmem>> -> memref<64x32xf32, #tpu.memory_space<vmem>>
      tpu.enqueue_dma source(%dma_start3A_1532 : memref<64x32xf32, #tpu.memory_space<vmem>>) target(%dma_start3A_1529 : memref<64x32xf32, #tpu.memory_space<hbm>>) target_semaphore(%arg26 : memref<!tpu.dma_semaphore, #tpu.memory_space<semaphore_mem>>)
      %dma_start3A_1533 = arith.constant 3 : i32
      %dma_start3A_1534 = arith.constant 960 : i32
      %dma_start3A_1535 = arith.constant 0 : i32
      %dma_start3A_1536 = tpu.memref_slice %arg21[%dma_start3A_1534, %dma_start3A_1535] : memref<1792x32xf32, #tpu.memory_space<vmem>> -> memref<64x32xf32, #tpu.memory_space<vmem>>
      %dma_start3A_1537 = arith.constant 96 : i32
      %dma_start3A_1538 = tpu.memref_slice %arg17[%dma_start3A_1533, %mul3A_1337, %dma_start3A_1537] : memref<7x16384x128xf32, #tpu.memory_space<hbm>> -> memref<1x64x32xf32, #tpu.memory_space<hbm>>
      %dma_start3A_1539 = tpu.memref_squeeze %dma_start3A_1538 : memref<1x64x32xf32, #tpu.memory_space<hbm>> -> memref<64x32xf32, #tpu.memory_space<hbm>>
      %dma_start3A_1540 = arith.constant 96 : i32
      %dma_start3A_1541 = tpu.memref_slice %arg17[%dma_start3A_1533, %mul3A_1337, %dma_start3A_1540] : memref<7x16384x128xf32, #tpu.memory_space<hbm>> -> memref<1x64x32xf32, #tpu.memory_space<hbm>>
      %dma_start3A_1542 = tpu.memref_squeeze %dma_start3A_1541 : memref<1x64x32xf32, #tpu.memory_space<hbm>> -> memref<64x32xf32, #tpu.memory_space<hbm>>
      %dma_start3A_1543 = arith.constant 960 : i32
      %dma_start3A_1544 = arith.constant 0 : i32
      %dma_start3A_1545 = tpu.memref_slice %arg21[%dma_start3A_1543, %dma_start3A_1544] : memref<1792x32xf32, #tpu.memory_space<vmem>> -> memref<64x32xf32, #tpu.memory_space<vmem>>
      tpu.enqueue_dma source(%dma_start3A_1545 : memref<64x32xf32, #tpu.memory_space<vmem>>) target(%dma_start3A_1542 : memref<64x32xf32, #tpu.memory_space<hbm>>) target_semaphore(%arg26 : memref<!tpu.dma_semaphore, #tpu.memory_space<semaphore_mem>>)
      %dma_start3A_1546 = arith.constant 4 : i32
      %dma_start3A_1547 = arith.constant 1024 : i32
      %dma_start3A_1548 = arith.constant 0 : i32
      %dma_start3A_1549 = tpu.memref_slice %arg21[%dma_start3A_1547, %dma_start3A_1548] : memref<1792x32xf32, #tpu.memory_space<vmem>> -> memref<64x32xf32, #tpu.memory_space<vmem>>
      %dma_start3A_1550 = arith.constant 0 : i32
      %dma_start3A_1551 = tpu.memref_slice %arg17[%dma_start3A_1546, %mul3A_1337, %dma_start3A_1550] : memref<7x16384x128xf32, #tpu.memory_space<hbm>> -> memref<1x64x32xf32, #tpu.memory_space<hbm>>
      %dma_start3A_1552 = tpu.memref_squeeze %dma_start3A_1551 : memref<1x64x32xf32, #tpu.memory_space<hbm>> -> memref<64x32xf32, #tpu.memory_space<hbm>>
      %dma_start3A_1553 = arith.constant 0 : i32
      %dma_start3A_1554 = tpu.memref_slice %arg17[%dma_start3A_1546, %mul3A_1337, %dma_start3A_1553] : memref<7x16384x128xf32, #tpu.memory_space<hbm>> -> memref<1x64x32xf32, #tpu.memory_space<hbm>>
      %dma_start3A_1555 = tpu.memref_squeeze %dma_start3A_1554 : memref<1x64x32xf32, #tpu.memory_space<hbm>> -> memref<64x32xf32, #tpu.memory_space<hbm>>
      %dma_start3A_1556 = arith.constant 1024 : i32
      %dma_start3A_1557 = arith.constant 0 : i32
      %dma_start3A_1558 = tpu.memref_slice %arg21[%dma_start3A_1556, %dma_start3A_1557] : memref<1792x32xf32, #tpu.memory_space<vmem>> -> memref<64x32xf32, #tpu.memory_space<vmem>>
      tpu.enqueue_dma source(%dma_start3A_1558 : memref<64x32xf32, #tpu.memory_space<vmem>>) target(%dma_start3A_1555 : memref<64x32xf32, #tpu.memory_space<hbm>>) target_semaphore(%arg26 : memref<!tpu.dma_semaphore, #tpu.memory_space<semaphore_mem>>)
      %dma_start3A_1559 = arith.constant 4 : i32
      %dma_start3A_1560 = arith.constant 1088 : i32
      %dma_start3A_1561 = arith.constant 0 : i32
      %dma_start3A_1562 = tpu.memref_slice %arg21[%dma_start3A_1560, %dma_start3A_1561] : memref<1792x32xf32, #tpu.memory_space<vmem>> -> memref<64x32xf32, #tpu.memory_space<vmem>>
      %dma_start3A_1563 = arith.constant 32 : i32
      %dma_start3A_1564 = tpu.memref_slice %arg17[%dma_start3A_1559, %mul3A_1337, %dma_start3A_1563] : memref<7x16384x128xf32, #tpu.memory_space<hbm>> -> memref<1x64x32xf32, #tpu.memory_space<hbm>>
      %dma_start3A_1565 = tpu.memref_squeeze %dma_start3A_1564 : memref<1x64x32xf32, #tpu.memory_space<hbm>> -> memref<64x32xf32, #tpu.memory_space<hbm>>
      %dma_start3A_1566 = arith.constant 32 : i32
      %dma_start3A_1567 = tpu.memref_slice %arg17[%dma_start3A_1559, %mul3A_1337, %dma_start3A_1566] : memref<7x16384x128xf32, #tpu.memory_space<hbm>> -> memref<1x64x32xf32, #tpu.memory_space<hbm>>
      %dma_start3A_1568 = tpu.memref_squeeze %dma_start3A_1567 : memref<1x64x32xf32, #tpu.memory_space<hbm>> -> memref<64x32xf32, #tpu.memory_space<hbm>>
      %dma_start3A_1569 = arith.constant 1088 : i32
      %dma_start3A_1570 = arith.constant 0 : i32
      %dma_start3A_1571 = tpu.memref_slice %arg21[%dma_start3A_1569, %dma_start3A_1570] : memref<1792x32xf32, #tpu.memory_space<vmem>> -> memref<64x32xf32, #tpu.memory_space<vmem>>
      tpu.enqueue_dma source(%dma_start3A_1571 : memref<64x32xf32, #tpu.memory_space<vmem>>) target(%dma_start3A_1568 : memref<64x32xf32, #tpu.memory_space<hbm>>) target_semaphore(%arg26 : memref<!tpu.dma_semaphore, #tpu.memory_space<semaphore_mem>>)
      %dma_start3A_1572 = arith.constant 4 : i32
      %dma_start3A_1573 = arith.constant 1152 : i32
      %dma_start3A_1574 = arith.constant 0 : i32
      %dma_start3A_1575 = tpu.memref_slice %arg21[%dma_start3A_1573, %dma_start3A_1574] : memref<1792x32xf32, #tpu.memory_space<vmem>> -> memref<64x32xf32, #tpu.memory_space<vmem>>
      %dma_start3A_1576 = arith.constant 64 : i32
      %dma_start3A_1577 = tpu.memref_slice %arg17[%dma_start3A_1572, %mul3A_1337, %dma_start3A_1576] : memref<7x16384x128xf32, #tpu.memory_space<hbm>> -> memref<1x64x32xf32, #tpu.memory_space<hbm>>
      %dma_start3A_1578 = tpu.memref_squeeze %dma_start3A_1577 : memref<1x64x32xf32, #tpu.memory_space<hbm>> -> memref<64x32xf32, #tpu.memory_space<hbm>>
      %dma_start3A_1579 = arith.constant 64 : i32
      %dma_start3A_1580 = tpu.memref_slice %arg17[%dma_start3A_1572, %mul3A_1337, %dma_start3A_1579] : memref<7x16384x128xf32, #tpu.memory_space<hbm>> -> memref<1x64x32xf32, #tpu.memory_space<hbm>>
      %dma_start3A_1581 = tpu.memref_squeeze %dma_start3A_1580 : memref<1x64x32xf32, #tpu.memory_space<hbm>> -> memref<64x32xf32, #tpu.memory_space<hbm>>
      %dma_start3A_1582 = arith.constant 1152 : i32
      %dma_start3A_1583 = arith.constant 0 : i32
      %dma_start3A_1584 = tpu.memref_slice %arg21[%dma_start3A_1582, %dma_start3A_1583] : memref<1792x32xf32, #tpu.memory_space<vmem>> -> memref<64x32xf32, #tpu.memory_space<vmem>>
      tpu.enqueue_dma source(%dma_start3A_1584 : memref<64x32xf32, #tpu.memory_space<vmem>>) target(%dma_start3A_1581 : memref<64x32xf32, #tpu.memory_space<hbm>>) target_semaphore(%arg26 : memref<!tpu.dma_semaphore, #tpu.memory_space<semaphore_mem>>)
      %dma_start3A_1585 = arith.constant 4 : i32
      %dma_start3A_1586 = arith.constant 1216 : i32
      %dma_start3A_1587 = arith.constant 0 : i32
      %dma_start3A_1588 = tpu.memref_slice %arg21[%dma_start3A_1586, %dma_start3A_1587] : memref<1792x32xf32, #tpu.memory_space<vmem>> -> memref<64x32xf32, #tpu.memory_space<vmem>>
      %dma_start3A_1589 = arith.constant 96 : i32
      %dma_start3A_1590 = tpu.memref_slice %arg17[%dma_start3A_1585, %mul3A_1337, %dma_start3A_1589] : memref<7x16384x128xf32, #tpu.memory_space<hbm>> -> memref<1x64x32xf32, #tpu.memory_space<hbm>>
      %dma_start3A_1591 = tpu.memref_squeeze %dma_start3A_1590 : memref<1x64x32xf32, #tpu.memory_space<hbm>> -> memref<64x32xf32, #tpu.memory_space<hbm>>
      %dma_start3A_1592 = arith.constant 96 : i32
      %dma_start3A_1593 = tpu.memref_slice %arg17[%dma_start3A_1585, %mul3A_1337, %dma_start3A_1592] : memref<7x16384x128xf32, #tpu.memory_space<hbm>> -> memref<1x64x32xf32, #tpu.memory_space<hbm>>
      %dma_start3A_1594 = tpu.memref_squeeze %dma_start3A_1593 : memref<1x64x32xf32, #tpu.memory_space<hbm>> -> memref<64x32xf32, #tpu.memory_space<hbm>>
      %dma_start3A_1595 = arith.constant 1216 : i32
      %dma_start3A_1596 = arith.constant 0 : i32
      %dma_start3A_1597 = tpu.memref_slice %arg21[%dma_start3A_1595, %dma_start3A_1596] : memref<1792x32xf32, #tpu.memory_space<vmem>> -> memref<64x32xf32, #tpu.memory_space<vmem>>
      tpu.enqueue_dma source(%dma_start3A_1597 : memref<64x32xf32, #tpu.memory_space<vmem>>) target(%dma_start3A_1594 : memref<64x32xf32, #tpu.memory_space<hbm>>) target_semaphore(%arg26 : memref<!tpu.dma_semaphore, #tpu.memory_space<semaphore_mem>>)
      %dma_start3A_1598 = arith.constant 5 : i32
      %dma_start3A_1599 = arith.constant 1280 : i32
      %dma_start3A_1600 = arith.constant 0 : i32
      %dma_start3A_1601 = tpu.memref_slice %arg21[%dma_start3A_1599, %dma_start3A_1600] : memref<1792x32xf32, #tpu.memory_space<vmem>> -> memref<64x32xf32, #tpu.memory_space<vmem>>
      %dma_start3A_1602 = arith.constant 0 : i32
      %dma_start3A_1603 = tpu.memref_slice %arg17[%dma_start3A_1598, %mul3A_1337, %dma_start3A_1602] : memref<7x16384x128xf32, #tpu.memory_space<hbm>> -> memref<1x64x32xf32, #tpu.memory_space<hbm>>
      %dma_start3A_1604 = tpu.memref_squeeze %dma_start3A_1603 : memref<1x64x32xf32, #tpu.memory_space<hbm>> -> memref<64x32xf32, #tpu.memory_space<hbm>>
      %dma_start3A_1605 = arith.constant 0 : i32
      %dma_start3A_1606 = tpu.memref_slice %arg17[%dma_start3A_1598, %mul3A_1337, %dma_start3A_1605] : memref<7x16384x128xf32, #tpu.memory_space<hbm>> -> memref<1x64x32xf32, #tpu.memory_space<hbm>>
      %dma_start3A_1607 = tpu.memref_squeeze %dma_start3A_1606 : memref<1x64x32xf32, #tpu.memory_space<hbm>> -> memref<64x32xf32, #tpu.memory_space<hbm>>
      %dma_start3A_1608 = arith.constant 1280 : i32
      %dma_start3A_1609 = arith.constant 0 : i32
      %dma_start3A_1610 = tpu.memref_slice %arg21[%dma_start3A_1608, %dma_start3A_1609] : memref<1792x32xf32, #tpu.memory_space<vmem>> -> memref<64x32xf32, #tpu.memory_space<vmem>>
      tpu.enqueue_dma source(%dma_start3A_1610 : memref<64x32xf32, #tpu.memory_space<vmem>>) target(%dma_start3A_1607 : memref<64x32xf32, #tpu.memory_space<hbm>>) target_semaphore(%arg26 : memref<!tpu.dma_semaphore, #tpu.memory_space<semaphore_mem>>)
      %dma_start3A_1611 = arith.constant 5 : i32
      %dma_start3A_1612 = arith.constant 1344 : i32
      %dma_start3A_1613 = arith.constant 0 : i32
      %dma_start3A_1614 = tpu.memref_slice %arg21[%dma_start3A_1612, %dma_start3A_1613] : memref<1792x32xf32, #tpu.memory_space<vmem>> -> memref<64x32xf32, #tpu.memory_space<vmem>>
      %dma_start3A_1615 = arith.constant 32 : i32
      %dma_start3A_1616 = tpu.memref_slice %arg17[%dma_start3A_1611, %mul3A_1337, %dma_start3A_1615] : memref<7x16384x128xf32, #tpu.memory_space<hbm>> -> memref<1x64x32xf32, #tpu.memory_space<hbm>>
      %dma_start3A_1617 = tpu.memref_squeeze %dma_start3A_1616 : memref<1x64x32xf32, #tpu.memory_space<hbm>> -> memref<64x32xf32, #tpu.memory_space<hbm>>
      %dma_start3A_1618 = arith.constant 32 : i32
      %dma_start3A_1619 = tpu.memref_slice %arg17[%dma_start3A_1611, %mul3A_1337, %dma_start3A_1618] : memref<7x16384x128xf32, #tpu.memory_space<hbm>> -> memref<1x64x32xf32, #tpu.memory_space<hbm>>
      %dma_start3A_1620 = tpu.memref_squeeze %dma_start3A_1619 : memref<1x64x32xf32, #tpu.memory_space<hbm>> -> memref<64x32xf32, #tpu.memory_space<hbm>>
      %dma_start3A_1621 = arith.constant 1344 : i32
      %dma_start3A_1622 = arith.constant 0 : i32
      %dma_start3A_1623 = tpu.memref_slice %arg21[%dma_start3A_1621, %dma_start3A_1622] : memref<1792x32xf32, #tpu.memory_space<vmem>> -> memref<64x32xf32, #tpu.memory_space<vmem>>
      tpu.enqueue_dma source(%dma_start3A_1623 : memref<64x32xf32, #tpu.memory_space<vmem>>) target(%dma_start3A_1620 : memref<64x32xf32, #tpu.memory_space<hbm>>) target_semaphore(%arg26 : memref<!tpu.dma_semaphore, #tpu.memory_space<semaphore_mem>>)
      %dma_start3A_1624 = arith.constant 5 : i32
      %dma_start3A_1625 = arith.constant 1408 : i32
      %dma_start3A_1626 = arith.constant 0 : i32
      %dma_start3A_1627 = tpu.memref_slice %arg21[%dma_start3A_1625, %dma_start3A_1626] : memref<1792x32xf32, #tpu.memory_space<vmem>> -> memref<64x32xf32, #tpu.memory_space<vmem>>
      %dma_start3A_1628 = arith.constant 64 : i32
      %dma_start3A_1629 = tpu.memref_slice %arg17[%dma_start3A_1624, %mul3A_1337, %dma_start3A_1628] : memref<7x16384x128xf32, #tpu.memory_space<hbm>> -> memref<1x64x32xf32, #tpu.memory_space<hbm>>
      %dma_start3A_1630 = tpu.memref_squeeze %dma_start3A_1629 : memref<1x64x32xf32, #tpu.memory_space<hbm>> -> memref<64x32xf32, #tpu.memory_space<hbm>>
      %dma_start3A_1631 = arith.constant 64 : i32
      %dma_start3A_1632 = tpu.memref_slice %arg17[%dma_start3A_1624, %mul3A_1337, %dma_start3A_1631] : memref<7x16384x128xf32, #tpu.memory_space<hbm>> -> memref<1x64x32xf32, #tpu.memory_space<hbm>>
      %dma_start3A_1633 = tpu.memref_squeeze %dma_start3A_1632 : memref<1x64x32xf32, #tpu.memory_space<hbm>> -> memref<64x32xf32, #tpu.memory_space<hbm>>
      %dma_start3A_1634 = arith.constant 1408 : i32
      %dma_start3A_1635 = arith.constant 0 : i32
      %dma_start3A_1636 = tpu.memref_slice %arg21[%dma_start3A_1634, %dma_start3A_1635] : memref<1792x32xf32, #tpu.memory_space<vmem>> -> memref<64x32xf32, #tpu.memory_space<vmem>>
      tpu.enqueue_dma source(%dma_start3A_1636 : memref<64x32xf32, #tpu.memory_space<vmem>>) target(%dma_start3A_1633 : memref<64x32xf32, #tpu.memory_space<hbm>>) target_semaphore(%arg26 : memref<!tpu.dma_semaphore, #tpu.memory_space<semaphore_mem>>)
      %dma_start3A_1637 = arith.constant 5 : i32
      %dma_start3A_1638 = arith.constant 1472 : i32
      %dma_start3A_1639 = arith.constant 0 : i32
      %dma_start3A_1640 = tpu.memref_slice %arg21[%dma_start3A_1638, %dma_start3A_1639] : memref<1792x32xf32, #tpu.memory_space<vmem>> -> memref<64x32xf32, #tpu.memory_space<vmem>>
      %dma_start3A_1641 = arith.constant 96 : i32
      %dma_start3A_1642 = tpu.memref_slice %arg17[%dma_start3A_1637, %mul3A_1337, %dma_start3A_1641] : memref<7x16384x128xf32, #tpu.memory_space<hbm>> -> memref<1x64x32xf32, #tpu.memory_space<hbm>>
      %dma_start3A_1643 = tpu.memref_squeeze %dma_start3A_1642 : memref<1x64x32xf32, #tpu.memory_space<hbm>> -> memref<64x32xf32, #tpu.memory_space<hbm>>
      %dma_start3A_1644 = arith.constant 96 : i32
      %dma_start3A_1645 = tpu.memref_slice %arg17[%dma_start3A_1637, %mul3A_1337, %dma_start3A_1644] : memref<7x16384x128xf32, #tpu.memory_space<hbm>> -> memref<1x64x32xf32, #tpu.memory_space<hbm>>
      %dma_start3A_1646 = tpu.memref_squeeze %dma_start3A_1645 : memref<1x64x32xf32, #tpu.memory_space<hbm>> -> memref<64x32xf32, #tpu.memory_space<hbm>>
      %dma_start3A_1647 = arith.constant 1472 : i32
      %dma_start3A_1648 = arith.constant 0 : i32
      %dma_start3A_1649 = tpu.memref_slice %arg21[%dma_start3A_1647, %dma_start3A_1648] : memref<1792x32xf32, #tpu.memory_space<vmem>> -> memref<64x32xf32, #tpu.memory_space<vmem>>
      tpu.enqueue_dma source(%dma_start3A_1649 : memref<64x32xf32, #tpu.memory_space<vmem>>) target(%dma_start3A_1646 : memref<64x32xf32, #tpu.memory_space<hbm>>) target_semaphore(%arg26 : memref<!tpu.dma_semaphore, #tpu.memory_space<semaphore_mem>>)
      %dma_start3A_1650 = arith.constant 6 : i32
      %dma_start3A_1651 = arith.constant 1536 : i32
      %dma_start3A_1652 = arith.constant 0 : i32
      %dma_start3A_1653 = tpu.memref_slice %arg21[%dma_start3A_1651, %dma_start3A_1652] : memref<1792x32xf32, #tpu.memory_space<vmem>> -> memref<64x32xf32, #tpu.memory_space<vmem>>
      %dma_start3A_1654 = arith.constant 0 : i32
      %dma_start3A_1655 = tpu.memref_slice %arg17[%dma_start3A_1650, %mul3A_1337, %dma_start3A_1654] : memref<7x16384x128xf32, #tpu.memory_space<hbm>> -> memref<1x64x32xf32, #tpu.memory_space<hbm>>
      %dma_start3A_1656 = tpu.memref_squeeze %dma_start3A_1655 : memref<1x64x32xf32, #tpu.memory_space<hbm>> -> memref<64x32xf32, #tpu.memory_space<hbm>>
      %dma_start3A_1657 = arith.constant 0 : i32
      %dma_start3A_1658 = tpu.memref_slice %arg17[%dma_start3A_1650, %mul3A_1337, %dma_start3A_1657] : memref<7x16384x128xf32, #tpu.memory_space<hbm>> -> memref<1x64x32xf32, #tpu.memory_space<hbm>>
      %dma_start3A_1659 = tpu.memref_squeeze %dma_start3A_1658 : memref<1x64x32xf32, #tpu.memory_space<hbm>> -> memref<64x32xf32, #tpu.memory_space<hbm>>
      %dma_start3A_1660 = arith.constant 1536 : i32
      %dma_start3A_1661 = arith.constant 0 : i32
      %dma_start3A_1662 = tpu.memref_slice %arg21[%dma_start3A_1660, %dma_start3A_1661] : memref<1792x32xf32, #tpu.memory_space<vmem>> -> memref<64x32xf32, #tpu.memory_space<vmem>>
      tpu.enqueue_dma source(%dma_start3A_1662 : memref<64x32xf32, #tpu.memory_space<vmem>>) target(%dma_start3A_1659 : memref<64x32xf32, #tpu.memory_space<hbm>>) target_semaphore(%arg26 : memref<!tpu.dma_semaphore, #tpu.memory_space<semaphore_mem>>)
      %dma_start3A_1663 = arith.constant 6 : i32
      %dma_start3A_1664 = arith.constant 1600 : i32
      %dma_start3A_1665 = arith.constant 0 : i32
      %dma_start3A_1666 = tpu.memref_slice %arg21[%dma_start3A_1664, %dma_start3A_1665] : memref<1792x32xf32, #tpu.memory_space<vmem>> -> memref<64x32xf32, #tpu.memory_space<vmem>>
      %dma_start3A_1667 = arith.constant 32 : i32
      %dma_start3A_1668 = tpu.memref_slice %arg17[%dma_start3A_1663, %mul3A_1337, %dma_start3A_1667] : memref<7x16384x128xf32, #tpu.memory_space<hbm>> -> memref<1x64x32xf32, #tpu.memory_space<hbm>>
      %dma_start3A_1669 = tpu.memref_squeeze %dma_start3A_1668 : memref<1x64x32xf32, #tpu.memory_space<hbm>> -> memref<64x32xf32, #tpu.memory_space<hbm>>
      %dma_start3A_1670 = arith.constant 32 : i32
      %dma_start3A_1671 = tpu.memref_slice %arg17[%dma_start3A_1663, %mul3A_1337, %dma_start3A_1670] : memref<7x16384x128xf32, #tpu.memory_space<hbm>> -> memref<1x64x32xf32, #tpu.memory_space<hbm>>
      %dma_start3A_1672 = tpu.memref_squeeze %dma_start3A_1671 : memref<1x64x32xf32, #tpu.memory_space<hbm>> -> memref<64x32xf32, #tpu.memory_space<hbm>>
      %dma_start3A_1673 = arith.constant 1600 : i32
      %dma_start3A_1674 = arith.constant 0 : i32
      %dma_start3A_1675 = tpu.memref_slice %arg21[%dma_start3A_1673, %dma_start3A_1674] : memref<1792x32xf32, #tpu.memory_space<vmem>> -> memref<64x32xf32, #tpu.memory_space<vmem>>
      tpu.enqueue_dma source(%dma_start3A_1675 : memref<64x32xf32, #tpu.memory_space<vmem>>) target(%dma_start3A_1672 : memref<64x32xf32, #tpu.memory_space<hbm>>) target_semaphore(%arg26 : memref<!tpu.dma_semaphore, #tpu.memory_space<semaphore_mem>>)
      %dma_start3A_1676 = arith.constant 6 : i32
      %dma_start3A_1677 = arith.constant 1664 : i32
      %dma_start3A_1678 = arith.constant 0 : i32
      %dma_start3A_1679 = tpu.memref_slice %arg21[%dma_start3A_1677, %dma_start3A_1678] : memref<1792x32xf32, #tpu.memory_space<vmem>> -> memref<64x32xf32, #tpu.memory_space<vmem>>
      %dma_start3A_1680 = arith.constant 64 : i32
      %dma_start3A_1681 = tpu.memref_slice %arg17[%dma_start3A_1676, %mul3A_1337, %dma_start3A_1680] : memref<7x16384x128xf32, #tpu.memory_space<hbm>> -> memref<1x64x32xf32, #tpu.memory_space<hbm>>
      %dma_start3A_1682 = tpu.memref_squeeze %dma_start3A_1681 : memref<1x64x32xf32, #tpu.memory_space<hbm>> -> memref<64x32xf32, #tpu.memory_space<hbm>>
      %dma_start3A_1683 = arith.constant 64 : i32
      %dma_start3A_1684 = tpu.memref_slice %arg17[%dma_start3A_1676, %mul3A_1337, %dma_start3A_1683] : memref<7x16384x128xf32, #tpu.memory_space<hbm>> -> memref<1x64x32xf32, #tpu.memory_space<hbm>>
      %dma_start3A_1685 = tpu.memref_squeeze %dma_start3A_1684 : memref<1x64x32xf32, #tpu.memory_space<hbm>> -> memref<64x32xf32, #tpu.memory_space<hbm>>
      %dma_start3A_1686 = arith.constant 1664 : i32
      %dma_start3A_1687 = arith.constant 0 : i32
      %dma_start3A_1688 = tpu.memref_slice %arg21[%dma_start3A_1686, %dma_start3A_1687] : memref<1792x32xf32, #tpu.memory_space<vmem>> -> memref<64x32xf32, #tpu.memory_space<vmem>>
      tpu.enqueue_dma source(%dma_start3A_1688 : memref<64x32xf32, #tpu.memory_space<vmem>>) target(%dma_start3A_1685 : memref<64x32xf32, #tpu.memory_space<hbm>>) target_semaphore(%arg26 : memref<!tpu.dma_semaphore, #tpu.memory_space<semaphore_mem>>)
      %dma_start3A_1689 = arith.constant 6 : i32
      %dma_start3A_1690 = arith.constant 1728 : i32
      %dma_start3A_1691 = arith.constant 0 : i32
      %dma_start3A_1692 = tpu.memref_slice %arg21[%dma_start3A_1690, %dma_start3A_1691] : memref<1792x32xf32, #tpu.memory_space<vmem>> -> memref<64x32xf32, #tpu.memory_space<vmem>>
      %dma_start3A_1693 = arith.constant 96 : i32
      %dma_start3A_1694 = tpu.memref_slice %arg17[%dma_start3A_1689, %mul3A_1337, %dma_start3A_1693] : memref<7x16384x128xf32, #tpu.memory_space<hbm>> -> memref<1x64x32xf32, #tpu.memory_space<hbm>>
      %dma_start3A_1695 = tpu.memref_squeeze %dma_start3A_1694 : memref<1x64x32xf32, #tpu.memory_space<hbm>> -> memref<64x32xf32, #tpu.memory_space<hbm>>
      %dma_start3A_1696 = arith.constant 96 : i32
      %dma_start3A_1697 = tpu.memref_slice %arg17[%dma_start3A_1689, %mul3A_1337, %dma_start3A_1696] : memref<7x16384x128xf32, #tpu.memory_space<hbm>> -> memref<1x64x32xf32, #tpu.memory_space<hbm>>
      %dma_start3A_1698 = tpu.memref_squeeze %dma_start3A_1697 : memref<1x64x32xf32, #tpu.memory_space<hbm>> -> memref<64x32xf32, #tpu.memory_space<hbm>>
      %dma_start3A_1699 = arith.constant 1728 : i32
      %dma_start3A_1700 = arith.constant 0 : i32
      %dma_start3A_1701 = tpu.memref_slice %arg21[%dma_start3A_1699, %dma_start3A_1700] : memref<1792x32xf32, #tpu.memory_space<vmem>> -> memref<64x32xf32, #tpu.memory_space<vmem>>
      tpu.enqueue_dma source(%dma_start3A_1701 : memref<64x32xf32, #tpu.memory_space<vmem>>) target(%dma_start3A_1698 : memref<64x32xf32, #tpu.memory_space<hbm>>) target_semaphore(%arg26 : memref<!tpu.dma_semaphore, #tpu.memory_space<semaphore_mem>>)
    }
    %scan3A_5 = arith.constant 4 : i32
    %dma_wait3A = arith.constant 0 : i32
    %dma_wait3A_6 = arith.constant 0 : i32
    %dma_wait3A_7 = arith.constant 0 : i32
    %dma_wait3A_8 = tpu.memref_slice %arg17[%dma_wait3A, %dma_wait3A_6, %dma_wait3A_7] : memref<7x16384x128xf32, #tpu.memory_space<hbm>> -> memref<1x1792x32xf32, #tpu.memory_space<hbm>>
    %dma_wait3A_9 = tpu.memref_squeeze %dma_wait3A_8 : memref<1x1792x32xf32, #tpu.memory_space<hbm>> -> memref<1792x32xf32, #tpu.memory_space<hbm>>
    %dma_wait3A_10 = arith.constant 0 : i32
    %dma_wait3A_11 = arith.constant 0 : i32
    %dma_wait3A_12 = tpu.memref_slice %arg17[%dma_wait3A, %dma_wait3A_10, %dma_wait3A_11] : memref<7x16384x128xf32, #tpu.memory_space<hbm>> -> memref<1x1792x32xf32, #tpu.memory_space<hbm>>
    %dma_wait3A_13 = tpu.memref_squeeze %dma_wait3A_12 : memref<1x1792x32xf32, #tpu.memory_space<hbm>> -> memref<1792x32xf32, #tpu.memory_space<hbm>>
    tpu.wait_dma2 semaphore(%arg25 : memref<!tpu.dma_semaphore, #tpu.memory_space<semaphore_mem>>) src(%dma_wait3A_13 : memref<1792x32xf32, #tpu.memory_space<hbm>>) dst(%arg20 : memref<1792x32xf32, #tpu.memory_space<vmem>>)
    %dma_wait3A_14 = arith.constant 0 : i32
    %dma_wait3A_15 = arith.constant 0 : i32
    %dma_wait3A_16 = arith.constant 0 : i32
    %dma_wait3A_17 = tpu.memref_slice %arg17[%dma_wait3A_14, %dma_wait3A_15, %dma_wait3A_16] : memref<7x16384x128xf32, #tpu.memory_space<hbm>> -> memref<1x1792x32xf32, #tpu.memory_space<hbm>>
    %dma_wait3A_18 = tpu.memref_squeeze %dma_wait3A_17 : memref<1x1792x32xf32, #tpu.memory_space<hbm>> -> memref<1792x32xf32, #tpu.memory_space<hbm>>
    %dma_wait3A_19 = arith.constant 0 : i32
    %dma_wait3A_20 = arith.constant 0 : i32
    %dma_wait3A_21 = tpu.memref_slice %arg17[%dma_wait3A_14, %dma_wait3A_19, %dma_wait3A_20] : memref<7x16384x128xf32, #tpu.memory_space<hbm>> -> memref<1x1792x32xf32, #tpu.memory_space<hbm>>
    %dma_wait3A_22 = tpu.memref_squeeze %dma_wait3A_21 : memref<1x1792x32xf32, #tpu.memory_space<hbm>> -> memref<1792x32xf32, #tpu.memory_space<hbm>>
    tpu.wait_dma2 semaphore(%arg26 : memref<!tpu.dma_semaphore, #tpu.memory_space<semaphore_mem>>) src(%dma_wait3A_22 : memref<1792x32xf32, #tpu.memory_space<hbm>>) dst(%arg21 : memref<1792x32xf32, #tpu.memory_space<vmem>>)
    return
  }
}

module attributes {stable_mosaic.version = 14 : i64} {
  func.func @_mlp_body(%arg0: i32, %arg1: memref<7x2048x128xf32, #tpu.memory_space<vmem>>, %arg2: memref<8x2048xf32, #tpu.memory_space<vmem>>, %arg3: memref<896x512xbf16, #tpu.memory_space<vmem>>, %arg4: memref<8x512xbf16, #tpu.memory_space<vmem>>, %arg5: memref<1x512xf32, #tpu.memory_space<vmem>>, %arg6: memref<512x256xbf16, #tpu.memory_space<vmem>>, %arg7: memref<1x256xf32, #tpu.memory_space<vmem>>, %arg8: memref<256x20xbf16, #tpu.memory_space<vmem>>, %arg9: memref<1x20xf32, #tpu.memory_space<vmem>>, %arg10: memref<5x2048xf32, #tpu.memory_space<vmem>>, %arg11: memref<5x2048xf32, #tpu.memory_space<vmem>>, %arg12: memref<5x2048xf32, #tpu.memory_space<vmem>>, %arg13: memref<5x2048xf32, #tpu.memory_space<vmem>>) attributes {dimension_semantics = [#tpu.dimension_semantics<arbitrary>], iteration_bounds = array<i64: 8>, scalar_prefetch = 0 : i64, scratch_operands = 0 : i64, tpu.core_type = #tpu.core_type<tc>, window_params = [{transform_indices = @transform_0, window_bounds = array<i64: 7, 2048, 128>}, {transform_indices = @transform_1, window_bounds = array<i64: 8, 2048>}, {pipeline_mode = #tpu.pipeline_mode<synchronous>, transform_indices = @transform_2, window_bounds = array<i64: 896, 512>}, {pipeline_mode = #tpu.pipeline_mode<synchronous>, transform_indices = @transform_3, window_bounds = array<i64: 8, 512>}, {pipeline_mode = #tpu.pipeline_mode<synchronous>, transform_indices = @transform_4, window_bounds = array<i64: 1, 512>}, {pipeline_mode = #tpu.pipeline_mode<synchronous>, transform_indices = @transform_5, window_bounds = array<i64: 512, 256>}, {pipeline_mode = #tpu.pipeline_mode<synchronous>, transform_indices = @transform_6, window_bounds = array<i64: 1, 256>}, {pipeline_mode = #tpu.pipeline_mode<synchronous>, transform_indices = @transform_7, window_bounds = array<i64: 256, 20>}, {pipeline_mode = #tpu.pipeline_mode<synchronous>, transform_indices = @transform_8, window_bounds = array<i64: 1, 20>}, {transform_indices = @transform_9, window_bounds = array<i64: 5, 2048>}, {transform_indices = @transform_10, window_bounds = array<i64: 5, 2048>}, {transform_indices = @transform_11, window_bounds = array<i64: 5, 2048>}, {transform_indices = @transform_12, window_bounds = array<i64: 5, 2048>}]} {
    %get3A = arith.constant 0 : index
    %get3A_0 = arith.constant 0 : index
    %get3A_1 = arith.constant 0 : index
    %get3A_2 = vector.load %arg1[%get3A, %get3A_0, %get3A_1] : memref<7x2048x128xf32, #tpu.memory_space<vmem>>, vector<1x2048x128xf32>
    %get3A_3 = vector.shape_cast %get3A_2 : vector<1x2048x128xf32> to vector<2048x128xf32>
    %get3A_4 = arith.constant 1 : index
    %get3A_5 = arith.constant 0 : index
    %get3A_6 = arith.constant 0 : index
    %get3A_7 = vector.load %arg1[%get3A_4, %get3A_5, %get3A_6] : memref<7x2048x128xf32, #tpu.memory_space<vmem>>, vector<1x2048x128xf32>
    %get3A_8 = vector.shape_cast %get3A_7 : vector<1x2048x128xf32> to vector<2048x128xf32>
    %get3A_9 = arith.constant 2 : index
    %get3A_10 = arith.constant 0 : index
    %get3A_11 = arith.constant 0 : index
    %get3A_12 = vector.load %arg1[%get3A_9, %get3A_10, %get3A_11] : memref<7x2048x128xf32, #tpu.memory_space<vmem>>, vector<1x2048x128xf32>
    %get3A_13 = vector.shape_cast %get3A_12 : vector<1x2048x128xf32> to vector<2048x128xf32>
    %get3A_14 = arith.constant 3 : index
    %get3A_15 = arith.constant 0 : index
    %get3A_16 = arith.constant 0 : index
    %get3A_17 = vector.load %arg1[%get3A_14, %get3A_15, %get3A_16] : memref<7x2048x128xf32, #tpu.memory_space<vmem>>, vector<1x2048x128xf32>
    %get3A_18 = vector.shape_cast %get3A_17 : vector<1x2048x128xf32> to vector<2048x128xf32>
    %get3A_19 = arith.constant 4 : index
    %get3A_20 = arith.constant 0 : index
    %get3A_21 = arith.constant 0 : index
    %get3A_22 = vector.load %arg1[%get3A_19, %get3A_20, %get3A_21] : memref<7x2048x128xf32, #tpu.memory_space<vmem>>, vector<1x2048x128xf32>
    %get3A_23 = vector.shape_cast %get3A_22 : vector<1x2048x128xf32> to vector<2048x128xf32>
    %get3A_24 = arith.constant 5 : index
    %get3A_25 = arith.constant 0 : index
    %get3A_26 = arith.constant 0 : index
    %get3A_27 = vector.load %arg1[%get3A_24, %get3A_25, %get3A_26] : memref<7x2048x128xf32, #tpu.memory_space<vmem>>, vector<1x2048x128xf32>
    %get3A_28 = vector.shape_cast %get3A_27 : vector<1x2048x128xf32> to vector<2048x128xf32>
    %get3A_29 = arith.constant 6 : index
    %get3A_30 = arith.constant 0 : index
    %get3A_31 = arith.constant 0 : index
    %get3A_32 = vector.load %arg1[%get3A_29, %get3A_30, %get3A_31] : memref<7x2048x128xf32, #tpu.memory_space<vmem>>, vector<1x2048x128xf32>
    %get3A_33 = vector.shape_cast %get3A_32 : vector<1x2048x128xf32> to vector<2048x128xf32>
    %concatenate3A = tpu.concatenate %get3A_3, %get3A_8, %get3A_13, %get3A_18, %get3A_23, %get3A_28, %get3A_33 in 1 : vector<2048x128xf32>, vector<2048x128xf32>, vector<2048x128xf32>, vector<2048x128xf32>, vector<2048x128xf32>, vector<2048x128xf32>, vector<2048x128xf32> -> vector<2048x896xf32>
    %convert_element_type3A = arith.truncf %concatenate3A : vector<2048x896xf32> to vector<2048x896xbf16>
    %get3A_34 = arith.constant 0 : index
    %get3A_35 = arith.constant 0 : index
    %get3A_36 = vector.load %arg3[%get3A_34, %get3A_35] : memref<896x512xbf16, #tpu.memory_space<vmem>>, vector<896x512xbf16>
    %dot_general3A = arith.constant dense<0.000000e+00> : vector<2048x512xf32>
    %dot_general3A_37 = tpu.matmul %convert_element_type3A, %get3A_36, %dot_general3A {dimension_numbers = #tpu.dot_dimension_numbers<[1], [0], [0], [1], [0, 0, 1, 1], [], []>, transpose_lhs_hint = false} : vector<2048x896xbf16>, vector<896x512xbf16>, vector<2048x512xf32> -> vector<2048x512xf32>
    %get3A_38 = arith.constant 0 : index
    %get3A_39 = arith.constant 0 : index
    %get3A_40 = vector.load %arg2[%get3A_38, %get3A_39] : memref<8x2048xf32, #tpu.memory_space<vmem>>, vector<8x2048xf32>
    %transpose3A = tpu.transpose %get3A_40, [1, 0] : vector<8x2048xf32> -> vector<2048x8xf32>
    %convert_element_type3A_41 = arith.truncf %transpose3A : vector<2048x8xf32> to vector<2048x8xbf16>
    %get3A_42 = arith.constant 0 : index
    %get3A_43 = arith.constant 0 : index
    %get3A_44 = vector.load %arg4[%get3A_42, %get3A_43] : memref<8x512xbf16, #tpu.memory_space<vmem>>, vector<8x512xbf16>
    %dot_general3A_45 = arith.constant dense<0.000000e+00> : vector<2048x512xf32>
    %dot_general3A_46 = tpu.matmul %convert_element_type3A_41, %get3A_44, %dot_general3A_45 {dimension_numbers = #tpu.dot_dimension_numbers<[1], [0], [0], [1], [0, 0, 1, 1], [], []>, transpose_lhs_hint = false} : vector<2048x8xbf16>, vector<8x512xbf16>, vector<2048x512xf32> -> vector<2048x512xf32>
    %add3A = arith.addf %dot_general3A_37, %dot_general3A_46 : vector<2048x512xf32>
    %get3A_47 = arith.constant 0 : index
    %get3A_48 = arith.constant 0 : index
    %get3A_49 = vector.load %arg5[%get3A_47, %get3A_48] : memref<1x512xf32, #tpu.memory_space<vmem>>, vector<1x512xf32>
    %add3A_50 = vector.broadcast %get3A_49 : vector<1x512xf32> to vector<2048x512xf32>
    %add3A_51 = arith.addf %add3A, %add3A_50 : vector<2048x512xf32>
    %max3A = arith.constant 0.000000e+00 : f32
    %max3A_52 = vector.broadcast %max3A : f32 to vector<2048x512xf32>
    %max3A_53 = arith.maximumf %add3A_51, %max3A_52 : vector<2048x512xf32>
    %convert_element_type3A_54 = arith.truncf %max3A_53 : vector<2048x512xf32> to vector<2048x512xbf16>
    %get3A_55 = arith.constant 0 : index
    %get3A_56 = arith.constant 0 : index
    %get3A_57 = vector.load %arg6[%get3A_55, %get3A_56] : memref<512x256xbf16, #tpu.memory_space<vmem>>, vector<512x256xbf16>
    %dot_general3A_58 = arith.constant dense<0.000000e+00> : vector<2048x256xf32>
    %dot_general3A_59 = tpu.matmul %convert_element_type3A_54, %get3A_57, %dot_general3A_58 {dimension_numbers = #tpu.dot_dimension_numbers<[1], [0], [0], [1], [0, 0, 1, 1], [], []>, transpose_lhs_hint = false} : vector<2048x512xbf16>, vector<512x256xbf16>, vector<2048x256xf32> -> vector<2048x256xf32>
    %get3A_60 = arith.constant 0 : index
    %get3A_61 = arith.constant 0 : index
    %get3A_62 = vector.load %arg7[%get3A_60, %get3A_61] : memref<1x256xf32, #tpu.memory_space<vmem>>, vector<1x256xf32>
    %add3A_63 = vector.broadcast %get3A_62 : vector<1x256xf32> to vector<2048x256xf32>
    %add3A_64 = arith.addf %dot_general3A_59, %add3A_63 : vector<2048x256xf32>
    %max3A_65 = arith.constant 0.000000e+00 : f32
    %max3A_66 = vector.broadcast %max3A_65 : f32 to vector<2048x256xf32>
    %max3A_67 = arith.maximumf %add3A_64, %max3A_66 : vector<2048x256xf32>
    %convert_element_type3A_68 = arith.truncf %max3A_67 : vector<2048x256xf32> to vector<2048x256xbf16>
    %get3A_69 = arith.constant 0 : index
    %get3A_70 = arith.constant 0 : index
    %get3A_71 = vector.load %arg8[%get3A_69, %get3A_70] : memref<256x20xbf16, #tpu.memory_space<vmem>>, vector<256x20xbf16>
    %dot_general3A_72 = arith.constant dense<0.000000e+00> : vector<2048x20xf32>
    %dot_general3A_73 = tpu.matmul %convert_element_type3A_68, %get3A_71, %dot_general3A_72 {dimension_numbers = #tpu.dot_dimension_numbers<[1], [0], [0], [1], [0, 0, 1, 1], [], []>, transpose_lhs_hint = false} : vector<2048x256xbf16>, vector<256x20xbf16>, vector<2048x20xf32> -> vector<2048x20xf32>
    %get3A_74 = arith.constant 0 : index
    %get3A_75 = arith.constant 0 : index
    %get3A_76 = vector.load %arg9[%get3A_74, %get3A_75] : memref<1x20xf32, #tpu.memory_space<vmem>>, vector<1x20xf32>
    %add3A_77 = vector.broadcast %get3A_76 : vector<1x20xf32> to vector<2048x20xf32>
    %add3A_78 = arith.addf %dot_general3A_73, %add3A_77 : vector<2048x20xf32>
    %transpose3A_79 = tpu.transpose %add3A_78, [1, 0] : vector<2048x20xf32> -> vector<20x2048xf32>
    %slice3A = vector.extract_strided_slice %transpose3A_79 {offsets = [0, 0], sizes = [5, 2048], strides = [1, 1]} : vector<20x2048xf32> to vector<5x2048xf32>
    %reduce_max3A = arith.constant dense<0xFF800000> : vector<2048xf32>
    %reduce_max3A_80 = vector.multi_reduction <maximumf>, %slice3A, %reduce_max3A [0] : vector<5x2048xf32> to vector<2048xf32>
    %broadcast_in_dim3A = vector.shape_cast %reduce_max3A_80 : vector<2048xf32> to vector<1x2048xf32>
    %sub3A = vector.broadcast %broadcast_in_dim3A : vector<1x2048xf32> to vector<5x2048xf32>
    %sub3A_81 = arith.subf %slice3A, %sub3A : vector<5x2048xf32>
    %exp3A = math.exp %sub3A_81 : vector<5x2048xf32>
    %reduce_sum3A = arith.constant dense<0.000000e+00> : vector<2048xf32>
    %reduce_sum3A_82 = vector.multi_reduction <add>, %exp3A, %reduce_sum3A [0] : vector<5x2048xf32> to vector<2048xf32>
    %broadcast_in_dim3A_83 = vector.shape_cast %reduce_sum3A_82 : vector<2048xf32> to vector<1x2048xf32>
    %div3A = vector.broadcast %broadcast_in_dim3A_83 : vector<1x2048xf32> to vector<5x2048xf32>
    %div3A_84 = arith.divf %exp3A, %div3A : vector<5x2048xf32>
    %swap3A = arith.constant 0 : index
    %swap3A_85 = arith.constant 0 : index
    %swap3A_86 = vector.load %arg10[%swap3A, %swap3A_85] : memref<5x2048xf32, #tpu.memory_space<vmem>>, vector<5x2048xf32>
    tpu.vector_store %arg10[%swap3A, %swap3A_85], %div3A_84 {strides = array<i32>} : memref<5x2048xf32, #tpu.memory_space<vmem>>, vector<5x2048xf32>,
    %slice3A_87 = vector.extract_strided_slice %transpose3A_79 {offsets = [5, 0], sizes = [5, 2048], strides = [1, 1]} : vector<20x2048xf32> to vector<5x2048xf32>
    %reduce_max3A_88 = arith.constant dense<0xFF800000> : vector<2048xf32>
    %reduce_max3A_89 = vector.multi_reduction <maximumf>, %slice3A_87, %reduce_max3A_88 [0] : vector<5x2048xf32> to vector<2048xf32>
    %broadcast_in_dim3A_90 = vector.shape_cast %reduce_max3A_89 : vector<2048xf32> to vector<1x2048xf32>
    %sub3A_91 = vector.broadcast %broadcast_in_dim3A_90 : vector<1x2048xf32> to vector<5x2048xf32>
    %sub3A_92 = arith.subf %slice3A_87, %sub3A_91 : vector<5x2048xf32>
    %exp3A_93 = math.exp %sub3A_92 : vector<5x2048xf32>
    %reduce_sum3A_94 = arith.constant dense<0.000000e+00> : vector<2048xf32>
    %reduce_sum3A_95 = vector.multi_reduction <add>, %exp3A_93, %reduce_sum3A_94 [0] : vector<5x2048xf32> to vector<2048xf32>
    %broadcast_in_dim3A_96 = vector.shape_cast %reduce_sum3A_95 : vector<2048xf32> to vector<1x2048xf32>
    %div3A_97 = vector.broadcast %broadcast_in_dim3A_96 : vector<1x2048xf32> to vector<5x2048xf32>
    %div3A_98 = arith.divf %exp3A_93, %div3A_97 : vector<5x2048xf32>
    %swap3A_99 = arith.constant 0 : index
    %swap3A_100 = arith.constant 0 : index
    %swap3A_101 = vector.load %arg11[%swap3A_99, %swap3A_100] : memref<5x2048xf32, #tpu.memory_space<vmem>>, vector<5x2048xf32>
    tpu.vector_store %arg11[%swap3A_99, %swap3A_100], %div3A_98 {strides = array<i32>} : memref<5x2048xf32, #tpu.memory_space<vmem>>, vector<5x2048xf32>,
    %slice3A_102 = vector.extract_strided_slice %transpose3A_79 {offsets = [10, 0], sizes = [5, 2048], strides = [1, 1]} : vector<20x2048xf32> to vector<5x2048xf32>
    %reduce_max3A_103 = arith.constant dense<0xFF800000> : vector<2048xf32>
    %reduce_max3A_104 = vector.multi_reduction <maximumf>, %slice3A_102, %reduce_max3A_103 [0] : vector<5x2048xf32> to vector<2048xf32>
    %broadcast_in_dim3A_105 = vector.shape_cast %reduce_max3A_104 : vector<2048xf32> to vector<1x2048xf32>
    %sub3A_106 = vector.broadcast %broadcast_in_dim3A_105 : vector<1x2048xf32> to vector<5x2048xf32>
    %sub3A_107 = arith.subf %slice3A_102, %sub3A_106 : vector<5x2048xf32>
    %exp3A_108 = math.exp %sub3A_107 : vector<5x2048xf32>
    %reduce_sum3A_109 = arith.constant dense<0.000000e+00> : vector<2048xf32>
    %reduce_sum3A_110 = vector.multi_reduction <add>, %exp3A_108, %reduce_sum3A_109 [0] : vector<5x2048xf32> to vector<2048xf32>
    %broadcast_in_dim3A_111 = vector.shape_cast %reduce_sum3A_110 : vector<2048xf32> to vector<1x2048xf32>
    %div3A_112 = vector.broadcast %broadcast_in_dim3A_111 : vector<1x2048xf32> to vector<5x2048xf32>
    %div3A_113 = arith.divf %exp3A_108, %div3A_112 : vector<5x2048xf32>
    %swap3A_114 = arith.constant 0 : index
    %swap3A_115 = arith.constant 0 : index
    %swap3A_116 = vector.load %arg12[%swap3A_114, %swap3A_115] : memref<5x2048xf32, #tpu.memory_space<vmem>>, vector<5x2048xf32>
    tpu.vector_store %arg12[%swap3A_114, %swap3A_115], %div3A_113 {strides = array<i32>} : memref<5x2048xf32, #tpu.memory_space<vmem>>, vector<5x2048xf32>,
    %slice3A_117 = vector.extract_strided_slice %transpose3A_79 {offsets = [15, 0], sizes = [5, 2048], strides = [1, 1]} : vector<20x2048xf32> to vector<5x2048xf32>
    %reduce_max3A_118 = arith.constant dense<0xFF800000> : vector<2048xf32>
    %reduce_max3A_119 = vector.multi_reduction <maximumf>, %slice3A_117, %reduce_max3A_118 [0] : vector<5x2048xf32> to vector<2048xf32>
    %broadcast_in_dim3A_120 = vector.shape_cast %reduce_max3A_119 : vector<2048xf32> to vector<1x2048xf32>
    %sub3A_121 = vector.broadcast %broadcast_in_dim3A_120 : vector<1x2048xf32> to vector<5x2048xf32>
    %sub3A_122 = arith.subf %slice3A_117, %sub3A_121 : vector<5x2048xf32>
    %exp3A_123 = math.exp %sub3A_122 : vector<5x2048xf32>
    %reduce_sum3A_124 = arith.constant dense<0.000000e+00> : vector<2048xf32>
    %reduce_sum3A_125 = vector.multi_reduction <add>, %exp3A_123, %reduce_sum3A_124 [0] : vector<5x2048xf32> to vector<2048xf32>
    %broadcast_in_dim3A_126 = vector.shape_cast %reduce_sum3A_125 : vector<2048xf32> to vector<1x2048xf32>
    %div3A_127 = vector.broadcast %broadcast_in_dim3A_126 : vector<1x2048xf32> to vector<5x2048xf32>
    %div3A_128 = arith.divf %exp3A_123, %div3A_127 : vector<5x2048xf32>
    %swap3A_129 = arith.constant 0 : index
    %swap3A_130 = arith.constant 0 : index
    %swap3A_131 = vector.load %arg13[%swap3A_129, %swap3A_130] : memref<5x2048xf32, #tpu.memory_space<vmem>>, vector<5x2048xf32>
    tpu.vector_store %arg13[%swap3A_129, %swap3A_130], %div3A_128 {strides = array<i32>} : memref<5x2048xf32, #tpu.memory_space<vmem>>, vector<5x2048xf32>,
    return
  }
  func.func @transform_0(%arg0: i32) -> (i32, i32, i32) {
    %c0_i32 = arith.constant 0 : i32
    %c0_i32_0 = arith.constant 0 : i32
    %c0_i32_1 = arith.constant 0 : i32
    return %c0_i32, %arg0, %c0_i32_0 : i32, i32, i32
  }
  func.func @transform_1(%arg0: i32) -> (i32, i32) {
    %c0_i32 = arith.constant 0 : i32
    %c0_i32_0 = arith.constant 0 : i32
    return %c0_i32, %arg0 : i32, i32
  }
  func.func @transform_2(%arg0: i32) -> (i32, i32) {
    %c0_i32 = arith.constant 0 : i32
    %c0_i32_0 = arith.constant 0 : i32
    %c0_i32_1 = arith.constant 0 : i32
    return %c0_i32, %c0_i32_0 : i32, i32
  }
  func.func @transform_3(%arg0: i32) -> (i32, i32) {
    %c0_i32 = arith.constant 0 : i32
    %c0_i32_0 = arith.constant 0 : i32
    %c0_i32_1 = arith.constant 0 : i32
    return %c0_i32, %c0_i32_0 : i32, i32
  }
  func.func @transform_4(%arg0: i32) -> (i32, i32) {
    %c0_i32 = arith.constant 0 : i32
    %c0_i32_0 = arith.constant 0 : i32
    %c0_i32_1 = arith.constant 0 : i32
    return %c0_i32, %c0_i32_0 : i32, i32
  }
  func.func @transform_5(%arg0: i32) -> (i32, i32) {
    %c0_i32 = arith.constant 0 : i32
    %c0_i32_0 = arith.constant 0 : i32
    %c0_i32_1 = arith.constant 0 : i32
    return %c0_i32, %c0_i32_0 : i32, i32
  }
  func.func @transform_6(%arg0: i32) -> (i32, i32) {
    %c0_i32 = arith.constant 0 : i32
    %c0_i32_0 = arith.constant 0 : i32
    %c0_i32_1 = arith.constant 0 : i32
    return %c0_i32, %c0_i32_0 : i32, i32
  }
  func.func @transform_7(%arg0: i32) -> (i32, i32) {
    %c0_i32 = arith.constant 0 : i32
    %c0_i32_0 = arith.constant 0 : i32
    %c0_i32_1 = arith.constant 0 : i32
    return %c0_i32, %c0_i32_0 : i32, i32
  }
  func.func @transform_8(%arg0: i32) -> (i32, i32) {
    %c0_i32 = arith.constant 0 : i32
    %c0_i32_0 = arith.constant 0 : i32
    %c0_i32_1 = arith.constant 0 : i32
    return %c0_i32, %c0_i32_0 : i32, i32
  }
  func.func @transform_9(%arg0: i32) -> (i32, i32) {
    %c0_i32 = arith.constant 0 : i32
    %c0_i32_0 = arith.constant 0 : i32
    return %c0_i32, %arg0 : i32, i32
  }
  func.func @transform_10(%arg0: i32) -> (i32, i32) {
    %c0_i32 = arith.constant 0 : i32
    %c0_i32_0 = arith.constant 0 : i32
    return %c0_i32, %arg0 : i32, i32
  }
  func.func @transform_11(%arg0: i32) -> (i32, i32) {
    %c0_i32 = arith.constant 0 : i32
    %c0_i32_0 = arith.constant 0 : i32
    return %c0_i32, %arg0 : i32, i32
  }
  func.func @transform_12(%arg0: i32) -> (i32, i32) {
    %c0_i32 = arith.constant 0 : i32
    %c0_i32_0 = arith.constant 0 : i32
    return %c0_i32, %arg0 : i32, i32
  }
}

</mosaic_0001>

<sc_bundles>
// kernel: kernel.4.cloned.1.call-start
scs
__scs_entry_jumppad:
0x0: {  	(pc) =	sbr.rel $0x88, $3  }
0x1: {  	(tag) =	ssettag $0x0;
	lr =	simm.s32 $0x1  }
0x2: {  	[smem:$0x3F7F] =	sst lr;
	_ =	strace $0xD0000000  }
0x3: {  	_ = 	snop  }
0x4: {  	_ = 	snop  }
0x5: {  	_ = 	snop  }
0x6: {  	_ = 	snop  }
0x7: {  	_ = 	snop  }
__scs_overlays_trampoline_lowered:
0x8: {  	[smem:$0x3F8E] =	sst s0  }
0x9: {  	[smem:$0x3F8F] =	sst s1  }
0xa: {  	[smem:$0x3F90] =	sst s2  }
0xb: {  	[smem:$0x3F91] =	sst s3  }
0xc: {  	[smem:$0x3F92] =	sst s4  }
0xd: {  	[smem:$0x3F93] =	sst s5  }
0xe: {  	[smem:$0x3F94] =	sst s6  }
0xf: {  	[smem:$0x3F95] =	sst s7  }
0x10: {  	[smem:$0x3F96] =	sst s8  }
0x11: {  	[smem:$0x3F97] =	sst s9;
	s0 =	simm.s32 @!p0 $0x0  }
0x12: {  	s1 =	sld [smem:$0x3F7D];
	s0 =	simm.s32 @p0 $0x1  }
0x13: {  	[smem:$0x3F98] =	sst s0;
	s0 =	simm.s32 @!p1 $0x0  }
0x14: {  	s2 =	sld [smem:$0x3F7C];
	s0 =	simm.s32 @p1 $0x1  }
0x15: {  	[smem:$0x3F99] =	sst s0;
	s0 =	simm.s32 @!p2 $0x0  }
0x16: {  	s3 =	sld [smem:$0x3FDB];
	s0 =	simm.s32 @p2 $0x1  }
0x17: {  	s4 =	simm.s32 $0x1BF5;
	[smem:$0x3F9B] =	sst s0  }
0x18: {  	s0 =	sld [smem:$0x3F7E];
	_ =	swait.ge [sflag:s4], $0x0  }
0x19: {  	s7 =	sld [smem:$0x3F7F]  }
0x1a: {  	s8 =	sadd.s32 $0xFFFFE003, lr  }
0x1b: {  	s9 =	sadd.s32 $0xFFFFFEF7, lr;
	s5 =	simm.s32 $0xFFFFFFFF;
	p2 =	slt.u32 s8, $0xFFFFF086  }
0x1c: {  	p1 =	slt.u32 s9, $0xF7A;
	s5 =	simm.s32 @!p2 $0x0  }
0x1d: {  	s5 =	simm.s32 @p1 $0x1;
	p0 =	seq.s32 s7, s2  }
0x1e: {  	s7 =	smul.u32 @!p0 $0xF7A, s2;
	p2 =	seq.s32 @!p0 s5, $0x0  }
0x1f: {  	s9 =	smul.u32 $0xF7A, s1;
	s8 =	simm.s32 @!p0 $0x1BF5;
	p2 =	por !p2, p0  }
0x20: {  	[sflag:s8] =	ssyncset.s32 @!p0 $0xFFFFF086;
	s6 =	sadd.s32 @!p0 s3, s7;
	s7 =	simm.s32 @!p0 $0x108  }
0x21: {  	s3 =	sadd.s32 s3, s9;
	s6 =	sadd.s32 @!p0 $0x88, s6;
	s7 =	simm.s32 @p2 $0x1082  }
0x22: {  	[simem:s7], [sflag:s8] =	dma.local @!p0 [hbm:s6], $0xF7A  }
0x23: {  	s9 =	sor.u32 $0xD0000000, s2;
	s6 =	simm.s32 $0x108;
	_ =	swait.ge @!p0 [sflag:s8], $0x0  }
0x24: {  	s3 =	sadd.s32 $0x88, s3;
	s6 =	simm.s32 @!p1 $0x1082;
	[sflag:s4] =	ssyncset.s32 $0xFFFFF086  }
0x25: {  	[simem:s6], [sflag:s4] =	dma.local [hbm:s3], $0xF7A  }
0x26: {  	[smem:$0x3F7F] =	sst s1;
	(tag) =	ssettag s2;
	_ =	strace s9  }
0x27: {  	s1 =	sld [smem:$0x3F8F]  }
0x28: {  	s2 =	sld [smem:$0x3F90]  }
0x29: {  	s4 =	sld [smem:$0x3F92]  }
0x2a: {  	p0 =	seq.s32 s5, $0x0;
	s5 =	sld [smem:$0x3F93]  }
0x2b: {  	s6 =	sld [smem:$0x3F94]  }
0x2c: {  	s7 =	sld [smem:$0x3F95]  }
0x2d: {  	s3 =	simm.s32 $0x108;
	s8 =	sld [smem:$0x3F96]  }
0x2e: {  	s3 =	simm.s32 @!p0 $0x1082;
	s9 =	sld [smem:$0x3F97]  }
0x2f: {  	lr =	sadd.s32 s0, s3;
	s0 =	sld [smem:$0x3F8E]  }
0x30: {  	s3 =	sld [smem:$0x3F91]  }
0x31: {  	[smem:$0x3F9A] =	sst s10  }
0x32: {  	s10 =	sld [smem:$0x3F98];
	_ =	sdelay $0x3  }
0x33: {  	p0 =	seq.s32 s10, $0x1;
	s10 =	sld [smem:$0x3F9A];
	_ =	sdelay $0x3  }
0x34: {  	[smem:$0x3F9A] =	sst s10  }
0x35: {  	s10 =	sld [smem:$0x3F99];
	_ =	sdelay $0x3  }
0x36: {  	p1 =	seq.s32 s10, $0x1;
	s10 =	sld [smem:$0x3F9A];
	_ =	sdelay $0x3  }
0x37: {  	[smem:$0x3F9A] =	sst s10  }
0x38: {  	s10 =	sld [smem:$0x3F9B]  }
0x39: {  	_ = 	snop;
	(pc) =	sbr.ind lr, $3  }
0x3a: {  	_ = 	snop  }
0x3b: {  	_ = 	snop  }
0x3c: {  	p2 =	seq.s32 s10, $0x1;
	s10 =	sld [smem:$0x3F9A]  }
0x3d: {  	_ =	shalt  }
0x3e: {  	_ =	shalt  }
0x3f: {  	_ =	shalt  }
0x40: {  	_ =	shalt  }
0x41: {  	_ =	shalt  }
0x42: {  	_ =	shalt  }
0x43: {  	_ =	shalt  }
0x44: {  	_ =	shalt  }
0x45: {  	_ =	shalt  }
0x46: {  	_ =	shalt  }
0x47: {  	_ =	shalt  }
0x48: {  	_ =	shalt  }
0x49: {  	_ =	shalt  }
0x4a: {  	_ =	shalt  }
0x4b: {  	_ =	shalt  }
0x4c: {  	_ =	shalt  }
0x4d: {  	_ =	shalt  }
0x4e: {  	_ =	shalt  }
0x4f: {  	_ =	shalt  }
0x50: {  	_ =	shalt  }
0x51: {  	_ =	shalt  }
0x52: {  	_ =	shalt  }
0x53: {  	_ =	shalt  }
0x54: {  	_ =	shalt  }
0x55: {  	_ =	shalt  }
0x56: {  	_ =	shalt  }
0x57: {  	_ =	shalt  }
0x58: {  	_ =	shalt  }
0x59: {  	_ =	shalt  }
0x5a: {  	_ =	shalt  }
0x5b: {  	_ =	shalt  }
0x5c: {  	_ =	shalt  }
0x5d: {  	_ =	shalt  }
0x5e: {  	_ =	shalt  }
0x5f: {  	_ =	shalt  }
0x60: {  	_ =	shalt  }
0x61: {  	_ =	shalt  }
0x62: {  	_ =	shalt  }
0x63: {  	_ =	shalt  }
0x64: {  	_ =	shalt  }
0x65: {  	_ =	shalt  }
0x66: {  	_ =	shalt  }
0x67: {  	_ =	shalt  }
0x68: {  	_ =	shalt  }
0x69: {  	_ =	shalt  }
0x6a: {  	_ =	shalt  }
0x6b: {  	_ =	shalt  }
0x6c: {  	_ =	shalt  }
0x6d: {  	_ =	shalt  }
0x6e: {  	_ =	shalt  }
0x6f: {  	_ =	shalt  }
0x70: {  	_ =	shalt  }
0x71: {  	_ =	shalt  }
0x72: {  	_ =	shalt  }
0x73: {  	_ =	shalt  }
0x74: {  	_ =	shalt  }
0x75: {  	_ =	shalt  }
0x76: {  	_ =	shalt  }
0x77: {  	_ =	shalt  }
0x78: {  	_ =	shalt  }
0x79: {  	_ =	shalt  }
0x7a: {  	_ =	shalt  }
0x7b: {  	_ =	shalt  }
0x7c: {  	_ =	shalt  }
0x7d: {  	_ =	shalt  }
0x7e: {  	_ =	shalt  }
0x7f: {  	_ =	shalt  }
0x80: {  	_ =	shalt  }
0x81: {  	_ =	shalt  }
0x82: {  	_ =	shalt  }
0x83: {  	_ =	shalt  }
0x84: {  	_ =	shalt  }
0x85: {  	_ =	shalt  }
0x86: {  	_ =	shalt  }
0x87: {  	_ =	shalt  }
.Lfunc_end0:
.L_simem_size_0:
called_computation_lowered:
.L_overlay_start_0:
0x88: {  	s2 =	sld [smem:$0x3FD9]  }
0x89: {  	s3 =	sld [smem:$0x3FFE];
	_ =	sdelay $0x1  }
0x8a: {  	s1 =	srdreg.scid  }
0x8b: {  	s0 =	sand.u32 $0x1, s1  }
0x8c: {  	s29 =	sshll.u32 s0, $0xA;
	s2 =	sadd.s32 s3, s2  }
0x8d: {  	s2 =	sadd.s32 s2, s29  }
0x8e: {  	[smem:$0x3FA6] =	sst s2  }
0x8f: {  	_ = 	snop  }
0x90: {  	s4 =	sld [smem:$0x3FC8]  }
0x91: {  	s30 =	sld [smem:$0x3FC7]  }
0x92: {  	s2 =	sld [smem:$0x3FC6]  }
0x93: {  	s8 =	sld [smem:$0x3FC5]  }
0x94: {  	s9 =	sld [smem:$0x3FC4]  }
0x95: {  	s10 =	sld [smem:$0x3FC3]  }
0x96: {  	s5 =	sld [smem:$0x3FBA]  }
0x97: {  	s11 =	sld [smem:$0x3FD0]  }
0x98: {  	s12 =	sld [smem:$0x3FB9]  }
0x99: {  	s6 =	sld [smem:$0x3FB8]  }
0x9a: {  	s13 =	simm.s32 $0xA;
	s14 =	simm.s32 $0x10;
	s7 =	sld [smem:$0x3FB7]  }
0x9b: {  	[smem:s14], [sflag:s13] =	dma.local [hbm:s11], $0x1  }
0x9c: {  	_ =	swait.eq [sflag:s13], $0x1  }
0x9d: {  	[sflag:s13] =	ssyncset.done $0x0  }
0x9e: {  	[sflag:s13] =	ssyncadd.s32 $0xFFFFFFFF  }
0x9f: {  	s31 =	sld [smem:$0x13];
	(tm) =	ssettm $0x1  }
0xa0: {  	s17 =	sld [smem:$0x3FFB];
	_ =	sdelay $0x3  }
0xa1: {  	_ =	strace s17  }
0xa2: {  	s13 =	sld [smem:$0x3FFC];
	_ =	sdelay $0x3  }
0xa3: {  	_ =	strace s13  }
0xa4: {  	s13 =	sld [smem:$0x3FFD];
	_ =	sdelay $0x3  }
0xa5: {  	_ =	strace s13  }
0xa6: {  	_ =	strace $0x8FFFFFFF  }
0xa7: {  	s18 =	sld [smem:$0x3FDB];
	_ =	sdelay $0x1  }
0xa8: {  	s19 =	simm.s32 $_scs_section_size  }
0xa9: {  	s15 =	simm.s32 $_size__tile_overlayer_lowered;
	s16 =	simm.s32 $_tile_overlayer_lowered  }
0xaa: {  	s22 =	simm.s32 $0x1BFF;
	s21 =	sshll.u32 s16, $0x1;
	s13 =	sadd.s32 s19, s18  }
0xab: {  	s20 =	sshll.u32 s15, $0x1;
	s17 =	simm.s32 $0x0;
	s15 =	sadd.s32 s21, s13  }
0xac: {  	[timem:s17], [sflag:s22] =	dma.local [hbm:s15], s20  }
0xad: {  	_ =	swait.ge [sflag:s22], s20  }
0xae: {  	s14 =	ssub.s32 $0x0, s20;
	[sflag:s22] =	ssyncset.done $0x0  }
0xaf: {  	[sflag:s22] =	ssyncadd.s32 s14;
	_ =	sdelay $0x1  }
0xb0: {  	s23 =	simm.s32 $0x1B8B  }
0xb1: {  	_ =	swait.ge [sflag:s23], $0x1  }
0xb2: {  	[sflag:s23] =	ssyncset.done $0x0  }
0xb3: {  	s25 =	simm.s32 $0x1B8E;
	s24 =	sld [smem:$0x3FFE];
	[sflag:s23] =	ssyncadd.s32 $0xFFFFFFFF  }
0xb4: {  	s26 =	simm.s32 $execute0_lowered;
	[smem:$0x3FD2] =	sst s25  }
0xb5: {  	s15 =	sshll.u32 s26, $0x1;
	_ =	strace $0x80000046;
	[dreg:$0x1] =	wrdreg $0xFFFFFFFF  }
0xb6: {  	s28 =	simm.s32 $_size_execute0_lowered;
	s13 =	sadd.s32 s13, s15;
	[dreg:$0x0] =	wrdreg $0x0  }
0xb7: {  	s15 =	sshll.u32 s28, $0x1;
	[dreg:$0x2] =	wrdreg s13  }
0xb8: {  	[dreg:$0x3] =	wrdreg s15  }
0xb9: {  	[dreg:$0x4] =	wrdreg $0xC0  }
0xba: {  	_ =	task [dreg:s17], $0x5FFFF  }
0xbb: {  	[dreg:$0x1] =	wrdreg $0xFFFFFFFF  }
0xbc: {  	[dreg:$0x0] =	wrdreg $0x60  }
0xbd: {  	[dreg:$0x2] =	wrdreg s24  }
0xbe: {  	[dreg:$0x3] =	wrdreg s31  }
0xbf: {  	[dreg:$0x4] =	wrdreg s4  }
0xc0: {  	[dreg:$0x5] =	wrdreg s8  }
0xc1: {  	[dreg:$0x6] =	wrdreg s9  }
0xc2: {  	[dreg:$0x7] =	wrdreg s10  }
0xc3: {  	[dreg:$0x8] =	wrdreg s30  }
0xc4: {  	[dreg:$0x9] =	wrdreg s5  }
0xc5: {  	[dreg:$0xa] =	wrdreg s12  }
0xc6: {  	[dreg:$0xb] =	wrdreg s2  }
0xc7: {  	[dreg:$0xc] =	wrdreg s6  }
0xc8: {  	[dreg:$0xd] =	wrdreg s7  }
0xc9: {  	[dreg:$0xe] =	wrdreg $0x9  }
0xca: {  	_ =	task.clear_ibuf [dreg:s17], $0xFFFFF;
	_ =	strace $0x90000046  }
0xcb: {  	s29 =	simm.s32 $0x9;
	_ =	strace $0x80000048  }
0xcc: {  	_ =	swait.ge [sflag:s29], $0x1  }
0xcd: {  	[sflag:s29] =	ssyncadd.s32 $0xFFFFFFFF  }
0xce: {  	_ =	strace $0x90000048  }
0xcf: {  	_ =	sfence  }
0xd0: {  	s30 =	sld [smem:$0x0];
	_ =	sdelay $0x2  }
0xd1: {  	s31 =	sshll.u32 s1, $0xD;
	s1 =	sshrl.u32 s1, $0x2  }
0xd2: {  	s3 =	sand.u32 $0x4000, s31;
	s1 =	sadd.s32 s1, s30  }
0xd3: {  	s0 =	sor.u32 s3, s0;
	s1 =	sshll.u32 s1, $0x11  }
0xd4: {  	s0 =	sor.u32 s1, s0  }
0xd5: {  	s0 =	sadd.s32 $0x8F2B, s0  }
0xd6: {  	[sflag:s0] =	ssyncadd.remote.s32 $0x1  }
0xd7: {  	_ =	sfence.sel $0xFFFF  }
0xd8: {  	[dreg:$0x0] =	wrdreg $0xFFFFFFFF;
	(pc) =	sbr.abs _section_cstart, $3  }
0xd9: {  	[dreg:$0x1] =	wrdreg $0xFFFFFFFF  }
0xda: {  	_ =	task.clear_ibuf [dreg:s17], $0x2FFFF;
	_ =	strace $0x9FFFFFFF  }
0xdb: {  	(tm) =	ssettm $0x7FFFFFFF  }
tec
execute0_lowered:
.L_overlay_start_1:
0x0: {  	(tag) =	ssettag $0x1  }
0x1: {  	s0 =	rddreg [dreg:$0x0]  }
0x2: {  	s1 =	rddreg [dreg:$0x2]  }
0x3: {  	s3 =	rddreg [dreg:$0x3]  }
0x4: {  	s5 =	rddreg [dreg:$0x4]  }
0x5: {  	s8 =	rddreg [dreg:$0x5]  }
0x6: {  	s19 =	rddreg [dreg:$0x6]  }
0x7: {  	s9 =	rddreg [dreg:$0x7]  }
0x8: {  	s10 =	rddreg [dreg:$0x8]  }
0x9: {  	s11 =	rddreg [dreg:$0x9]  }
0xa: {  	s12 =	rddreg [dreg:$0xa]  }
0xb: {  	s13 =	rddreg [dreg:$0xb];
	s2 =	simm.s32 $0x0;
	s7 =	srdreg.scid  }
0xc: {  	s18 =	stileid.u32;
	s28 =	simm.s32 $0x480;
	s30 =	simm.s32 $0x280  }
0xd: {  	s31 =	simm.s32 $0x20;
	[smem:$0x7FF] =	sst s2;
	s4 =	sadd.s32 $0x18AE00, s0  }
0xe: {  	s6 =	sand.u32 $0x1, s7;
	s22 =	sadd.s32 $0x1ECA00, s0;
	s14 =	sshll.u32 s18, $0xE  }
0xf: {  	s18 =	sshll.u32 s18, $0x7;
	_ =	strace $0x80000047;
	s15 =	ssub.s32 $0x2, s6  }
0x10: {  	s14 =	sadd.s32 s14, s0;
	s17 =	sshll.u32 s6, $0xD;
	s0 =	sadd.s32 s18, s0  }
0x11: {  	s29 =	sshll.u32 s6, $0x6;
	s20 =	sadd.s32 s18, s9;
	s21 =	sadd.s32 s18, s19  }
0x12: {  	s23 =	sadd.s32 s18, s8;
	s24 =	sadd.s32 s18, s5;
	[dreg:$0xe] =	wrdreg s22  }
0x13: {  	s25 =	sadd.s32 s18, s3;
	s26 =	sadd.s32 s18, s1;
	[smem:$0x7F8] =	sst s20  }
0x14: {  	s3 =	simm.s32 $0x100;
	s9 =	simm.s32 $0x340;
	[smem:$0x7F9] =	sst s21  }
0x15: {  	s8 =	simm.s32 $0x140;
	s6 =	simm.s32 $0x1C0;
	[smem:$0x7FA] =	sst s23  }
0x16: {  	s5 =	simm.s32 $0x0;
	s16 =	sshrl.u32 s15, $0x1;
	[smem:$0x7FB] =	sst s24  }
0x17: {  	s14 =	sadd.s32 s17, s14;
	s7 =	sadd.s32 $0x4400, s0;
	[smem:$0x7FC] =	sst s25  }
0x18: {  	s0 =	sadd.s32 $0x8C00, s0;
	s17 =	sadd.s32 s18, s10;
	[smem:$0x7FD] =	sst s26  }
0x19: {  	s20 =	simm.s32 $0x40;
	s21 =	simm.s32 $0x80;
	[smem:$0x7F2] =	sst s7  }
0x1a: {  	s23 =	simm.s32 $0x240;
	s15 =	ssub.s32 s15, s16;
	[smem:$0x7F3] =	sst s0  }
0x1b: {  	s14 =	sadd.s32 $0x24E600, s14;
	s16 =	sadd.s32 s18, s11;
	[smem:$0x7F7] =	sst s17  }
0x1c: {  	s0 =	simm.s32 $0xC0;
	s7 =	simm.s32 $0x3C0;
	[dreg:$0xd] =	wrdreg s14  }
0x1d: {  	s17 =	simm.s32 $0x200;
	s15 =	smax.u32 s15, $0x1;
	[smem:$0x7F6] =	sst s16  }
0x1e: {  	s14 =	sadd.s32 s18, s13;
	s13 =	simm.s32 $0x180;
	[smem:$0x7F1] =	sst s15  }
0x1f: {  	s16 =	simm.s32 $0x400;
	[smem:$0x7F4] =	sst s14;
	s15 =	sadd.s32 s18, s12  }
0x20: {  	s12 =	simm.s32 $0x380;
	s18 =	simm.s32 $0x440;
	[smem:$0x7F5] =	sst s15  }
.LBB2_1:
0x21: {  	s1 =	sld [smem:$0x7FD]  }
0x22: {  	s24 =	sld [smem:$0x7FC]  }
0x23: {  	s25 =	sld [smem:$0x7FB]  }
0x24: {  	s26 =	sld [smem:$0x7FA];
	s1 =	sadd.s32 s1, s29  }
0x25: {  	[tilespmem:s2], [sflag:$0x1] =	stream.linear.gather [hbm4b:s1+s2], $0x40, $0x38;
	[tilespmem:$0x1CE00] =	vst v63  }
0x26: {  	[smem:$0x7E7] =	sst s1;
	s1 =	sadd.s32 s24, s29  }
0x27: {  	[tilespmem:s20], [sflag:$0x1] =	stream.linear.gather [hbm4b:s1+s2], $0x40, $0x38;
	[tilespmem:$0x1CE00] =	vst v63  }
0x28: {  	[smem:$0x7E8] =	sst s1;
	s1 =	sadd.s32 s25, s29  }
0x29: {  	[tilespmem:s21], [sflag:$0x1] =	stream.linear.gather [hbm4b:s1+s2], $0x40, $0x38;
	[tilespmem:$0x1CE00] =	vst v63  }
0x2a: {  	[smem:$0x7E9] =	sst s1;
	s1 =	sadd.s32 s26, s29  }
0x2b: {  	[smem:$0x7EA] =	sst s1  }
0x2c: {  	[tilespmem:s0], [sflag:$0x1] =	stream.linear.gather [hbm4b:s1+s2], $0x40, $0x38;
	[tilespmem:$0x1CE00] =	vst v63  }
0x2d: {  	s1 =	sld [smem:$0x7F2];
	_ =	sdelay $0x2  }
0x2e: {  	s1 =	sadd.s32 s1, s29  }
0x2f: {  	[tilespmem:s3], [sflag:$0x1] =	stream.linear.gather [hbm4b:s1+s2], $0x40, $0x38;
	[tilespmem:$0x1CE00] =	vst v63  }
0x30: {  	s3 =	sld [smem:$0x7F3];
	_ =	sdelay $0x2  }
0x31: {  	s3 =	sadd.s32 s3, s29  }
0x32: {  	[tilespmem:s9], [sflag:$0x1] =	stream.linear.gather [hbm4b:s3+s2], $0x40, $0x38;
	[tilespmem:$0x1CE00] =	vst v63  }
0x33: {  	[smem:$0x7E6] =	sst s5;
	s5 =	sadd.s32 $0x800, s1  }
0x34: {  	[tilespmem:s8], [sflag:$0x1] =	stream.linear.gather [hbm4b:s5+s2], $0x40, $0x38;
	[tilespmem:$0x1CE00] =	vst v63  }
0x35: {  	s9 =	sadd.s32 $0x800, s3  }
0x36: {  	[tilespmem:s12], [sflag:$0x1] =	stream.linear.gather [hbm4b:s9+s2], $0x40, $0x38;
	[tilespmem:$0x1CE00] =	vst v63  }
0x37: {  	s10 =	sadd.s32 $0x1000, s1  }
0x38: {  	[tilespmem:s13], [sflag:$0x1] =	stream.linear.gather [hbm4b:s10+s2], $0x40, $0x38;
	[tilespmem:$0x1CE00] =	vst v63  }
0x39: {  	s12 =	sadd.s32 $0x1000, s3  }
0x3a: {  	[tilespmem:s7], [sflag:$0x1] =	stream.linear.gather [hbm4b:s12+s2], $0x40, $0x38;
	[tilespmem:$0x1CE00] =	vst v63  }
0x3b: {  	s13 =	sadd.s32 $0x1800, s1  }
0x3c: {  	[tilespmem:s6], [sflag:$0x1] =	stream.linear.gather [hbm4b:s13+s2], $0x40, $0x38;
	[tilespmem:$0x1CE00] =	vst v63  }
0x3d: {  	s15 =	sadd.s32 $0x1800, s3  }
0x3e: {  	[tilespmem:s16], [sflag:$0x1] =	stream.linear.gather [hbm4b:s15+s2], $0x40, $0x38;
	[tilespmem:$0x1CE00] =	vst v63  }
0x3f: {  	s19 =	sadd.s32 $0x2000, s1  }
0x40: {  	[tilespmem:s17], [sflag:$0x1] =	stream.linear.gather [hbm4b:s19+s2], $0x40, $0x38;
	[tilespmem:$0x1CE00] =	vst v63  }
0x41: {  	s24 =	sadd.s32 $0x2000, s3  }
0x42: {  	[tilespmem:s18], [sflag:$0x1] =	stream.linear.gather [hbm4b:s24+s2], $0x40, $0x38;
	[tilespmem:$0x1CE00] =	vst v63  }
0x43: {  	s25 =	sadd.s32 $0x2800, s1  }
0x44: {  	[tilespmem:s23], [sflag:$0x1] =	stream.linear.gather [hbm4b:s25+s2], $0x40, $0x38;
	[tilespmem:$0x1CE00] =	vst v63  }
0x45: {  	s26 =	sadd.s32 $0x2800, s3  }
0x46: {  	[tilespmem:s28], [sflag:$0x1] =	stream.linear.gather [hbm4b:s26+s2], $0x40, $0x38;
	[tilespmem:$0x1CE00] =	vst v63  }
0x47: {  	s5 =	sadd.s32 $0x3000, s1;
	s15 =	sld [smem:$0x7F9]  }
0x48: {  	[tilespmem:s30], [sflag:$0x1] =	stream.linear.gather [hbm4b:s5+s2], $0x40, $0x38;
	[tilespmem:$0x1CE00] =	vst v63  }
0x49: {  	s8 =	sadd.s32 $0x3800, s1;
	s7 =	simm.s32 $0x4C0;
	s6 =	sadd.s32 $0x3000, s3  }
0x4a: {  	[tilespmem:s7], [sflag:$0x1] =	stream.linear.gather [hbm4b:s6+s2], $0x40, $0x38;
	[tilespmem:$0x1CE00] =	vst v63  }
0x4b: {  	s16 =	sld [smem:$0x7F8];
	s0 =	sadd.s32 s15, s29;
	s18 =	simm.s32 $0x2C0  }
0x4c: {  	[tilespmem:s18], [sflag:$0x1] =	stream.linear.gather [hbm4b:s8+s2], $0x40, $0x38;
	[tilespmem:$0x1CE00] =	vst v63  }
0x4d: {  	s9 =	sadd.s32 $0x3800, s3;
	s10 =	simm.s32 $0x500;
	[smem:$0x7EB] =	sst s0  }
0x4e: {  	[tilespmem:s10], [sflag:$0x1] =	stream.linear.gather [hbm4b:s9+s2], $0x40, $0x38;
	[tilespmem:$0x1CE00] =	vst v63  }
0x4f: {  	s12 =	sadd.s32 $0x4000, s1;
	s23 =	simm.s32 $0x300;
	s7 =	sld [smem:$0x7F7]  }
0x50: {  	[tilespmem:s23], [sflag:$0x1] =	stream.linear.gather [hbm4b:s12+s2], $0x40, $0x38;
	[tilespmem:$0x1CE00] =	vst v63  }
0x51: {  	s13 =	sadd.s32 $0x4000, s3;
	s30 =	simm.s32 $0x540;
	s8 =	sld [smem:$0x7F6]  }
0x52: {  	[tilespmem:s30], [sflag:$0x1] =	stream.linear.gather [hbm4b:s13+s2], $0x40, $0x38;
	[tilespmem:$0x1CE00] =	vst v63  }
0x53: {  	s26 =	simm.s32 $0x580;
	s9 =	sld [smem:$0x7F5]  }
0x54: {  	[tilespmem:s26], [sflag:$0x1] =	stream.linear.gather [hbm4b:s0+s2], $0x40, $0x38;
	[tilespmem:$0x1CE00] =	vst v63  }
0x55: {  	s10 =	sld [smem:$0x7F4];
	s12 =	simm.s32 $0x5C0;
	s0 =	sadd.s32 s16, s29  }
0x56: {  	[tilespmem:s12], [sflag:$0x1] =	stream.linear.gather [hbm4b:s0+s2], $0x40, $0x38;
	[tilespmem:$0x1CE00] =	vst v63  }
0x57: {  	s6 =	simm.s32 $0x600;
	[smem:$0x7EC] =	sst s0;
	s0 =	sadd.s32 s7, s29  }
0x58: {  	[tilespmem:s6], [sflag:$0x1] =	stream.linear.gather [hbm4b:s0+s2], $0x40, $0x38;
	[tilespmem:$0x1CE00] =	vst v63  }
0x59: {  	s15 =	simm.s32 $0x640;
	[smem:$0x7ED] =	sst s0;
	s0 =	sadd.s32 s8, s29  }
0x5a: {  	[tilespmem:s15], [sflag:$0x1] =	stream.linear.gather [hbm4b:s0+s2], $0x40, $0x38;
	[tilespmem:$0x1CE00] =	vst v63  }
0x5b: {  	s5 =	simm.s32 $0x680;
	[smem:$0x7EE] =	sst s0;
	s0 =	sadd.s32 s9, s29  }
0x5c: {  	[tilespmem:s5], [sflag:$0x1] =	stream.linear.gather [hbm4b:s0+s2], $0x40, $0x38;
	[tilespmem:$0x1CE00] =	vst v63  }
0x5d: {  	[smem:$0x7EF] =	sst s0;
	s0 =	sadd.s32 s10, s29  }
0x5e: {  	s24 =	simm.s32 $0x1;
	s10 =	simm.s32 $0x6C0;
	[smem:$0x7F0] =	sst s0  }
0x5f: {  	[tilespmem:s10], [sflag:$0x1] =	stream.linear.gather [hbm4b:s0+s2], $0x40, $0x38;
	[tilespmem:$0x1CE00] =	vst v63  }
0x60: {  	_ =	swait.ge [sflag:s24], $0x700  }
0x61: {  	p0 =	por $0x1, $0x1;
	[sflag:s24] =	ssyncset.done $0x0  }
0x62: {  	s0 =	simm.s32 @!p0 $0x4;
	[sflag:s24] =	ssyncadd.s32 $0xFFFFF900  }
0x63: {  	_ =	swait.ge @!p0 [sflag:s0], $0xE000  }
0x64: {  	[sflag:s0] =	ssyncset.done @!p0 $0x0  }
0x65: {  	s7 =	simm.s32 $0xE00;
	[sflag:s0] =	ssyncadd.s32 @!p0 $0xFFFF2000  }
0x66: {  	[tilespmem:s7], [sflag:$0x2] =	stream.indirect.gather [hbm4b:s4+s20], $0x20, s2, s20, $0xb8;
	[tilespmem:$0x1CE00] =	vst v63  }
0x67: {  	s8 =	simm.s32 $0x1600  }
0x68: {  	[tilespmem:s8], [sflag:$0x2] =	stream.indirect.gather [hbm4b:s4+s20], $0x20, s20, s20, $0xb8;
	[tilespmem:$0x1CE00] =	vst v63  }
0x69: {  	s24 =	simm.s32 $0x1E00  }
0x6a: {  	[tilespmem:s24], [sflag:$0x2] =	stream.indirect.gather [hbm4b:s4+s20], $0x20, s21, s20, $0xb8;
	[tilespmem:$0x1CE00] =	vst v63  }
0x6b: {  	s11 =	simm.s32 $0xC0;
	s9 =	simm.s32 $0x2600  }
0x6c: {  	[tilespmem:s9], [sflag:$0x2] =	stream.indirect.gather [hbm4b:s4+s20], $0x20, s11, s20, $0xb8;
	[tilespmem:$0x1CE00] =	vst v63  }
0x6d: {  	s14 =	simm.s32 $0x100;
	s11 =	simm.s32 $0x2E00  }
0x6e: {  	[tilespmem:s11], [sflag:$0x2] =	stream.indirect.gather [hbm4b:s4+s20], $0x20, s14, s20, $0xb8;
	[tilespmem:$0x1CE00] =	vst v63  }
0x6f: {  	s13 =	simm.s32 $0x140;
	s14 =	simm.s32 $0x3600  }
0x70: {  	[tilespmem:s14], [sflag:$0x2] =	stream.indirect.gather [hbm4b:s4+s20], $0x20, s13, s20, $0xb8;
	[tilespmem:$0x1CE00] =	vst v63  }
0x71: {  	s19 =	simm.s32 $0x180;
	s13 =	simm.s32 $0x3E00  }
0x72: {  	[tilespmem:s13], [sflag:$0x2] =	stream.indirect.gather [hbm4b:s4+s20], $0x20, s19, s20, $0xb8;
	[tilespmem:$0x1CE00] =	vst v63  }
0x73: {  	s17 =	simm.s32 $0x1C0;
	s19 =	simm.s32 $0x4600  }
0x74: {  	[tilespmem:s19], [sflag:$0x2] =	stream.indirect.gather [hbm4b:s4+s20], $0x20, s17, s20, $0xb8;
	[tilespmem:$0x1CE00] =	vst v63  }
0x75: {  	s25 =	simm.s32 $0x200;
	s28 =	simm.s32 $0x4E00  }
0x76: {  	[tilespmem:s28], [sflag:$0x2] =	stream.indirect.gather [hbm4b:s4+s20], $0x20, s25, s20, $0xb8;
	[tilespmem:$0x1CE00] =	vst v63  }
0x77: {  	s17 =	simm.s32 $0x5600;
	s25 =	simm.s32 $0x240  }
0x78: {  	[tilespmem:s17], [sflag:$0x2] =	stream.indirect.gather [hbm4b:s4+s20], $0x20, s25, s20, $0xb8;
	[tilespmem:$0x1CE00] =	vst v63  }
0x79: {  	s16 =	simm.s32 $0x280;
	s25 =	simm.s32 $0x5E00  }
0x7a: {  	[tilespmem:s25], [sflag:$0x2] =	stream.indirect.gather [hbm4b:s4+s20], $0x20, s16, s20, $0xb8;
	[tilespmem:$0x1CE00] =	vst v63  }
0x7b: {  	s16 =	simm.s32 $0x6600  }
0x7c: {  	[tilespmem:s16], [sflag:$0x2] =	stream.indirect.gather [hbm4b:s4+s20], $0x20, s18, s20, $0xb8;
	[tilespmem:$0x1CE00] =	vst v63  }
0x7d: {  	s18 =	simm.s32 $0x6E00  }
0x7e: {  	[tilespmem:s18], [sflag:$0x2] =	stream.indirect.gather [hbm4b:s4+s20], $0x20, s23, s20, $0xb8;
	[tilespmem:$0x1CE00] =	vst v63  }
0x7f: {  	s16 =	simm.s32 $0x340;
	s23 =	simm.s32 $0x7600  }
0x80: {  	[tilespmem:s23], [sflag:$0x2] =	stream.indirect.gather [hbm4b:s4+s20], $0x20, s16, s20, $0xb8;
	[tilespmem:$0x1CE00] =	vst v63  }
0x81: {  	s0 =	simm.s32 $0x7E00;
	s16 =	simm.s32 $0x380  }
0x82: {  	[tilespmem:s0], [sflag:$0x2] =	stream.indirect.gather [hbm4b:s4+s20], $0x20, s16, s20, $0xb8;
	[tilespmem:$0x1CE00] =	vst v63  }
0x83: {  	s0 =	simm.s32 $0x8600;
	s16 =	simm.s32 $0x3C0  }
0x84: {  	[tilespmem:s0], [sflag:$0x2] =	stream.indirect.gather [hbm4b:s4+s20], $0x20, s16, s20, $0xb8;
	[tilespmem:$0x1CE00] =	vst v63  }
0x85: {  	s0 =	simm.s32 $0x8E00;
	s16 =	simm.s32 $0x400  }
0x86: {  	[tilespmem:s0], [sflag:$0x2] =	stream.indirect.gather [hbm4b:s4+s20], $0x20, s16, s20, $0xb8;
	[tilespmem:$0x1CE00] =	vst v63  }
0x87: {  	s0 =	simm.s32 $0x9600;
	s16 =	simm.s32 $0x440  }
0x88: {  	[tilespmem:s0], [sflag:$0x2] =	stream.indirect.gather [hbm4b:s4+s20], $0x20, s16, s20, $0xb8;
	[tilespmem:$0x1CE00] =	vst v63  }
0x89: {  	s0 =	simm.s32 $0x9E00;
	s16 =	simm.s32 $0x480  }
0x8a: {  	[tilespmem:s0], [sflag:$0x2] =	stream.indirect.gather [hbm4b:s4+s20], $0x20, s16, s20, $0xb8;
	[tilespmem:$0x1CE00] =	vst v63  }
0x8b: {  	s0 =	simm.s32 $0xA600;
	s16 =	simm.s32 $0x4C0  }
0x8c: {  	[tilespmem:s0], [sflag:$0x2] =	stream.indirect.gather [hbm4b:s4+s20], $0x20, s16, s20, $0xb8;
	[tilespmem:$0x1CE00] =	vst v63  }
0x8d: {  	s0 =	simm.s32 $0xAE00;
	s16 =	simm.s32 $0x500  }
0x8e: {  	[tilespmem:s0], [sflag:$0x2] =	stream.indirect.gather [hbm4b:s4+s20], $0x20, s16, s20, $0xb8;
	[tilespmem:$0x1CE00] =	vst v63  }
0x8f: {  	s16 =	simm.s32 $0xB600  }
0x90: {  	[tilespmem:s16], [sflag:$0x2] =	stream.indirect.gather [hbm4b:s4+s20], $0x20, s30, s20, $0xb8;
	[tilespmem:$0x1CE00] =	vst v63  }
0x91: {  	s30 =	simm.s32 $0xBE00  }
0x92: {  	[tilespmem:s30], [sflag:$0x2] =	stream.indirect.gather [hbm4b:s22+s20], $0x20, s26, s20, $0xb8;
	[tilespmem:$0x1CE00] =	vst v63  }
0x93: {  	s26 =	simm.s32 $0xC600  }
0x94: {  	[tilespmem:s26], [sflag:$0x2] =	stream.indirect.gather [hbm4b:s22+s20], $0x20, s12, s20, $0xb8;
	[tilespmem:$0x1CE00] =	vst v63  }
0x95: {  	s12 =	simm.s32 $0xCE00  }
0x96: {  	[tilespmem:s12], [sflag:$0x2] =	stream.indirect.gather [hbm4b:s22+s20], $0x20, s6, s20, $0xb8;
	[tilespmem:$0x1CE00] =	vst v63  }
0x97: {  	s16 =	simm.s32 $0xD600;
	s6 =	rddreg [dreg:$0x1]  }
0x98: {  	[tilespmem:s16], [sflag:$0x2] =	stream.indirect.gather [hbm4b:s6+s20], $0x20, s15, s20, $0xb8;
	[tilespmem:$0x1CE00] =	vst v63  }
0x99: {  	s15 =	simm.s32 $0xDE00  }
0x9a: {  	[tilespmem:s15], [sflag:$0x2] =	stream.indirect.gather [hbm4b:s6+s20], $0x20, s5, s20, $0xb8;
	[tilespmem:$0x1CE00] =	vst v63  }
0x9b: {  	s0 =	simm.s32 $0x2;
	s5 =	simm.s32 $0xE600  }
0x9c: {  	[tilespmem:s5], [sflag:$0x2] =	stream.indirect.gather [hbm4b:s6+s20], $0x20, s10, s20, $0xb8;
	[tilespmem:$0x1CE00] =	vst v63  }
0x9d: {  	_ =	swait.ge [sflag:s0], $0xE000  }
0x9e: {  	s10 =	rddreg [dreg:$0xd];
	[sflag:s0] =	ssyncset.done $0x0  }
0x9f: {  	[sflag:s0] =	ssyncadd.s32 $0xFFFF2000;
	s0 =	sadd.s32 $0x0, s10  }
0xa0: {  	[hbm4b:s0+s31] =	stream.strided.scatter [tilespmem:s7], [sflag:$0x4], $0x800, s21, s31, $0x38;
	[tilespmem:$0x1CE00] =	vst v63  }
0xa1: {  	s10 =	sadd.s32 $0x4, s0  }
0xa2: {  	[hbm4b:s10+s31] =	stream.strided.scatter [tilespmem:s8], [sflag:$0x4], $0x800, s21, s31, $0x38;
	[tilespmem:$0x1CE00] =	vst v63  }
0xa3: {  	s7 =	sadd.s32 $0x8, s0  }
0xa4: {  	[hbm4b:s7+s31] =	stream.strided.scatter [tilespmem:s24], [sflag:$0x4], $0x800, s21, s31, $0x38;
	[tilespmem:$0x1CE00] =	vst v63  }
0xa5: {  	s8 =	sadd.s32 $0xC, s0  }
0xa6: {  	[hbm4b:s8+s31] =	stream.strided.scatter [tilespmem:s9], [sflag:$0x4], $0x800, s21, s31, $0x38;
	[tilespmem:$0x1CE00] =	vst v63  }
0xa7: {  	s9 =	sadd.s32 $0x40000, s0  }
0xa8: {  	[hbm4b:s9+s31] =	stream.strided.scatter [tilespmem:s11], [sflag:$0x4], $0x800, s21, s31, $0x38;
	[tilespmem:$0x1CE00] =	vst v63  }
0xa9: {  	s10 =	sadd.s32 $0x40004, s0  }
0xaa: {  	[hbm4b:s10+s31] =	stream.strided.scatter [tilespmem:s14], [sflag:$0x4], $0x800, s21, s31, $0x38;
	[tilespmem:$0x1CE00] =	vst v63  }
0xab: {  	s11 =	sadd.s32 $0x40008, s0  }
0xac: {  	[hbm4b:s11+s31] =	stream.strided.scatter [tilespmem:s13], [sflag:$0x4], $0x800, s21, s31, $0x38;
	[tilespmem:$0x1CE00] =	vst v63  }
0xad: {  	s13 =	sadd.s32 $0x4000C, s0  }
0xae: {  	[hbm4b:s13+s31] =	stream.strided.scatter [tilespmem:s19], [sflag:$0x4], $0x800, s21, s31, $0x38;
	[tilespmem:$0x1CE00] =	vst v63  }
0xaf: {  	s14 =	sadd.s32 $0x80000, s0  }
0xb0: {  	[hbm4b:s14+s31] =	stream.strided.scatter [tilespmem:s28], [sflag:$0x4], $0x800, s21, s31, $0x38;
	[tilespmem:$0x1CE00] =	vst v63  }
0xb1: {  	s19 =	sadd.s32 $0x80004, s0  }
0xb2: {  	[hbm4b:s19+s31] =	stream.strided.scatter [tilespmem:s17], [sflag:$0x4], $0x800, s21, s31, $0x38;
	[tilespmem:$0x1CE00] =	vst v63  }
0xb3: {  	s24 =	sadd.s32 $0x80008, s0  }
0xb4: {  	[hbm4b:s24+s31] =	stream.strided.scatter [tilespmem:s25], [sflag:$0x4], $0x800, s21, s31, $0x38;
	[tilespmem:$0x1CE00] =	vst v63  }
0xb5: {  	s28 =	simm.s32 $0x6600;
	s25 =	sadd.s32 $0x8000C, s0  }
0xb6: {  	[hbm4b:s25+s31] =	stream.strided.scatter [tilespmem:s28], [sflag:$0x4], $0x800, s21, s31, $0x38;
	[tilespmem:$0x1CE00] =	vst v63  }
0xb7: {  	s7 =	sadd.s32 $0xC0000, s0  }
0xb8: {  	[hbm4b:s7+s31] =	stream.strided.scatter [tilespmem:s18], [sflag:$0x4], $0x800, s21, s31, $0x38;
	[tilespmem:$0x1CE00] =	vst v63  }
0xb9: {  	s8 =	sadd.s32 $0xC0004, s0  }
0xba: {  	[hbm4b:s8+s31] =	stream.strided.scatter [tilespmem:s23], [sflag:$0x4], $0x800, s21, s31, $0x38;
	[tilespmem:$0x1CE00] =	vst v63  }
0xbb: {  	s9 =	sadd.s32 $0xC0008, s0;
	s10 =	simm.s32 $0x7E00  }
0xbc: {  	[hbm4b:s9+s31] =	stream.strided.scatter [tilespmem:s10], [sflag:$0x4], $0x800, s21, s31, $0x38;
	[tilespmem:$0x1CE00] =	vst v63  }
0xbd: {  	s11 =	sadd.s32 $0xC000C, s0;
	s13 =	simm.s32 $0x8600  }
0xbe: {  	[hbm4b:s11+s31] =	stream.strided.scatter [tilespmem:s13], [sflag:$0x4], $0x800, s21, s31, $0x38;
	[tilespmem:$0x1CE00] =	vst v63  }
0xbf: {  	s14 =	sadd.s32 $0x100000, s0;
	s17 =	simm.s32 $0x8E00  }
0xc0: {  	[hbm4b:s14+s31] =	stream.strided.scatter [tilespmem:s17], [sflag:$0x4], $0x800, s21, s31, $0x38;
	[tilespmem:$0x1CE00] =	vst v63  }
0xc1: {  	s19 =	simm.s32 $0x9600;
	s18 =	sadd.s32 $0x100004, s0  }
0xc2: {  	[hbm4b:s18+s31] =	stream.strided.scatter [tilespmem:s19], [sflag:$0x4], $0x800, s21, s31, $0x38;
	[tilespmem:$0x1CE00] =	vst v63  }
0xc3: {  	s24 =	simm.s32 $0x9E00;
	s23 =	sadd.s32 $0x100008, s0  }
0xc4: {  	[hbm4b:s23+s31] =	stream.strided.scatter [tilespmem:s24], [sflag:$0x4], $0x800, s21, s31, $0x38;
	[tilespmem:$0x1CE00] =	vst v63  }
0xc5: {  	s25 =	sadd.s32 $0x10000C, s0;
	s28 =	simm.s32 $0xA600  }
0xc6: {  	[hbm4b:s25+s31] =	stream.strided.scatter [tilespmem:s28], [sflag:$0x4], $0x800, s21, s31, $0x38;
	[tilespmem:$0x1CE00] =	vst v63  }
0xc7: {  	s7 =	sadd.s32 $0x140000, s0;
	s8 =	simm.s32 $0xAE00  }
0xc8: {  	[hbm4b:s7+s31] =	stream.strided.scatter [tilespmem:s8], [sflag:$0x4], $0x800, s21, s31, $0x38;
	[tilespmem:$0x1CE00] =	vst v63  }
0xc9: {  	s9 =	sadd.s32 $0x140004, s0;
	s10 =	simm.s32 $0xB600  }
0xca: {  	[hbm4b:s9+s31] =	stream.strided.scatter [tilespmem:s10], [sflag:$0x4], $0x800, s21, s31, $0x38;
	[tilespmem:$0x1CE00] =	vst v63  }
0xcb: {  	s11 =	sadd.s32 $0x140008, s0  }
0xcc: {  	[hbm4b:s11+s31] =	stream.strided.scatter [tilespmem:s30], [sflag:$0x4], $0x800, s21, s31, $0x38;
	[tilespmem:$0x1CE00] =	vst v63  }
0xcd: {  	s13 =	sadd.s32 $0x14000C, s0  }
0xce: {  	[hbm4b:s13+s31] =	stream.strided.scatter [tilespmem:s26], [sflag:$0x4], $0x800, s21, s31, $0x38;
	[tilespmem:$0x1CE00] =	vst v63  }
0xcf: {  	s14 =	sadd.s32 $0x180000, s0  }
0xd0: {  	[hbm4b:s14+s31] =	stream.strided.scatter [tilespmem:s12], [sflag:$0x4], $0x800, s21, s31, $0x38;
	[tilespmem:$0x1CE00] =	vst v63  }
0xd1: {  	s17 =	sadd.s32 $0x180004, s0;
	s18 =	simm.s32 $0xD600  }
0xd2: {  	[hbm4b:s17+s31] =	stream.strided.scatter [tilespmem:s18], [sflag:$0x4], $0x800, s21, s31, $0x38;
	[tilespmem:$0x1CE00] =	vst v63  }
0xd3: {  	s19 =	sadd.s32 $0x180008, s0;
	s24 =	sld [smem:$0x7E7]  }
0xd4: {  	[hbm4b:s19+s31] =	stream.strided.scatter [tilespmem:s15], [sflag:$0x4], $0x800, s21, s31, $0x38;
	[tilespmem:$0x1CE00] =	vst v63  }
0xd5: {  	s23 =	sadd.s32 $0x18000C, s0;
	s25 =	sld [smem:$0x7E8]  }
0xd6: {  	[hbm4b:s23+s31] =	stream.strided.scatter [tilespmem:s5], [sflag:$0x4], $0x800, s21, s31, $0x38;
	[tilespmem:$0x1CE00] =	vst v63  }
0xd7: {  	s9 =	simm.s32 $0x700;
	s26 =	sld [smem:$0x7E9];
	s5 =	sadd.s32 $0x8, s24  }
0xd8: {  	[tilespmem:s9], [sflag:$0x1] =	stream.linear.gather [hbm4b:s5+s2], $0x40, $0x38;
	[tilespmem:$0x1CE00] =	vst v63  }
0xd9: {  	s28 =	sld [smem:$0x7EA];
	s13 =	simm.s32 $0x740;
	s5 =	sadd.s32 $0x8, s25  }
0xda: {  	[tilespmem:s13], [sflag:$0x1] =	stream.linear.gather [hbm4b:s5+s2], $0x40, $0x38;
	[tilespmem:$0x1CE00] =	vst v63  }
0xdb: {  	s14 =	simm.s32 $0x780;
	s5 =	sadd.s32 $0x8, s26  }
0xdc: {  	[tilespmem:s14], [sflag:$0x1] =	stream.linear.gather [hbm4b:s5+s2], $0x40, $0x38;
	[tilespmem:$0x1CE00] =	vst v63  }
0xdd: {  	s16 =	simm.s32 $0x7C0;
	s5 =	sadd.s32 $0x8, s28  }
0xde: {  	[tilespmem:s16], [sflag:$0x1] =	stream.linear.gather [hbm4b:s5+s2], $0x40, $0x38;
	[tilespmem:$0x1CE00] =	vst v63  }
0xdf: {  	s30 =	sadd.s32 $0x8, s1;
	s18 =	simm.s32 $0x800  }
0xe0: {  	[tilespmem:s18], [sflag:$0x1] =	stream.linear.gather [hbm4b:s30+s2], $0x40, $0x38;
	[tilespmem:$0x1CE00] =	vst v63  }
0xe1: {  	s7 =	sadd.s32 $0x8, s3;
	s8 =	simm.s32 $0xA40  }
0xe2: {  	[tilespmem:s8], [sflag:$0x1] =	stream.linear.gather [hbm4b:s7+s2], $0x40, $0x38;
	[tilespmem:$0x1CE00] =	vst v63  }
0xe3: {  	s10 =	sadd.s32 $0x808, s1;
	s23 =	simm.s32 $0x840  }
0xe4: {  	[tilespmem:s23], [sflag:$0x1] =	stream.linear.gather [hbm4b:s10+s2], $0x40, $0x38;
	[tilespmem:$0x1CE00] =	vst v63  }
0xe5: {  	s11 =	sadd.s32 $0x808, s3;
	s12 =	simm.s32 $0xA80  }
0xe6: {  	[tilespmem:s12], [sflag:$0x1] =	stream.linear.gather [hbm4b:s11+s2], $0x40, $0x38;
	[tilespmem:$0x1CE00] =	vst v63  }
0xe7: {  	s17 =	simm.s32 $0x880;
	s15 =	sadd.s32 $0x1008, s1  }
0xe8: {  	[tilespmem:s17], [sflag:$0x1] =	stream.linear.gather [hbm4b:s15+s2], $0x40, $0x38;
	[tilespmem:$0x1CE00] =	vst v63  }
0xe9: {  	s19 =	sadd.s32 $0x1008, s3;
	s24 =	simm.s32 $0xAC0  }
0xea: {  	[tilespmem:s24], [sflag:$0x1] =	stream.linear.gather [hbm4b:s19+s2], $0x40, $0x38;
	[tilespmem:$0x1CE00] =	vst v63  }
0xeb: {  	s25 =	sadd.s32 $0x1808, s1;
	s26 =	simm.s32 $0x8C0  }
0xec: {  	[tilespmem:s26], [sflag:$0x1] =	stream.linear.gather [hbm4b:s25+s2], $0x40, $0x38;
	[tilespmem:$0x1CE00] =	vst v63  }
0xed: {  	s28 =	sadd.s32 $0x1808, s3;
	s30 =	simm.s32 $0xB00  }
0xee: {  	[tilespmem:s30], [sflag:$0x1] =	stream.linear.gather [hbm4b:s28+s2], $0x40, $0x38;
	[tilespmem:$0x1CE00] =	vst v63  }
0xef: {  	s8 =	sadd.s32 $0x2008, s1;
	s28 =	simm.s32 $0x900  }
0xf0: {  	[tilespmem:s28], [sflag:$0x1] =	stream.linear.gather [hbm4b:s8+s2], $0x40, $0x38;
	[tilespmem:$0x1CE00] =	vst v63  }
0xf1: {  	s10 =	sadd.s32 $0x2008, s3;
	s11 =	simm.s32 $0xB40  }
0xf2: {  	[tilespmem:s11], [sflag:$0x1] =	stream.linear.gather [hbm4b:s10+s2], $0x40, $0x38;
	[tilespmem:$0x1CE00] =	vst v63  }
0xf3: {  	s12 =	sadd.s32 $0x2808, s1;
	s15 =	simm.s32 $0x940  }
0xf4: {  	[tilespmem:s15], [sflag:$0x1] =	stream.linear.gather [hbm4b:s12+s2], $0x40, $0x38;
	[tilespmem:$0x1CE00] =	vst v63  }
0xf5: {  	s17 =	sadd.s32 $0x2808, s3;
	s19 =	simm.s32 $0xB80  }
0xf6: {  	[tilespmem:s19], [sflag:$0x1] =	stream.linear.gather [hbm4b:s17+s2], $0x40, $0x38;
	[tilespmem:$0x1CE00] =	vst v63  }
0xf7: {  	s24 =	sadd.s32 $0x3008, s1;
	s26 =	simm.s32 $0x980  }
0xf8: {  	[tilespmem:s26], [sflag:$0x1] =	stream.linear.gather [hbm4b:s24+s2], $0x40, $0x38;
	[tilespmem:$0x1CE00] =	vst v63  }
0xf9: {  	s25 =	sadd.s32 $0x3008, s3;
	s30 =	simm.s32 $0xBC0  }
0xfa: {  	[tilespmem:s30], [sflag:$0x1] =	stream.linear.gather [hbm4b:s25+s2], $0x40, $0x38;
	[tilespmem:$0x1CE00] =	vst v63  }
0xfb: {  	s7 =	sadd.s32 $0x3808, s1;
	s25 =	simm.s32 $0x9C0  }
0xfc: {  	[tilespmem:s25], [sflag:$0x1] =	stream.linear.gather [hbm4b:s7+s2], $0x40, $0x38;
	[tilespmem:$0x1CE00] =	vst v63  }
0xfd: {  	s8 =	sadd.s32 $0x3808, s3;
	s10 =	simm.s32 $0xC00  }
0xfe: {  	[tilespmem:s10], [sflag:$0x1] =	stream.linear.gather [hbm4b:s8+s2], $0x40, $0x38;
	[tilespmem:$0x1CE00] =	vst v63  }
0xff: {  	s1 =	sadd.s32 $0x4008, s1;
	s12 =	sld [smem:$0x7EB];
	s10 =	simm.s32 $0xA00  }
0x100: {  	[tilespmem:s10], [sflag:$0x1] =	stream.linear.gather [hbm4b:s1+s2], $0x40, $0x38;
	[tilespmem:$0x1CE00] =	vst v63  }
0x101: {  	s11 =	sadd.s32 $0x4008, s3;
	s15 =	sld [smem:$0x7EC];
	s30 =	simm.s32 $0xC40  }
0x102: {  	[tilespmem:s30], [sflag:$0x1] =	stream.linear.gather [hbm4b:s11+s2], $0x40, $0x38;
	[tilespmem:$0x1CE00] =	vst v63  }
0x103: {  	s17 =	sld [smem:$0x7ED];
	s24 =	simm.s32 $0xC80;
	s1 =	sadd.s32 $0x8, s12  }
0x104: {  	[tilespmem:s24], [sflag:$0x1] =	stream.linear.gather [hbm4b:s1+s2], $0x40, $0x38;
	[tilespmem:$0x1CE00] =	vst v63  }
0x105: {  	s3 =	sld [smem:$0x7EE];
	s19 =	simm.s32 $0xCC0;
	s1 =	sadd.s32 $0x8, s15  }
0x106: {  	[tilespmem:s19], [sflag:$0x1] =	stream.linear.gather [hbm4b:s1+s2], $0x40, $0x38;
	[tilespmem:$0x1CE00] =	vst v63  }
0x107: {  	s5 =	sld [smem:$0x7EF];
	s1 =	sadd.s32 $0x8, s17;
	s17 =	simm.s32 $0xD00  }
0x108: {  	[tilespmem:s17], [sflag:$0x1] =	stream.linear.gather [hbm4b:s1+s2], $0x40, $0x38;
	[tilespmem:$0x1CE00] =	vst v63  }
0x109: {  	s7 =	sld [smem:$0x7F0];
	s15 =	simm.s32 $0xD40;
	s1 =	sadd.s32 $0x8, s3  }
0x10a: {  	[tilespmem:s15], [sflag:$0x1] =	stream.linear.gather [hbm4b:s1+s2], $0x40, $0x38;
	[tilespmem:$0x1CE00] =	vst v63  }
0x10b: {  	s12 =	simm.s32 $0xD80;
	s1 =	sadd.s32 $0x8, s5  }
0x10c: {  	[tilespmem:s12], [sflag:$0x1] =	stream.linear.gather [hbm4b:s1+s2], $0x40, $0x38;
	[tilespmem:$0x1CE00] =	vst v63  }
0x10d: {  	s8 =	simm.s32 $0x1;
	s11 =	simm.s32 $0xDC0;
	s1 =	sadd.s32 $0x8, s7  }
0x10e: {  	[tilespmem:s11], [sflag:$0x1] =	stream.linear.gather [hbm4b:s1+s2], $0x40, $0x38;
	[tilespmem:$0x1CE00] =	vst v63  }
0x10f: {  	_ =	swait.ge [sflag:s8], $0x700  }
0x110: {  	[sflag:s8] =	ssyncset.done $0x0  }
0x111: {  	s1 =	simm.s32 @!p0 $0x5;
	[sflag:s8] =	ssyncadd.s32 $0xFFFFF900  }
0x112: {  	_ =	swait.ge @!p0 [sflag:s1], $0xE000  }
0x113: {  	[sflag:s1] =	ssyncset.done @!p0 $0x0  }
0x114: {  	s5 =	simm.s32 $0xEE00;
	[sflag:s1] =	ssyncadd.s32 @!p0 $0xFFFF2000  }
0x115: {  	[tilespmem:s5], [sflag:$0x3] =	stream.indirect.gather [hbm4b:s4+s20], $0x20, s9, s20, $0xb8;
	[tilespmem:$0x1CE00] =	vst v63  }
0x116: {  	s7 =	simm.s32 $0xF600  }
0x117: {  	[tilespmem:s7], [sflag:$0x3] =	stream.indirect.gather [hbm4b:s4+s20], $0x20, s13, s20, $0xb8;
	[tilespmem:$0x1CE00] =	vst v63  }
0x118: {  	s8 =	simm.s32 $0xFE00  }
0x119: {  	[tilespmem:s8], [sflag:$0x3] =	stream.indirect.gather [hbm4b:s4+s20], $0x20, s14, s20, $0xb8;
	[tilespmem:$0x1CE00] =	vst v63  }
0x11a: {  	s9 =	simm.s32 $0x10600  }
0x11b: {  	[tilespmem:s9], [sflag:$0x3] =	stream.indirect.gather [hbm4b:s4+s20], $0x20, s16, s20, $0xb8;
	[tilespmem:$0x1CE00] =	vst v63  }
0x11c: {  	s14 =	simm.s32 $0x10E00  }
0x11d: {  	[tilespmem:s14], [sflag:$0x3] =	stream.indirect.gather [hbm4b:s4+s20], $0x20, s18, s20, $0xb8;
	[tilespmem:$0x1CE00] =	vst v63  }
0x11e: {  	s13 =	simm.s32 $0x11600  }
0x11f: {  	[tilespmem:s13], [sflag:$0x3] =	stream.indirect.gather [hbm4b:s4+s20], $0x20, s23, s20, $0xb8;
	[tilespmem:$0x1CE00] =	vst v63  }
0x120: {  	s16 =	simm.s32 $0x11E00;
	s18 =	simm.s32 $0x880  }
0x121: {  	[tilespmem:s16], [sflag:$0x3] =	stream.indirect.gather [hbm4b:s4+s20], $0x20, s18, s20, $0xb8;
	[tilespmem:$0x1CE00] =	vst v63  }
0x122: {  	s23 =	simm.s32 $0x8C0;
	s18 =	simm.s32 $0x12600  }
0x123: {  	[tilespmem:s18], [sflag:$0x3] =	stream.indirect.gather [hbm4b:s4+s20], $0x20, s23, s20, $0xb8;
	[tilespmem:$0x1CE00] =	vst v63  }
0x124: {  	s23 =	simm.s32 $0x12E00  }
0x125: {  	[tilespmem:s23], [sflag:$0x3] =	stream.indirect.gather [hbm4b:s4+s20], $0x20, s28, s20, $0xb8;
	[tilespmem:$0x1CE00] =	vst v63  }
0x126: {  	s3 =	simm.s32 $0x940;
	s28 =	simm.s32 $0x13600  }
0x127: {  	[tilespmem:s28], [sflag:$0x3] =	stream.indirect.gather [hbm4b:s4+s20], $0x20, s3, s20, $0xb8;
	[tilespmem:$0x1CE00] =	vst v63  }
0x128: {  	s3 =	simm.s32 $0x13E00  }
0x129: {  	[tilespmem:s3], [sflag:$0x3] =	stream.indirect.gather [hbm4b:s4+s20], $0x20, s26, s20, $0xb8;
	[tilespmem:$0x1CE00] =	vst v63  }
0x12a: {  	s26 =	simm.s32 $0x14600  }
0x12b: {  	[tilespmem:s26], [sflag:$0x3] =	stream.indirect.gather [hbm4b:s4+s20], $0x20, s25, s20, $0xb8;
	[tilespmem:$0x1CE00] =	vst v63  }
0x12c: {  	s25 =	simm.s32 $0x14E00  }
0x12d: {  	[tilespmem:s25], [sflag:$0x3] =	stream.indirect.gather [hbm4b:s4+s20], $0x20, s10, s20, $0xb8;
	[tilespmem:$0x1CE00] =	vst v63  }
0x12e: {  	s3 =	simm.s32 $0xA40;
	s10 =	simm.s32 $0x15600  }
0x12f: {  	[tilespmem:s10], [sflag:$0x3] =	stream.indirect.gather [hbm4b:s4+s20], $0x20, s3, s20, $0xb8;
	[tilespmem:$0x1CE00] =	vst v63  }
0x130: {  	s1 =	simm.s32 $0xA80;
	s3 =	simm.s32 $0x15E00  }
0x131: {  	[tilespmem:s3], [sflag:$0x3] =	stream.indirect.gather [hbm4b:s4+s20], $0x20, s1, s20, $0xb8;
	[tilespmem:$0x1CE00] =	vst v63  }
0x132: {  	s3 =	simm.s32 $0x16600;
	s1 =	simm.s32 $0xAC0  }
0x133: {  	[tilespmem:s3], [sflag:$0x3] =	stream.indirect.gather [hbm4b:s4+s20], $0x20, s1, s20, $0xb8;
	[tilespmem:$0x1CE00] =	vst v63  }
0x134: {  	s3 =	simm.s32 $0x16E00;
	s1 =	simm.s32 $0xB00  }
0x135: {  	[tilespmem:s3], [sflag:$0x3] =	stream.indirect.gather [hbm4b:s4+s20], $0x20, s1, s20, $0xb8;
	[tilespmem:$0x1CE00] =	vst v63  }
0x136: {  	s3 =	simm.s32 $0x17600;
	s1 =	simm.s32 $0xB40  }
0x137: {  	[tilespmem:s3], [sflag:$0x3] =	stream.indirect.gather [hbm4b:s4+s20], $0x20, s1, s20, $0xb8;
	[tilespmem:$0x1CE00] =	vst v63  }
0x138: {  	s1 =	simm.s32 $0x17E00;
	s3 =	simm.s32 $0xB80  }
0x139: {  	[tilespmem:s1], [sflag:$0x3] =	stream.indirect.gather [hbm4b:s4+s20], $0x20, s3, s20, $0xb8;
	[tilespmem:$0x1CE00] =	vst v63  }
0x13a: {  	s1 =	simm.s32 $0x18600;
	s3 =	simm.s32 $0xBC0  }
0x13b: {  	[tilespmem:s1], [sflag:$0x3] =	stream.indirect.gather [hbm4b:s4+s20], $0x20, s3, s20, $0xb8;
	[tilespmem:$0x1CE00] =	vst v63  }
0x13c: {  	s1 =	simm.s32 $0x18E00;
	s3 =	simm.s32 $0xC00  }
0x13d: {  	[tilespmem:s1], [sflag:$0x3] =	stream.indirect.gather [hbm4b:s4+s20], $0x20, s3, s20, $0xb8;
	[tilespmem:$0x1CE00] =	vst v63  }
0x13e: {  	s3 =	simm.s32 $0x19600  }
0x13f: {  	[tilespmem:s3], [sflag:$0x3] =	stream.indirect.gather [hbm4b:s4+s20], $0x20, s30, s20, $0xb8;
	[tilespmem:$0x1CE00] =	vst v63  }
0x140: {  	s30 =	simm.s32 $0x19E00  }
0x141: {  	[tilespmem:s30], [sflag:$0x3] =	stream.indirect.gather [hbm4b:s22+s20], $0x20, s24, s20, $0xb8;
	[tilespmem:$0x1CE00] =	vst v63  }
0x142: {  	s24 =	simm.s32 $0x1A600  }
0x143: {  	[tilespmem:s24], [sflag:$0x3] =	stream.indirect.gather [hbm4b:s22+s20], $0x20, s19, s20, $0xb8;
	[tilespmem:$0x1CE00] =	vst v63  }
0x144: {  	s19 =	simm.s32 $0x1AE00  }
0x145: {  	[tilespmem:s19], [sflag:$0x3] =	stream.indirect.gather [hbm4b:s22+s20], $0x20, s17, s20, $0xb8;
	[tilespmem:$0x1CE00] =	vst v63  }
0x146: {  	s17 =	simm.s32 $0x1B600  }
0x147: {  	[tilespmem:s17], [sflag:$0x3] =	stream.indirect.gather [hbm4b:s6+s20], $0x20, s15, s20, $0xb8;
	[tilespmem:$0x1CE00] =	vst v63  }
0x148: {  	s15 =	simm.s32 $0x1BE00  }
0x149: {  	[tilespmem:s15], [sflag:$0x3] =	stream.indirect.gather [hbm4b:s6+s20], $0x20, s12, s20, $0xb8;
	[tilespmem:$0x1CE00] =	vst v63  }
0x14a: {  	s22 =	simm.s32 $0x1C600;
	s12 =	simm.s32 $0x3  }
0x14b: {  	[tilespmem:s22], [sflag:$0x3] =	stream.indirect.gather [hbm4b:s6+s20], $0x20, s11, s20, $0xb8;
	[tilespmem:$0x1CE00] =	vst v63  }
0x14c: {  	_ =	swait.ge [sflag:s12], $0xE000  }
0x14d: {  	[sflag:s12] =	ssyncset.done $0x0  }
0x14e: {  	s22 =	sadd.s32 $0x400, s0;
	[sflag:s12] =	ssyncadd.s32 $0xFFFF2000  }
0x14f: {  	[hbm4b:s22+s31] =	stream.strided.scatter [tilespmem:s5], [sflag:$0x5], $0x800, s21, s31, $0x38;
	[tilespmem:$0x1CE00] =	vst v63  }
0x150: {  	s6 =	sadd.s32 $0x404, s0  }
0x151: {  	[hbm4b:s6+s31] =	stream.strided.scatter [tilespmem:s7], [sflag:$0x5], $0x800, s21, s31, $0x38;
	[tilespmem:$0x1CE00] =	vst v63  }
0x152: {  	s7 =	sadd.s32 $0x408, s0  }
0x153: {  	[hbm4b:s7+s31] =	stream.strided.scatter [tilespmem:s8], [sflag:$0x5], $0x800, s21, s31, $0x38;
	[tilespmem:$0x1CE00] =	vst v63  }
0x154: {  	s8 =	sadd.s32 $0x40C, s0  }
0x155: {  	[hbm4b:s8+s31] =	stream.strided.scatter [tilespmem:s9], [sflag:$0x5], $0x800, s21, s31, $0x38;
	[tilespmem:$0x1CE00] =	vst v63  }
0x156: {  	s11 =	sadd.s32 $0x40400, s0  }
0x157: {  	[hbm4b:s11+s31] =	stream.strided.scatter [tilespmem:s14], [sflag:$0x5], $0x800, s21, s31, $0x38;
	[tilespmem:$0x1CE00] =	vst v63  }
0x158: {  	s12 =	sadd.s32 $0x40404, s0  }
0x159: {  	[hbm4b:s12+s31] =	stream.strided.scatter [tilespmem:s13], [sflag:$0x5], $0x800, s21, s31, $0x38;
	[tilespmem:$0x1CE00] =	vst v63  }
0x15a: {  	s14 =	sadd.s32 $0x40408, s0  }
0x15b: {  	[hbm4b:s14+s31] =	stream.strided.scatter [tilespmem:s16], [sflag:$0x5], $0x800, s21, s31, $0x38;
	[tilespmem:$0x1CE00] =	vst v63  }
0x15c: {  	s16 =	sadd.s32 $0x4040C, s0  }
0x15d: {  	[hbm4b:s16+s31] =	stream.strided.scatter [tilespmem:s18], [sflag:$0x5], $0x800, s21, s31, $0x38;
	[tilespmem:$0x1CE00] =	vst v63  }
0x15e: {  	s22 =	sadd.s32 $0x80400, s0  }
0x15f: {  	[hbm4b:s22+s31] =	stream.strided.scatter [tilespmem:s23], [sflag:$0x5], $0x800, s21, s31, $0x38;
	[tilespmem:$0x1CE00] =	vst v63  }
0x160: {  	s23 =	sadd.s32 $0x80404, s0  }
0x161: {  	[hbm4b:s23+s31] =	stream.strided.scatter [tilespmem:s28], [sflag:$0x5], $0x800, s21, s31, $0x38;
	[tilespmem:$0x1CE00] =	vst v63  }
0x162: {  	s5 =	sadd.s32 $0x80408, s0;
	s6 =	simm.s32 $0x13E00  }
0x163: {  	[hbm4b:s5+s31] =	stream.strided.scatter [tilespmem:s6], [sflag:$0x5], $0x800, s21, s31, $0x38;
	[tilespmem:$0x1CE00] =	vst v63  }
0x164: {  	s7 =	sadd.s32 $0x8040C, s0;
	s8 =	sadd.s32 $0xC0400, s0;
	s9 =	sadd.s32 $0xC0404, s0  }
0x165: {  	[hbm4b:s7+s31] =	stream.strided.scatter [tilespmem:s26], [sflag:$0x5], $0x800, s21, s31, $0x38;
	[tilespmem:$0x1CE00] =	vst v63  }
0x166: {  	s11 =	simm.s32 $0x15E00;
	s12 =	sadd.s32 $0xC040C, s0;
	s14 =	sadd.s32 $0x100400, s0  }
0x167: {  	[hbm4b:s8+s31] =	stream.strided.scatter [tilespmem:s25], [sflag:$0x5], $0x800, s21, s31, $0x38;
	[tilespmem:$0x1CE00] =	vst v63  }
0x168: {  	s18 =	sadd.s32 $0x100404, s0;
	s23 =	sadd.s32 $0x100408, s0  }
0x169: {  	[hbm4b:s9+s31] =	stream.strided.scatter [tilespmem:s10], [sflag:$0x5], $0x800, s21, s31, $0x38;
	[tilespmem:$0x1CE00] =	vst v63  }
0x16a: {  	s5 =	sadd.s32 $0x140400, s0;
	s10 =	sadd.s32 $0xC0408, s0;
	s9 =	sld [smem:$0x7FD]  }
0x16b: {  	[hbm4b:s10+s31] =	stream.strided.scatter [tilespmem:s11], [sflag:$0x5], $0x800, s21, s31, $0x38;
	[tilespmem:$0x1CE00] =	vst v63  }
0x16c: {  	s13 =	simm.s32 $0x16600;
	s26 =	sadd.s32 $0x10040C, s0;
	s11 =	sld [smem:$0x7FB]  }
0x16d: {  	[hbm4b:s12+s31] =	stream.strided.scatter [tilespmem:s13], [sflag:$0x5], $0x800, s21, s31, $0x38;
	[tilespmem:$0x1CE00] =	vst v63  }
0x16e: {  	s16 =	simm.s32 $0x16E00;
	s7 =	sadd.s32 $0x140404, s0;
	s12 =	sld [smem:$0x7FC]  }
0x16f: {  	[hbm4b:s14+s31] =	stream.strided.scatter [tilespmem:s16], [sflag:$0x5], $0x800, s21, s31, $0x38;
	[tilespmem:$0x1CE00] =	vst v63  }
0x170: {  	s22 =	simm.s32 $0x17600;
	s8 =	sadd.s32 $0x140408, s0;
	s14 =	sld [smem:$0x7F9]  }
0x171: {  	[hbm4b:s18+s31] =	stream.strided.scatter [tilespmem:s22], [sflag:$0x5], $0x800, s21, s31, $0x38;
	[tilespmem:$0x1CE00] =	vst v63  }
0x172: {  	s25 =	simm.s32 $0x17E00;
	s10 =	sadd.s32 $0x14040C, s0;
	s16 =	sld [smem:$0x7FA]  }
0x173: {  	[hbm4b:s23+s31] =	stream.strided.scatter [tilespmem:s25], [sflag:$0x5], $0x800, s21, s31, $0x38;
	[tilespmem:$0x1CE00] =	vst v63  }
0x174: {  	s28 =	simm.s32 $0x18600;
	s13 =	sadd.s32 $0x180400, s0;
	s22 =	sld [smem:$0x7F8]  }
0x175: {  	[hbm4b:s26+s31] =	stream.strided.scatter [tilespmem:s28], [sflag:$0x5], $0x800, s21, s31, $0x38;
	[tilespmem:$0x1CE00] =	vst v63  }
0x176: {  	s6 =	simm.s32 $0x18E00;
	s18 =	sadd.s32 $0x180404, s0;
	s25 =	sld [smem:$0x7F4]  }
0x177: {  	[hbm4b:s5+s31] =	stream.strided.scatter [tilespmem:s6], [sflag:$0x5], $0x800, s21, s31, $0x38;
	[tilespmem:$0x1CE00] =	vst v63  }
0x178: {  	s3 =	simm.s32 $0x19600;
	s23 =	sadd.s32 $0x180408, s0;
	s26 =	sld [smem:$0x7F5]  }
0x179: {  	[hbm4b:s7+s31] =	stream.strided.scatter [tilespmem:s3], [sflag:$0x5], $0x800, s21, s31, $0x38;
	[tilespmem:$0x1CE00] =	vst v63  }
0x17a: {  	s0 =	sadd.s32 $0x18040C, s0;
	s28 =	sld [smem:$0x7F2];
	s6 =	sadd.s32 $0x10, s9  }
0x17b: {  	[hbm4b:s8+s31] =	stream.strided.scatter [tilespmem:s30], [sflag:$0x5], $0x800, s21, s31, $0x38;
	[tilespmem:$0x1CE00] =	vst v63  }
0x17c: {  	s9 =	sadd.s32 $0x10, s14;
	s3 =	simm.s32 $0x800;
	s30 =	sld [smem:$0x7F3]  }
0x17d: {  	[hbm4b:s10+s31] =	stream.strided.scatter [tilespmem:s24], [sflag:$0x5], $0x800, s21, s31, $0x38;
	[tilespmem:$0x1CE00] =	vst v63  }
0x17e: {  	s7 =	sadd.s32 $0x10, s11;
	s11 =	sadd.s32 $0x10, s22;
	s24 =	sld [smem:$0x7F6]  }
0x17f: {  	[hbm4b:s13+s31] =	stream.strided.scatter [tilespmem:s19], [sflag:$0x5], $0x800, s21, s31, $0x38;
	[tilespmem:$0x1CE00] =	vst v63  }
0x180: {  	s8 =	sadd.s32 $0x10, s12;
	s10 =	sadd.s32 $0x10, s16;
	s19 =	sld [smem:$0x7F7]  }
0x181: {  	[hbm4b:s18+s31] =	stream.strided.scatter [tilespmem:s17], [sflag:$0x5], $0x800, s21, s31, $0x38;
	[tilespmem:$0x1CE00] =	vst v63  }
0x182: {  	s16 =	sadd.s32 $0x10, s26;
	s14 =	sadd.s32 $0x10, s30;
	s13 =	sadd.s32 $0x10, s28  }
0x183: {  	[hbm4b:s23+s31] =	stream.strided.scatter [tilespmem:s15], [sflag:$0x5], $0x800, s21, s31, $0x38;
	[tilespmem:$0x1CE00] =	vst v63  }
0x184: {  	s5 =	sadd.s32 $0x10, s24;
	s1 =	sadd.s32 $0x10, s19;
	s15 =	sadd.s32 $0x10, s25  }
.LBB2_2:
0x185: {  	[dreg:$0x1b] =	wrdreg s14  }
0x186: {  	[dreg:$0x1a] =	wrdreg s13;
	s12 =	simm.s32 $0x1C600  }
0x187: {  	[hbm4b:s0+s31] =	stream.strided.scatter [tilespmem:s12], [sflag:$0x5], $0x800, s21, s31, $0x38;
	[tilespmem:$0x1CE00] =	vst v63  }
0x188: {  	[dreg:$0x10] =	wrdreg s6;
	s6 =	sadd.s32 s6, s29  }
0x189: {  	[tilespmem:s2], [sflag:$0x1] =	stream.linear.gather [hbm4b:s6+s2], $0x40, $0x38;
	[tilespmem:$0x1CE00] =	vst v63  }
0x18a: {  	[dreg:$0x12] =	wrdreg s8;
	s13 =	sadd.s32 $0x800, s3;
	s14 =	sadd.s32 s8, s29  }
0x18b: {  	[tilespmem:s20], [sflag:$0x1] =	stream.linear.gather [hbm4b:s14+s2], $0x40, $0x38;
	[tilespmem:$0x1CE00] =	vst v63  }
0x18c: {  	s17 =	sadd.s32 s7, s29;
	s18 =	sadd.s32 s10, s29;
	[dreg:$0xf] =	wrdreg s13  }
0x18d: {  	[tilespmem:s21], [sflag:$0x1] =	stream.linear.gather [hbm4b:s17+s2], $0x40, $0x38;
	[tilespmem:$0x1CE00] =	vst v63  }
0x18e: {  	s8 =	simm.s32 $0xC0;
	s22 =	simm.s32 $0x100;
	s19 =	rddreg [dreg:$0x1a]  }
0x18f: {  	[tilespmem:s8], [sflag:$0x1] =	stream.linear.gather [hbm4b:s18+s2], $0x40, $0x38;
	[tilespmem:$0x1CE00] =	vst v63  }
0x190: {  	p0 =	sne.s32 s13, $0x2000;
	s23 =	rddreg [dreg:$0x1b];
	s13 =	sadd.s32 s19, s29  }
0x191: {  	[tilespmem:s22], [sflag:$0x1] =	stream.linear.gather [hbm4b:s13+s2], $0x40, $0x38;
	[tilespmem:$0x1CE00] =	vst v63  }
0x192: {  	s24 =	simm.s32 $0x340;
	[dreg:$0x1c] =	wrdreg s14;
	s14 =	sadd.s32 s23, s29  }
0x193: {  	[tilespmem:s24], [sflag:$0x1] =	stream.linear.gather [hbm4b:s14+s2], $0x40, $0x38;
	[tilespmem:$0x1CE00] =	vst v63  }
0x194: {  	[dreg:$0x14] =	wrdreg s10;
	s26 =	simm.s32 $0x140;
	s25 =	sadd.s32 $0x800, s13  }
0x195: {  	[tilespmem:s26], [sflag:$0x1] =	stream.linear.gather [hbm4b:s25+s2], $0x40, $0x38;
	[tilespmem:$0x1CE00] =	vst v63  }
0x196: {  	s30 =	simm.s32 $0x380;
	[smem:$0x7E0] =	sst s6;
	s28 =	sadd.s32 $0x800, s14  }
0x197: {  	[tilespmem:s30], [sflag:$0x1] =	stream.linear.gather [hbm4b:s28+s2], $0x40, $0x38;
	[tilespmem:$0x1CE00] =	vst v63  }
0x198: {  	s12 =	smov.u32 s3;
	s3 =	sadd.s32 $0x1000, s13;
	s6 =	simm.s32 $0x180  }
0x199: {  	[tilespmem:s6], [sflag:$0x1] =	stream.linear.gather [hbm4b:s3+s2], $0x40, $0x38;
	[tilespmem:$0x1CE00] =	vst v63  }
0x19a: {  	[dreg:$0x11] =	wrdreg s7;
	s10 =	simm.s32 $0x3C0;
	s7 =	sadd.s32 $0x1000, s14  }
0x19b: {  	[tilespmem:s10], [sflag:$0x1] =	stream.linear.gather [hbm4b:s7+s2], $0x40, $0x38;
	[tilespmem:$0x1CE00] =	vst v63  }
0x19c: {  	[dreg:$0x1d] =	wrdreg s17;
	s17 =	sadd.s32 $0x1800, s13;
	s25 =	simm.s32 $0x1C0  }
0x19d: {  	[tilespmem:s25], [sflag:$0x1] =	stream.linear.gather [hbm4b:s17+s2], $0x40, $0x38;
	[tilespmem:$0x1CE00] =	vst v63  }
0x19e: {  	[dreg:$0x1e] =	wrdreg s18;
	s19 =	simm.s32 $0x400;
	s18 =	sadd.s32 $0x1800, s14  }
0x19f: {  	[tilespmem:s19], [sflag:$0x1] =	stream.linear.gather [hbm4b:s18+s2], $0x40, $0x38;
	[tilespmem:$0x1CE00] =	vst v63  }
0x1a0: {  	s23 =	simm.s32 $0x200;
	s22 =	sadd.s32 $0x2000, s13  }
0x1a1: {  	[tilespmem:s23], [sflag:$0x1] =	stream.linear.gather [hbm4b:s22+s2], $0x40, $0x38;
	[tilespmem:$0x1CE00] =	vst v63  }
0x1a2: {  	s24 =	sadd.s32 $0x2000, s14;
	s26 =	simm.s32 $0x440  }
0x1a3: {  	[tilespmem:s26], [sflag:$0x1] =	stream.linear.gather [hbm4b:s24+s2], $0x40, $0x38;
	[tilespmem:$0x1CE00] =	vst v63  }
0x1a4: {  	s28 =	sadd.s32 $0x2800, s13;
	s30 =	simm.s32 $0x240  }
0x1a5: {  	[tilespmem:s30], [sflag:$0x1] =	stream.linear.gather [hbm4b:s28+s2], $0x40, $0x38;
	[tilespmem:$0x1CE00] =	vst v63  }
0x1a6: {  	[dreg:$0x19] =	wrdreg s16;
	s3 =	sadd.s32 $0x2800, s14;
	s6 =	simm.s32 $0x480  }
0x1a7: {  	[tilespmem:s6], [sflag:$0x1] =	stream.linear.gather [hbm4b:s3+s2], $0x40, $0x38;
	[tilespmem:$0x1CE00] =	vst v63  }
0x1a8: {  	[dreg:$0x18] =	wrdreg s15;
	s7 =	sadd.s32 $0x3000, s13;
	s10 =	simm.s32 $0x280  }
0x1a9: {  	[tilespmem:s10], [sflag:$0x1] =	stream.linear.gather [hbm4b:s7+s2], $0x40, $0x38;
	[tilespmem:$0x1CE00] =	vst v63  }
0x1aa: {  	[dreg:$0x17] =	wrdreg s5;
	s17 =	sadd.s32 $0x3000, s14;
	s18 =	simm.s32 $0x4C0  }
0x1ab: {  	[tilespmem:s18], [sflag:$0x1] =	stream.linear.gather [hbm4b:s17+s2], $0x40, $0x38;
	[tilespmem:$0x1CE00] =	vst v63  }
0x1ac: {  	[dreg:$0x16] =	wrdreg s11;
	s19 =	sadd.s32 $0x3800, s13;
	s17 =	simm.s32 $0x2C0  }
0x1ad: {  	[tilespmem:s17], [sflag:$0x1] =	stream.linear.gather [hbm4b:s19+s2], $0x40, $0x38;
	[tilespmem:$0x1CE00] =	vst v63  }
0x1ae: {  	[dreg:$0x15] =	wrdreg s1;
	s22 =	sadd.s32 $0x3800, s14;
	s24 =	simm.s32 $0x500  }
0x1af: {  	[tilespmem:s24], [sflag:$0x1] =	stream.linear.gather [hbm4b:s22+s2], $0x40, $0x38;
	[tilespmem:$0x1CE00] =	vst v63  }
0x1b0: {  	[dreg:$0x13] =	wrdreg s9;
	s26 =	sadd.s32 $0x4000, s13;
	s19 =	simm.s32 $0x300  }
0x1b1: {  	[tilespmem:s19], [sflag:$0x1] =	stream.linear.gather [hbm4b:s26+s2], $0x40, $0x38;
	[tilespmem:$0x1CE00] =	vst v63  }
0x1b2: {  	s28 =	sadd.s32 $0x4000, s14;
	s3 =	simm.s32 $0x540;
	s6 =	sadd.s32 s9, s29  }
0x1b3: {  	[tilespmem:s3], [sflag:$0x1] =	stream.linear.gather [hbm4b:s28+s2], $0x40, $0x38;
	[tilespmem:$0x1CE00] =	vst v63  }
0x1b4: {  	s9 =	sadd.s32 s11, s29;
	[dreg:$0x1f] =	wrdreg s6;
	s7 =	simm.s32 $0x580  }
0x1b5: {  	[tilespmem:s7], [sflag:$0x1] =	stream.linear.gather [hbm4b:s6+s2], $0x40, $0x38;
	[tilespmem:$0x1CE00] =	vst v63  }
0x1b6: {  	s11 =	sadd.s32 s1, s29;
	[smem:$0x7E1] =	sst s9;
	s26 =	simm.s32 $0x5C0  }
0x1b7: {  	[tilespmem:s26], [sflag:$0x1] =	stream.linear.gather [hbm4b:s9+s2], $0x40, $0x38;
	[tilespmem:$0x1CE00] =	vst v63  }
0x1b8: {  	[smem:$0x7E2] =	sst s11;
	s18 =	sadd.s32 s5, s29;
	s6 =	simm.s32 $0x600  }
0x1b9: {  	[tilespmem:s6], [sflag:$0x1] =	stream.linear.gather [hbm4b:s11+s2], $0x40, $0x38;
	[tilespmem:$0x1CE00] =	vst v63  }
0x1ba: {  	[smem:$0x7E3] =	sst s18;
	s22 =	sadd.s32 s16, s29;
	s9 =	simm.s32 $0x640  }
0x1bb: {  	[tilespmem:s9], [sflag:$0x1] =	stream.linear.gather [hbm4b:s18+s2], $0x40, $0x38;
	[tilespmem:$0x1CE00] =	vst v63  }
0x1bc: {  	s24 =	sadd.s32 s15, s29;
	[smem:$0x7E4] =	sst s22;
	s11 =	simm.s32 $0x680  }
0x1bd: {  	[tilespmem:s11], [sflag:$0x1] =	stream.linear.gather [hbm4b:s22+s2], $0x40, $0x38;
	[tilespmem:$0x1CE00] =	vst v63  }
0x1be: {  	[smem:$0x7E5] =	sst s24;
	s28 =	simm.s32 $0x1;
	s7 =	simm.s32 $0x6C0  }
0x1bf: {  	[tilespmem:s7], [sflag:$0x1] =	stream.linear.gather [hbm4b:s24+s2], $0x40, $0x38;
	[tilespmem:$0x1CE00] =	vst v63  }
0x1c0: {  	_ =	swait.ge [sflag:s28], $0x700  }
0x1c1: {  	p1 =	seq.s32 s12, $0x0;
	[sflag:s28] =	ssyncset.done $0x0  }
0x1c2: {  	s0 =	simm.s32 @!p1 $0x4;
	[sflag:s28] =	ssyncadd.s32 $0xFFFFF900  }
0x1c3: {  	_ =	swait.ge @!p1 [sflag:s0], $0xE000  }
0x1c4: {  	[sflag:s0] =	ssyncset.done @!p1 $0x0  }
0x1c5: {  	s18 =	simm.s32 $0xE00;
	[sflag:s0] =	ssyncadd.s32 @!p1 $0xFFFF2000  }
0x1c6: {  	[tilespmem:s18], [sflag:$0x2] =	stream.indirect.gather [hbm4b:s4+s20], $0x20, s2, s20, $0xb8;
	[tilespmem:$0x1CE00] =	vst v63  }
0x1c7: {  	s15 =	simm.s32 $0x1600  }
0x1c8: {  	[tilespmem:s15], [sflag:$0x2] =	stream.indirect.gather [hbm4b:s4+s20], $0x20, s20, s20, $0xb8;
	[tilespmem:$0x1CE00] =	vst v63  }
0x1c9: {  	s24 =	simm.s32 $0x1E00  }
0x1ca: {  	[tilespmem:s24], [sflag:$0x2] =	stream.indirect.gather [hbm4b:s4+s20], $0x20, s21, s20, $0xb8;
	[tilespmem:$0x1CE00] =	vst v63  }
0x1cb: {  	s22 =	simm.s32 $0x2600  }
0x1cc: {  	[tilespmem:s22], [sflag:$0x2] =	stream.indirect.gather [hbm4b:s4+s20], $0x20, s8, s20, $0xb8;
	[tilespmem:$0x1CE00] =	vst v63  }
0x1cd: {  	s1 =	simm.s32 $0x100;
	s28 =	simm.s32 $0x2E00  }
0x1ce: {  	[tilespmem:s28], [sflag:$0x2] =	stream.indirect.gather [hbm4b:s4+s20], $0x20, s1, s20, $0xb8;
	[tilespmem:$0x1CE00] =	vst v63  }
0x1cf: {  	s5 =	simm.s32 $0x140;
	s16 =	simm.s32 $0x3600  }
0x1d0: {  	[tilespmem:s16], [sflag:$0x2] =	stream.indirect.gather [hbm4b:s4+s20], $0x20, s5, s20, $0xb8;
	[tilespmem:$0x1CE00] =	vst v63  }
0x1d1: {  	s8 =	simm.s32 $0x180;
	s5 =	simm.s32 $0x3E00  }
0x1d2: {  	[tilespmem:s5], [sflag:$0x2] =	stream.indirect.gather [hbm4b:s4+s20], $0x20, s8, s20, $0xb8;
	[tilespmem:$0x1CE00] =	vst v63  }
0x1d3: {  	s8 =	simm.s32 $0x4600  }
0x1d4: {  	[tilespmem:s8], [sflag:$0x2] =	stream.indirect.gather [hbm4b:s4+s20], $0x20, s25, s20, $0xb8;
	[tilespmem:$0x1CE00] =	vst v63  }
0x1d5: {  	s25 =	simm.s32 $0x4E00  }
0x1d6: {  	[tilespmem:s25], [sflag:$0x2] =	stream.indirect.gather [hbm4b:s4+s20], $0x20, s23, s20, $0xb8;
	[tilespmem:$0x1CE00] =	vst v63  }
0x1d7: {  	s23 =	simm.s32 $0x5600  }
0x1d8: {  	[tilespmem:s23], [sflag:$0x2] =	stream.indirect.gather [hbm4b:s4+s20], $0x20, s30, s20, $0xb8;
	[tilespmem:$0x1CE00] =	vst v63  }
0x1d9: {  	s30 =	simm.s32 $0x5E00  }
0x1da: {  	[tilespmem:s30], [sflag:$0x2] =	stream.indirect.gather [hbm4b:s4+s20], $0x20, s10, s20, $0xb8;
	[tilespmem:$0x1CE00] =	vst v63  }
0x1db: {  	s10 =	simm.s32 $0x6600  }
0x1dc: {  	[tilespmem:s10], [sflag:$0x2] =	stream.indirect.gather [hbm4b:s4+s20], $0x20, s17, s20, $0xb8;
	[tilespmem:$0x1CE00] =	vst v63  }
0x1dd: {  	s17 =	simm.s32 $0x6E00  }
0x1de: {  	[tilespmem:s17], [sflag:$0x2] =	stream.indirect.gather [hbm4b:s4+s20], $0x20, s19, s20, $0xb8;
	[tilespmem:$0x1CE00] =	vst v63  }
0x1df: {  	s1 =	simm.s32 $0x340;
	s19 =	simm.s32 $0x7600  }
0x1e0: {  	[tilespmem:s19], [sflag:$0x2] =	stream.indirect.gather [hbm4b:s4+s20], $0x20, s1, s20, $0xb8;
	[tilespmem:$0x1CE00] =	vst v63  }
0x1e1: {  	s0 =	simm.s32 $0x380;
	s1 =	simm.s32 $0x7E00  }
0x1e2: {  	[tilespmem:s1], [sflag:$0x2] =	stream.indirect.gather [hbm4b:s4+s20], $0x20, s0, s20, $0xb8;
	[tilespmem:$0x1CE00] =	vst v63  }
0x1e3: {  	s1 =	simm.s32 $0x8600;
	s0 =	simm.s32 $0x3C0  }
0x1e4: {  	[tilespmem:s1], [sflag:$0x2] =	stream.indirect.gather [hbm4b:s4+s20], $0x20, s0, s20, $0xb8;
	[tilespmem:$0x1CE00] =	vst v63  }
0x1e5: {  	s1 =	simm.s32 $0x8E00;
	s0 =	simm.s32 $0x400  }
0x1e6: {  	[tilespmem:s1], [sflag:$0x2] =	stream.indirect.gather [hbm4b:s4+s20], $0x20, s0, s20, $0xb8;
	[tilespmem:$0x1CE00] =	vst v63  }
0x1e7: {  	s1 =	simm.s32 $0x9600;
	s0 =	simm.s32 $0x440  }
0x1e8: {  	[tilespmem:s1], [sflag:$0x2] =	stream.indirect.gather [hbm4b:s4+s20], $0x20, s0, s20, $0xb8;
	[tilespmem:$0x1CE00] =	vst v63  }
0x1e9: {  	s1 =	simm.s32 $0x9E00;
	s0 =	simm.s32 $0x480  }
0x1ea: {  	[tilespmem:s1], [sflag:$0x2] =	stream.indirect.gather [hbm4b:s4+s20], $0x20, s0, s20, $0xb8;
	[tilespmem:$0x1CE00] =	vst v63  }
0x1eb: {  	s1 =	simm.s32 $0xA600;
	s0 =	simm.s32 $0x4C0  }
0x1ec: {  	[tilespmem:s1], [sflag:$0x2] =	stream.indirect.gather [hbm4b:s4+s20], $0x20, s0, s20, $0xb8;
	[tilespmem:$0x1CE00] =	vst v63  }
0x1ed: {  	s0 =	simm.s32 $0xAE00;
	s1 =	simm.s32 $0x500  }
0x1ee: {  	[tilespmem:s0], [sflag:$0x2] =	stream.indirect.gather [hbm4b:s4+s20], $0x20, s1, s20, $0xb8;
	[tilespmem:$0x1CE00] =	vst v63  }
0x1ef: {  	s1 =	simm.s32 $0xB600  }
0x1f0: {  	[tilespmem:s1], [sflag:$0x2] =	stream.indirect.gather [hbm4b:s4+s20], $0x20, s3, s20, $0xb8;
	[tilespmem:$0x1CE00] =	vst v63  }
0x1f1: {  	s0 =	simm.s32 $0xBE00;
	s3 =	rddreg [dreg:$0xe];
	s1 =	simm.s32 $0x580  }
0x1f2: {  	[tilespmem:s0], [sflag:$0x2] =	stream.indirect.gather [hbm4b:s3+s20], $0x20, s1, s20, $0xb8;
	[tilespmem:$0x1CE00] =	vst v63  }
0x1f3: {  	s1 =	simm.s32 $0xC600  }
0x1f4: {  	[tilespmem:s1], [sflag:$0x2] =	stream.indirect.gather [hbm4b:s3+s20], $0x20, s26, s20, $0xb8;
	[tilespmem:$0x1CE00] =	vst v63  }
0x1f5: {  	s26 =	simm.s32 $0xCE00  }
0x1f6: {  	[tilespmem:s26], [sflag:$0x2] =	stream.indirect.gather [hbm4b:s3+s20], $0x20, s6, s20, $0xb8;
	[tilespmem:$0x1CE00] =	vst v63  }
0x1f7: {  	s1 =	simm.s32 $0xD600;
	s6 =	rddreg [dreg:$0x1]  }
0x1f8: {  	[tilespmem:s1], [sflag:$0x2] =	stream.indirect.gather [hbm4b:s6+s20], $0x20, s9, s20, $0xb8;
	[tilespmem:$0x1CE00] =	vst v63  }
0x1f9: {  	s9 =	simm.s32 $0xDE00  }
0x1fa: {  	[tilespmem:s9], [sflag:$0x2] =	stream.indirect.gather [hbm4b:s6+s20], $0x20, s11, s20, $0xb8;
	[tilespmem:$0x1CE00] =	vst v63  }
0x1fb: {  	s0 =	simm.s32 $0x2;
	s11 =	simm.s32 $0xE600  }
0x1fc: {  	[tilespmem:s11], [sflag:$0x2] =	stream.indirect.gather [hbm4b:s6+s20], $0x20, s7, s20, $0xb8;
	[tilespmem:$0x1CE00] =	vst v63  }
0x1fd: {  	_ =	swait.ge [sflag:s0], $0xE000  }
0x1fe: {  	s1 =	rddreg [dreg:$0xd];
	[sflag:s0] =	ssyncset.done $0x0  }
0x1ff: {  	[sflag:s0] =	ssyncadd.s32 $0xFFFF2000;
	s12 =	sadd.s32 s12, s1  }
0x200: {  	[hbm4b:s12+s31] =	stream.strided.scatter [tilespmem:s18], [sflag:$0x4], $0x800, s21, s31, $0x38;
	[tilespmem:$0x1CE00] =	vst v63  }
0x201: {  	s0 =	sadd.s32 $0x4, s12  }
0x202: {  	[hbm4b:s0+s31] =	stream.strided.scatter [tilespmem:s15], [sflag:$0x4], $0x800, s21, s31, $0x38;
	[tilespmem:$0x1CE00] =	vst v63  }
0x203: {  	s15 =	sadd.s32 $0x8, s12  }
0x204: {  	[hbm4b:s15+s31] =	stream.strided.scatter [tilespmem:s24], [sflag:$0x4], $0x800, s21, s31, $0x38;
	[tilespmem:$0x1CE00] =	vst v63  }
0x205: {  	s18 =	sadd.s32 $0xC, s12  }
0x206: {  	[hbm4b:s18+s31] =	stream.strided.scatter [tilespmem:s22], [sflag:$0x4], $0x800, s21, s31, $0x38;
	[tilespmem:$0x1CE00] =	vst v63  }
0x207: {  	s24 =	sadd.s32 $0x40000, s12  }
0x208: {  	[hbm4b:s24+s31] =	stream.strided.scatter [tilespmem:s28], [sflag:$0x4], $0x800, s21, s31, $0x38;
	[tilespmem:$0x1CE00] =	vst v63  }
0x209: {  	s28 =	sadd.s32 $0x40004, s12  }
0x20a: {  	[hbm4b:s28+s31] =	stream.strided.scatter [tilespmem:s16], [sflag:$0x4], $0x800, s21, s31, $0x38;
	[tilespmem:$0x1CE00] =	vst v63  }
0x20b: {  	s1 =	sadd.s32 $0x40008, s12  }
0x20c: {  	[hbm4b:s1+s31] =	stream.strided.scatter [tilespmem:s5], [sflag:$0x4], $0x800, s21, s31, $0x38;
	[tilespmem:$0x1CE00] =	vst v63  }
0x20d: {  	s7 =	sadd.s32 $0x4000C, s12  }
0x20e: {  	[hbm4b:s7+s31] =	stream.strided.scatter [tilespmem:s8], [sflag:$0x4], $0x800, s21, s31, $0x38;
	[tilespmem:$0x1CE00] =	vst v63  }
0x20f: {  	s8 =	sadd.s32 $0x80000, s12  }
0x210: {  	[hbm4b:s8+s31] =	stream.strided.scatter [tilespmem:s25], [sflag:$0x4], $0x800, s21, s31, $0x38;
	[tilespmem:$0x1CE00] =	vst v63  }
0x211: {  	s15 =	sadd.s32 $0x80004, s12  }
0x212: {  	[hbm4b:s15+s31] =	stream.strided.scatter [tilespmem:s23], [sflag:$0x4], $0x800, s21, s31, $0x38;
	[tilespmem:$0x1CE00] =	vst v63  }
0x213: {  	s16 =	sadd.s32 $0x80008, s12  }
0x214: {  	[hbm4b:s16+s31] =	stream.strided.scatter [tilespmem:s30], [sflag:$0x4], $0x800, s21, s31, $0x38;
	[tilespmem:$0x1CE00] =	vst v63  }
0x215: {  	s18 =	sadd.s32 $0x8000C, s12  }
0x216: {  	[hbm4b:s18+s31] =	stream.strided.scatter [tilespmem:s10], [sflag:$0x4], $0x800, s21, s31, $0x38;
	[tilespmem:$0x1CE00] =	vst v63  }
0x217: {  	s22 =	sadd.s32 $0xC0000, s12  }
0x218: {  	[hbm4b:s22+s31] =	stream.strided.scatter [tilespmem:s17], [sflag:$0x4], $0x800, s21, s31, $0x38;
	[tilespmem:$0x1CE00] =	vst v63  }
0x219: {  	s23 =	sadd.s32 $0xC0004, s12  }
0x21a: {  	[hbm4b:s23+s31] =	stream.strided.scatter [tilespmem:s19], [sflag:$0x4], $0x800, s21, s31, $0x38;
	[tilespmem:$0x1CE00] =	vst v63  }
0x21b: {  	s24 =	sadd.s32 $0xC0008, s12;
	s25 =	simm.s32 $0x7E00  }
0x21c: {  	[hbm4b:s24+s31] =	stream.strided.scatter [tilespmem:s25], [sflag:$0x4], $0x800, s21, s31, $0x38;
	[tilespmem:$0x1CE00] =	vst v63  }
0x21d: {  	s28 =	sadd.s32 $0xC000C, s12;
	s30 =	simm.s32 $0x8600  }
0x21e: {  	[hbm4b:s28+s31] =	stream.strided.scatter [tilespmem:s30], [sflag:$0x4], $0x800, s21, s31, $0x38;
	[tilespmem:$0x1CE00] =	vst v63  }
0x21f: {  	s1 =	sadd.s32 $0x100000, s12;
	s5 =	simm.s32 $0x8E00  }
0x220: {  	[hbm4b:s1+s31] =	stream.strided.scatter [tilespmem:s5], [sflag:$0x4], $0x800, s21, s31, $0x38;
	[tilespmem:$0x1CE00] =	vst v63  }
0x221: {  	s7 =	sadd.s32 $0x100004, s12;
	s8 =	simm.s32 $0x9600  }
0x222: {  	[hbm4b:s7+s31] =	stream.strided.scatter [tilespmem:s8], [sflag:$0x4], $0x800, s21, s31, $0x38;
	[tilespmem:$0x1CE00] =	vst v63  }
0x223: {  	s15 =	simm.s32 $0x9E00;
	s10 =	sadd.s32 $0x100008, s12  }
0x224: {  	[hbm4b:s10+s31] =	stream.strided.scatter [tilespmem:s15], [sflag:$0x4], $0x800, s21, s31, $0x38;
	[tilespmem:$0x1CE00] =	vst v63  }
0x225: {  	s16 =	sadd.s32 $0x10000C, s12;
	s17 =	simm.s32 $0xA600  }
0x226: {  	[hbm4b:s16+s31] =	stream.strided.scatter [tilespmem:s17], [sflag:$0x4], $0x800, s21, s31, $0x38;
	[tilespmem:$0x1CE00] =	vst v63  }
0x227: {  	s18 =	sadd.s32 $0x140000, s12;
	s19 =	simm.s32 $0xAE00  }
0x228: {  	[hbm4b:s18+s31] =	stream.strided.scatter [tilespmem:s19], [sflag:$0x4], $0x800, s21, s31, $0x38;
	[tilespmem:$0x1CE00] =	vst v63  }
0x229: {  	s22 =	sadd.s32 $0x140004, s12;
	s23 =	simm.s32 $0xB600  }
0x22a: {  	[hbm4b:s22+s31] =	stream.strided.scatter [tilespmem:s23], [sflag:$0x4], $0x800, s21, s31, $0x38;
	[tilespmem:$0x1CE00] =	vst v63  }
0x22b: {  	s24 =	sadd.s32 $0x140008, s12;
	s25 =	simm.s32 $0xBE00  }
0x22c: {  	[hbm4b:s24+s31] =	stream.strided.scatter [tilespmem:s25], [sflag:$0x4], $0x800, s21, s31, $0x38;
	[tilespmem:$0x1CE00] =	vst v63  }
0x22d: {  	s28 =	sadd.s32 $0x14000C, s12;
	s30 =	simm.s32 $0xC600  }
0x22e: {  	[hbm4b:s28+s31] =	stream.strided.scatter [tilespmem:s30], [sflag:$0x4], $0x800, s21, s31, $0x38;
	[tilespmem:$0x1CE00] =	vst v63  }
0x22f: {  	s1 =	sadd.s32 $0x180000, s12  }
0x230: {  	[hbm4b:s1+s31] =	stream.strided.scatter [tilespmem:s26], [sflag:$0x4], $0x800, s21, s31, $0x38;
	[tilespmem:$0x1CE00] =	vst v63  }
0x231: {  	s5 =	sadd.s32 $0x180004, s12;
	s7 =	simm.s32 $0xD600  }
0x232: {  	[hbm4b:s5+s31] =	stream.strided.scatter [tilespmem:s7], [sflag:$0x4], $0x800, s21, s31, $0x38;
	[tilespmem:$0x1CE00] =	vst v63  }
0x233: {  	s8 =	sadd.s32 $0x180008, s12;
	s15 =	sld [smem:$0x7E0]  }
0x234: {  	[hbm4b:s8+s31] =	stream.strided.scatter [tilespmem:s9], [sflag:$0x4], $0x800, s21, s31, $0x38;
	[tilespmem:$0x1CE00] =	vst v63  }
0x235: {  	s10 =	sadd.s32 $0x18000C, s12  }
0x236: {  	[hbm4b:s10+s31] =	stream.strided.scatter [tilespmem:s11], [sflag:$0x4], $0x800, s21, s31, $0x38;
	[tilespmem:$0x1CE00] =	vst v63  }
0x237: {  	s16 =	rddreg [dreg:$0x1c];
	s0 =	sadd.s32 $0x8, s15;
	s7 =	simm.s32 $0x700  }
0x238: {  	[tilespmem:s7], [sflag:$0x1] =	stream.linear.gather [hbm4b:s0+s2], $0x40, $0x38;
	[tilespmem:$0x1CE00] =	vst v63  }
0x239: {  	s17 =	rddreg [dreg:$0x1d];
	s8 =	simm.s32 $0x740;
	s0 =	sadd.s32 $0x8, s16  }
0x23a: {  	[tilespmem:s8], [sflag:$0x1] =	stream.linear.gather [hbm4b:s0+s2], $0x40, $0x38;
	[tilespmem:$0x1CE00] =	vst v63  }
0x23b: {  	s18 =	rddreg [dreg:$0x1e];
	s9 =	simm.s32 $0x780;
	s0 =	sadd.s32 $0x8, s17  }
0x23c: {  	[tilespmem:s9], [sflag:$0x1] =	stream.linear.gather [hbm4b:s0+s2], $0x40, $0x38;
	[tilespmem:$0x1CE00] =	vst v63  }
0x23d: {  	s10 =	simm.s32 $0x7C0;
	s0 =	sadd.s32 $0x8, s18  }
0x23e: {  	[tilespmem:s10], [sflag:$0x1] =	stream.linear.gather [hbm4b:s0+s2], $0x40, $0x38;
	[tilespmem:$0x1CE00] =	vst v63  }
0x23f: {  	s19 =	sadd.s32 $0x8, s13;
	s17 =	simm.s32 $0x800  }
0x240: {  	[tilespmem:s17], [sflag:$0x1] =	stream.linear.gather [hbm4b:s19+s2], $0x40, $0x38;
	[tilespmem:$0x1CE00] =	vst v63  }
0x241: {  	s22 =	sadd.s32 $0x8, s14;
	s23 =	simm.s32 $0xA40  }
0x242: {  	[tilespmem:s23], [sflag:$0x1] =	stream.linear.gather [hbm4b:s22+s2], $0x40, $0x38;
	[tilespmem:$0x1CE00] =	vst v63  }
0x243: {  	s24 =	sadd.s32 $0x808, s13;
	s23 =	simm.s32 $0x840  }
0x244: {  	[tilespmem:s23], [sflag:$0x1] =	stream.linear.gather [hbm4b:s24+s2], $0x40, $0x38;
	[tilespmem:$0x1CE00] =	vst v63  }
0x245: {  	s25 =	sadd.s32 $0x808, s14;
	s26 =	simm.s32 $0xA80  }
0x246: {  	[tilespmem:s26], [sflag:$0x1] =	stream.linear.gather [hbm4b:s25+s2], $0x40, $0x38;
	[tilespmem:$0x1CE00] =	vst v63  }
0x247: {  	s28 =	sadd.s32 $0x1008, s13;
	s19 =	simm.s32 $0x880  }
0x248: {  	[tilespmem:s19], [sflag:$0x1] =	stream.linear.gather [hbm4b:s28+s2], $0x40, $0x38;
	[tilespmem:$0x1CE00] =	vst v63  }
0x249: {  	s30 =	sadd.s32 $0x1008, s14;
	s1 =	simm.s32 $0xAC0  }
0x24a: {  	[tilespmem:s1], [sflag:$0x1] =	stream.linear.gather [hbm4b:s30+s2], $0x40, $0x38;
	[tilespmem:$0x1CE00] =	vst v63  }
0x24b: {  	s11 =	sadd.s32 $0x1808, s13;
	s1 =	simm.s32 $0x8C0  }
0x24c: {  	[tilespmem:s1], [sflag:$0x1] =	stream.linear.gather [hbm4b:s11+s2], $0x40, $0x38;
	[tilespmem:$0x1CE00] =	vst v63  }
0x24d: {  	s15 =	sadd.s32 $0x1808, s14;
	s16 =	simm.s32 $0xB00  }
0x24e: {  	[tilespmem:s16], [sflag:$0x1] =	stream.linear.gather [hbm4b:s15+s2], $0x40, $0x38;
	[tilespmem:$0x1CE00] =	vst v63  }
0x24f: {  	s18 =	sadd.s32 $0x2008, s13;
	s25 =	simm.s32 $0x900  }
0x250: {  	[tilespmem:s25], [sflag:$0x1] =	stream.linear.gather [hbm4b:s18+s2], $0x40, $0x38;
	[tilespmem:$0x1CE00] =	vst v63  }
0x251: {  	s22 =	sadd.s32 $0x2008, s14;
	s24 =	simm.s32 $0xB40  }
0x252: {  	[tilespmem:s24], [sflag:$0x1] =	stream.linear.gather [hbm4b:s22+s2], $0x40, $0x38;
	[tilespmem:$0x1CE00] =	vst v63  }
0x253: {  	s26 =	sadd.s32 $0x2808, s13;
	s22 =	simm.s32 $0x940  }
0x254: {  	[tilespmem:s22], [sflag:$0x1] =	stream.linear.gather [hbm4b:s26+s2], $0x40, $0x38;
	[tilespmem:$0x1CE00] =	vst v63  }
0x255: {  	s28 =	sadd.s32 $0x2808, s14;
	s30 =	simm.s32 $0xB80  }
0x256: {  	[tilespmem:s30], [sflag:$0x1] =	stream.linear.gather [hbm4b:s28+s2], $0x40, $0x38;
	[tilespmem:$0x1CE00] =	vst v63  }
0x257: {  	s11 =	sadd.s32 $0x3008, s13;
	s24 =	simm.s32 $0x980  }
0x258: {  	[tilespmem:s24], [sflag:$0x1] =	stream.linear.gather [hbm4b:s11+s2], $0x40, $0x38;
	[tilespmem:$0x1CE00] =	vst v63  }
0x259: {  	s15 =	sadd.s32 $0x3008, s14;
	s16 =	simm.s32 $0xBC0  }
0x25a: {  	[tilespmem:s16], [sflag:$0x1] =	stream.linear.gather [hbm4b:s15+s2], $0x40, $0x38;
	[tilespmem:$0x1CE00] =	vst v63  }
0x25b: {  	s18 =	sadd.s32 $0x3808, s13;
	s28 =	simm.s32 $0x9C0  }
0x25c: {  	[tilespmem:s28], [sflag:$0x1] =	stream.linear.gather [hbm4b:s18+s2], $0x40, $0x38;
	[tilespmem:$0x1CE00] =	vst v63  }
0x25d: {  	s26 =	sadd.s32 $0x3808, s14;
	s30 =	simm.s32 $0xC00  }
0x25e: {  	[tilespmem:s30], [sflag:$0x1] =	stream.linear.gather [hbm4b:s26+s2], $0x40, $0x38;
	[tilespmem:$0x1CE00] =	vst v63  }
0x25f: {  	s11 =	sadd.s32 $0x4008, s13;
	s13 =	simm.s32 $0xA00;
	s18 =	rddreg [dreg:$0x1f]  }
0x260: {  	[tilespmem:s13], [sflag:$0x1] =	stream.linear.gather [hbm4b:s11+s2], $0x40, $0x38;
	[tilespmem:$0x1CE00] =	vst v63  }
0x261: {  	s15 =	sadd.s32 $0x4008, s14;
	s16 =	simm.s32 $0xC40;
	s26 =	sld [smem:$0x7E1]  }
0x262: {  	[tilespmem:s16], [sflag:$0x1] =	stream.linear.gather [hbm4b:s15+s2], $0x40, $0x38;
	[tilespmem:$0x1CE00] =	vst v63  }
0x263: {  	s5 =	sld [smem:$0x7E2];
	s0 =	sadd.s32 $0x8, s18;
	s30 =	simm.s32 $0xC80  }
0x264: {  	[tilespmem:s30], [sflag:$0x1] =	stream.linear.gather [hbm4b:s0+s2], $0x40, $0x38;
	[tilespmem:$0x1CE00] =	vst v63  }
0x265: {  	s11 =	sld [smem:$0x7E3];
	s0 =	sadd.s32 $0x8, s26;
	s26 =	simm.s32 $0xCC0  }
0x266: {  	[tilespmem:s26], [sflag:$0x1] =	stream.linear.gather [hbm4b:s0+s2], $0x40, $0x38;
	[tilespmem:$0x1CE00] =	vst v63  }
0x267: {  	s14 =	sld [smem:$0x7E4];
	s16 =	simm.s32 $0xD00;
	s0 =	sadd.s32 $0x8, s5  }
0x268: {  	[tilespmem:s16], [sflag:$0x1] =	stream.linear.gather [hbm4b:s0+s2], $0x40, $0x38;
	[tilespmem:$0x1CE00] =	vst v63  }
0x269: {  	s18 =	sld [smem:$0x7E5];
	s15 =	simm.s32 $0xD40;
	s0 =	sadd.s32 $0x8, s11  }
0x26a: {  	[tilespmem:s15], [sflag:$0x1] =	stream.linear.gather [hbm4b:s0+s2], $0x40, $0x38;
	[tilespmem:$0x1CE00] =	vst v63  }
0x26b: {  	s0 =	sadd.s32 $0x8, s14;
	s14 =	simm.s32 $0xD80  }
0x26c: {  	[tilespmem:s14], [sflag:$0x1] =	stream.linear.gather [hbm4b:s0+s2], $0x40, $0x38;
	[tilespmem:$0x1CE00] =	vst v63  }
0x26d: {  	s5 =	simm.s32 $0x1;
	s11 =	simm.s32 $0xDC0;
	s0 =	sadd.s32 $0x8, s18  }
0x26e: {  	[tilespmem:s11], [sflag:$0x1] =	stream.linear.gather [hbm4b:s0+s2], $0x40, $0x38;
	[tilespmem:$0x1CE00] =	vst v63  }
0x26f: {  	_ =	swait.ge [sflag:s5], $0x700  }
0x270: {  	s18 =	simm.s32 $0x1;
	[sflag:s5] =	ssyncset.done $0x0  }
0x271: {  	s0 =	simm.s32 @!p1 $0x5;
	[sflag:s18] =	ssyncadd.s32 $0xFFFFF900  }
0x272: {  	_ =	swait.ge @!p1 [sflag:s0], $0xE000  }
0x273: {  	[sflag:s0] =	ssyncset.done @!p1 $0x0  }
0x274: {  	s5 =	simm.s32 $0xEE00;
	[sflag:s0] =	ssyncadd.s32 @!p1 $0xFFFF2000  }
0x275: {  	[tilespmem:s5], [sflag:$0x3] =	stream.indirect.gather [hbm4b:s4+s20], $0x20, s7, s20, $0xb8;
	[tilespmem:$0x1CE00] =	vst v63  }
0x276: {  	s7 =	simm.s32 $0xF600  }
0x277: {  	[tilespmem:s7], [sflag:$0x3] =	stream.indirect.gather [hbm4b:s4+s20], $0x20, s8, s20, $0xb8;
	[tilespmem:$0x1CE00] =	vst v63  }
0x278: {  	s8 =	simm.s32 $0xFE00  }
0x279: {  	[tilespmem:s8], [sflag:$0x3] =	stream.indirect.gather [hbm4b:s4+s20], $0x20, s9, s20, $0xb8;
	[tilespmem:$0x1CE00] =	vst v63  }
0x27a: {  	s9 =	simm.s32 $0x10600  }
0x27b: {  	[tilespmem:s9], [sflag:$0x3] =	stream.indirect.gather [hbm4b:s4+s20], $0x20, s10, s20, $0xb8;
	[tilespmem:$0x1CE00] =	vst v63  }
0x27c: {  	s10 =	simm.s32 $0x10E00  }
0x27d: {  	[tilespmem:s10], [sflag:$0x3] =	stream.indirect.gather [hbm4b:s4+s20], $0x20, s17, s20, $0xb8;
	[tilespmem:$0x1CE00] =	vst v63  }
0x27e: {  	s17 =	simm.s32 $0x11600  }
0x27f: {  	[tilespmem:s17], [sflag:$0x3] =	stream.indirect.gather [hbm4b:s4+s20], $0x20, s23, s20, $0xb8;
	[tilespmem:$0x1CE00] =	vst v63  }
0x280: {  	s23 =	simm.s32 $0x11E00  }
0x281: {  	[tilespmem:s23], [sflag:$0x3] =	stream.indirect.gather [hbm4b:s4+s20], $0x20, s19, s20, $0xb8;
	[tilespmem:$0x1CE00] =	vst v63  }
0x282: {  	s19 =	simm.s32 $0x12600  }
0x283: {  	[tilespmem:s19], [sflag:$0x3] =	stream.indirect.gather [hbm4b:s4+s20], $0x20, s1, s20, $0xb8;
	[tilespmem:$0x1CE00] =	vst v63  }
0x284: {  	s18 =	simm.s32 $0x12E00  }
0x285: {  	[tilespmem:s18], [sflag:$0x3] =	stream.indirect.gather [hbm4b:s4+s20], $0x20, s25, s20, $0xb8;
	[tilespmem:$0x1CE00] =	vst v63  }
0x286: {  	s25 =	simm.s32 $0x13600  }
0x287: {  	[tilespmem:s25], [sflag:$0x3] =	stream.indirect.gather [hbm4b:s4+s20], $0x20, s22, s20, $0xb8;
	[tilespmem:$0x1CE00] =	vst v63  }
0x288: {  	s22 =	simm.s32 $0x13E00  }
0x289: {  	[tilespmem:s22], [sflag:$0x3] =	stream.indirect.gather [hbm4b:s4+s20], $0x20, s24, s20, $0xb8;
	[tilespmem:$0x1CE00] =	vst v63  }
0x28a: {  	s24 =	simm.s32 $0x14600  }
0x28b: {  	[tilespmem:s24], [sflag:$0x3] =	stream.indirect.gather [hbm4b:s4+s20], $0x20, s28, s20, $0xb8;
	[tilespmem:$0x1CE00] =	vst v63  }
0x28c: {  	s28 =	simm.s32 $0x14E00  }
0x28d: {  	[tilespmem:s28], [sflag:$0x3] =	stream.indirect.gather [hbm4b:s4+s20], $0x20, s13, s20, $0xb8;
	[tilespmem:$0x1CE00] =	vst v63  }
0x28e: {  	s1 =	simm.s32 $0xA40;
	s13 =	simm.s32 $0x15600  }
0x28f: {  	[tilespmem:s13], [sflag:$0x3] =	stream.indirect.gather [hbm4b:s4+s20], $0x20, s1, s20, $0xb8;
	[tilespmem:$0x1CE00] =	vst v63  }
0x290: {  	s0 =	simm.s32 $0xA80;
	s1 =	simm.s32 $0x15E00  }
0x291: {  	[tilespmem:s1], [sflag:$0x3] =	stream.indirect.gather [hbm4b:s4+s20], $0x20, s0, s20, $0xb8;
	[tilespmem:$0x1CE00] =	vst v63  }
0x292: {  	s1 =	simm.s32 $0x16600;
	s0 =	simm.s32 $0xAC0  }
0x293: {  	[tilespmem:s1], [sflag:$0x3] =	stream.indirect.gather [hbm4b:s4+s20], $0x20, s0, s20, $0xb8;
	[tilespmem:$0x1CE00] =	vst v63  }
0x294: {  	s1 =	simm.s32 $0x16E00;
	s0 =	simm.s32 $0xB00  }
0x295: {  	[tilespmem:s1], [sflag:$0x3] =	stream.indirect.gather [hbm4b:s4+s20], $0x20, s0, s20, $0xb8;
	[tilespmem:$0x1CE00] =	vst v63  }
0x296: {  	s1 =	simm.s32 $0x17600;
	s0 =	simm.s32 $0xB40  }
0x297: {  	[tilespmem:s1], [sflag:$0x3] =	stream.indirect.gather [hbm4b:s4+s20], $0x20, s0, s20, $0xb8;
	[tilespmem:$0x1CE00] =	vst v63  }
0x298: {  	s1 =	simm.s32 $0x17E00;
	s0 =	simm.s32 $0xB80  }
0x299: {  	[tilespmem:s1], [sflag:$0x3] =	stream.indirect.gather [hbm4b:s4+s20], $0x20, s0, s20, $0xb8;
	[tilespmem:$0x1CE00] =	vst v63  }
0x29a: {  	s1 =	simm.s32 $0x18600;
	s0 =	simm.s32 $0xBC0  }
0x29b: {  	[tilespmem:s1], [sflag:$0x3] =	stream.indirect.gather [hbm4b:s4+s20], $0x20, s0, s20, $0xb8;
	[tilespmem:$0x1CE00] =	vst v63  }
0x29c: {  	s0 =	simm.s32 $0x18E00;
	s1 =	simm.s32 $0xC00  }
0x29d: {  	[tilespmem:s0], [sflag:$0x3] =	stream.indirect.gather [hbm4b:s4+s20], $0x20, s1, s20, $0xb8;
	[tilespmem:$0x1CE00] =	vst v63  }
0x29e: {  	s0 =	simm.s32 $0x19600;
	s1 =	simm.s32 $0xC40  }
0x29f: {  	[tilespmem:s0], [sflag:$0x3] =	stream.indirect.gather [hbm4b:s4+s20], $0x20, s1, s20, $0xb8;
	[tilespmem:$0x1CE00] =	vst v63  }
0x2a0: {  	s1 =	simm.s32 $0x19E00  }
0x2a1: {  	[tilespmem:s1], [sflag:$0x3] =	stream.indirect.gather [hbm4b:s3+s20], $0x20, s30, s20, $0xb8;
	[tilespmem:$0x1CE00] =	vst v63  }
0x2a2: {  	s30 =	simm.s32 $0x1A600  }
0x2a3: {  	[tilespmem:s30], [sflag:$0x3] =	stream.indirect.gather [hbm4b:s3+s20], $0x20, s26, s20, $0xb8;
	[tilespmem:$0x1CE00] =	vst v63  }
0x2a4: {  	s1 =	simm.s32 $0x1AE00  }
0x2a5: {  	[tilespmem:s1], [sflag:$0x3] =	stream.indirect.gather [hbm4b:s3+s20], $0x20, s16, s20, $0xb8;
	[tilespmem:$0x1CE00] =	vst v63  }
0x2a6: {  	s16 =	rddreg [dreg:$0x19]  }
0x2a7: {  	s26 =	simm.s32 $0x1B600;
	s3 =	rddreg [dreg:$0xf]  }
0x2a8: {  	[tilespmem:s26], [sflag:$0x3] =	stream.indirect.gather [hbm4b:s6+s20], $0x20, s15, s20, $0xb8;
	[tilespmem:$0x1CE00] =	vst v63  }
0x2a9: {  	s15 =	rddreg [dreg:$0x18];
	s26 =	simm.s32 $0x1BE00  }
0x2aa: {  	[tilespmem:s26], [sflag:$0x3] =	stream.indirect.gather [hbm4b:s6+s20], $0x20, s14, s20, $0xb8;
	[tilespmem:$0x1CE00] =	vst v63  }
0x2ab: {  	s1 =	simm.s32 $0x1C600;
	s14 =	rddreg [dreg:$0x1b]  }
0x2ac: {  	[tilespmem:s1], [sflag:$0x3] =	stream.indirect.gather [hbm4b:s6+s20], $0x20, s11, s20, $0xb8;
	[tilespmem:$0x1CE00] =	vst v63  }
0x2ad: {  	s11 =	rddreg [dreg:$0x16];
	s6 =	simm.s32 $0x3  }
0x2ae: {  	s1 =	rddreg [dreg:$0x15];
	_ =	swait.ge [sflag:s6], $0xE000  }
0x2af: {  	[sflag:s6] =	ssyncset.done $0x0  }
0x2b0: {  	[sflag:s6] =	ssyncadd.s32 $0xFFFF2000;
	s6 =	sadd.s32 $0x400, s12  }
0x2b1: {  	[hbm4b:s6+s31] =	stream.strided.scatter [tilespmem:s5], [sflag:$0x5], $0x800, s21, s31, $0x38;
	[tilespmem:$0x1CE00] =	vst v63  }
0x2b2: {  	s6 =	sadd.s32 $0x404, s12  }
0x2b3: {  	[hbm4b:s6+s31] =	stream.strided.scatter [tilespmem:s7], [sflag:$0x5], $0x800, s21, s31, $0x38;
	[tilespmem:$0x1CE00] =	vst v63  }
0x2b4: {  	s7 =	sadd.s32 $0x408, s12  }
0x2b5: {  	[hbm4b:s7+s31] =	stream.strided.scatter [tilespmem:s8], [sflag:$0x5], $0x800, s21, s31, $0x38;
	[tilespmem:$0x1CE00] =	vst v63  }
0x2b6: {  	s8 =	sadd.s32 $0x40C, s12  }
0x2b7: {  	[hbm4b:s8+s31] =	stream.strided.scatter [tilespmem:s9], [sflag:$0x5], $0x800, s21, s31, $0x38;
	[tilespmem:$0x1CE00] =	vst v63  }
0x2b8: {  	s9 =	sadd.s32 $0x40400, s12  }
0x2b9: {  	[hbm4b:s9+s31] =	stream.strided.scatter [tilespmem:s10], [sflag:$0x5], $0x800, s21, s31, $0x38;
	[tilespmem:$0x1CE00] =	vst v63  }
0x2ba: {  	s10 =	sadd.s32 $0x40404, s12  }
0x2bb: {  	[hbm4b:s10+s31] =	stream.strided.scatter [tilespmem:s17], [sflag:$0x5], $0x800, s21, s31, $0x38;
	[tilespmem:$0x1CE00] =	vst v63  }
0x2bc: {  	s17 =	sadd.s32 $0x40408, s12  }
0x2bd: {  	[hbm4b:s17+s31] =	stream.strided.scatter [tilespmem:s23], [sflag:$0x5], $0x800, s21, s31, $0x38;
	[tilespmem:$0x1CE00] =	vst v63  }
0x2be: {  	s23 =	sadd.s32 $0x4040C, s12  }
0x2bf: {  	[hbm4b:s23+s31] =	stream.strided.scatter [tilespmem:s19], [sflag:$0x5], $0x800, s21, s31, $0x38;
	[tilespmem:$0x1CE00] =	vst v63  }
0x2c0: {  	s17 =	sadd.s32 $0x80400, s12  }
0x2c1: {  	[hbm4b:s17+s31] =	stream.strided.scatter [tilespmem:s18], [sflag:$0x5], $0x800, s21, s31, $0x38;
	[tilespmem:$0x1CE00] =	vst v63  }
0x2c2: {  	s18 =	sadd.s32 $0x80404, s12  }
0x2c3: {  	[hbm4b:s18+s31] =	stream.strided.scatter [tilespmem:s25], [sflag:$0x5], $0x800, s21, s31, $0x38;
	[tilespmem:$0x1CE00] =	vst v63  }
0x2c4: {  	s19 =	sadd.s32 $0x80408, s12  }
0x2c5: {  	[hbm4b:s19+s31] =	stream.strided.scatter [tilespmem:s22], [sflag:$0x5], $0x800, s21, s31, $0x38;
	[tilespmem:$0x1CE00] =	vst v63  }
0x2c6: {  	s23 =	sadd.s32 $0x8040C, s12  }
0x2c7: {  	[hbm4b:s23+s31] =	stream.strided.scatter [tilespmem:s24], [sflag:$0x5], $0x800, s21, s31, $0x38;
	[tilespmem:$0x1CE00] =	vst v63  }
0x2c8: {  	s0 =	sadd.s32 $0x18040C, s12;
	s25 =	sadd.s32 $0xC0400, s12  }
0x2c9: {  	[hbm4b:s25+s31] =	stream.strided.scatter [tilespmem:s28], [sflag:$0x5], $0x800, s21, s31, $0x38;
	[tilespmem:$0x1CE00] =	vst v63  }
0x2ca: {  	s16 =	sadd.s32 $0x10, s16;
	s15 =	sadd.s32 $0x10, s15;
	s28 =	sadd.s32 $0xC0404, s12  }
0x2cb: {  	[hbm4b:s28+s31] =	stream.strided.scatter [tilespmem:s13], [sflag:$0x5], $0x800, s21, s31, $0x38;
	[tilespmem:$0x1CE00] =	vst v63  }
0x2cc: {  	s14 =	sadd.s32 $0x10, s14;
	s17 =	sadd.s32 $0xC0408, s12;
	s18 =	simm.s32 $0x15E00  }
0x2cd: {  	[hbm4b:s17+s31] =	stream.strided.scatter [tilespmem:s18], [sflag:$0x5], $0x800, s21, s31, $0x38;
	[tilespmem:$0x1CE00] =	vst v63  }
0x2ce: {  	s1 =	sadd.s32 $0x10, s1;
	s19 =	sadd.s32 $0xC040C, s12;
	s22 =	simm.s32 $0x16600  }
0x2cf: {  	[hbm4b:s19+s31] =	stream.strided.scatter [tilespmem:s22], [sflag:$0x5], $0x800, s21, s31, $0x38;
	[tilespmem:$0x1CE00] =	vst v63  }
0x2d0: {  	s11 =	sadd.s32 $0x10, s11;
	s23 =	sadd.s32 $0x100400, s12;
	s24 =	simm.s32 $0x16E00  }
0x2d1: {  	[hbm4b:s23+s31] =	stream.strided.scatter [tilespmem:s24], [sflag:$0x5], $0x800, s21, s31, $0x38;
	[tilespmem:$0x1CE00] =	vst v63  }
0x2d2: {  	s5 =	rddreg [dreg:$0x17];
	s25 =	sadd.s32 $0x100404, s12;
	s28 =	simm.s32 $0x17600  }
0x2d3: {  	[hbm4b:s25+s31] =	stream.strided.scatter [tilespmem:s28], [sflag:$0x5], $0x800, s21, s31, $0x38;
	[tilespmem:$0x1CE00] =	vst v63  }
0x2d4: {  	s5 =	sadd.s32 $0x10, s5;
	s17 =	sadd.s32 $0x100408, s12;
	s18 =	simm.s32 $0x17E00  }
0x2d5: {  	[hbm4b:s17+s31] =	stream.strided.scatter [tilespmem:s18], [sflag:$0x5], $0x800, s21, s31, $0x38;
	[tilespmem:$0x1CE00] =	vst v63  }
0x2d6: {  	s6 =	rddreg [dreg:$0x10];
	s19 =	sadd.s32 $0x10040C, s12;
	s22 =	simm.s32 $0x18600  }
0x2d7: {  	[hbm4b:s19+s31] =	stream.strided.scatter [tilespmem:s22], [sflag:$0x5], $0x800, s21, s31, $0x38;
	[tilespmem:$0x1CE00] =	vst v63  }
0x2d8: {  	s6 =	sadd.s32 $0x10, s6;
	s23 =	sadd.s32 $0x140400, s12;
	s24 =	simm.s32 $0x18E00  }
0x2d9: {  	[hbm4b:s23+s31] =	stream.strided.scatter [tilespmem:s24], [sflag:$0x5], $0x800, s21, s31, $0x38;
	[tilespmem:$0x1CE00] =	vst v63  }
0x2da: {  	s7 =	rddreg [dreg:$0x11];
	s25 =	sadd.s32 $0x140404, s12;
	s28 =	simm.s32 $0x19600  }
0x2db: {  	[hbm4b:s25+s31] =	stream.strided.scatter [tilespmem:s28], [sflag:$0x5], $0x800, s21, s31, $0x38;
	[tilespmem:$0x1CE00] =	vst v63  }
0x2dc: {  	s8 =	rddreg [dreg:$0x12];
	s18 =	sadd.s32 $0x140408, s12;
	s19 =	simm.s32 $0x19E00  }
0x2dd: {  	[hbm4b:s18+s31] =	stream.strided.scatter [tilespmem:s19], [sflag:$0x5], $0x800, s21, s31, $0x38;
	[tilespmem:$0x1CE00] =	vst v63  }
0x2de: {  	s7 =	sadd.s32 $0x10, s7;
	s8 =	sadd.s32 $0x10, s8;
	s22 =	sadd.s32 $0x14040C, s12  }
0x2df: {  	[hbm4b:s22+s31] =	stream.strided.scatter [tilespmem:s30], [sflag:$0x5], $0x800, s21, s31, $0x38;
	[tilespmem:$0x1CE00] =	vst v63  }
0x2e0: {  	s9 =	rddreg [dreg:$0x13];
	s23 =	sadd.s32 $0x180400, s12;
	s24 =	simm.s32 $0x1AE00  }
0x2e1: {  	[hbm4b:s23+s31] =	stream.strided.scatter [tilespmem:s24], [sflag:$0x5], $0x800, s21, s31, $0x38;
	[tilespmem:$0x1CE00] =	vst v63  }
.Ltmp0:
0x2e2: {  	s9 =	sadd.s32 $0x10, s9;
	s10 =	rddreg [dreg:$0x14];
	(pc) =	sbr.rel @p0 .LBB2_2-.Ltmp0, $4  }
0x2e3: {  	s13 =	rddreg [dreg:$0x1a];
	s25 =	sadd.s32 $0x180404, s12;
	s28 =	simm.s32 $0x1B600  }
0x2e4: {  	[hbm4b:s25+s31] =	stream.strided.scatter [tilespmem:s28], [sflag:$0x5], $0x800, s21, s31, $0x38;
	[tilespmem:$0x1CE00] =	vst v63  }
0x2e5: {  	s10 =	sadd.s32 $0x10, s10;
	s13 =	sadd.s32 $0x10, s13;
	s30 =	sadd.s32 $0x180408, s12  }
0x2e6: {  	[hbm4b:s30+s31] =	stream.strided.scatter [tilespmem:s26], [sflag:$0x5], $0x800, s21, s31, $0x38;
	[tilespmem:$0x1CE00] =	vst v63  }
0x2e7: {  	s1 =	simm.s32 $0x1C600;
	s24 =	simm.s32 $0x4  }
0x2e8: {  	[hbm4b:s0+s31] =	stream.strided.scatter [tilespmem:s1], [sflag:$0x5], $0x800, s21, s31, $0x38;
	[tilespmem:$0x1CE00] =	vst v63  }
0x2e9: {  	_ =	swait.ge [sflag:s24], $0xE000  }
0x2ea: {  	[sflag:s24] =	ssyncset.done $0x0  }
0x2eb: {  	s25 =	simm.s32 $0x5;
	[sflag:s24] =	ssyncadd.s32 $0xFFFF2000  }
0x2ec: {  	_ =	swait.ge [sflag:s25], $0xE000  }
0x2ed: {  	s5 =	sld [smem:$0x7E6]  }
0x2ee: {  	s26 =	sld [smem:$0x7F1];
	_ =	sdelay $0x1  }
0x2ef: {  	s3 =	simm.s32 $0x100;
	s5 =	sadd.s32 $0x1, s5  }
0x2f0: {  	s9 =	simm.s32 $0x340;
	s8 =	simm.s32 $0x140;
	p0 =	sne.s32 s5, s26  }
.Ltmp1:
0x2f1: {  	s12 =	simm.s32 $0x380;
	s13 =	simm.s32 $0x180;
	(pc) =	sbr.rel @p0 .LBB2_1-.Ltmp1, $4  }
0x2f2: {  	s7 =	simm.s32 $0x3C0;
	s6 =	simm.s32 $0x1C0;
	s16 =	simm.s32 $0x400  }
0x2f3: {  	s17 =	simm.s32 $0x200;
	s18 =	simm.s32 $0x440;
	s23 =	simm.s32 $0x240  }
0x2f4: {  	s28 =	simm.s32 $0x480;
	s30 =	simm.s32 $0x280;
	[sflag:s25] =	ssyncset.done $0x0  }
0x2f5: {  	s0 =	simm.s32 $0xC0;
	s22 =	rddreg [dreg:$0xe];
	[sflag:s25] =	ssyncadd.s32 $0xFFFF2000  }
0x2f6: {  	_ =	sfence.sel $0x180000  }
0x2f7: {  	[bflag:$0x0] =	sbarrier.arrive $0xFFFF  }
0x2f8: {  	_ =	strace $0x90000047  }
0x2f9: {  	s0 =	stileid.u32;
	[bflag:$0x2] =	sbarrier.arrive $0xFFFF  }
0x2fa: {  	p0 =	sne.s32 s0, $0x0;
	s0 =	rddreg [dreg:$0xc]  }
0x2fb: {  	s0 =	sadd.s32 @!p0 $0x100000, s0  }
0x2fc: {  	[sflag:s0] =	ssyncadd.tile.s32 @!p0 $0x1;
	_ =	shalt  }
.Lfunc_end2:
_tile_overlayer_lowered:
.L_overlay_start_2:
0x2fd: {  	(tag) =	ssettag $0x2  }
0x2fe: {  	s0 =	rddreg [dreg:$0x0];
	s2 =	stileid.u32  }
0x2ff: {  	s1 =	rddreg [dreg:$0x1];
	p0 =	sne.s32 s2, $0x0  }
0x300: {  	s3 =	rddreg [dreg:$0x2];
	[bflag:$0x3] =	sbarrier.arrive $0xFFFF;
	s2 =	simm.s32 @!p0 $0x1C06  }
0x301: {  	[timem:s3], [sflag:s2] =	dma.local @!p0 [hbm:s0], s1  }
0x302: {  	s0 =	simm.s32 @!p0 $0x6  }
0x303: {  	_ =	swait.ge @!p0 [sflag:s0], s1  }
0x304: {  	s1 =	ssub.s32 @!p0 $0x0, s1;
	[sflag:s0] =	ssyncset.done @!p0 $0x0  }
0x305: {  	[sflag:s0] =	ssyncadd.s32 @!p0 s1  }
0x306: {  	[bflag:$0x3] =	sbarrier.arrive $0xFFFF  }
0x307: {  	_ =	shalt  }

</sc_bundles>
